<compile_context>
chip_gen: v7x
topology: tpu7x:2x2x1
jax: 0.10.2.dev20260603
libtpu: 0.0.44.dev20260713+nightly
codegen_flags: <defaults>
</compile_context>

<pallas_src>
import functools

import numpy as np
import jax
import jax.numpy as jnp
from jax import lax
from jax.experimental import pallas as pl
from jax.experimental.pallas import tpu as pltpu
from jax.experimental.pallas import tpu_sc as plsc

_MIN_DISABLED = 2
_MAX_DISABLED = 8
_NEIGHBOR_PROB = 0.5


def _disabled_tofs(tof_count):
    rng = np.random.default_rng(0)
    disabled_count = int(rng.integers(_MIN_DISABLED, _MAX_DISABLED + 1))
    initial = int(rng.integers(0, tof_count))
    disabled = [initial]
    tof_list = [int(t) for t in rng.permutation(tof_count) if int(t) != initial]
    for _ in range(disabled_count - 1):
        rv = float(rng.random())
        perm = rng.permutation(len(disabled))
        permuted = [disabled[int(j)] for j in perm]
        if rv < _NEIGHBOR_PROB:
            if rv < _NEIGHBOR_PROB / 2:
                for cur in permuted:
                    new_neighbor = (cur + 1) % tof_count
                    if new_neighbor not in disabled:
                        disabled.append(new_neighbor)
                        tof_list = [t for t in tof_list if t != new_neighbor]
                        break
            else:
                opposite_found = False
                for cur in permuted:
                    new_opposite = (cur + tof_count // 2) % tof_count
                    if new_opposite not in disabled:
                        disabled.append(new_opposite)
                        tof_list = [t for t in tof_list if t != new_opposite]
                        opposite_found = True
                        break
                if not opposite_found:
                    new_element = tof_list[0]
                    tof_list = [t for t in tof_list if t != new_element]
                    disabled.append(new_element)
        else:
            new_element = tof_list[0]
            tof_list = [t for t in tof_list if t != new_element]
            disabled.append(new_element)
    return sorted(set(int(d) for d in disabled))


_ROWS, _COLS = 65536, 512
_DISABLED = _disabled_tofs(_COLS)

_NC, _NS, _L = 2, 16, 16
_NW = _NC * _NS
_RPW = _ROWS // _NW
_R = 80
_NB = 3
_CHUNKS = []
_off = 0
while _off < _RPW:
    _CHUNKS.append((_off, min(_R, _RPW - _off)))
    _off += _R
_NCHUNK = len(_CHUNKS)


def _body(img_hbm, out_hbm, *refs):
    bufs = refs[:_NB]
    sins = refs[_NB:2 * _NB]
    souts = refs[2 * _NB:3 * _NB]

    wid = lax.axis_index("s") * _NC + lax.axis_index("c")
    base = wid * _RPW

    lane = lax.iota(jnp.int32, _L)
    groups = []
    for g0 in sorted({(c // _L) * _L for c in _DISABLED}):
        cond = None
        for c in _DISABLED:
            if c // _L == g0 // _L:
                eq = lane == (c - g0)
                cond = eq if cond is None else (cond | eq)
        groups.append((g0, cond))

    def _buf(i):
        rows = _CHUNKS[i][1]
        b = bufs[i % _NB]
        return b if rows == _R else b.at[pl.ds(0, rows)]

    def in_copy(i):
        off, rows = _CHUNKS[i]
        return pltpu.make_async_copy(
            img_hbm.at[pl.ds(base + off, rows)], _buf(i), sins[i % _NB])

    def out_copy(i):
        off, rows = _CHUNKS[i]
        return pltpu.make_async_copy(
            _buf(i), out_hbm.at[pl.ds(base + off, rows)], souts[i % _NB])

    def blend(i):
        buf = bufs[i % _NB]

        def zero_row(r, carry):
            for g0, cond in groups:
                v = buf[r, pl.ds(g0, _L)]
                buf[r, pl.ds(g0, _L)] = jnp.where(cond, 0.0, v)
            return carry
        lax.fori_loop(0, _CHUNKS[i][1], zero_row, 0)

    for j in range(min(_NB - 1, _NCHUNK)):
        in_copy(j).start()
    for i in range(_NCHUNK):
        in_copy(i).wait()
        if i + _NB - 1 < _NCHUNK:
            if i >= 1:
                out_copy(i - 1).wait()
            in_copy(i + _NB - 1).start()
        blend(i)
        out_copy(i).start()
    for j in range(max(0, _NCHUNK - _NB), _NCHUNK):
        out_copy(j).wait()


def kernel(img):
    mesh = plsc.VectorSubcoreMesh(
        core_axis_name="c", subcore_axis_name="s",
        num_cores=_NC, num_subcores=_NS,
    )
    run = pl.kernel(
        _body,
        out_type=jax.ShapeDtypeStruct((_ROWS, _COLS), jnp.float32),
        mesh=mesh,
        scratch_types=(
            [pltpu.VMEM((_R, _COLS), jnp.float32)] * _NB
            + [pltpu.SemaphoreType.DMA] * (2 * _NB)
        ),
    )
    return run(img)

# --- scband reference (transcript-rebuilt; emitter-appended) ---
"""Pipeline reference for scband-disable-random-tofs-25494925869706 (READ-ONLY COPY).

The authoritative reference and input builder live on the scoring server;
editing this copy changes nothing except your own understanding.
"""

import jax, jax.numpy as jnp
import numpy as np

MIN_DISABLED = 2
MAX_DISABLED = 8
NEIGHBOR_PROB = 0.5


def _select_disabled_tofs(tof_count):
    # Deterministic (seeded) mirror of the torch random-selection algorithm.
    rng = np.random.default_rng(0)
    disabled_count = int(rng.integers(MIN_DISABLED, MAX_DISABLED + 1))
    initial = int(rng.integers(0, tof_count))
    disabled = [initial]
    tof_list = [int(t) for t in rng.permutation(tof_count) if int(t) != initial]
    for _ in range(disabled_count - 1):
        rv = float(rng.random())
        perm = rng.permutation(len(disabled))
        permuted = [disabled[int(j)] for j in perm]
        if rv < NEIGHBOR_PROB:
            if rv < NEIGHBOR_PROB / 2:
                for cur in permuted:
                    new_neighbor = (cur + 1) % tof_count
                    if new_neighbor not in disabled:
                        disabled.append(new_neighbor)
                        tof_list = [t for t in tof_list if t != new_neighbor]
                        break
            else:
                opposite_found = False
                for cur in permuted:
                    new_opposite = (cur + tof_count // 2) % tof_count
                    if new_opposite not in disabled:
                        disabled.append(new_opposite)
                        tof_list = [t for t in tof_list if t != new_opposite]
                        opposite_found = True
                        break
                if not opposite_found:
                    new_element = tof_list[0]
                    tof_list = [t for t in tof_list if t != new_element]
                    disabled.append(new_element)
        else:
            new_element = tof_list[0]
            tof_list = [t for t in tof_list if t != new_element]
            disabled.append(new_element)
    assert len(disabled) <= disabled_count
    assert len(set(disabled)) == disabled_count
    return np.array(disabled, dtype=np.int64)


def setup_inputs(seed: int = 0):
    key = jax.random.key(seed)
    img = jax.random.normal(key, (65536, 512), dtype=jnp.float32)
    return {"img": img}


def reference(img):
    tof_count = img.shape[-1]
    disabled = jnp.asarray(_select_disabled_tofs(tof_count))
    # img_copy = img.clone(); img_copy[:, disabled_tofs] = 0.0
    img_copy = img.at[:, disabled].set(0.0)
    return img_copy

if __name__ == "__main__":
    import jax
    _d = setup_inputs()
    print(jax.jit(kernel)(*tuple(_d.values())))

</pallas_src>

<mosaic_0001>
#map = affine_map<(d0, d1) -> (0, 0)>
module attributes {stable_mosaic.version = 14 : i64} {
  func.func @_body(%arg0: i32, %arg1: i32, %arg2: memref<65536x512xf32, #tpu.memory_space<hbm>>, %arg3: memref<65536x512xf32, #tpu.memory_space<hbm>>, %arg4: memref<80x512xf32, #tpu.memory_space<vmem>>, %arg5: memref<80x512xf32, #tpu.memory_space<vmem>>, %arg6: memref<80x512xf32, #tpu.memory_space<vmem>>, %arg7: memref<!tpu.dma_semaphore, #tpu.memory_space<semaphore_mem>>, %arg8: memref<!tpu.dma_semaphore, #tpu.memory_space<semaphore_mem>>, %arg9: memref<!tpu.dma_semaphore, #tpu.memory_space<semaphore_mem>>, %arg10: memref<!tpu.dma_semaphore, #tpu.memory_space<semaphore_mem>>, %arg11: memref<!tpu.dma_semaphore, #tpu.memory_space<semaphore_mem>>, %arg12: memref<!tpu.dma_semaphore, #tpu.memory_space<semaphore_mem>>) attributes {dimension_semantics = [#tpu.dimension_semantics<core_parallel>, #tpu.dimension_semantics<subcore_parallel>], iteration_bounds = array<i64: 2, 16>, scalar_prefetch = 0 : i64, scratch_operands = 9 : i64, tpu.core_type = #tpu.core_type<sc_vector_subcore>, window_params = [{transform_indices = #map}, {transform_indices = #map}]} {
    %mul3A = arith.constant 2 : i32
    %mul3A_0 = arith.muli %arg1, %mul3A : i32
    %add3A = arith.addi %mul3A_0, %arg0 : i32
    %mul3A_1 = arith.constant 2048 : i32
    %mul3A_2 = arith.muli %add3A, %mul3A_1 : i32
    %iota3A = tpu.iota {dimensions = array<i32: 0>} : vector<16xi32>
    %eq3A = arith.constant 8 : i32
    %eq3A_3 = vector.broadcast %eq3A : i32 to vector<16xi32>
    %eq3A_4 = arith.cmpi eq, %iota3A, %eq3A_3 : vector<16xi32>
    %eq3A_5 = arith.constant 11 : i32
    %eq3A_6 = vector.broadcast %eq3A_5 : i32 to vector<16xi32>
    %eq3A_7 = arith.cmpi eq, %iota3A, %eq3A_6 : vector<16xi32>
    %eq3A_8 = arith.constant 8 : i32
    %eq3A_9 = vector.broadcast %eq3A_8 : i32 to vector<16xi32>
    %eq3A_10 = arith.cmpi eq, %iota3A, %eq3A_9 : vector<16xi32>
    %eq3A_11 = arith.constant 9 : i32
    %eq3A_12 = vector.broadcast %eq3A_11 : i32 to vector<16xi32>
    %eq3A_13 = arith.cmpi eq, %iota3A, %eq3A_12 : vector<16xi32>
    %or3A = arith.ori %eq3A_10, %eq3A_13 : vector<16xi1>
    %eq3A_14 = arith.constant 6 : i32
    %eq3A_15 = vector.broadcast %eq3A_14 : i32 to vector<16xi32>
    %eq3A_16 = arith.cmpi eq, %iota3A, %eq3A_15 : vector<16xi32>
    %eq3A_17 = arith.constant 2 : i32
    %eq3A_18 = vector.broadcast %eq3A_17 : i32 to vector<16xi32>
    %eq3A_19 = arith.cmpi eq, %iota3A, %eq3A_18 : vector<16xi32>
    %eq3A_20 = arith.constant 11 : i32
    %eq3A_21 = vector.broadcast %eq3A_20 : i32 to vector<16xi32>
    %eq3A_22 = arith.cmpi eq, %iota3A, %eq3A_21 : vector<16xi32>
    %add3A_23 = arith.constant 0 : i32
    %add3A_24 = arith.addi %mul3A_2, %add3A_23 : i32
    %dma_start3A = arith.constant 0 : i32
    %dma_start3A_25 = tpu.memref_slice %arg2[%add3A_24, %dma_start3A] : memref<65536x512xf32, #tpu.memory_space<hbm>> -> memref<80x512xf32, #tpu.memory_space<hbm>>
    %dma_start3A_26 = arith.constant 0 : i32
    %dma_start3A_27 = tpu.memref_slice %arg2[%add3A_24, %dma_start3A_26] : memref<65536x512xf32, #tpu.memory_space<hbm>> -> memref<80x512xf32, #tpu.memory_space<hbm>>
    tpu.enqueue_dma source(%dma_start3A_27 : memref<80x512xf32, #tpu.memory_space<hbm>>) target(%arg4 : memref<80x512xf32, #tpu.memory_space<vmem>>) target_semaphore(%arg7 : memref<!tpu.dma_semaphore, #tpu.memory_space<semaphore_mem>>)
    %add3A_28 = arith.constant 80 : i32
    %add3A_29 = arith.addi %mul3A_2, %add3A_28 : i32
    %dma_start3A_30 = arith.constant 0 : i32
    %dma_start3A_31 = tpu.memref_slice %arg2[%add3A_29, %dma_start3A_30] : memref<65536x512xf32, #tpu.memory_space<hbm>> -> memref<80x512xf32, #tpu.memory_space<hbm>>
    %dma_start3A_32 = arith.constant 0 : i32
    %dma_start3A_33 = tpu.memref_slice %arg2[%add3A_29, %dma_start3A_32] : memref<65536x512xf32, #tpu.memory_space<hbm>> -> memref<80x512xf32, #tpu.memory_space<hbm>>
    tpu.enqueue_dma source(%dma_start3A_33 : memref<80x512xf32, #tpu.memory_space<hbm>>) target(%arg5 : memref<80x512xf32, #tpu.memory_space<vmem>>) target_semaphore(%arg8 : memref<!tpu.dma_semaphore, #tpu.memory_space<semaphore_mem>>)
    %add3A_34 = arith.constant 0 : i32
    %add3A_35 = arith.addi %mul3A_2, %add3A_34 : i32
    %dma_wait3A = arith.constant 0 : i32
    %dma_wait3A_36 = tpu.memref_slice %arg2[%add3A_35, %dma_wait3A] : memref<65536x512xf32, #tpu.memory_space<hbm>> -> memref<80x512xf32, #tpu.memory_space<hbm>>
    %dma_wait3A_37 = arith.constant 0 : i32
    %dma_wait3A_38 = tpu.memref_slice %arg2[%add3A_35, %dma_wait3A_37] : memref<65536x512xf32, #tpu.memory_space<hbm>> -> memref<80x512xf32, #tpu.memory_space<hbm>>
    tpu.wait_dma2 semaphore(%arg7 : memref<!tpu.dma_semaphore, #tpu.memory_space<semaphore_mem>>) src(%dma_wait3A_38 : memref<80x512xf32, #tpu.memory_space<hbm>>) dst(%arg4 : memref<80x512xf32, #tpu.memory_space<vmem>>)
    %add3A_39 = arith.constant 160 : i32
    %add3A_40 = arith.addi %mul3A_2, %add3A_39 : i32
    %dma_start3A_41 = arith.constant 0 : i32
    %dma_start3A_42 = tpu.memref_slice %arg2[%add3A_40, %dma_start3A_41] : memref<65536x512xf32, #tpu.memory_space<hbm>> -> memref<80x512xf32, #tpu.memory_space<hbm>>
    %dma_start3A_43 = arith.constant 0 : i32
    %dma_start3A_44 = tpu.memref_slice %arg2[%add3A_40, %dma_start3A_43] : memref<65536x512xf32, #tpu.memory_space<hbm>> -> memref<80x512xf32, #tpu.memory_space<hbm>>
    tpu.enqueue_dma source(%dma_start3A_44 : memref<80x512xf32, #tpu.memory_space<hbm>>) target(%arg6 : memref<80x512xf32, #tpu.memory_space<vmem>>) target_semaphore(%arg9 : memref<!tpu.dma_semaphore, #tpu.memory_space<semaphore_mem>>)
    %scan3A = arith.constant 0 : i32
    %scan3A_45 = arith.constant 0 : i32
    %scan3A_46 = arith.constant 80 : i32
    %scan3A_47 = arith.addi %scan3A_45, %scan3A_46 : i32
    %scan3A_48 = arith.constant 1 : i32
    scf.for %scan3A_824 = %scan3A_45 to %scan3A_47 step %scan3A_48  : i32 {
      %get3A = arith.index_cast %scan3A_824 : i32 to index
      %get3A_825 = arith.constant 0 : index
      %get3A_826 = tpu.vector_load %arg4[%get3A, %get3A_825] {strides = array<i32>} : memref<80x512xf32, #tpu.memory_space<vmem>>, vector<1x16xf32>,
      %get3A_827 = vector.shape_cast %get3A_826 : vector<1x16xf32> to vector<16xf32>
      %jit3A = arith.constant 0.000000e+00 : f32
      %broadcast_in_dim3A = vector.broadcast %jit3A : f32 to vector<16xf32>
      %select_n3A = arith.select %eq3A_4, %broadcast_in_dim3A, %get3A_827 : vector<16xi1>, vector<16xf32>
      %swap3A = arith.index_cast %scan3A_824 : i32 to index
      %swap3A_828 = arith.constant 0 : index
      %swap3A_829 = tpu.vector_load %arg4[%swap3A, %swap3A_828] {strides = array<i32>} : memref<80x512xf32, #tpu.memory_space<vmem>>, vector<1x16xf32>,
      %swap3A_830 = vector.shape_cast %swap3A_829 : vector<1x16xf32> to vector<16xf32>
      %swap3A_831 = vector.shape_cast %select_n3A : vector<16xf32> to vector<1x16xf32>
      tpu.vector_store %arg4[%swap3A, %swap3A_828], %swap3A_831 {strides = array<i32>} : memref<80x512xf32, #tpu.memory_space<vmem>>, vector<1x16xf32>,
      %get3A_832 = arith.index_cast %scan3A_824 : i32 to index
      %get3A_833 = arith.constant 112 : index
      %get3A_834 = tpu.vector_load %arg4[%get3A_832, %get3A_833] {strides = array<i32>} : memref<80x512xf32, #tpu.memory_space<vmem>>, vector<1x16xf32>,
      %get3A_835 = vector.shape_cast %get3A_834 : vector<1x16xf32> to vector<16xf32>
      %jit3A_836 = arith.constant 0.000000e+00 : f32
      %broadcast_in_dim3A_837 = vector.broadcast %jit3A_836 : f32 to vector<16xf32>
      %select_n3A_838 = arith.select %eq3A_7, %broadcast_in_dim3A_837, %get3A_835 : vector<16xi1>, vector<16xf32>
      %swap3A_839 = arith.index_cast %scan3A_824 : i32 to index
      %swap3A_840 = arith.constant 112 : index
      %swap3A_841 = tpu.vector_load %arg4[%swap3A_839, %swap3A_840] {strides = array<i32>} : memref<80x512xf32, #tpu.memory_space<vmem>>, vector<1x16xf32>,
      %swap3A_842 = vector.shape_cast %swap3A_841 : vector<1x16xf32> to vector<16xf32>
      %swap3A_843 = vector.shape_cast %select_n3A_838 : vector<16xf32> to vector<1x16xf32>
      tpu.vector_store %arg4[%swap3A_839, %swap3A_840], %swap3A_843 {strides = array<i32>} : memref<80x512xf32, #tpu.memory_space<vmem>>, vector<1x16xf32>,
      %get3A_844 = arith.index_cast %scan3A_824 : i32 to index
      %get3A_845 = arith.constant 256 : index
      %get3A_846 = tpu.vector_load %arg4[%get3A_844, %get3A_845] {strides = array<i32>} : memref<80x512xf32, #tpu.memory_space<vmem>>, vector<1x16xf32>,
      %get3A_847 = vector.shape_cast %get3A_846 : vector<1x16xf32> to vector<16xf32>
      %jit3A_848 = arith.constant 0.000000e+00 : f32
      %broadcast_in_dim3A_849 = vector.broadcast %jit3A_848 : f32 to vector<16xf32>
      %select_n3A_850 = arith.select %or3A, %broadcast_in_dim3A_849, %get3A_847 : vector<16xi1>, vector<16xf32>
      %swap3A_851 = arith.index_cast %scan3A_824 : i32 to index
      %swap3A_852 = arith.constant 256 : index
      %swap3A_853 = tpu.vector_load %arg4[%swap3A_851, %swap3A_852] {strides = array<i32>} : memref<80x512xf32, #tpu.memory_space<vmem>>, vector<1x16xf32>,
      %swap3A_854 = vector.shape_cast %swap3A_853 : vector<1x16xf32> to vector<16xf32>
      %swap3A_855 = vector.shape_cast %select_n3A_850 : vector<16xf32> to vector<1x16xf32>
      tpu.vector_store %arg4[%swap3A_851, %swap3A_852], %swap3A_855 {strides = array<i32>} : memref<80x512xf32, #tpu.memory_space<vmem>>, vector<1x16xf32>,
      %get3A_856 = arith.index_cast %scan3A_824 : i32 to index
      %get3A_857 = arith.constant 320 : index
      %get3A_858 = tpu.vector_load %arg4[%get3A_856, %get3A_857] {strides = array<i32>} : memref<80x512xf32, #tpu.memory_space<vmem>>, vector<1x16xf32>,
      %get3A_859 = vector.shape_cast %get3A_858 : vector<1x16xf32> to vector<16xf32>
      %jit3A_860 = arith.constant 0.000000e+00 : f32
      %broadcast_in_dim3A_861 = vector.broadcast %jit3A_860 : f32 to vector<16xf32>
      %select_n3A_862 = arith.select %eq3A_16, %broadcast_in_dim3A_861, %get3A_859 : vector<16xi1>, vector<16xf32>
      %swap3A_863 = arith.index_cast %scan3A_824 : i32 to index
      %swap3A_864 = arith.constant 320 : index
      %swap3A_865 = tpu.vector_load %arg4[%swap3A_863, %swap3A_864] {strides = array<i32>} : memref<80x512xf32, #tpu.memory_space<vmem>>, vector<1x16xf32>,
      %swap3A_866 = vector.shape_cast %swap3A_865 : vector<1x16xf32> to vector<16xf32>
      %swap3A_867 = vector.shape_cast %select_n3A_862 : vector<16xf32> to vector<1x16xf32>
      tpu.vector_store %arg4[%swap3A_863, %swap3A_864], %swap3A_867 {strides = array<i32>} : memref<80x512xf32, #tpu.memory_space<vmem>>, vector<1x16xf32>,
      %get3A_868 = arith.index_cast %scan3A_824 : i32 to index
      %get3A_869 = arith.constant 336 : index
      %get3A_870 = tpu.vector_load %arg4[%get3A_868, %get3A_869] {strides = array<i32>} : memref<80x512xf32, #tpu.memory_space<vmem>>, vector<1x16xf32>,
      %get3A_871 = vector.shape_cast %get3A_870 : vector<1x16xf32> to vector<16xf32>
      %jit3A_872 = arith.constant 0.000000e+00 : f32
      %broadcast_in_dim3A_873 = vector.broadcast %jit3A_872 : f32 to vector<16xf32>
      %select_n3A_874 = arith.select %eq3A_19, %broadcast_in_dim3A_873, %get3A_871 : vector<16xi1>, vector<16xf32>
      %swap3A_875 = arith.index_cast %scan3A_824 : i32 to index
      %swap3A_876 = arith.constant 336 : index
      %swap3A_877 = tpu.vector_load %arg4[%swap3A_875, %swap3A_876] {strides = array<i32>} : memref<80x512xf32, #tpu.memory_space<vmem>>, vector<1x16xf32>,
      %swap3A_878 = vector.shape_cast %swap3A_877 : vector<1x16xf32> to vector<16xf32>
      %swap3A_879 = vector.shape_cast %select_n3A_874 : vector<16xf32> to vector<1x16xf32>
      tpu.vector_store %arg4[%swap3A_875, %swap3A_876], %swap3A_879 {strides = array<i32>} : memref<80x512xf32, #tpu.memory_space<vmem>>, vector<1x16xf32>,
      %get3A_880 = arith.index_cast %scan3A_824 : i32 to index
      %get3A_881 = arith.constant 368 : index
      %get3A_882 = tpu.vector_load %arg4[%get3A_880, %get3A_881] {strides = array<i32>} : memref<80x512xf32, #tpu.memory_space<vmem>>, vector<1x16xf32>,
      %get3A_883 = vector.shape_cast %get3A_882 : vector<1x16xf32> to vector<16xf32>
      %jit3A_884 = arith.constant 0.000000e+00 : f32
      %broadcast_in_dim3A_885 = vector.broadcast %jit3A_884 : f32 to vector<16xf32>
      %select_n3A_886 = arith.select %eq3A_22, %broadcast_in_dim3A_885, %get3A_883 : vector<16xi1>, vector<16xf32>
      %swap3A_887 = arith.index_cast %scan3A_824 : i32 to index
      %swap3A_888 = arith.constant 368 : index
      %swap3A_889 = tpu.vector_load %arg4[%swap3A_887, %swap3A_888] {strides = array<i32>} : memref<80x512xf32, #tpu.memory_space<vmem>>, vector<1x16xf32>,
      %swap3A_890 = vector.shape_cast %swap3A_889 : vector<1x16xf32> to vector<16xf32>
      %swap3A_891 = vector.shape_cast %select_n3A_886 : vector<16xf32> to vector<1x16xf32>
      tpu.vector_store %arg4[%swap3A_887, %swap3A_888], %swap3A_891 {strides = array<i32>} : memref<80x512xf32, #tpu.memory_space<vmem>>, vector<1x16xf32>,
    }
    %scan3A_49 = arith.constant 80 : i32
    %add3A_50 = arith.constant 0 : i32
    %add3A_51 = arith.addi %mul3A_2, %add3A_50 : i32
    %dma_start3A_52 = arith.constant 0 : i32
    %dma_start3A_53 = tpu.memref_slice %arg3[%add3A_51, %dma_start3A_52] : memref<65536x512xf32, #tpu.memory_space<hbm>> -> memref<80x512xf32, #tpu.memory_space<hbm>>
    %dma_start3A_54 = arith.constant 0 : i32
    %dma_start3A_55 = tpu.memref_slice %arg3[%add3A_51, %dma_start3A_54] : memref<65536x512xf32, #tpu.memory_space<hbm>> -> memref<80x512xf32, #tpu.memory_space<hbm>>
    tpu.enqueue_dma source(%arg4 : memref<80x512xf32, #tpu.memory_space<vmem>>) target(%dma_start3A_55 : memref<80x512xf32, #tpu.memory_space<hbm>>) target_semaphore(%arg10 : memref<!tpu.dma_semaphore, #tpu.memory_space<semaphore_mem>>)
    %add3A_56 = arith.constant 80 : i32
    %add3A_57 = arith.addi %mul3A_2, %add3A_56 : i32
    %dma_wait3A_58 = arith.constant 0 : i32
    %dma_wait3A_59 = tpu.memref_slice %arg2[%add3A_57, %dma_wait3A_58] : memref<65536x512xf32, #tpu.memory_space<hbm>> -> memref<80x512xf32, #tpu.memory_space<hbm>>
    %dma_wait3A_60 = arith.constant 0 : i32
    %dma_wait3A_61 = tpu.memref_slice %arg2[%add3A_57, %dma_wait3A_60] : memref<65536x512xf32, #tpu.memory_space<hbm>> -> memref<80x512xf32, #tpu.memory_space<hbm>>
    tpu.wait_dma2 semaphore(%arg8 : memref<!tpu.dma_semaphore, #tpu.memory_space<semaphore_mem>>) src(%dma_wait3A_61 : memref<80x512xf32, #tpu.memory_space<hbm>>) dst(%arg5 : memref<80x512xf32, #tpu.memory_space<vmem>>)
    %add3A_62 = arith.constant 0 : i32
    %add3A_63 = arith.addi %mul3A_2, %add3A_62 : i32
    %dma_wait3A_64 = arith.constant 0 : i32
    %dma_wait3A_65 = tpu.memref_slice %arg3[%add3A_63, %dma_wait3A_64] : memref<65536x512xf32, #tpu.memory_space<hbm>> -> memref<80x512xf32, #tpu.memory_space<hbm>>
    %dma_wait3A_66 = arith.constant 0 : i32
    %dma_wait3A_67 = tpu.memref_slice %arg3[%add3A_63, %dma_wait3A_66] : memref<65536x512xf32, #tpu.memory_space<hbm>> -> memref<80x512xf32, #tpu.memory_space<hbm>>
    tpu.wait_dma2 semaphore(%arg10 : memref<!tpu.dma_semaphore, #tpu.memory_space<semaphore_mem>>) src(%arg4 : memref<80x512xf32, #tpu.memory_space<vmem>>) dst(%dma_wait3A_67 : memref<80x512xf32, #tpu.memory_space<hbm>>)
    %add3A_68 = arith.constant 240 : i32
    %add3A_69 = arith.addi %mul3A_2, %add3A_68 : i32
    %dma_start3A_70 = arith.constant 0 : i32
    %dma_start3A_71 = tpu.memref_slice %arg2[%add3A_69, %dma_start3A_70] : memref<65536x512xf32, #tpu.memory_space<hbm>> -> memref<80x512xf32, #tpu.memory_space<hbm>>
    %dma_start3A_72 = arith.constant 0 : i32
    %dma_start3A_73 = tpu.memref_slice %arg2[%add3A_69, %dma_start3A_72] : memref<65536x512xf32, #tpu.memory_space<hbm>> -> memref<80x512xf32, #tpu.memory_space<hbm>>
    tpu.enqueue_dma source(%dma_start3A_73 : memref<80x512xf32, #tpu.memory_space<hbm>>) target(%arg4 : memref<80x512xf32, #tpu.memory_space<vmem>>) target_semaphore(%arg7 : memref<!tpu.dma_semaphore, #tpu.memory_space<semaphore_mem>>)
    %scan3A_74 = arith.constant 0 : i32
    %scan3A_75 = arith.constant 0 : i32
    %scan3A_76 = arith.constant 80 : i32
    %scan3A_77 = arith.addi %scan3A_75, %scan3A_76 : i32
    %scan3A_78 = arith.constant 1 : i32
    scf.for %scan3A_824 = %scan3A_75 to %scan3A_77 step %scan3A_78  : i32 {
      %get3A = arith.index_cast %scan3A_824 : i32 to index
      %get3A_825 = arith.constant 0 : index
      %get3A_826 = tpu.vector_load %arg5[%get3A, %get3A_825] {strides = array<i32>} : memref<80x512xf32, #tpu.memory_space<vmem>>, vector<1x16xf32>,
      %get3A_827 = vector.shape_cast %get3A_826 : vector<1x16xf32> to vector<16xf32>
      %jit3A = arith.constant 0.000000e+00 : f32
      %broadcast_in_dim3A = vector.broadcast %jit3A : f32 to vector<16xf32>
      %select_n3A = arith.select %eq3A_4, %broadcast_in_dim3A, %get3A_827 : vector<16xi1>, vector<16xf32>
      %swap3A = arith.index_cast %scan3A_824 : i32 to index
      %swap3A_828 = arith.constant 0 : index
      %swap3A_829 = tpu.vector_load %arg5[%swap3A, %swap3A_828] {strides = array<i32>} : memref<80x512xf32, #tpu.memory_space<vmem>>, vector<1x16xf32>,
      %swap3A_830 = vector.shape_cast %swap3A_829 : vector<1x16xf32> to vector<16xf32>
      %swap3A_831 = vector.shape_cast %select_n3A : vector<16xf32> to vector<1x16xf32>
      tpu.vector_store %arg5[%swap3A, %swap3A_828], %swap3A_831 {strides = array<i32>} : memref<80x512xf32, #tpu.memory_space<vmem>>, vector<1x16xf32>,
      %get3A_832 = arith.index_cast %scan3A_824 : i32 to index
      %get3A_833 = arith.constant 112 : index
      %get3A_834 = tpu.vector_load %arg5[%get3A_832, %get3A_833] {strides = array<i32>} : memref<80x512xf32, #tpu.memory_space<vmem>>, vector<1x16xf32>,
      %get3A_835 = vector.shape_cast %get3A_834 : vector<1x16xf32> to vector<16xf32>
      %jit3A_836 = arith.constant 0.000000e+00 : f32
      %broadcast_in_dim3A_837 = vector.broadcast %jit3A_836 : f32 to vector<16xf32>
      %select_n3A_838 = arith.select %eq3A_7, %broadcast_in_dim3A_837, %get3A_835 : vector<16xi1>, vector<16xf32>
      %swap3A_839 = arith.index_cast %scan3A_824 : i32 to index
      %swap3A_840 = arith.constant 112 : index
      %swap3A_841 = tpu.vector_load %arg5[%swap3A_839, %swap3A_840] {strides = array<i32>} : memref<80x512xf32, #tpu.memory_space<vmem>>, vector<1x16xf32>,
      %swap3A_842 = vector.shape_cast %swap3A_841 : vector<1x16xf32> to vector<16xf32>
      %swap3A_843 = vector.shape_cast %select_n3A_838 : vector<16xf32> to vector<1x16xf32>
      tpu.vector_store %arg5[%swap3A_839, %swap3A_840], %swap3A_843 {strides = array<i32>} : memref<80x512xf32, #tpu.memory_space<vmem>>, vector<1x16xf32>,
      %get3A_844 = arith.index_cast %scan3A_824 : i32 to index
      %get3A_845 = arith.constant 256 : index
      %get3A_846 = tpu.vector_load %arg5[%get3A_844, %get3A_845] {strides = array<i32>} : memref<80x512xf32, #tpu.memory_space<vmem>>, vector<1x16xf32>,
      %get3A_847 = vector.shape_cast %get3A_846 : vector<1x16xf32> to vector<16xf32>
      %jit3A_848 = arith.constant 0.000000e+00 : f32
      %broadcast_in_dim3A_849 = vector.broadcast %jit3A_848 : f32 to vector<16xf32>
      %select_n3A_850 = arith.select %or3A, %broadcast_in_dim3A_849, %get3A_847 : vector<16xi1>, vector<16xf32>
      %swap3A_851 = arith.index_cast %scan3A_824 : i32 to index
      %swap3A_852 = arith.constant 256 : index
      %swap3A_853 = tpu.vector_load %arg5[%swap3A_851, %swap3A_852] {strides = array<i32>} : memref<80x512xf32, #tpu.memory_space<vmem>>, vector<1x16xf32>,
      %swap3A_854 = vector.shape_cast %swap3A_853 : vector<1x16xf32> to vector<16xf32>
      %swap3A_855 = vector.shape_cast %select_n3A_850 : vector<16xf32> to vector<1x16xf32>
      tpu.vector_store %arg5[%swap3A_851, %swap3A_852], %swap3A_855 {strides = array<i32>} : memref<80x512xf32, #tpu.memory_space<vmem>>, vector<1x16xf32>,
      %get3A_856 = arith.index_cast %scan3A_824 : i32 to index
      %get3A_857 = arith.constant 320 : index
      %get3A_858 = tpu.vector_load %arg5[%get3A_856, %get3A_857] {strides = array<i32>} : memref<80x512xf32, #tpu.memory_space<vmem>>, vector<1x16xf32>,
      %get3A_859 = vector.shape_cast %get3A_858 : vector<1x16xf32> to vector<16xf32>
      %jit3A_860 = arith.constant 0.000000e+00 : f32
      %broadcast_in_dim3A_861 = vector.broadcast %jit3A_860 : f32 to vector<16xf32>
      %select_n3A_862 = arith.select %eq3A_16, %broadcast_in_dim3A_861, %get3A_859 : vector<16xi1>, vector<16xf32>
      %swap3A_863 = arith.index_cast %scan3A_824 : i32 to index
      %swap3A_864 = arith.constant 320 : index
      %swap3A_865 = tpu.vector_load %arg5[%swap3A_863, %swap3A_864] {strides = array<i32>} : memref<80x512xf32, #tpu.memory_space<vmem>>, vector<1x16xf32>,
      %swap3A_866 = vector.shape_cast %swap3A_865 : vector<1x16xf32> to vector<16xf32>
      %swap3A_867 = vector.shape_cast %select_n3A_862 : vector<16xf32> to vector<1x16xf32>
      tpu.vector_store %arg5[%swap3A_863, %swap3A_864], %swap3A_867 {strides = array<i32>} : memref<80x512xf32, #tpu.memory_space<vmem>>, vector<1x16xf32>,
      %get3A_868 = arith.index_cast %scan3A_824 : i32 to index
      %get3A_869 = arith.constant 336 : index
      %get3A_870 = tpu.vector_load %arg5[%get3A_868, %get3A_869] {strides = array<i32>} : memref<80x512xf32, #tpu.memory_space<vmem>>, vector<1x16xf32>,
      %get3A_871 = vector.shape_cast %get3A_870 : vector<1x16xf32> to vector<16xf32>
      %jit3A_872 = arith.constant 0.000000e+00 : f32
      %broadcast_in_dim3A_873 = vector.broadcast %jit3A_872 : f32 to vector<16xf32>
      %select_n3A_874 = arith.select %eq3A_19, %broadcast_in_dim3A_873, %get3A_871 : vector<16xi1>, vector<16xf32>
      %swap3A_875 = arith.index_cast %scan3A_824 : i32 to index
      %swap3A_876 = arith.constant 336 : index
      %swap3A_877 = tpu.vector_load %arg5[%swap3A_875, %swap3A_876] {strides = array<i32>} : memref<80x512xf32, #tpu.memory_space<vmem>>, vector<1x16xf32>,
      %swap3A_878 = vector.shape_cast %swap3A_877 : vector<1x16xf32> to vector<16xf32>
      %swap3A_879 = vector.shape_cast %select_n3A_874 : vector<16xf32> to vector<1x16xf32>
      tpu.vector_store %arg5[%swap3A_875, %swap3A_876], %swap3A_879 {strides = array<i32>} : memref<80x512xf32, #tpu.memory_space<vmem>>, vector<1x16xf32>,
      %get3A_880 = arith.index_cast %scan3A_824 : i32 to index
      %get3A_881 = arith.constant 368 : index
      %get3A_882 = tpu.vector_load %arg5[%get3A_880, %get3A_881] {strides = array<i32>} : memref<80x512xf32, #tpu.memory_space<vmem>>, vector<1x16xf32>,
      %get3A_883 = vector.shape_cast %get3A_882 : vector<1x16xf32> to vector<16xf32>
      %jit3A_884 = arith.constant 0.000000e+00 : f32
      %broadcast_in_dim3A_885 = vector.broadcast %jit3A_884 : f32 to vector<16xf32>
      %select_n3A_886 = arith.select %eq3A_22, %broadcast_in_dim3A_885, %get3A_883 : vector<16xi1>, vector<16xf32>
      %swap3A_887 = arith.index_cast %scan3A_824 : i32 to index
      %swap3A_888 = arith.constant 368 : index
      %swap3A_889 = tpu.vector_load %arg5[%swap3A_887, %swap3A_888] {strides = array<i32>} : memref<80x512xf32, #tpu.memory_space<vmem>>, vector<1x16xf32>,
      %swap3A_890 = vector.shape_cast %swap3A_889 : vector<1x16xf32> to vector<16xf32>
      %swap3A_891 = vector.shape_cast %select_n3A_886 : vector<16xf32> to vector<1x16xf32>
      tpu.vector_store %arg5[%swap3A_887, %swap3A_888], %swap3A_891 {strides = array<i32>} : memref<80x512xf32, #tpu.memory_space<vmem>>, vector<1x16xf32>,
    }
    %scan3A_79 = arith.constant 80 : i32
    %add3A_80 = arith.constant 80 : i32
    %add3A_81 = arith.addi %mul3A_2, %add3A_80 : i32
    %dma_start3A_82 = arith.constant 0 : i32
    %dma_start3A_83 = tpu.memref_slice %arg3[%add3A_81, %dma_start3A_82] : memref<65536x512xf32, #tpu.memory_space<hbm>> -> memref<80x512xf32, #tpu.memory_space<hbm>>
    %dma_start3A_84 = arith.constant 0 : i32
    %dma_start3A_85 = tpu.memref_slice %arg3[%add3A_81, %dma_start3A_84] : memref<65536x512xf32, #tpu.memory_space<hbm>> -> memref<80x512xf32, #tpu.memory_space<hbm>>
    tpu.enqueue_dma source(%arg5 : memref<80x512xf32, #tpu.memory_space<vmem>>) target(%dma_start3A_85 : memref<80x512xf32, #tpu.memory_space<hbm>>) target_semaphore(%arg11 : memref<!tpu.dma_semaphore, #tpu.memory_space<semaphore_mem>>)
    %add3A_86 = arith.constant 160 : i32
    %add3A_87 = arith.addi %mul3A_2, %add3A_86 : i32
    %dma_wait3A_88 = arith.constant 0 : i32
    %dma_wait3A_89 = tpu.memref_slice %arg2[%add3A_87, %dma_wait3A_88] : memref<65536x512xf32, #tpu.memory_space<hbm>> -> memref<80x512xf32, #tpu.memory_space<hbm>>
    %dma_wait3A_90 = arith.constant 0 : i32
    %dma_wait3A_91 = tpu.memref_slice %arg2[%add3A_87, %dma_wait3A_90] : memref<65536x512xf32, #tpu.memory_space<hbm>> -> memref<80x512xf32, #tpu.memory_space<hbm>>
    tpu.wait_dma2 semaphore(%arg9 : memref<!tpu.dma_semaphore, #tpu.memory_space<semaphore_mem>>) src(%dma_wait3A_91 : memref<80x512xf32, #tpu.memory_space<hbm>>) dst(%arg6 : memref<80x512xf32, #tpu.memory_space<vmem>>)
    %add3A_92 = arith.constant 80 : i32
    %add3A_93 = arith.addi %mul3A_2, %add3A_92 : i32
    %dma_wait3A_94 = arith.constant 0 : i32
    %dma_wait3A_95 = tpu.memref_slice %arg3[%add3A_93, %dma_wait3A_94] : memref<65536x512xf32, #tpu.memory_space<hbm>> -> memref<80x512xf32, #tpu.memory_space<hbm>>
    %dma_wait3A_96 = arith.constant 0 : i32
    %dma_wait3A_97 = tpu.memref_slice %arg3[%add3A_93, %dma_wait3A_96] : memref<65536x512xf32, #tpu.memory_space<hbm>> -> memref<80x512xf32, #tpu.memory_space<hbm>>
    tpu.wait_dma2 semaphore(%arg11 : memref<!tpu.dma_semaphore, #tpu.memory_space<semaphore_mem>>) src(%arg5 : memref<80x512xf32, #tpu.memory_space<vmem>>) dst(%dma_wait3A_97 : memref<80x512xf32, #tpu.memory_space<hbm>>)
    %add3A_98 = arith.constant 320 : i32
    %add3A_99 = arith.addi %mul3A_2, %add3A_98 : i32
    %dma_start3A_100 = arith.constant 0 : i32
    %dma_start3A_101 = tpu.memref_slice %arg2[%add3A_99, %dma_start3A_100] : memref<65536x512xf32, #tpu.memory_space<hbm>> -> memref<80x512xf32, #tpu.memory_space<hbm>>
    %dma_start3A_102 = arith.constant 0 : i32
    %dma_start3A_103 = tpu.memref_slice %arg2[%add3A_99, %dma_start3A_102] : memref<65536x512xf32, #tpu.memory_space<hbm>> -> memref<80x512xf32, #tpu.memory_space<hbm>>
    tpu.enqueue_dma source(%dma_start3A_103 : memref<80x512xf32, #tpu.memory_space<hbm>>) target(%arg5 : memref<80x512xf32, #tpu.memory_space<vmem>>) target_semaphore(%arg8 : memref<!tpu.dma_semaphore, #tpu.memory_space<semaphore_mem>>)
    %scan3A_104 = arith.constant 0 : i32
    %scan3A_105 = arith.constant 0 : i32
    %scan3A_106 = arith.constant 80 : i32
    %scan3A_107 = arith.addi %scan3A_105, %scan3A_106 : i32
    %scan3A_108 = arith.constant 1 : i32
    scf.for %scan3A_824 = %scan3A_105 to %scan3A_107 step %scan3A_108  : i32 {
      %get3A = arith.index_cast %scan3A_824 : i32 to index
      %get3A_825 = arith.constant 0 : index
      %get3A_826 = tpu.vector_load %arg6[%get3A, %get3A_825] {strides = array<i32>} : memref<80x512xf32, #tpu.memory_space<vmem>>, vector<1x16xf32>,
      %get3A_827 = vector.shape_cast %get3A_826 : vector<1x16xf32> to vector<16xf32>
      %jit3A = arith.constant 0.000000e+00 : f32
      %broadcast_in_dim3A = vector.broadcast %jit3A : f32 to vector<16xf32>
      %select_n3A = arith.select %eq3A_4, %broadcast_in_dim3A, %get3A_827 : vector<16xi1>, vector<16xf32>
      %swap3A = arith.index_cast %scan3A_824 : i32 to index
      %swap3A_828 = arith.constant 0 : index
      %swap3A_829 = tpu.vector_load %arg6[%swap3A, %swap3A_828] {strides = array<i32>} : memref<80x512xf32, #tpu.memory_space<vmem>>, vector<1x16xf32>,
      %swap3A_830 = vector.shape_cast %swap3A_829 : vector<1x16xf32> to vector<16xf32>
      %swap3A_831 = vector.shape_cast %select_n3A : vector<16xf32> to vector<1x16xf32>
      tpu.vector_store %arg6[%swap3A, %swap3A_828], %swap3A_831 {strides = array<i32>} : memref<80x512xf32, #tpu.memory_space<vmem>>, vector<1x16xf32>,
      %get3A_832 = arith.index_cast %scan3A_824 : i32 to index
      %get3A_833 = arith.constant 112 : index
      %get3A_834 = tpu.vector_load %arg6[%get3A_832, %get3A_833] {strides = array<i32>} : memref<80x512xf32, #tpu.memory_space<vmem>>, vector<1x16xf32>,
      %get3A_835 = vector.shape_cast %get3A_834 : vector<1x16xf32> to vector<16xf32>
      %jit3A_836 = arith.constant 0.000000e+00 : f32
      %broadcast_in_dim3A_837 = vector.broadcast %jit3A_836 : f32 to vector<16xf32>
      %select_n3A_838 = arith.select %eq3A_7, %broadcast_in_dim3A_837, %get3A_835 : vector<16xi1>, vector<16xf32>
      %swap3A_839 = arith.index_cast %scan3A_824 : i32 to index
      %swap3A_840 = arith.constant 112 : index
      %swap3A_841 = tpu.vector_load %arg6[%swap3A_839, %swap3A_840] {strides = array<i32>} : memref<80x512xf32, #tpu.memory_space<vmem>>, vector<1x16xf32>,
      %swap3A_842 = vector.shape_cast %swap3A_841 : vector<1x16xf32> to vector<16xf32>
      %swap3A_843 = vector.shape_cast %select_n3A_838 : vector<16xf32> to vector<1x16xf32>
      tpu.vector_store %arg6[%swap3A_839, %swap3A_840], %swap3A_843 {strides = array<i32>} : memref<80x512xf32, #tpu.memory_space<vmem>>, vector<1x16xf32>,
      %get3A_844 = arith.index_cast %scan3A_824 : i32 to index
      %get3A_845 = arith.constant 256 : index
      %get3A_846 = tpu.vector_load %arg6[%get3A_844, %get3A_845] {strides = array<i32>} : memref<80x512xf32, #tpu.memory_space<vmem>>, vector<1x16xf32>,
      %get3A_847 = vector.shape_cast %get3A_846 : vector<1x16xf32> to vector<16xf32>
      %jit3A_848 = arith.constant 0.000000e+00 : f32
      %broadcast_in_dim3A_849 = vector.broadcast %jit3A_848 : f32 to vector<16xf32>
      %select_n3A_850 = arith.select %or3A, %broadcast_in_dim3A_849, %get3A_847 : vector<16xi1>, vector<16xf32>
      %swap3A_851 = arith.index_cast %scan3A_824 : i32 to index
      %swap3A_852 = arith.constant 256 : index
      %swap3A_853 = tpu.vector_load %arg6[%swap3A_851, %swap3A_852] {strides = array<i32>} : memref<80x512xf32, #tpu.memory_space<vmem>>, vector<1x16xf32>,
      %swap3A_854 = vector.shape_cast %swap3A_853 : vector<1x16xf32> to vector<16xf32>
      %swap3A_855 = vector.shape_cast %select_n3A_850 : vector<16xf32> to vector<1x16xf32>
      tpu.vector_store %arg6[%swap3A_851, %swap3A_852], %swap3A_855 {strides = array<i32>} : memref<80x512xf32, #tpu.memory_space<vmem>>, vector<1x16xf32>,
      %get3A_856 = arith.index_cast %scan3A_824 : i32 to index
      %get3A_857 = arith.constant 320 : index
      %get3A_858 = tpu.vector_load %arg6[%get3A_856, %get3A_857] {strides = array<i32>} : memref<80x512xf32, #tpu.memory_space<vmem>>, vector<1x16xf32>,
      %get3A_859 = vector.shape_cast %get3A_858 : vector<1x16xf32> to vector<16xf32>
      %jit3A_860 = arith.constant 0.000000e+00 : f32
      %broadcast_in_dim3A_861 = vector.broadcast %jit3A_860 : f32 to vector<16xf32>
      %select_n3A_862 = arith.select %eq3A_16, %broadcast_in_dim3A_861, %get3A_859 : vector<16xi1>, vector<16xf32>
      %swap3A_863 = arith.index_cast %scan3A_824 : i32 to index
      %swap3A_864 = arith.constant 320 : index
      %swap3A_865 = tpu.vector_load %arg6[%swap3A_863, %swap3A_864] {strides = array<i32>} : memref<80x512xf32, #tpu.memory_space<vmem>>, vector<1x16xf32>,
      %swap3A_866 = vector.shape_cast %swap3A_865 : vector<1x16xf32> to vector<16xf32>
      %swap3A_867 = vector.shape_cast %select_n3A_862 : vector<16xf32> to vector<1x16xf32>
      tpu.vector_store %arg6[%swap3A_863, %swap3A_864], %swap3A_867 {strides = array<i32>} : memref<80x512xf32, #tpu.memory_space<vmem>>, vector<1x16xf32>,
      %get3A_868 = arith.index_cast %scan3A_824 : i32 to index
      %get3A_869 = arith.constant 336 : index
      %get3A_870 = tpu.vector_load %arg6[%get3A_868, %get3A_869] {strides = array<i32>} : memref<80x512xf32, #tpu.memory_space<vmem>>, vector<1x16xf32>,
      %get3A_871 = vector.shape_cast %get3A_870 : vector<1x16xf32> to vector<16xf32>
      %jit3A_872 = arith.constant 0.000000e+00 : f32
      %broadcast_in_dim3A_873 = vector.broadcast %jit3A_872 : f32 to vector<16xf32>
      %select_n3A_874 = arith.select %eq3A_19, %broadcast_in_dim3A_873, %get3A_871 : vector<16xi1>, vector<16xf32>
      %swap3A_875 = arith.index_cast %scan3A_824 : i32 to index
      %swap3A_876 = arith.constant 336 : index
      %swap3A_877 = tpu.vector_load %arg6[%swap3A_875, %swap3A_876] {strides = array<i32>} : memref<80x512xf32, #tpu.memory_space<vmem>>, vector<1x16xf32>,
      %swap3A_878 = vector.shape_cast %swap3A_877 : vector<1x16xf32> to vector<16xf32>
      %swap3A_879 = vector.shape_cast %select_n3A_874 : vector<16xf32> to vector<1x16xf32>
      tpu.vector_store %arg6[%swap3A_875, %swap3A_876], %swap3A_879 {strides = array<i32>} : memref<80x512xf32, #tpu.memory_space<vmem>>, vector<1x16xf32>,
      %get3A_880 = arith.index_cast %scan3A_824 : i32 to index
      %get3A_881 = arith.constant 368 : index
      %get3A_882 = tpu.vector_load %arg6[%get3A_880, %get3A_881] {strides = array<i32>} : memref<80x512xf32, #tpu.memory_space<vmem>>, vector<1x16xf32>,
      %get3A_883 = vector.shape_cast %get3A_882 : vector<1x16xf32> to vector<16xf32>
      %jit3A_884 = arith.constant 0.000000e+00 : f32
      %broadcast_in_dim3A_885 = vector.broadcast %jit3A_884 : f32 to vector<16xf32>
      %select_n3A_886 = arith.select %eq3A_22, %broadcast_in_dim3A_885, %get3A_883 : vector<16xi1>, vector<16xf32>
      %swap3A_887 = arith.index_cast %scan3A_824 : i32 to index
      %swap3A_888 = arith.constant 368 : index
      %swap3A_889 = tpu.vector_load %arg6[%swap3A_887, %swap3A_888] {strides = array<i32>} : memref<80x512xf32, #tpu.memory_space<vmem>>, vector<1x16xf32>,
      %swap3A_890 = vector.shape_cast %swap3A_889 : vector<1x16xf32> to vector<16xf32>
      %swap3A_891 = vector.shape_cast %select_n3A_886 : vector<16xf32> to vector<1x16xf32>
      tpu.vector_store %arg6[%swap3A_887, %swap3A_888], %swap3A_891 {strides = array<i32>} : memref<80x512xf32, #tpu.memory_space<vmem>>, vector<1x16xf32>,
    }
    %scan3A_109 = arith.constant 80 : i32
    %add3A_110 = arith.constant 160 : i32
    %add3A_111 = arith.addi %mul3A_2, %add3A_110 : i32
    %dma_start3A_112 = arith.constant 0 : i32
    %dma_start3A_113 = tpu.memref_slice %arg3[%add3A_111, %dma_start3A_112] : memref<65536x512xf32, #tpu.memory_space<hbm>> -> memref<80x512xf32, #tpu.memory_space<hbm>>
    %dma_start3A_114 = arith.constant 0 : i32
    %dma_start3A_115 = tpu.memref_slice %arg3[%add3A_111, %dma_start3A_114] : memref<65536x512xf32, #tpu.memory_space<hbm>> -> memref<80x512xf32, #tpu.memory_space<hbm>>
    tpu.enqueue_dma source(%arg6 : memref<80x512xf32, #tpu.memory_space<vmem>>) target(%dma_start3A_115 : memref<80x512xf32, #tpu.memory_space<hbm>>) target_semaphore(%arg12 : memref<!tpu.dma_semaphore, #tpu.memory_space<semaphore_mem>>)
    %add3A_116 = arith.constant 240 : i32
    %add3A_117 = arith.addi %mul3A_2, %add3A_116 : i32
    %dma_wait3A_118 = arith.constant 0 : i32
    %dma_wait3A_119 = tpu.memref_slice %arg2[%add3A_117, %dma_wait3A_118] : memref<65536x512xf32, #tpu.memory_space<hbm>> -> memref<80x512xf32, #tpu.memory_space<hbm>>
    %dma_wait3A_120 = arith.constant 0 : i32
    %dma_wait3A_121 = tpu.memref_slice %arg2[%add3A_117, %dma_wait3A_120] : memref<65536x512xf32, #tpu.memory_space<hbm>> -> memref<80x512xf32, #tpu.memory_space<hbm>>
    tpu.wait_dma2 semaphore(%arg7 : memref<!tpu.dma_semaphore, #tpu.memory_space<semaphore_mem>>) src(%dma_wait3A_121 : memref<80x512xf32, #tpu.memory_space<hbm>>) dst(%arg4 : memref<80x512xf32, #tpu.memory_space<vmem>>)
    %add3A_122 = arith.constant 160 : i32
    %add3A_123 = arith.addi %mul3A_2, %add3A_122 : i32
    %dma_wait3A_124 = arith.constant 0 : i32
    %dma_wait3A_125 = tpu.memref_slice %arg3[%add3A_123, %dma_wait3A_124] : memref<65536x512xf32, #tpu.memory_space<hbm>> -> memref<80x512xf32, #tpu.memory_space<hbm>>
    %dma_wait3A_126 = arith.constant 0 : i32
    %dma_wait3A_127 = tpu.memref_slice %arg3[%add3A_123, %dma_wait3A_126] : memref<65536x512xf32, #tpu.memory_space<hbm>> -> memref<80x512xf32, #tpu.memory_space<hbm>>
    tpu.wait_dma2 semaphore(%arg12 : memref<!tpu.dma_semaphore, #tpu.memory_space<semaphore_mem>>) src(%arg6 : memref<80x512xf32, #tpu.memory_space<vmem>>) dst(%dma_wait3A_127 : memref<80x512xf32, #tpu.memory_space<hbm>>)
    %add3A_128 = arith.constant 400 : i32
    %add3A_129 = arith.addi %mul3A_2, %add3A_128 : i32
    %dma_start3A_130 = arith.constant 0 : i32
    %dma_start3A_131 = tpu.memref_slice %arg2[%add3A_129, %dma_start3A_130] : memref<65536x512xf32, #tpu.memory_space<hbm>> -> memref<80x512xf32, #tpu.memory_space<hbm>>
    %dma_start3A_132 = arith.constant 0 : i32
    %dma_start3A_133 = tpu.memref_slice %arg2[%add3A_129, %dma_start3A_132] : memref<65536x512xf32, #tpu.memory_space<hbm>> -> memref<80x512xf32, #tpu.memory_space<hbm>>
    tpu.enqueue_dma source(%dma_start3A_133 : memref<80x512xf32, #tpu.memory_space<hbm>>) target(%arg6 : memref<80x512xf32, #tpu.memory_space<vmem>>) target_semaphore(%arg9 : memref<!tpu.dma_semaphore, #tpu.memory_space<semaphore_mem>>)
    %scan3A_134 = arith.constant 0 : i32
    %scan3A_135 = arith.constant 0 : i32
    %scan3A_136 = arith.constant 80 : i32
    %scan3A_137 = arith.addi %scan3A_135, %scan3A_136 : i32
    %scan3A_138 = arith.constant 1 : i32
    scf.for %scan3A_824 = %scan3A_135 to %scan3A_137 step %scan3A_138  : i32 {
      %get3A = arith.index_cast %scan3A_824 : i32 to index
      %get3A_825 = arith.constant 0 : index
      %get3A_826 = tpu.vector_load %arg4[%get3A, %get3A_825] {strides = array<i32>} : memref<80x512xf32, #tpu.memory_space<vmem>>, vector<1x16xf32>,
      %get3A_827 = vector.shape_cast %get3A_826 : vector<1x16xf32> to vector<16xf32>
      %jit3A = arith.constant 0.000000e+00 : f32
      %broadcast_in_dim3A = vector.broadcast %jit3A : f32 to vector<16xf32>
      %select_n3A = arith.select %eq3A_4, %broadcast_in_dim3A, %get3A_827 : vector<16xi1>, vector<16xf32>
      %swap3A = arith.index_cast %scan3A_824 : i32 to index
      %swap3A_828 = arith.constant 0 : index
      %swap3A_829 = tpu.vector_load %arg4[%swap3A, %swap3A_828] {strides = array<i32>} : memref<80x512xf32, #tpu.memory_space<vmem>>, vector<1x16xf32>,
      %swap3A_830 = vector.shape_cast %swap3A_829 : vector<1x16xf32> to vector<16xf32>
      %swap3A_831 = vector.shape_cast %select_n3A : vector<16xf32> to vector<1x16xf32>
      tpu.vector_store %arg4[%swap3A, %swap3A_828], %swap3A_831 {strides = array<i32>} : memref<80x512xf32, #tpu.memory_space<vmem>>, vector<1x16xf32>,
      %get3A_832 = arith.index_cast %scan3A_824 : i32 to index
      %get3A_833 = arith.constant 112 : index
      %get3A_834 = tpu.vector_load %arg4[%get3A_832, %get3A_833] {strides = array<i32>} : memref<80x512xf32, #tpu.memory_space<vmem>>, vector<1x16xf32>,
      %get3A_835 = vector.shape_cast %get3A_834 : vector<1x16xf32> to vector<16xf32>
      %jit3A_836 = arith.constant 0.000000e+00 : f32
      %broadcast_in_dim3A_837 = vector.broadcast %jit3A_836 : f32 to vector<16xf32>
      %select_n3A_838 = arith.select %eq3A_7, %broadcast_in_dim3A_837, %get3A_835 : vector<16xi1>, vector<16xf32>
      %swap3A_839 = arith.index_cast %scan3A_824 : i32 to index
      %swap3A_840 = arith.constant 112 : index
      %swap3A_841 = tpu.vector_load %arg4[%swap3A_839, %swap3A_840] {strides = array<i32>} : memref<80x512xf32, #tpu.memory_space<vmem>>, vector<1x16xf32>,
      %swap3A_842 = vector.shape_cast %swap3A_841 : vector<1x16xf32> to vector<16xf32>
      %swap3A_843 = vector.shape_cast %select_n3A_838 : vector<16xf32> to vector<1x16xf32>
      tpu.vector_store %arg4[%swap3A_839, %swap3A_840], %swap3A_843 {strides = array<i32>} : memref<80x512xf32, #tpu.memory_space<vmem>>, vector<1x16xf32>,
      %get3A_844 = arith.index_cast %scan3A_824 : i32 to index
      %get3A_845 = arith.constant 256 : index
      %get3A_846 = tpu.vector_load %arg4[%get3A_844, %get3A_845] {strides = array<i32>} : memref<80x512xf32, #tpu.memory_space<vmem>>, vector<1x16xf32>,
      %get3A_847 = vector.shape_cast %get3A_846 : vector<1x16xf32> to vector<16xf32>
      %jit3A_848 = arith.constant 0.000000e+00 : f32
      %broadcast_in_dim3A_849 = vector.broadcast %jit3A_848 : f32 to vector<16xf32>
      %select_n3A_850 = arith.select %or3A, %broadcast_in_dim3A_849, %get3A_847 : vector<16xi1>, vector<16xf32>
      %swap3A_851 = arith.index_cast %scan3A_824 : i32 to index
      %swap3A_852 = arith.constant 256 : index
      %swap3A_853 = tpu.vector_load %arg4[%swap3A_851, %swap3A_852] {strides = array<i32>} : memref<80x512xf32, #tpu.memory_space<vmem>>, vector<1x16xf32>,
      %swap3A_854 = vector.shape_cast %swap3A_853 : vector<1x16xf32> to vector<16xf32>
      %swap3A_855 = vector.shape_cast %select_n3A_850 : vector<16xf32> to vector<1x16xf32>
      tpu.vector_store %arg4[%swap3A_851, %swap3A_852], %swap3A_855 {strides = array<i32>} : memref<80x512xf32, #tpu.memory_space<vmem>>, vector<1x16xf32>,
      %get3A_856 = arith.index_cast %scan3A_824 : i32 to index
      %get3A_857 = arith.constant 320 : index
      %get3A_858 = tpu.vector_load %arg4[%get3A_856, %get3A_857] {strides = array<i32>} : memref<80x512xf32, #tpu.memory_space<vmem>>, vector<1x16xf32>,
      %get3A_859 = vector.shape_cast %get3A_858 : vector<1x16xf32> to vector<16xf32>
      %jit3A_860 = arith.constant 0.000000e+00 : f32
      %broadcast_in_dim3A_861 = vector.broadcast %jit3A_860 : f32 to vector<16xf32>
      %select_n3A_862 = arith.select %eq3A_16, %broadcast_in_dim3A_861, %get3A_859 : vector<16xi1>, vector<16xf32>
      %swap3A_863 = arith.index_cast %scan3A_824 : i32 to index
      %swap3A_864 = arith.constant 320 : index
      %swap3A_865 = tpu.vector_load %arg4[%swap3A_863, %swap3A_864] {strides = array<i32>} : memref<80x512xf32, #tpu.memory_space<vmem>>, vector<1x16xf32>,
      %swap3A_866 = vector.shape_cast %swap3A_865 : vector<1x16xf32> to vector<16xf32>
      %swap3A_867 = vector.shape_cast %select_n3A_862 : vector<16xf32> to vector<1x16xf32>
      tpu.vector_store %arg4[%swap3A_863, %swap3A_864], %swap3A_867 {strides = array<i32>} : memref<80x512xf32, #tpu.memory_space<vmem>>, vector<1x16xf32>,
      %get3A_868 = arith.index_cast %scan3A_824 : i32 to index
      %get3A_869 = arith.constant 336 : index
      %get3A_870 = tpu.vector_load %arg4[%get3A_868, %get3A_869] {strides = array<i32>} : memref<80x512xf32, #tpu.memory_space<vmem>>, vector<1x16xf32>,
      %get3A_871 = vector.shape_cast %get3A_870 : vector<1x16xf32> to vector<16xf32>
      %jit3A_872 = arith.constant 0.000000e+00 : f32
      %broadcast_in_dim3A_873 = vector.broadcast %jit3A_872 : f32 to vector<16xf32>
      %select_n3A_874 = arith.select %eq3A_19, %broadcast_in_dim3A_873, %get3A_871 : vector<16xi1>, vector<16xf32>
      %swap3A_875 = arith.index_cast %scan3A_824 : i32 to index
      %swap3A_876 = arith.constant 336 : index
      %swap3A_877 = tpu.vector_load %arg4[%swap3A_875, %swap3A_876] {strides = array<i32>} : memref<80x512xf32, #tpu.memory_space<vmem>>, vector<1x16xf32>,
      %swap3A_878 = vector.shape_cast %swap3A_877 : vector<1x16xf32> to vector<16xf32>
      %swap3A_879 = vector.shape_cast %select_n3A_874 : vector<16xf32> to vector<1x16xf32>
      tpu.vector_store %arg4[%swap3A_875, %swap3A_876], %swap3A_879 {strides = array<i32>} : memref<80x512xf32, #tpu.memory_space<vmem>>, vector<1x16xf32>,
      %get3A_880 = arith.index_cast %scan3A_824 : i32 to index
      %get3A_881 = arith.constant 368 : index
      %get3A_882 = tpu.vector_load %arg4[%get3A_880, %get3A_881] {strides = array<i32>} : memref<80x512xf32, #tpu.memory_space<vmem>>, vector<1x16xf32>,
      %get3A_883 = vector.shape_cast %get3A_882 : vector<1x16xf32> to vector<16xf32>
      %jit3A_884 = arith.constant 0.000000e+00 : f32
      %broadcast_in_dim3A_885 = vector.broadcast %jit3A_884 : f32 to vector<16xf32>
      %select_n3A_886 = arith.select %eq3A_22, %broadcast_in_dim3A_885, %get3A_883 : vector<16xi1>, vector<16xf32>
      %swap3A_887 = arith.index_cast %scan3A_824 : i32 to index
      %swap3A_888 = arith.constant 368 : index
      %swap3A_889 = tpu.vector_load %arg4[%swap3A_887, %swap3A_888] {strides = array<i32>} : memref<80x512xf32, #tpu.memory_space<vmem>>, vector<1x16xf32>,
      %swap3A_890 = vector.shape_cast %swap3A_889 : vector<1x16xf32> to vector<16xf32>
      %swap3A_891 = vector.shape_cast %select_n3A_886 : vector<16xf32> to vector<1x16xf32>
      tpu.vector_store %arg4[%swap3A_887, %swap3A_888], %swap3A_891 {strides = array<i32>} : memref<80x512xf32, #tpu.memory_space<vmem>>, vector<1x16xf32>,
    }
    %scan3A_139 = arith.constant 80 : i32
    %add3A_140 = arith.constant 240 : i32
    %add3A_141 = arith.addi %mul3A_2, %add3A_140 : i32
    %dma_start3A_142 = arith.constant 0 : i32
    %dma_start3A_143 = tpu.memref_slice %arg3[%add3A_141, %dma_start3A_142] : memref<65536x512xf32, #tpu.memory_space<hbm>> -> memref<80x512xf32, #tpu.memory_space<hbm>>
    %dma_start3A_144 = arith.constant 0 : i32
    %dma_start3A_145 = tpu.memref_slice %arg3[%add3A_141, %dma_start3A_144] : memref<65536x512xf32, #tpu.memory_space<hbm>> -> memref<80x512xf32, #tpu.memory_space<hbm>>
    tpu.enqueue_dma source(%arg4 : memref<80x512xf32, #tpu.memory_space<vmem>>) target(%dma_start3A_145 : memref<80x512xf32, #tpu.memory_space<hbm>>) target_semaphore(%arg10 : memref<!tpu.dma_semaphore, #tpu.memory_space<semaphore_mem>>)
    %add3A_146 = arith.constant 320 : i32
    %add3A_147 = arith.addi %mul3A_2, %add3A_146 : i32
    %dma_wait3A_148 = arith.constant 0 : i32
    %dma_wait3A_149 = tpu.memref_slice %arg2[%add3A_147, %dma_wait3A_148] : memref<65536x512xf32, #tpu.memory_space<hbm>> -> memref<80x512xf32, #tpu.memory_space<hbm>>
    %dma_wait3A_150 = arith.constant 0 : i32
    %dma_wait3A_151 = tpu.memref_slice %arg2[%add3A_147, %dma_wait3A_150] : memref<65536x512xf32, #tpu.memory_space<hbm>> -> memref<80x512xf32, #tpu.memory_space<hbm>>
    tpu.wait_dma2 semaphore(%arg8 : memref<!tpu.dma_semaphore, #tpu.memory_space<semaphore_mem>>) src(%dma_wait3A_151 : memref<80x512xf32, #tpu.memory_space<hbm>>) dst(%arg5 : memref<80x512xf32, #tpu.memory_space<vmem>>)
    %add3A_152 = arith.constant 240 : i32
    %add3A_153 = arith.addi %mul3A_2, %add3A_152 : i32
    %dma_wait3A_154 = arith.constant 0 : i32
    %dma_wait3A_155 = tpu.memref_slice %arg3[%add3A_153, %dma_wait3A_154] : memref<65536x512xf32, #tpu.memory_space<hbm>> -> memref<80x512xf32, #tpu.memory_space<hbm>>
    %dma_wait3A_156 = arith.constant 0 : i32
    %dma_wait3A_157 = tpu.memref_slice %arg3[%add3A_153, %dma_wait3A_156] : memref<65536x512xf32, #tpu.memory_space<hbm>> -> memref<80x512xf32, #tpu.memory_space<hbm>>
    tpu.wait_dma2 semaphore(%arg10 : memref<!tpu.dma_semaphore, #tpu.memory_space<semaphore_mem>>) src(%arg4 : memref<80x512xf32, #tpu.memory_space<vmem>>) dst(%dma_wait3A_157 : memref<80x512xf32, #tpu.memory_space<hbm>>)
    %add3A_158 = arith.constant 480 : i32
    %add3A_159 = arith.addi %mul3A_2, %add3A_158 : i32
    %dma_start3A_160 = arith.constant 0 : i32
    %dma_start3A_161 = tpu.memref_slice %arg2[%add3A_159, %dma_start3A_160] : memref<65536x512xf32, #tpu.memory_space<hbm>> -> memref<80x512xf32, #tpu.memory_space<hbm>>
    %dma_start3A_162 = arith.constant 0 : i32
    %dma_start3A_163 = tpu.memref_slice %arg2[%add3A_159, %dma_start3A_162] : memref<65536x512xf32, #tpu.memory_space<hbm>> -> memref<80x512xf32, #tpu.memory_space<hbm>>
    tpu.enqueue_dma source(%dma_start3A_163 : memref<80x512xf32, #tpu.memory_space<hbm>>) target(%arg4 : memref<80x512xf32, #tpu.memory_space<vmem>>) target_semaphore(%arg7 : memref<!tpu.dma_semaphore, #tpu.memory_space<semaphore_mem>>)
    %scan3A_164 = arith.constant 0 : i32
    %scan3A_165 = arith.constant 0 : i32
    %scan3A_166 = arith.constant 80 : i32
    %scan3A_167 = arith.addi %scan3A_165, %scan3A_166 : i32
    %scan3A_168 = arith.constant 1 : i32
    scf.for %scan3A_824 = %scan3A_165 to %scan3A_167 step %scan3A_168  : i32 {
      %get3A = arith.index_cast %scan3A_824 : i32 to index
      %get3A_825 = arith.constant 0 : index
      %get3A_826 = tpu.vector_load %arg5[%get3A, %get3A_825] {strides = array<i32>} : memref<80x512xf32, #tpu.memory_space<vmem>>, vector<1x16xf32>,
      %get3A_827 = vector.shape_cast %get3A_826 : vector<1x16xf32> to vector<16xf32>
      %jit3A = arith.constant 0.000000e+00 : f32
      %broadcast_in_dim3A = vector.broadcast %jit3A : f32 to vector<16xf32>
      %select_n3A = arith.select %eq3A_4, %broadcast_in_dim3A, %get3A_827 : vector<16xi1>, vector<16xf32>
      %swap3A = arith.index_cast %scan3A_824 : i32 to index
      %swap3A_828 = arith.constant 0 : index
      %swap3A_829 = tpu.vector_load %arg5[%swap3A, %swap3A_828] {strides = array<i32>} : memref<80x512xf32, #tpu.memory_space<vmem>>, vector<1x16xf32>,
      %swap3A_830 = vector.shape_cast %swap3A_829 : vector<1x16xf32> to vector<16xf32>
      %swap3A_831 = vector.shape_cast %select_n3A : vector<16xf32> to vector<1x16xf32>
      tpu.vector_store %arg5[%swap3A, %swap3A_828], %swap3A_831 {strides = array<i32>} : memref<80x512xf32, #tpu.memory_space<vmem>>, vector<1x16xf32>,
      %get3A_832 = arith.index_cast %scan3A_824 : i32 to index
      %get3A_833 = arith.constant 112 : index
      %get3A_834 = tpu.vector_load %arg5[%get3A_832, %get3A_833] {strides = array<i32>} : memref<80x512xf32, #tpu.memory_space<vmem>>, vector<1x16xf32>,
      %get3A_835 = vector.shape_cast %get3A_834 : vector<1x16xf32> to vector<16xf32>
      %jit3A_836 = arith.constant 0.000000e+00 : f32
      %broadcast_in_dim3A_837 = vector.broadcast %jit3A_836 : f32 to vector<16xf32>
      %select_n3A_838 = arith.select %eq3A_7, %broadcast_in_dim3A_837, %get3A_835 : vector<16xi1>, vector<16xf32>
      %swap3A_839 = arith.index_cast %scan3A_824 : i32 to index
      %swap3A_840 = arith.constant 112 : index
      %swap3A_841 = tpu.vector_load %arg5[%swap3A_839, %swap3A_840] {strides = array<i32>} : memref<80x512xf32, #tpu.memory_space<vmem>>, vector<1x16xf32>,
      %swap3A_842 = vector.shape_cast %swap3A_841 : vector<1x16xf32> to vector<16xf32>
      %swap3A_843 = vector.shape_cast %select_n3A_838 : vector<16xf32> to vector<1x16xf32>
      tpu.vector_store %arg5[%swap3A_839, %swap3A_840], %swap3A_843 {strides = array<i32>} : memref<80x512xf32, #tpu.memory_space<vmem>>, vector<1x16xf32>,
      %get3A_844 = arith.index_cast %scan3A_824 : i32 to index
      %get3A_845 = arith.constant 256 : index
      %get3A_846 = tpu.vector_load %arg5[%get3A_844, %get3A_845] {strides = array<i32>} : memref<80x512xf32, #tpu.memory_space<vmem>>, vector<1x16xf32>,
      %get3A_847 = vector.shape_cast %get3A_846 : vector<1x16xf32> to vector<16xf32>
      %jit3A_848 = arith.constant 0.000000e+00 : f32
      %broadcast_in_dim3A_849 = vector.broadcast %jit3A_848 : f32 to vector<16xf32>
      %select_n3A_850 = arith.select %or3A, %broadcast_in_dim3A_849, %get3A_847 : vector<16xi1>, vector<16xf32>
      %swap3A_851 = arith.index_cast %scan3A_824 : i32 to index
      %swap3A_852 = arith.constant 256 : index
      %swap3A_853 = tpu.vector_load %arg5[%swap3A_851, %swap3A_852] {strides = array<i32>} : memref<80x512xf32, #tpu.memory_space<vmem>>, vector<1x16xf32>,
      %swap3A_854 = vector.shape_cast %swap3A_853 : vector<1x16xf32> to vector<16xf32>
      %swap3A_855 = vector.shape_cast %select_n3A_850 : vector<16xf32> to vector<1x16xf32>
      tpu.vector_store %arg5[%swap3A_851, %swap3A_852], %swap3A_855 {strides = array<i32>} : memref<80x512xf32, #tpu.memory_space<vmem>>, vector<1x16xf32>,
      %get3A_856 = arith.index_cast %scan3A_824 : i32 to index
      %get3A_857 = arith.constant 320 : index
      %get3A_858 = tpu.vector_load %arg5[%get3A_856, %get3A_857] {strides = array<i32>} : memref<80x512xf32, #tpu.memory_space<vmem>>, vector<1x16xf32>,
      %get3A_859 = vector.shape_cast %get3A_858 : vector<1x16xf32> to vector<16xf32>
      %jit3A_860 = arith.constant 0.000000e+00 : f32
      %broadcast_in_dim3A_861 = vector.broadcast %jit3A_860 : f32 to vector<16xf32>
      %select_n3A_862 = arith.select %eq3A_16, %broadcast_in_dim3A_861, %get3A_859 : vector<16xi1>, vector<16xf32>
      %swap3A_863 = arith.index_cast %scan3A_824 : i32 to index
      %swap3A_864 = arith.constant 320 : index
      %swap3A_865 = tpu.vector_load %arg5[%swap3A_863, %swap3A_864] {strides = array<i32>} : memref<80x512xf32, #tpu.memory_space<vmem>>, vector<1x16xf32>,
      %swap3A_866 = vector.shape_cast %swap3A_865 : vector<1x16xf32> to vector<16xf32>
      %swap3A_867 = vector.shape_cast %select_n3A_862 : vector<16xf32> to vector<1x16xf32>
      tpu.vector_store %arg5[%swap3A_863, %swap3A_864], %swap3A_867 {strides = array<i32>} : memref<80x512xf32, #tpu.memory_space<vmem>>, vector<1x16xf32>,
      %get3A_868 = arith.index_cast %scan3A_824 : i32 to index
      %get3A_869 = arith.constant 336 : index
      %get3A_870 = tpu.vector_load %arg5[%get3A_868, %get3A_869] {strides = array<i32>} : memref<80x512xf32, #tpu.memory_space<vmem>>, vector<1x16xf32>,
      %get3A_871 = vector.shape_cast %get3A_870 : vector<1x16xf32> to vector<16xf32>
      %jit3A_872 = arith.constant 0.000000e+00 : f32
      %broadcast_in_dim3A_873 = vector.broadcast %jit3A_872 : f32 to vector<16xf32>
      %select_n3A_874 = arith.select %eq3A_19, %broadcast_in_dim3A_873, %get3A_871 : vector<16xi1>, vector<16xf32>
      %swap3A_875 = arith.index_cast %scan3A_824 : i32 to index
      %swap3A_876 = arith.constant 336 : index
      %swap3A_877 = tpu.vector_load %arg5[%swap3A_875, %swap3A_876] {strides = array<i32>} : memref<80x512xf32, #tpu.memory_space<vmem>>, vector<1x16xf32>,
      %swap3A_878 = vector.shape_cast %swap3A_877 : vector<1x16xf32> to vector<16xf32>
      %swap3A_879 = vector.shape_cast %select_n3A_874 : vector<16xf32> to vector<1x16xf32>
      tpu.vector_store %arg5[%swap3A_875, %swap3A_876], %swap3A_879 {strides = array<i32>} : memref<80x512xf32, #tpu.memory_space<vmem>>, vector<1x16xf32>,
      %get3A_880 = arith.index_cast %scan3A_824 : i32 to index
      %get3A_881 = arith.constant 368 : index
      %get3A_882 = tpu.vector_load %arg5[%get3A_880, %get3A_881] {strides = array<i32>} : memref<80x512xf32, #tpu.memory_space<vmem>>, vector<1x16xf32>,
      %get3A_883 = vector.shape_cast %get3A_882 : vector<1x16xf32> to vector<16xf32>
      %jit3A_884 = arith.constant 0.000000e+00 : f32
      %broadcast_in_dim3A_885 = vector.broadcast %jit3A_884 : f32 to vector<16xf32>
      %select_n3A_886 = arith.select %eq3A_22, %broadcast_in_dim3A_885, %get3A_883 : vector<16xi1>, vector<16xf32>
      %swap3A_887 = arith.index_cast %scan3A_824 : i32 to index
      %swap3A_888 = arith.constant 368 : index
      %swap3A_889 = tpu.vector_load %arg5[%swap3A_887, %swap3A_888] {strides = array<i32>} : memref<80x512xf32, #tpu.memory_space<vmem>>, vector<1x16xf32>,
      %swap3A_890 = vector.shape_cast %swap3A_889 : vector<1x16xf32> to vector<16xf32>
      %swap3A_891 = vector.shape_cast %select_n3A_886 : vector<16xf32> to vector<1x16xf32>
      tpu.vector_store %arg5[%swap3A_887, %swap3A_888], %swap3A_891 {strides = array<i32>} : memref<80x512xf32, #tpu.memory_space<vmem>>, vector<1x16xf32>,
    }
    %scan3A_169 = arith.constant 80 : i32
    %add3A_170 = arith.constant 320 : i32
    %add3A_171 = arith.addi %mul3A_2, %add3A_170 : i32
    %dma_start3A_172 = arith.constant 0 : i32
    %dma_start3A_173 = tpu.memref_slice %arg3[%add3A_171, %dma_start3A_172] : memref<65536x512xf32, #tpu.memory_space<hbm>> -> memref<80x512xf32, #tpu.memory_space<hbm>>
    %dma_start3A_174 = arith.constant 0 : i32
    %dma_start3A_175 = tpu.memref_slice %arg3[%add3A_171, %dma_start3A_174] : memref<65536x512xf32, #tpu.memory_space<hbm>> -> memref<80x512xf32, #tpu.memory_space<hbm>>
    tpu.enqueue_dma source(%arg5 : memref<80x512xf32, #tpu.memory_space<vmem>>) target(%dma_start3A_175 : memref<80x512xf32, #tpu.memory_space<hbm>>) target_semaphore(%arg11 : memref<!tpu.dma_semaphore, #tpu.memory_space<semaphore_mem>>)
    %add3A_176 = arith.constant 400 : i32
    %add3A_177 = arith.addi %mul3A_2, %add3A_176 : i32
    %dma_wait3A_178 = arith.constant 0 : i32
    %dma_wait3A_179 = tpu.memref_slice %arg2[%add3A_177, %dma_wait3A_178] : memref<65536x512xf32, #tpu.memory_space<hbm>> -> memref<80x512xf32, #tpu.memory_space<hbm>>
    %dma_wait3A_180 = arith.constant 0 : i32
    %dma_wait3A_181 = tpu.memref_slice %arg2[%add3A_177, %dma_wait3A_180] : memref<65536x512xf32, #tpu.memory_space<hbm>> -> memref<80x512xf32, #tpu.memory_space<hbm>>
    tpu.wait_dma2 semaphore(%arg9 : memref<!tpu.dma_semaphore, #tpu.memory_space<semaphore_mem>>) src(%dma_wait3A_181 : memref<80x512xf32, #tpu.memory_space<hbm>>) dst(%arg6 : memref<80x512xf32, #tpu.memory_space<vmem>>)
    %add3A_182 = arith.constant 320 : i32
    %add3A_183 = arith.addi %mul3A_2, %add3A_182 : i32
    %dma_wait3A_184 = arith.constant 0 : i32
    %dma_wait3A_185 = tpu.memref_slice %arg3[%add3A_183, %dma_wait3A_184] : memref<65536x512xf32, #tpu.memory_space<hbm>> -> memref<80x512xf32, #tpu.memory_space<hbm>>
    %dma_wait3A_186 = arith.constant 0 : i32
    %dma_wait3A_187 = tpu.memref_slice %arg3[%add3A_183, %dma_wait3A_186] : memref<65536x512xf32, #tpu.memory_space<hbm>> -> memref<80x512xf32, #tpu.memory_space<hbm>>
    tpu.wait_dma2 semaphore(%arg11 : memref<!tpu.dma_semaphore, #tpu.memory_space<semaphore_mem>>) src(%arg5 : memref<80x512xf32, #tpu.memory_space<vmem>>) dst(%dma_wait3A_187 : memref<80x512xf32, #tpu.memory_space<hbm>>)
    %add3A_188 = arith.constant 560 : i32
    %add3A_189 = arith.addi %mul3A_2, %add3A_188 : i32
    %dma_start3A_190 = arith.constant 0 : i32
    %dma_start3A_191 = tpu.memref_slice %arg2[%add3A_189, %dma_start3A_190] : memref<65536x512xf32, #tpu.memory_space<hbm>> -> memref<80x512xf32, #tpu.memory_space<hbm>>
    %dma_start3A_192 = arith.constant 0 : i32
    %dma_start3A_193 = tpu.memref_slice %arg2[%add3A_189, %dma_start3A_192] : memref<65536x512xf32, #tpu.memory_space<hbm>> -> memref<80x512xf32, #tpu.memory_space<hbm>>
    tpu.enqueue_dma source(%dma_start3A_193 : memref<80x512xf32, #tpu.memory_space<hbm>>) target(%arg5 : memref<80x512xf32, #tpu.memory_space<vmem>>) target_semaphore(%arg8 : memref<!tpu.dma_semaphore, #tpu.memory_space<semaphore_mem>>)
    %scan3A_194 = arith.constant 0 : i32
    %scan3A_195 = arith.constant 0 : i32
    %scan3A_196 = arith.constant 80 : i32
    %scan3A_197 = arith.addi %scan3A_195, %scan3A_196 : i32
    %scan3A_198 = arith.constant 1 : i32
    scf.for %scan3A_824 = %scan3A_195 to %scan3A_197 step %scan3A_198  : i32 {
      %get3A = arith.index_cast %scan3A_824 : i32 to index
      %get3A_825 = arith.constant 0 : index
      %get3A_826 = tpu.vector_load %arg6[%get3A, %get3A_825] {strides = array<i32>} : memref<80x512xf32, #tpu.memory_space<vmem>>, vector<1x16xf32>,
      %get3A_827 = vector.shape_cast %get3A_826 : vector<1x16xf32> to vector<16xf32>
      %jit3A = arith.constant 0.000000e+00 : f32
      %broadcast_in_dim3A = vector.broadcast %jit3A : f32 to vector<16xf32>
      %select_n3A = arith.select %eq3A_4, %broadcast_in_dim3A, %get3A_827 : vector<16xi1>, vector<16xf32>
      %swap3A = arith.index_cast %scan3A_824 : i32 to index
      %swap3A_828 = arith.constant 0 : index
      %swap3A_829 = tpu.vector_load %arg6[%swap3A, %swap3A_828] {strides = array<i32>} : memref<80x512xf32, #tpu.memory_space<vmem>>, vector<1x16xf32>,
      %swap3A_830 = vector.shape_cast %swap3A_829 : vector<1x16xf32> to vector<16xf32>
      %swap3A_831 = vector.shape_cast %select_n3A : vector<16xf32> to vector<1x16xf32>
      tpu.vector_store %arg6[%swap3A, %swap3A_828], %swap3A_831 {strides = array<i32>} : memref<80x512xf32, #tpu.memory_space<vmem>>, vector<1x16xf32>,
      %get3A_832 = arith.index_cast %scan3A_824 : i32 to index
      %get3A_833 = arith.constant 112 : index
      %get3A_834 = tpu.vector_load %arg6[%get3A_832, %get3A_833] {strides = array<i32>} : memref<80x512xf32, #tpu.memory_space<vmem>>, vector<1x16xf32>,
      %get3A_835 = vector.shape_cast %get3A_834 : vector<1x16xf32> to vector<16xf32>
      %jit3A_836 = arith.constant 0.000000e+00 : f32
      %broadcast_in_dim3A_837 = vector.broadcast %jit3A_836 : f32 to vector<16xf32>
      %select_n3A_838 = arith.select %eq3A_7, %broadcast_in_dim3A_837, %get3A_835 : vector<16xi1>, vector<16xf32>
      %swap3A_839 = arith.index_cast %scan3A_824 : i32 to index
      %swap3A_840 = arith.constant 112 : index
      %swap3A_841 = tpu.vector_load %arg6[%swap3A_839, %swap3A_840] {strides = array<i32>} : memref<80x512xf32, #tpu.memory_space<vmem>>, vector<1x16xf32>,
      %swap3A_842 = vector.shape_cast %swap3A_841 : vector<1x16xf32> to vector<16xf32>
      %swap3A_843 = vector.shape_cast %select_n3A_838 : vector<16xf32> to vector<1x16xf32>
      tpu.vector_store %arg6[%swap3A_839, %swap3A_840], %swap3A_843 {strides = array<i32>} : memref<80x512xf32, #tpu.memory_space<vmem>>, vector<1x16xf32>,
      %get3A_844 = arith.index_cast %scan3A_824 : i32 to index
      %get3A_845 = arith.constant 256 : index
      %get3A_846 = tpu.vector_load %arg6[%get3A_844, %get3A_845] {strides = array<i32>} : memref<80x512xf32, #tpu.memory_space<vmem>>, vector<1x16xf32>,
      %get3A_847 = vector.shape_cast %get3A_846 : vector<1x16xf32> to vector<16xf32>
      %jit3A_848 = arith.constant 0.000000e+00 : f32
      %broadcast_in_dim3A_849 = vector.broadcast %jit3A_848 : f32 to vector<16xf32>
      %select_n3A_850 = arith.select %or3A, %broadcast_in_dim3A_849, %get3A_847 : vector<16xi1>, vector<16xf32>
      %swap3A_851 = arith.index_cast %scan3A_824 : i32 to index
      %swap3A_852 = arith.constant 256 : index
      %swap3A_853 = tpu.vector_load %arg6[%swap3A_851, %swap3A_852] {strides = array<i32>} : memref<80x512xf32, #tpu.memory_space<vmem>>, vector<1x16xf32>,
      %swap3A_854 = vector.shape_cast %swap3A_853 : vector<1x16xf32> to vector<16xf32>
      %swap3A_855 = vector.shape_cast %select_n3A_850 : vector<16xf32> to vector<1x16xf32>
      tpu.vector_store %arg6[%swap3A_851, %swap3A_852], %swap3A_855 {strides = array<i32>} : memref<80x512xf32, #tpu.memory_space<vmem>>, vector<1x16xf32>,
      %get3A_856 = arith.index_cast %scan3A_824 : i32 to index
      %get3A_857 = arith.constant 320 : index
      %get3A_858 = tpu.vector_load %arg6[%get3A_856, %get3A_857] {strides = array<i32>} : memref<80x512xf32, #tpu.memory_space<vmem>>, vector<1x16xf32>,
      %get3A_859 = vector.shape_cast %get3A_858 : vector<1x16xf32> to vector<16xf32>
      %jit3A_860 = arith.constant 0.000000e+00 : f32
      %broadcast_in_dim3A_861 = vector.broadcast %jit3A_860 : f32 to vector<16xf32>
      %select_n3A_862 = arith.select %eq3A_16, %broadcast_in_dim3A_861, %get3A_859 : vector<16xi1>, vector<16xf32>
      %swap3A_863 = arith.index_cast %scan3A_824 : i32 to index
      %swap3A_864 = arith.constant 320 : index
      %swap3A_865 = tpu.vector_load %arg6[%swap3A_863, %swap3A_864] {strides = array<i32>} : memref<80x512xf32, #tpu.memory_space<vmem>>, vector<1x16xf32>,
      %swap3A_866 = vector.shape_cast %swap3A_865 : vector<1x16xf32> to vector<16xf32>
      %swap3A_867 = vector.shape_cast %select_n3A_862 : vector<16xf32> to vector<1x16xf32>
      tpu.vector_store %arg6[%swap3A_863, %swap3A_864], %swap3A_867 {strides = array<i32>} : memref<80x512xf32, #tpu.memory_space<vmem>>, vector<1x16xf32>,
      %get3A_868 = arith.index_cast %scan3A_824 : i32 to index
      %get3A_869 = arith.constant 336 : index
      %get3A_870 = tpu.vector_load %arg6[%get3A_868, %get3A_869] {strides = array<i32>} : memref<80x512xf32, #tpu.memory_space<vmem>>, vector<1x16xf32>,
      %get3A_871 = vector.shape_cast %get3A_870 : vector<1x16xf32> to vector<16xf32>
      %jit3A_872 = arith.constant 0.000000e+00 : f32
      %broadcast_in_dim3A_873 = vector.broadcast %jit3A_872 : f32 to vector<16xf32>
      %select_n3A_874 = arith.select %eq3A_19, %broadcast_in_dim3A_873, %get3A_871 : vector<16xi1>, vector<16xf32>
      %swap3A_875 = arith.index_cast %scan3A_824 : i32 to index
      %swap3A_876 = arith.constant 336 : index
      %swap3A_877 = tpu.vector_load %arg6[%swap3A_875, %swap3A_876] {strides = array<i32>} : memref<80x512xf32, #tpu.memory_space<vmem>>, vector<1x16xf32>,
      %swap3A_878 = vector.shape_cast %swap3A_877 : vector<1x16xf32> to vector<16xf32>
      %swap3A_879 = vector.shape_cast %select_n3A_874 : vector<16xf32> to vector<1x16xf32>
      tpu.vector_store %arg6[%swap3A_875, %swap3A_876], %swap3A_879 {strides = array<i32>} : memref<80x512xf32, #tpu.memory_space<vmem>>, vector<1x16xf32>,
      %get3A_880 = arith.index_cast %scan3A_824 : i32 to index
      %get3A_881 = arith.constant 368 : index
      %get3A_882 = tpu.vector_load %arg6[%get3A_880, %get3A_881] {strides = array<i32>} : memref<80x512xf32, #tpu.memory_space<vmem>>, vector<1x16xf32>,
      %get3A_883 = vector.shape_cast %get3A_882 : vector<1x16xf32> to vector<16xf32>
      %jit3A_884 = arith.constant 0.000000e+00 : f32
      %broadcast_in_dim3A_885 = vector.broadcast %jit3A_884 : f32 to vector<16xf32>
      %select_n3A_886 = arith.select %eq3A_22, %broadcast_in_dim3A_885, %get3A_883 : vector<16xi1>, vector<16xf32>
      %swap3A_887 = arith.index_cast %scan3A_824 : i32 to index
      %swap3A_888 = arith.constant 368 : index
      %swap3A_889 = tpu.vector_load %arg6[%swap3A_887, %swap3A_888] {strides = array<i32>} : memref<80x512xf32, #tpu.memory_space<vmem>>, vector<1x16xf32>,
      %swap3A_890 = vector.shape_cast %swap3A_889 : vector<1x16xf32> to vector<16xf32>
      %swap3A_891 = vector.shape_cast %select_n3A_886 : vector<16xf32> to vector<1x16xf32>
      tpu.vector_store %arg6[%swap3A_887, %swap3A_888], %swap3A_891 {strides = array<i32>} : memref<80x512xf32, #tpu.memory_space<vmem>>, vector<1x16xf32>,
    }
    %scan3A_199 = arith.constant 80 : i32
    %add3A_200 = arith.constant 400 : i32
    %add3A_201 = arith.addi %mul3A_2, %add3A_200 : i32
    %dma_start3A_202 = arith.constant 0 : i32
    %dma_start3A_203 = tpu.memref_slice %arg3[%add3A_201, %dma_start3A_202] : memref<65536x512xf32, #tpu.memory_space<hbm>> -> memref<80x512xf32, #tpu.memory_space<hbm>>
    %dma_start3A_204 = arith.constant 0 : i32
    %dma_start3A_205 = tpu.memref_slice %arg3[%add3A_201, %dma_start3A_204] : memref<65536x512xf32, #tpu.memory_space<hbm>> -> memref<80x512xf32, #tpu.memory_space<hbm>>
    tpu.enqueue_dma source(%arg6 : memref<80x512xf32, #tpu.memory_space<vmem>>) target(%dma_start3A_205 : memref<80x512xf32, #tpu.memory_space<hbm>>) target_semaphore(%arg12 : memref<!tpu.dma_semaphore, #tpu.memory_space<semaphore_mem>>)
    %add3A_206 = arith.constant 480 : i32
    %add3A_207 = arith.addi %mul3A_2, %add3A_206 : i32
    %dma_wait3A_208 = arith.constant 0 : i32
    %dma_wait3A_209 = tpu.memref_slice %arg2[%add3A_207, %dma_wait3A_208] : memref<65536x512xf32, #tpu.memory_space<hbm>> -> memref<80x512xf32, #tpu.memory_space<hbm>>
    %dma_wait3A_210 = arith.constant 0 : i32
    %dma_wait3A_211 = tpu.memref_slice %arg2[%add3A_207, %dma_wait3A_210] : memref<65536x512xf32, #tpu.memory_space<hbm>> -> memref<80x512xf32, #tpu.memory_space<hbm>>
    tpu.wait_dma2 semaphore(%arg7 : memref<!tpu.dma_semaphore, #tpu.memory_space<semaphore_mem>>) src(%dma_wait3A_211 : memref<80x512xf32, #tpu.memory_space<hbm>>) dst(%arg4 : memref<80x512xf32, #tpu.memory_space<vmem>>)
    %add3A_212 = arith.constant 400 : i32
    %add3A_213 = arith.addi %mul3A_2, %add3A_212 : i32
    %dma_wait3A_214 = arith.constant 0 : i32
    %dma_wait3A_215 = tpu.memref_slice %arg3[%add3A_213, %dma_wait3A_214] : memref<65536x512xf32, #tpu.memory_space<hbm>> -> memref<80x512xf32, #tpu.memory_space<hbm>>
    %dma_wait3A_216 = arith.constant 0 : i32
    %dma_wait3A_217 = tpu.memref_slice %arg3[%add3A_213, %dma_wait3A_216] : memref<65536x512xf32, #tpu.memory_space<hbm>> -> memref<80x512xf32, #tpu.memory_space<hbm>>
    tpu.wait_dma2 semaphore(%arg12 : memref<!tpu.dma_semaphore, #tpu.memory_space<semaphore_mem>>) src(%arg6 : memref<80x512xf32, #tpu.memory_space<vmem>>) dst(%dma_wait3A_217 : memref<80x512xf32, #tpu.memory_space<hbm>>)
    %add3A_218 = arith.constant 640 : i32
    %add3A_219 = arith.addi %mul3A_2, %add3A_218 : i32
    %dma_start3A_220 = arith.constant 0 : i32
    %dma_start3A_221 = tpu.memref_slice %arg2[%add3A_219, %dma_start3A_220] : memref<65536x512xf32, #tpu.memory_space<hbm>> -> memref<80x512xf32, #tpu.memory_space<hbm>>
    %dma_start3A_222 = arith.constant 0 : i32
    %dma_start3A_223 = tpu.memref_slice %arg2[%add3A_219, %dma_start3A_222] : memref<65536x512xf32, #tpu.memory_space<hbm>> -> memref<80x512xf32, #tpu.memory_space<hbm>>
    tpu.enqueue_dma source(%dma_start3A_223 : memref<80x512xf32, #tpu.memory_space<hbm>>) target(%arg6 : memref<80x512xf32, #tpu.memory_space<vmem>>) target_semaphore(%arg9 : memref<!tpu.dma_semaphore, #tpu.memory_space<semaphore_mem>>)
    %scan3A_224 = arith.constant 0 : i32
    %scan3A_225 = arith.constant 0 : i32
    %scan3A_226 = arith.constant 80 : i32
    %scan3A_227 = arith.addi %scan3A_225, %scan3A_226 : i32
    %scan3A_228 = arith.constant 1 : i32
    scf.for %scan3A_824 = %scan3A_225 to %scan3A_227 step %scan3A_228  : i32 {
      %get3A = arith.index_cast %scan3A_824 : i32 to index
      %get3A_825 = arith.constant 0 : index
      %get3A_826 = tpu.vector_load %arg4[%get3A, %get3A_825] {strides = array<i32>} : memref<80x512xf32, #tpu.memory_space<vmem>>, vector<1x16xf32>,
      %get3A_827 = vector.shape_cast %get3A_826 : vector<1x16xf32> to vector<16xf32>
      %jit3A = arith.constant 0.000000e+00 : f32
      %broadcast_in_dim3A = vector.broadcast %jit3A : f32 to vector<16xf32>
      %select_n3A = arith.select %eq3A_4, %broadcast_in_dim3A, %get3A_827 : vector<16xi1>, vector<16xf32>
      %swap3A = arith.index_cast %scan3A_824 : i32 to index
      %swap3A_828 = arith.constant 0 : index
      %swap3A_829 = tpu.vector_load %arg4[%swap3A, %swap3A_828] {strides = array<i32>} : memref<80x512xf32, #tpu.memory_space<vmem>>, vector<1x16xf32>,
      %swap3A_830 = vector.shape_cast %swap3A_829 : vector<1x16xf32> to vector<16xf32>
      %swap3A_831 = vector.shape_cast %select_n3A : vector<16xf32> to vector<1x16xf32>
      tpu.vector_store %arg4[%swap3A, %swap3A_828], %swap3A_831 {strides = array<i32>} : memref<80x512xf32, #tpu.memory_space<vmem>>, vector<1x16xf32>,
      %get3A_832 = arith.index_cast %scan3A_824 : i32 to index
      %get3A_833 = arith.constant 112 : index
      %get3A_834 = tpu.vector_load %arg4[%get3A_832, %get3A_833] {strides = array<i32>} : memref<80x512xf32, #tpu.memory_space<vmem>>, vector<1x16xf32>,
      %get3A_835 = vector.shape_cast %get3A_834 : vector<1x16xf32> to vector<16xf32>
      %jit3A_836 = arith.constant 0.000000e+00 : f32
      %broadcast_in_dim3A_837 = vector.broadcast %jit3A_836 : f32 to vector<16xf32>
      %select_n3A_838 = arith.select %eq3A_7, %broadcast_in_dim3A_837, %get3A_835 : vector<16xi1>, vector<16xf32>
      %swap3A_839 = arith.index_cast %scan3A_824 : i32 to index
      %swap3A_840 = arith.constant 112 : index
      %swap3A_841 = tpu.vector_load %arg4[%swap3A_839, %swap3A_840] {strides = array<i32>} : memref<80x512xf32, #tpu.memory_space<vmem>>, vector<1x16xf32>,
      %swap3A_842 = vector.shape_cast %swap3A_841 : vector<1x16xf32> to vector<16xf32>
      %swap3A_843 = vector.shape_cast %select_n3A_838 : vector<16xf32> to vector<1x16xf32>
      tpu.vector_store %arg4[%swap3A_839, %swap3A_840], %swap3A_843 {strides = array<i32>} : memref<80x512xf32, #tpu.memory_space<vmem>>, vector<1x16xf32>,
      %get3A_844 = arith.index_cast %scan3A_824 : i32 to index
      %get3A_845 = arith.constant 256 : index
      %get3A_846 = tpu.vector_load %arg4[%get3A_844, %get3A_845] {strides = array<i32>} : memref<80x512xf32, #tpu.memory_space<vmem>>, vector<1x16xf32>,
      %get3A_847 = vector.shape_cast %get3A_846 : vector<1x16xf32> to vector<16xf32>
      %jit3A_848 = arith.constant 0.000000e+00 : f32
      %broadcast_in_dim3A_849 = vector.broadcast %jit3A_848 : f32 to vector<16xf32>
      %select_n3A_850 = arith.select %or3A, %broadcast_in_dim3A_849, %get3A_847 : vector<16xi1>, vector<16xf32>
      %swap3A_851 = arith.index_cast %scan3A_824 : i32 to index
      %swap3A_852 = arith.constant 256 : index
      %swap3A_853 = tpu.vector_load %arg4[%swap3A_851, %swap3A_852] {strides = array<i32>} : memref<80x512xf32, #tpu.memory_space<vmem>>, vector<1x16xf32>,
      %swap3A_854 = vector.shape_cast %swap3A_853 : vector<1x16xf32> to vector<16xf32>
      %swap3A_855 = vector.shape_cast %select_n3A_850 : vector<16xf32> to vector<1x16xf32>
      tpu.vector_store %arg4[%swap3A_851, %swap3A_852], %swap3A_855 {strides = array<i32>} : memref<80x512xf32, #tpu.memory_space<vmem>>, vector<1x16xf32>,
      %get3A_856 = arith.index_cast %scan3A_824 : i32 to index
      %get3A_857 = arith.constant 320 : index
      %get3A_858 = tpu.vector_load %arg4[%get3A_856, %get3A_857] {strides = array<i32>} : memref<80x512xf32, #tpu.memory_space<vmem>>, vector<1x16xf32>,
      %get3A_859 = vector.shape_cast %get3A_858 : vector<1x16xf32> to vector<16xf32>
      %jit3A_860 = arith.constant 0.000000e+00 : f32
      %broadcast_in_dim3A_861 = vector.broadcast %jit3A_860 : f32 to vector<16xf32>
      %select_n3A_862 = arith.select %eq3A_16, %broadcast_in_dim3A_861, %get3A_859 : vector<16xi1>, vector<16xf32>
      %swap3A_863 = arith.index_cast %scan3A_824 : i32 to index
      %swap3A_864 = arith.constant 320 : index
      %swap3A_865 = tpu.vector_load %arg4[%swap3A_863, %swap3A_864] {strides = array<i32>} : memref<80x512xf32, #tpu.memory_space<vmem>>, vector<1x16xf32>,
      %swap3A_866 = vector.shape_cast %swap3A_865 : vector<1x16xf32> to vector<16xf32>
      %swap3A_867 = vector.shape_cast %select_n3A_862 : vector<16xf32> to vector<1x16xf32>
      tpu.vector_store %arg4[%swap3A_863, %swap3A_864], %swap3A_867 {strides = array<i32>} : memref<80x512xf32, #tpu.memory_space<vmem>>, vector<1x16xf32>,
      %get3A_868 = arith.index_cast %scan3A_824 : i32 to index
      %get3A_869 = arith.constant 336 : index
      %get3A_870 = tpu.vector_load %arg4[%get3A_868, %get3A_869] {strides = array<i32>} : memref<80x512xf32, #tpu.memory_space<vmem>>, vector<1x16xf32>,
      %get3A_871 = vector.shape_cast %get3A_870 : vector<1x16xf32> to vector<16xf32>
      %jit3A_872 = arith.constant 0.000000e+00 : f32
      %broadcast_in_dim3A_873 = vector.broadcast %jit3A_872 : f32 to vector<16xf32>
      %select_n3A_874 = arith.select %eq3A_19, %broadcast_in_dim3A_873, %get3A_871 : vector<16xi1>, vector<16xf32>
      %swap3A_875 = arith.index_cast %scan3A_824 : i32 to index
      %swap3A_876 = arith.constant 336 : index
      %swap3A_877 = tpu.vector_load %arg4[%swap3A_875, %swap3A_876] {strides = array<i32>} : memref<80x512xf32, #tpu.memory_space<vmem>>, vector<1x16xf32>,
      %swap3A_878 = vector.shape_cast %swap3A_877 : vector<1x16xf32> to vector<16xf32>
      %swap3A_879 = vector.shape_cast %select_n3A_874 : vector<16xf32> to vector<1x16xf32>
      tpu.vector_store %arg4[%swap3A_875, %swap3A_876], %swap3A_879 {strides = array<i32>} : memref<80x512xf32, #tpu.memory_space<vmem>>, vector<1x16xf32>,
      %get3A_880 = arith.index_cast %scan3A_824 : i32 to index
      %get3A_881 = arith.constant 368 : index
      %get3A_882 = tpu.vector_load %arg4[%get3A_880, %get3A_881] {strides = array<i32>} : memref<80x512xf32, #tpu.memory_space<vmem>>, vector<1x16xf32>,
      %get3A_883 = vector.shape_cast %get3A_882 : vector<1x16xf32> to vector<16xf32>
      %jit3A_884 = arith.constant 0.000000e+00 : f32
      %broadcast_in_dim3A_885 = vector.broadcast %jit3A_884 : f32 to vector<16xf32>
      %select_n3A_886 = arith.select %eq3A_22, %broadcast_in_dim3A_885, %get3A_883 : vector<16xi1>, vector<16xf32>
      %swap3A_887 = arith.index_cast %scan3A_824 : i32 to index
      %swap3A_888 = arith.constant 368 : index
      %swap3A_889 = tpu.vector_load %arg4[%swap3A_887, %swap3A_888] {strides = array<i32>} : memref<80x512xf32, #tpu.memory_space<vmem>>, vector<1x16xf32>,
      %swap3A_890 = vector.shape_cast %swap3A_889 : vector<1x16xf32> to vector<16xf32>
      %swap3A_891 = vector.shape_cast %select_n3A_886 : vector<16xf32> to vector<1x16xf32>
      tpu.vector_store %arg4[%swap3A_887, %swap3A_888], %swap3A_891 {strides = array<i32>} : memref<80x512xf32, #tpu.memory_space<vmem>>, vector<1x16xf32>,
    }
    %scan3A_229 = arith.constant 80 : i32
    %add3A_230 = arith.constant 480 : i32
    %add3A_231 = arith.addi %mul3A_2, %add3A_230 : i32
    %dma_start3A_232 = arith.constant 0 : i32
    %dma_start3A_233 = tpu.memref_slice %arg3[%add3A_231, %dma_start3A_232] : memref<65536x512xf32, #tpu.memory_space<hbm>> -> memref<80x512xf32, #tpu.memory_space<hbm>>
    %dma_start3A_234 = arith.constant 0 : i32
    %dma_start3A_235 = tpu.memref_slice %arg3[%add3A_231, %dma_start3A_234] : memref<65536x512xf32, #tpu.memory_space<hbm>> -> memref<80x512xf32, #tpu.memory_space<hbm>>
    tpu.enqueue_dma source(%arg4 : memref<80x512xf32, #tpu.memory_space<vmem>>) target(%dma_start3A_235 : memref<80x512xf32, #tpu.memory_space<hbm>>) target_semaphore(%arg10 : memref<!tpu.dma_semaphore, #tpu.memory_space<semaphore_mem>>)
    %add3A_236 = arith.constant 560 : i32
    %add3A_237 = arith.addi %mul3A_2, %add3A_236 : i32
    %dma_wait3A_238 = arith.constant 0 : i32
    %dma_wait3A_239 = tpu.memref_slice %arg2[%add3A_237, %dma_wait3A_238] : memref<65536x512xf32, #tpu.memory_space<hbm>> -> memref<80x512xf32, #tpu.memory_space<hbm>>
    %dma_wait3A_240 = arith.constant 0 : i32
    %dma_wait3A_241 = tpu.memref_slice %arg2[%add3A_237, %dma_wait3A_240] : memref<65536x512xf32, #tpu.memory_space<hbm>> -> memref<80x512xf32, #tpu.memory_space<hbm>>
    tpu.wait_dma2 semaphore(%arg8 : memref<!tpu.dma_semaphore, #tpu.memory_space<semaphore_mem>>) src(%dma_wait3A_241 : memref<80x512xf32, #tpu.memory_space<hbm>>) dst(%arg5 : memref<80x512xf32, #tpu.memory_space<vmem>>)
    %add3A_242 = arith.constant 480 : i32
    %add3A_243 = arith.addi %mul3A_2, %add3A_242 : i32
    %dma_wait3A_244 = arith.constant 0 : i32
    %dma_wait3A_245 = tpu.memref_slice %arg3[%add3A_243, %dma_wait3A_244] : memref<65536x512xf32, #tpu.memory_space<hbm>> -> memref<80x512xf32, #tpu.memory_space<hbm>>
    %dma_wait3A_246 = arith.constant 0 : i32
    %dma_wait3A_247 = tpu.memref_slice %arg3[%add3A_243, %dma_wait3A_246] : memref<65536x512xf32, #tpu.memory_space<hbm>> -> memref<80x512xf32, #tpu.memory_space<hbm>>
    tpu.wait_dma2 semaphore(%arg10 : memref<!tpu.dma_semaphore, #tpu.memory_space<semaphore_mem>>) src(%arg4 : memref<80x512xf32, #tpu.memory_space<vmem>>) dst(%dma_wait3A_247 : memref<80x512xf32, #tpu.memory_space<hbm>>)
    %add3A_248 = arith.constant 720 : i32
    %add3A_249 = arith.addi %mul3A_2, %add3A_248 : i32
    %dma_start3A_250 = arith.constant 0 : i32
    %dma_start3A_251 = tpu.memref_slice %arg2[%add3A_249, %dma_start3A_250] : memref<65536x512xf32, #tpu.memory_space<hbm>> -> memref<80x512xf32, #tpu.memory_space<hbm>>
    %dma_start3A_252 = arith.constant 0 : i32
    %dma_start3A_253 = tpu.memref_slice %arg2[%add3A_249, %dma_start3A_252] : memref<65536x512xf32, #tpu.memory_space<hbm>> -> memref<80x512xf32, #tpu.memory_space<hbm>>
    tpu.enqueue_dma source(%dma_start3A_253 : memref<80x512xf32, #tpu.memory_space<hbm>>) target(%arg4 : memref<80x512xf32, #tpu.memory_space<vmem>>) target_semaphore(%arg7 : memref<!tpu.dma_semaphore, #tpu.memory_space<semaphore_mem>>)
    %scan3A_254 = arith.constant 0 : i32
    %scan3A_255 = arith.constant 0 : i32
    %scan3A_256 = arith.constant 80 : i32
    %scan3A_257 = arith.addi %scan3A_255, %scan3A_256 : i32
    %scan3A_258 = arith.constant 1 : i32
    scf.for %scan3A_824 = %scan3A_255 to %scan3A_257 step %scan3A_258  : i32 {
      %get3A = arith.index_cast %scan3A_824 : i32 to index
      %get3A_825 = arith.constant 0 : index
      %get3A_826 = tpu.vector_load %arg5[%get3A, %get3A_825] {strides = array<i32>} : memref<80x512xf32, #tpu.memory_space<vmem>>, vector<1x16xf32>,
      %get3A_827 = vector.shape_cast %get3A_826 : vector<1x16xf32> to vector<16xf32>
      %jit3A = arith.constant 0.000000e+00 : f32
      %broadcast_in_dim3A = vector.broadcast %jit3A : f32 to vector<16xf32>
      %select_n3A = arith.select %eq3A_4, %broadcast_in_dim3A, %get3A_827 : vector<16xi1>, vector<16xf32>
      %swap3A = arith.index_cast %scan3A_824 : i32 to index
      %swap3A_828 = arith.constant 0 : index
      %swap3A_829 = tpu.vector_load %arg5[%swap3A, %swap3A_828] {strides = array<i32>} : memref<80x512xf32, #tpu.memory_space<vmem>>, vector<1x16xf32>,
      %swap3A_830 = vector.shape_cast %swap3A_829 : vector<1x16xf32> to vector<16xf32>
      %swap3A_831 = vector.shape_cast %select_n3A : vector<16xf32> to vector<1x16xf32>
      tpu.vector_store %arg5[%swap3A, %swap3A_828], %swap3A_831 {strides = array<i32>} : memref<80x512xf32, #tpu.memory_space<vmem>>, vector<1x16xf32>,
      %get3A_832 = arith.index_cast %scan3A_824 : i32 to index
      %get3A_833 = arith.constant 112 : index
      %get3A_834 = tpu.vector_load %arg5[%get3A_832, %get3A_833] {strides = array<i32>} : memref<80x512xf32, #tpu.memory_space<vmem>>, vector<1x16xf32>,
      %get3A_835 = vector.shape_cast %get3A_834 : vector<1x16xf32> to vector<16xf32>
      %jit3A_836 = arith.constant 0.000000e+00 : f32
      %broadcast_in_dim3A_837 = vector.broadcast %jit3A_836 : f32 to vector<16xf32>
      %select_n3A_838 = arith.select %eq3A_7, %broadcast_in_dim3A_837, %get3A_835 : vector<16xi1>, vector<16xf32>
      %swap3A_839 = arith.index_cast %scan3A_824 : i32 to index
      %swap3A_840 = arith.constant 112 : index
      %swap3A_841 = tpu.vector_load %arg5[%swap3A_839, %swap3A_840] {strides = array<i32>} : memref<80x512xf32, #tpu.memory_space<vmem>>, vector<1x16xf32>,
      %swap3A_842 = vector.shape_cast %swap3A_841 : vector<1x16xf32> to vector<16xf32>
      %swap3A_843 = vector.shape_cast %select_n3A_838 : vector<16xf32> to vector<1x16xf32>
      tpu.vector_store %arg5[%swap3A_839, %swap3A_840], %swap3A_843 {strides = array<i32>} : memref<80x512xf32, #tpu.memory_space<vmem>>, vector<1x16xf32>,
      %get3A_844 = arith.index_cast %scan3A_824 : i32 to index
      %get3A_845 = arith.constant 256 : index
      %get3A_846 = tpu.vector_load %arg5[%get3A_844, %get3A_845] {strides = array<i32>} : memref<80x512xf32, #tpu.memory_space<vmem>>, vector<1x16xf32>,
      %get3A_847 = vector.shape_cast %get3A_846 : vector<1x16xf32> to vector<16xf32>
      %jit3A_848 = arith.constant 0.000000e+00 : f32
      %broadcast_in_dim3A_849 = vector.broadcast %jit3A_848 : f32 to vector<16xf32>
      %select_n3A_850 = arith.select %or3A, %broadcast_in_dim3A_849, %get3A_847 : vector<16xi1>, vector<16xf32>
      %swap3A_851 = arith.index_cast %scan3A_824 : i32 to index
      %swap3A_852 = arith.constant 256 : index
      %swap3A_853 = tpu.vector_load %arg5[%swap3A_851, %swap3A_852] {strides = array<i32>} : memref<80x512xf32, #tpu.memory_space<vmem>>, vector<1x16xf32>,
      %swap3A_854 = vector.shape_cast %swap3A_853 : vector<1x16xf32> to vector<16xf32>
      %swap3A_855 = vector.shape_cast %select_n3A_850 : vector<16xf32> to vector<1x16xf32>
      tpu.vector_store %arg5[%swap3A_851, %swap3A_852], %swap3A_855 {strides = array<i32>} : memref<80x512xf32, #tpu.memory_space<vmem>>, vector<1x16xf32>,
      %get3A_856 = arith.index_cast %scan3A_824 : i32 to index
      %get3A_857 = arith.constant 320 : index
      %get3A_858 = tpu.vector_load %arg5[%get3A_856, %get3A_857] {strides = array<i32>} : memref<80x512xf32, #tpu.memory_space<vmem>>, vector<1x16xf32>,
      %get3A_859 = vector.shape_cast %get3A_858 : vector<1x16xf32> to vector<16xf32>
      %jit3A_860 = arith.constant 0.000000e+00 : f32
      %broadcast_in_dim3A_861 = vector.broadcast %jit3A_860 : f32 to vector<16xf32>
      %select_n3A_862 = arith.select %eq3A_16, %broadcast_in_dim3A_861, %get3A_859 : vector<16xi1>, vector<16xf32>
      %swap3A_863 = arith.index_cast %scan3A_824 : i32 to index
      %swap3A_864 = arith.constant 320 : index
      %swap3A_865 = tpu.vector_load %arg5[%swap3A_863, %swap3A_864] {strides = array<i32>} : memref<80x512xf32, #tpu.memory_space<vmem>>, vector<1x16xf32>,
      %swap3A_866 = vector.shape_cast %swap3A_865 : vector<1x16xf32> to vector<16xf32>
      %swap3A_867 = vector.shape_cast %select_n3A_862 : vector<16xf32> to vector<1x16xf32>
      tpu.vector_store %arg5[%swap3A_863, %swap3A_864], %swap3A_867 {strides = array<i32>} : memref<80x512xf32, #tpu.memory_space<vmem>>, vector<1x16xf32>,
      %get3A_868 = arith.index_cast %scan3A_824 : i32 to index
      %get3A_869 = arith.constant 336 : index
      %get3A_870 = tpu.vector_load %arg5[%get3A_868, %get3A_869] {strides = array<i32>} : memref<80x512xf32, #tpu.memory_space<vmem>>, vector<1x16xf32>,
      %get3A_871 = vector.shape_cast %get3A_870 : vector<1x16xf32> to vector<16xf32>
      %jit3A_872 = arith.constant 0.000000e+00 : f32
      %broadcast_in_dim3A_873 = vector.broadcast %jit3A_872 : f32 to vector<16xf32>
      %select_n3A_874 = arith.select %eq3A_19, %broadcast_in_dim3A_873, %get3A_871 : vector<16xi1>, vector<16xf32>
      %swap3A_875 = arith.index_cast %scan3A_824 : i32 to index
      %swap3A_876 = arith.constant 336 : index
      %swap3A_877 = tpu.vector_load %arg5[%swap3A_875, %swap3A_876] {strides = array<i32>} : memref<80x512xf32, #tpu.memory_space<vmem>>, vector<1x16xf32>,
      %swap3A_878 = vector.shape_cast %swap3A_877 : vector<1x16xf32> to vector<16xf32>
      %swap3A_879 = vector.shape_cast %select_n3A_874 : vector<16xf32> to vector<1x16xf32>
      tpu.vector_store %arg5[%swap3A_875, %swap3A_876], %swap3A_879 {strides = array<i32>} : memref<80x512xf32, #tpu.memory_space<vmem>>, vector<1x16xf32>,
      %get3A_880 = arith.index_cast %scan3A_824 : i32 to index
      %get3A_881 = arith.constant 368 : index
      %get3A_882 = tpu.vector_load %arg5[%get3A_880, %get3A_881] {strides = array<i32>} : memref<80x512xf32, #tpu.memory_space<vmem>>, vector<1x16xf32>,
      %get3A_883 = vector.shape_cast %get3A_882 : vector<1x16xf32> to vector<16xf32>
      %jit3A_884 = arith.constant 0.000000e+00 : f32
      %broadcast_in_dim3A_885 = vector.broadcast %jit3A_884 : f32 to vector<16xf32>
      %select_n3A_886 = arith.select %eq3A_22, %broadcast_in_dim3A_885, %get3A_883 : vector<16xi1>, vector<16xf32>
      %swap3A_887 = arith.index_cast %scan3A_824 : i32 to index
      %swap3A_888 = arith.constant 368 : index
      %swap3A_889 = tpu.vector_load %arg5[%swap3A_887, %swap3A_888] {strides = array<i32>} : memref<80x512xf32, #tpu.memory_space<vmem>>, vector<1x16xf32>,
      %swap3A_890 = vector.shape_cast %swap3A_889 : vector<1x16xf32> to vector<16xf32>
      %swap3A_891 = vector.shape_cast %select_n3A_886 : vector<16xf32> to vector<1x16xf32>
      tpu.vector_store %arg5[%swap3A_887, %swap3A_888], %swap3A_891 {strides = array<i32>} : memref<80x512xf32, #tpu.memory_space<vmem>>, vector<1x16xf32>,
    }
    %scan3A_259 = arith.constant 80 : i32
    %add3A_260 = arith.constant 560 : i32
    %add3A_261 = arith.addi %mul3A_2, %add3A_260 : i32
    %dma_start3A_262 = arith.constant 0 : i32
    %dma_start3A_263 = tpu.memref_slice %arg3[%add3A_261, %dma_start3A_262] : memref<65536x512xf32, #tpu.memory_space<hbm>> -> memref<80x512xf32, #tpu.memory_space<hbm>>
    %dma_start3A_264 = arith.constant 0 : i32
    %dma_start3A_265 = tpu.memref_slice %arg3[%add3A_261, %dma_start3A_264] : memref<65536x512xf32, #tpu.memory_space<hbm>> -> memref<80x512xf32, #tpu.memory_space<hbm>>
    tpu.enqueue_dma source(%arg5 : memref<80x512xf32, #tpu.memory_space<vmem>>) target(%dma_start3A_265 : memref<80x512xf32, #tpu.memory_space<hbm>>) target_semaphore(%arg11 : memref<!tpu.dma_semaphore, #tpu.memory_space<semaphore_mem>>)
    %add3A_266 = arith.constant 640 : i32
    %add3A_267 = arith.addi %mul3A_2, %add3A_266 : i32
    %dma_wait3A_268 = arith.constant 0 : i32
    %dma_wait3A_269 = tpu.memref_slice %arg2[%add3A_267, %dma_wait3A_268] : memref<65536x512xf32, #tpu.memory_space<hbm>> -> memref<80x512xf32, #tpu.memory_space<hbm>>
    %dma_wait3A_270 = arith.constant 0 : i32
    %dma_wait3A_271 = tpu.memref_slice %arg2[%add3A_267, %dma_wait3A_270] : memref<65536x512xf32, #tpu.memory_space<hbm>> -> memref<80x512xf32, #tpu.memory_space<hbm>>
    tpu.wait_dma2 semaphore(%arg9 : memref<!tpu.dma_semaphore, #tpu.memory_space<semaphore_mem>>) src(%dma_wait3A_271 : memref<80x512xf32, #tpu.memory_space<hbm>>) dst(%arg6 : memref<80x512xf32, #tpu.memory_space<vmem>>)
    %add3A_272 = arith.constant 560 : i32
    %add3A_273 = arith.addi %mul3A_2, %add3A_272 : i32
    %dma_wait3A_274 = arith.constant 0 : i32
    %dma_wait3A_275 = tpu.memref_slice %arg3[%add3A_273, %dma_wait3A_274] : memref<65536x512xf32, #tpu.memory_space<hbm>> -> memref<80x512xf32, #tpu.memory_space<hbm>>
    %dma_wait3A_276 = arith.constant 0 : i32
    %dma_wait3A_277 = tpu.memref_slice %arg3[%add3A_273, %dma_wait3A_276] : memref<65536x512xf32, #tpu.memory_space<hbm>> -> memref<80x512xf32, #tpu.memory_space<hbm>>
    tpu.wait_dma2 semaphore(%arg11 : memref<!tpu.dma_semaphore, #tpu.memory_space<semaphore_mem>>) src(%arg5 : memref<80x512xf32, #tpu.memory_space<vmem>>) dst(%dma_wait3A_277 : memref<80x512xf32, #tpu.memory_space<hbm>>)
    %add3A_278 = arith.constant 800 : i32
    %add3A_279 = arith.addi %mul3A_2, %add3A_278 : i32
    %dma_start3A_280 = arith.constant 0 : i32
    %dma_start3A_281 = tpu.memref_slice %arg2[%add3A_279, %dma_start3A_280] : memref<65536x512xf32, #tpu.memory_space<hbm>> -> memref<80x512xf32, #tpu.memory_space<hbm>>
    %dma_start3A_282 = arith.constant 0 : i32
    %dma_start3A_283 = tpu.memref_slice %arg2[%add3A_279, %dma_start3A_282] : memref<65536x512xf32, #tpu.memory_space<hbm>> -> memref<80x512xf32, #tpu.memory_space<hbm>>
    tpu.enqueue_dma source(%dma_start3A_283 : memref<80x512xf32, #tpu.memory_space<hbm>>) target(%arg5 : memref<80x512xf32, #tpu.memory_space<vmem>>) target_semaphore(%arg8 : memref<!tpu.dma_semaphore, #tpu.memory_space<semaphore_mem>>)
    %scan3A_284 = arith.constant 0 : i32
    %scan3A_285 = arith.constant 0 : i32
    %scan3A_286 = arith.constant 80 : i32
    %scan3A_287 = arith.addi %scan3A_285, %scan3A_286 : i32
    %scan3A_288 = arith.constant 1 : i32
    scf.for %scan3A_824 = %scan3A_285 to %scan3A_287 step %scan3A_288  : i32 {
      %get3A = arith.index_cast %scan3A_824 : i32 to index
      %get3A_825 = arith.constant 0 : index
      %get3A_826 = tpu.vector_load %arg6[%get3A, %get3A_825] {strides = array<i32>} : memref<80x512xf32, #tpu.memory_space<vmem>>, vector<1x16xf32>,
      %get3A_827 = vector.shape_cast %get3A_826 : vector<1x16xf32> to vector<16xf32>
      %jit3A = arith.constant 0.000000e+00 : f32
      %broadcast_in_dim3A = vector.broadcast %jit3A : f32 to vector<16xf32>
      %select_n3A = arith.select %eq3A_4, %broadcast_in_dim3A, %get3A_827 : vector<16xi1>, vector<16xf32>
      %swap3A = arith.index_cast %scan3A_824 : i32 to index
      %swap3A_828 = arith.constant 0 : index
      %swap3A_829 = tpu.vector_load %arg6[%swap3A, %swap3A_828] {strides = array<i32>} : memref<80x512xf32, #tpu.memory_space<vmem>>, vector<1x16xf32>,
      %swap3A_830 = vector.shape_cast %swap3A_829 : vector<1x16xf32> to vector<16xf32>
      %swap3A_831 = vector.shape_cast %select_n3A : vector<16xf32> to vector<1x16xf32>
      tpu.vector_store %arg6[%swap3A, %swap3A_828], %swap3A_831 {strides = array<i32>} : memref<80x512xf32, #tpu.memory_space<vmem>>, vector<1x16xf32>,
      %get3A_832 = arith.index_cast %scan3A_824 : i32 to index
      %get3A_833 = arith.constant 112 : index
      %get3A_834 = tpu.vector_load %arg6[%get3A_832, %get3A_833] {strides = array<i32>} : memref<80x512xf32, #tpu.memory_space<vmem>>, vector<1x16xf32>,
      %get3A_835 = vector.shape_cast %get3A_834 : vector<1x16xf32> to vector<16xf32>
      %jit3A_836 = arith.constant 0.000000e+00 : f32
      %broadcast_in_dim3A_837 = vector.broadcast %jit3A_836 : f32 to vector<16xf32>
      %select_n3A_838 = arith.select %eq3A_7, %broadcast_in_dim3A_837, %get3A_835 : vector<16xi1>, vector<16xf32>
      %swap3A_839 = arith.index_cast %scan3A_824 : i32 to index
      %swap3A_840 = arith.constant 112 : index
      %swap3A_841 = tpu.vector_load %arg6[%swap3A_839, %swap3A_840] {strides = array<i32>} : memref<80x512xf32, #tpu.memory_space<vmem>>, vector<1x16xf32>,
      %swap3A_842 = vector.shape_cast %swap3A_841 : vector<1x16xf32> to vector<16xf32>
      %swap3A_843 = vector.shape_cast %select_n3A_838 : vector<16xf32> to vector<1x16xf32>
      tpu.vector_store %arg6[%swap3A_839, %swap3A_840], %swap3A_843 {strides = array<i32>} : memref<80x512xf32, #tpu.memory_space<vmem>>, vector<1x16xf32>,
      %get3A_844 = arith.index_cast %scan3A_824 : i32 to index
      %get3A_845 = arith.constant 256 : index
      %get3A_846 = tpu.vector_load %arg6[%get3A_844, %get3A_845] {strides = array<i32>} : memref<80x512xf32, #tpu.memory_space<vmem>>, vector<1x16xf32>,
      %get3A_847 = vector.shape_cast %get3A_846 : vector<1x16xf32> to vector<16xf32>
      %jit3A_848 = arith.constant 0.000000e+00 : f32
      %broadcast_in_dim3A_849 = vector.broadcast %jit3A_848 : f32 to vector<16xf32>
      %select_n3A_850 = arith.select %or3A, %broadcast_in_dim3A_849, %get3A_847 : vector<16xi1>, vector<16xf32>
      %swap3A_851 = arith.index_cast %scan3A_824 : i32 to index
      %swap3A_852 = arith.constant 256 : index
      %swap3A_853 = tpu.vector_load %arg6[%swap3A_851, %swap3A_852] {strides = array<i32>} : memref<80x512xf32, #tpu.memory_space<vmem>>, vector<1x16xf32>,
      %swap3A_854 = vector.shape_cast %swap3A_853 : vector<1x16xf32> to vector<16xf32>
      %swap3A_855 = vector.shape_cast %select_n3A_850 : vector<16xf32> to vector<1x16xf32>
      tpu.vector_store %arg6[%swap3A_851, %swap3A_852], %swap3A_855 {strides = array<i32>} : memref<80x512xf32, #tpu.memory_space<vmem>>, vector<1x16xf32>,
      %get3A_856 = arith.index_cast %scan3A_824 : i32 to index
      %get3A_857 = arith.constant 320 : index
      %get3A_858 = tpu.vector_load %arg6[%get3A_856, %get3A_857] {strides = array<i32>} : memref<80x512xf32, #tpu.memory_space<vmem>>, vector<1x16xf32>,
      %get3A_859 = vector.shape_cast %get3A_858 : vector<1x16xf32> to vector<16xf32>
      %jit3A_860 = arith.constant 0.000000e+00 : f32
      %broadcast_in_dim3A_861 = vector.broadcast %jit3A_860 : f32 to vector<16xf32>
      %select_n3A_862 = arith.select %eq3A_16, %broadcast_in_dim3A_861, %get3A_859 : vector<16xi1>, vector<16xf32>
      %swap3A_863 = arith.index_cast %scan3A_824 : i32 to index
      %swap3A_864 = arith.constant 320 : index
      %swap3A_865 = tpu.vector_load %arg6[%swap3A_863, %swap3A_864] {strides = array<i32>} : memref<80x512xf32, #tpu.memory_space<vmem>>, vector<1x16xf32>,
      %swap3A_866 = vector.shape_cast %swap3A_865 : vector<1x16xf32> to vector<16xf32>
      %swap3A_867 = vector.shape_cast %select_n3A_862 : vector<16xf32> to vector<1x16xf32>
      tpu.vector_store %arg6[%swap3A_863, %swap3A_864], %swap3A_867 {strides = array<i32>} : memref<80x512xf32, #tpu.memory_space<vmem>>, vector<1x16xf32>,
      %get3A_868 = arith.index_cast %scan3A_824 : i32 to index
      %get3A_869 = arith.constant 336 : index
      %get3A_870 = tpu.vector_load %arg6[%get3A_868, %get3A_869] {strides = array<i32>} : memref<80x512xf32, #tpu.memory_space<vmem>>, vector<1x16xf32>,
      %get3A_871 = vector.shape_cast %get3A_870 : vector<1x16xf32> to vector<16xf32>
      %jit3A_872 = arith.constant 0.000000e+00 : f32
      %broadcast_in_dim3A_873 = vector.broadcast %jit3A_872 : f32 to vector<16xf32>
      %select_n3A_874 = arith.select %eq3A_19, %broadcast_in_dim3A_873, %get3A_871 : vector<16xi1>, vector<16xf32>
      %swap3A_875 = arith.index_cast %scan3A_824 : i32 to index
      %swap3A_876 = arith.constant 336 : index
      %swap3A_877 = tpu.vector_load %arg6[%swap3A_875, %swap3A_876] {strides = array<i32>} : memref<80x512xf32, #tpu.memory_space<vmem>>, vector<1x16xf32>,
      %swap3A_878 = vector.shape_cast %swap3A_877 : vector<1x16xf32> to vector<16xf32>
      %swap3A_879 = vector.shape_cast %select_n3A_874 : vector<16xf32> to vector<1x16xf32>
      tpu.vector_store %arg6[%swap3A_875, %swap3A_876], %swap3A_879 {strides = array<i32>} : memref<80x512xf32, #tpu.memory_space<vmem>>, vector<1x16xf32>,
      %get3A_880 = arith.index_cast %scan3A_824 : i32 to index
      %get3A_881 = arith.constant 368 : index
      %get3A_882 = tpu.vector_load %arg6[%get3A_880, %get3A_881] {strides = array<i32>} : memref<80x512xf32, #tpu.memory_space<vmem>>, vector<1x16xf32>,
      %get3A_883 = vector.shape_cast %get3A_882 : vector<1x16xf32> to vector<16xf32>
      %jit3A_884 = arith.constant 0.000000e+00 : f32
      %broadcast_in_dim3A_885 = vector.broadcast %jit3A_884 : f32 to vector<16xf32>
      %select_n3A_886 = arith.select %eq3A_22, %broadcast_in_dim3A_885, %get3A_883 : vector<16xi1>, vector<16xf32>
      %swap3A_887 = arith.index_cast %scan3A_824 : i32 to index
      %swap3A_888 = arith.constant 368 : index
      %swap3A_889 = tpu.vector_load %arg6[%swap3A_887, %swap3A_888] {strides = array<i32>} : memref<80x512xf32, #tpu.memory_space<vmem>>, vector<1x16xf32>,
      %swap3A_890 = vector.shape_cast %swap3A_889 : vector<1x16xf32> to vector<16xf32>
      %swap3A_891 = vector.shape_cast %select_n3A_886 : vector<16xf32> to vector<1x16xf32>
      tpu.vector_store %arg6[%swap3A_887, %swap3A_888], %swap3A_891 {strides = array<i32>} : memref<80x512xf32, #tpu.memory_space<vmem>>, vector<1x16xf32>,
    }
    %scan3A_289 = arith.constant 80 : i32
    %add3A_290 = arith.constant 640 : i32
    %add3A_291 = arith.addi %mul3A_2, %add3A_290 : i32
    %dma_start3A_292 = arith.constant 0 : i32
    %dma_start3A_293 = tpu.memref_slice %arg3[%add3A_291, %dma_start3A_292] : memref<65536x512xf32, #tpu.memory_space<hbm>> -> memref<80x512xf32, #tpu.memory_space<hbm>>
    %dma_start3A_294 = arith.constant 0 : i32
    %dma_start3A_295 = tpu.memref_slice %arg3[%add3A_291, %dma_start3A_294] : memref<65536x512xf32, #tpu.memory_space<hbm>> -> memref<80x512xf32, #tpu.memory_space<hbm>>
    tpu.enqueue_dma source(%arg6 : memref<80x512xf32, #tpu.memory_space<vmem>>) target(%dma_start3A_295 : memref<80x512xf32, #tpu.memory_space<hbm>>) target_semaphore(%arg12 : memref<!tpu.dma_semaphore, #tpu.memory_space<semaphore_mem>>)
    %add3A_296 = arith.constant 720 : i32
    %add3A_297 = arith.addi %mul3A_2, %add3A_296 : i32
    %dma_wait3A_298 = arith.constant 0 : i32
    %dma_wait3A_299 = tpu.memref_slice %arg2[%add3A_297, %dma_wait3A_298] : memref<65536x512xf32, #tpu.memory_space<hbm>> -> memref<80x512xf32, #tpu.memory_space<hbm>>
    %dma_wait3A_300 = arith.constant 0 : i32
    %dma_wait3A_301 = tpu.memref_slice %arg2[%add3A_297, %dma_wait3A_300] : memref<65536x512xf32, #tpu.memory_space<hbm>> -> memref<80x512xf32, #tpu.memory_space<hbm>>
    tpu.wait_dma2 semaphore(%arg7 : memref<!tpu.dma_semaphore, #tpu.memory_space<semaphore_mem>>) src(%dma_wait3A_301 : memref<80x512xf32, #tpu.memory_space<hbm>>) dst(%arg4 : memref<80x512xf32, #tpu.memory_space<vmem>>)
    %add3A_302 = arith.constant 640 : i32
    %add3A_303 = arith.addi %mul3A_2, %add3A_302 : i32
    %dma_wait3A_304 = arith.constant 0 : i32
    %dma_wait3A_305 = tpu.memref_slice %arg3[%add3A_303, %dma_wait3A_304] : memref<65536x512xf32, #tpu.memory_space<hbm>> -> memref<80x512xf32, #tpu.memory_space<hbm>>
    %dma_wait3A_306 = arith.constant 0 : i32
    %dma_wait3A_307 = tpu.memref_slice %arg3[%add3A_303, %dma_wait3A_306] : memref<65536x512xf32, #tpu.memory_space<hbm>> -> memref<80x512xf32, #tpu.memory_space<hbm>>
    tpu.wait_dma2 semaphore(%arg12 : memref<!tpu.dma_semaphore, #tpu.memory_space<semaphore_mem>>) src(%arg6 : memref<80x512xf32, #tpu.memory_space<vmem>>) dst(%dma_wait3A_307 : memref<80x512xf32, #tpu.memory_space<hbm>>)
    %add3A_308 = arith.constant 880 : i32
    %add3A_309 = arith.addi %mul3A_2, %add3A_308 : i32
    %dma_start3A_310 = arith.constant 0 : i32
    %dma_start3A_311 = tpu.memref_slice %arg2[%add3A_309, %dma_start3A_310] : memref<65536x512xf32, #tpu.memory_space<hbm>> -> memref<80x512xf32, #tpu.memory_space<hbm>>
    %dma_start3A_312 = arith.constant 0 : i32
    %dma_start3A_313 = tpu.memref_slice %arg2[%add3A_309, %dma_start3A_312] : memref<65536x512xf32, #tpu.memory_space<hbm>> -> memref<80x512xf32, #tpu.memory_space<hbm>>
    tpu.enqueue_dma source(%dma_start3A_313 : memref<80x512xf32, #tpu.memory_space<hbm>>) target(%arg6 : memref<80x512xf32, #tpu.memory_space<vmem>>) target_semaphore(%arg9 : memref<!tpu.dma_semaphore, #tpu.memory_space<semaphore_mem>>)
    %scan3A_314 = arith.constant 0 : i32
    %scan3A_315 = arith.constant 0 : i32
    %scan3A_316 = arith.constant 80 : i32
    %scan3A_317 = arith.addi %scan3A_315, %scan3A_316 : i32
    %scan3A_318 = arith.constant 1 : i32
    scf.for %scan3A_824 = %scan3A_315 to %scan3A_317 step %scan3A_318  : i32 {
      %get3A = arith.index_cast %scan3A_824 : i32 to index
      %get3A_825 = arith.constant 0 : index
      %get3A_826 = tpu.vector_load %arg4[%get3A, %get3A_825] {strides = array<i32>} : memref<80x512xf32, #tpu.memory_space<vmem>>, vector<1x16xf32>,
      %get3A_827 = vector.shape_cast %get3A_826 : vector<1x16xf32> to vector<16xf32>
      %jit3A = arith.constant 0.000000e+00 : f32
      %broadcast_in_dim3A = vector.broadcast %jit3A : f32 to vector<16xf32>
      %select_n3A = arith.select %eq3A_4, %broadcast_in_dim3A, %get3A_827 : vector<16xi1>, vector<16xf32>
      %swap3A = arith.index_cast %scan3A_824 : i32 to index
      %swap3A_828 = arith.constant 0 : index
      %swap3A_829 = tpu.vector_load %arg4[%swap3A, %swap3A_828] {strides = array<i32>} : memref<80x512xf32, #tpu.memory_space<vmem>>, vector<1x16xf32>,
      %swap3A_830 = vector.shape_cast %swap3A_829 : vector<1x16xf32> to vector<16xf32>
      %swap3A_831 = vector.shape_cast %select_n3A : vector<16xf32> to vector<1x16xf32>
      tpu.vector_store %arg4[%swap3A, %swap3A_828], %swap3A_831 {strides = array<i32>} : memref<80x512xf32, #tpu.memory_space<vmem>>, vector<1x16xf32>,
      %get3A_832 = arith.index_cast %scan3A_824 : i32 to index
      %get3A_833 = arith.constant 112 : index
      %get3A_834 = tpu.vector_load %arg4[%get3A_832, %get3A_833] {strides = array<i32>} : memref<80x512xf32, #tpu.memory_space<vmem>>, vector<1x16xf32>,
      %get3A_835 = vector.shape_cast %get3A_834 : vector<1x16xf32> to vector<16xf32>
      %jit3A_836 = arith.constant 0.000000e+00 : f32
      %broadcast_in_dim3A_837 = vector.broadcast %jit3A_836 : f32 to vector<16xf32>
      %select_n3A_838 = arith.select %eq3A_7, %broadcast_in_dim3A_837, %get3A_835 : vector<16xi1>, vector<16xf32>
      %swap3A_839 = arith.index_cast %scan3A_824 : i32 to index
      %swap3A_840 = arith.constant 112 : index
      %swap3A_841 = tpu.vector_load %arg4[%swap3A_839, %swap3A_840] {strides = array<i32>} : memref<80x512xf32, #tpu.memory_space<vmem>>, vector<1x16xf32>,
      %swap3A_842 = vector.shape_cast %swap3A_841 : vector<1x16xf32> to vector<16xf32>
      %swap3A_843 = vector.shape_cast %select_n3A_838 : vector<16xf32> to vector<1x16xf32>
      tpu.vector_store %arg4[%swap3A_839, %swap3A_840], %swap3A_843 {strides = array<i32>} : memref<80x512xf32, #tpu.memory_space<vmem>>, vector<1x16xf32>,
      %get3A_844 = arith.index_cast %scan3A_824 : i32 to index
      %get3A_845 = arith.constant 256 : index
      %get3A_846 = tpu.vector_load %arg4[%get3A_844, %get3A_845] {strides = array<i32>} : memref<80x512xf32, #tpu.memory_space<vmem>>, vector<1x16xf32>,
      %get3A_847 = vector.shape_cast %get3A_846 : vector<1x16xf32> to vector<16xf32>
      %jit3A_848 = arith.constant 0.000000e+00 : f32
      %broadcast_in_dim3A_849 = vector.broadcast %jit3A_848 : f32 to vector<16xf32>
      %select_n3A_850 = arith.select %or3A, %broadcast_in_dim3A_849, %get3A_847 : vector<16xi1>, vector<16xf32>
      %swap3A_851 = arith.index_cast %scan3A_824 : i32 to index
      %swap3A_852 = arith.constant 256 : index
      %swap3A_853 = tpu.vector_load %arg4[%swap3A_851, %swap3A_852] {strides = array<i32>} : memref<80x512xf32, #tpu.memory_space<vmem>>, vector<1x16xf32>,
      %swap3A_854 = vector.shape_cast %swap3A_853 : vector<1x16xf32> to vector<16xf32>
      %swap3A_855 = vector.shape_cast %select_n3A_850 : vector<16xf32> to vector<1x16xf32>
      tpu.vector_store %arg4[%swap3A_851, %swap3A_852], %swap3A_855 {strides = array<i32>} : memref<80x512xf32, #tpu.memory_space<vmem>>, vector<1x16xf32>,
      %get3A_856 = arith.index_cast %scan3A_824 : i32 to index
      %get3A_857 = arith.constant 320 : index
      %get3A_858 = tpu.vector_load %arg4[%get3A_856, %get3A_857] {strides = array<i32>} : memref<80x512xf32, #tpu.memory_space<vmem>>, vector<1x16xf32>,
      %get3A_859 = vector.shape_cast %get3A_858 : vector<1x16xf32> to vector<16xf32>
      %jit3A_860 = arith.constant 0.000000e+00 : f32
      %broadcast_in_dim3A_861 = vector.broadcast %jit3A_860 : f32 to vector<16xf32>
      %select_n3A_862 = arith.select %eq3A_16, %broadcast_in_dim3A_861, %get3A_859 : vector<16xi1>, vector<16xf32>
      %swap3A_863 = arith.index_cast %scan3A_824 : i32 to index
      %swap3A_864 = arith.constant 320 : index
      %swap3A_865 = tpu.vector_load %arg4[%swap3A_863, %swap3A_864] {strides = array<i32>} : memref<80x512xf32, #tpu.memory_space<vmem>>, vector<1x16xf32>,
      %swap3A_866 = vector.shape_cast %swap3A_865 : vector<1x16xf32> to vector<16xf32>
      %swap3A_867 = vector.shape_cast %select_n3A_862 : vector<16xf32> to vector<1x16xf32>
      tpu.vector_store %arg4[%swap3A_863, %swap3A_864], %swap3A_867 {strides = array<i32>} : memref<80x512xf32, #tpu.memory_space<vmem>>, vector<1x16xf32>,
      %get3A_868 = arith.index_cast %scan3A_824 : i32 to index
      %get3A_869 = arith.constant 336 : index
      %get3A_870 = tpu.vector_load %arg4[%get3A_868, %get3A_869] {strides = array<i32>} : memref<80x512xf32, #tpu.memory_space<vmem>>, vector<1x16xf32>,
      %get3A_871 = vector.shape_cast %get3A_870 : vector<1x16xf32> to vector<16xf32>
      %jit3A_872 = arith.constant 0.000000e+00 : f32
      %broadcast_in_dim3A_873 = vector.broadcast %jit3A_872 : f32 to vector<16xf32>
      %select_n3A_874 = arith.select %eq3A_19, %broadcast_in_dim3A_873, %get3A_871 : vector<16xi1>, vector<16xf32>
      %swap3A_875 = arith.index_cast %scan3A_824 : i32 to index
      %swap3A_876 = arith.constant 336 : index
      %swap3A_877 = tpu.vector_load %arg4[%swap3A_875, %swap3A_876] {strides = array<i32>} : memref<80x512xf32, #tpu.memory_space<vmem>>, vector<1x16xf32>,
      %swap3A_878 = vector.shape_cast %swap3A_877 : vector<1x16xf32> to vector<16xf32>
      %swap3A_879 = vector.shape_cast %select_n3A_874 : vector<16xf32> to vector<1x16xf32>
      tpu.vector_store %arg4[%swap3A_875, %swap3A_876], %swap3A_879 {strides = array<i32>} : memref<80x512xf32, #tpu.memory_space<vmem>>, vector<1x16xf32>,
      %get3A_880 = arith.index_cast %scan3A_824 : i32 to index
      %get3A_881 = arith.constant 368 : index
      %get3A_882 = tpu.vector_load %arg4[%get3A_880, %get3A_881] {strides = array<i32>} : memref<80x512xf32, #tpu.memory_space<vmem>>, vector<1x16xf32>,
      %get3A_883 = vector.shape_cast %get3A_882 : vector<1x16xf32> to vector<16xf32>
      %jit3A_884 = arith.constant 0.000000e+00 : f32
      %broadcast_in_dim3A_885 = vector.broadcast %jit3A_884 : f32 to vector<16xf32>
      %select_n3A_886 = arith.select %eq3A_22, %broadcast_in_dim3A_885, %get3A_883 : vector<16xi1>, vector<16xf32>
      %swap3A_887 = arith.index_cast %scan3A_824 : i32 to index
      %swap3A_888 = arith.constant 368 : index
      %swap3A_889 = tpu.vector_load %arg4[%swap3A_887, %swap3A_888] {strides = array<i32>} : memref<80x512xf32, #tpu.memory_space<vmem>>, vector<1x16xf32>,
      %swap3A_890 = vector.shape_cast %swap3A_889 : vector<1x16xf32> to vector<16xf32>
      %swap3A_891 = vector.shape_cast %select_n3A_886 : vector<16xf32> to vector<1x16xf32>
      tpu.vector_store %arg4[%swap3A_887, %swap3A_888], %swap3A_891 {strides = array<i32>} : memref<80x512xf32, #tpu.memory_space<vmem>>, vector<1x16xf32>,
    }
    %scan3A_319 = arith.constant 80 : i32
    %add3A_320 = arith.constant 720 : i32
    %add3A_321 = arith.addi %mul3A_2, %add3A_320 : i32
    %dma_start3A_322 = arith.constant 0 : i32
    %dma_start3A_323 = tpu.memref_slice %arg3[%add3A_321, %dma_start3A_322] : memref<65536x512xf32, #tpu.memory_space<hbm>> -> memref<80x512xf32, #tpu.memory_space<hbm>>
    %dma_start3A_324 = arith.constant 0 : i32
    %dma_start3A_325 = tpu.memref_slice %arg3[%add3A_321, %dma_start3A_324] : memref<65536x512xf32, #tpu.memory_space<hbm>> -> memref<80x512xf32, #tpu.memory_space<hbm>>
    tpu.enqueue_dma source(%arg4 : memref<80x512xf32, #tpu.memory_space<vmem>>) target(%dma_start3A_325 : memref<80x512xf32, #tpu.memory_space<hbm>>) target_semaphore(%arg10 : memref<!tpu.dma_semaphore, #tpu.memory_space<semaphore_mem>>)
    %add3A_326 = arith.constant 800 : i32
    %add3A_327 = arith.addi %mul3A_2, %add3A_326 : i32
    %dma_wait3A_328 = arith.constant 0 : i32
    %dma_wait3A_329 = tpu.memref_slice %arg2[%add3A_327, %dma_wait3A_328] : memref<65536x512xf32, #tpu.memory_space<hbm>> -> memref<80x512xf32, #tpu.memory_space<hbm>>
    %dma_wait3A_330 = arith.constant 0 : i32
    %dma_wait3A_331 = tpu.memref_slice %arg2[%add3A_327, %dma_wait3A_330] : memref<65536x512xf32, #tpu.memory_space<hbm>> -> memref<80x512xf32, #tpu.memory_space<hbm>>
    tpu.wait_dma2 semaphore(%arg8 : memref<!tpu.dma_semaphore, #tpu.memory_space<semaphore_mem>>) src(%dma_wait3A_331 : memref<80x512xf32, #tpu.memory_space<hbm>>) dst(%arg5 : memref<80x512xf32, #tpu.memory_space<vmem>>)
    %add3A_332 = arith.constant 720 : i32
    %add3A_333 = arith.addi %mul3A_2, %add3A_332 : i32
    %dma_wait3A_334 = arith.constant 0 : i32
    %dma_wait3A_335 = tpu.memref_slice %arg3[%add3A_333, %dma_wait3A_334] : memref<65536x512xf32, #tpu.memory_space<hbm>> -> memref<80x512xf32, #tpu.memory_space<hbm>>
    %dma_wait3A_336 = arith.constant 0 : i32
    %dma_wait3A_337 = tpu.memref_slice %arg3[%add3A_333, %dma_wait3A_336] : memref<65536x512xf32, #tpu.memory_space<hbm>> -> memref<80x512xf32, #tpu.memory_space<hbm>>
    tpu.wait_dma2 semaphore(%arg10 : memref<!tpu.dma_semaphore, #tpu.memory_space<semaphore_mem>>) src(%arg4 : memref<80x512xf32, #tpu.memory_space<vmem>>) dst(%dma_wait3A_337 : memref<80x512xf32, #tpu.memory_space<hbm>>)
    %add3A_338 = arith.constant 960 : i32
    %add3A_339 = arith.addi %mul3A_2, %add3A_338 : i32
    %dma_start3A_340 = arith.constant 0 : i32
    %dma_start3A_341 = tpu.memref_slice %arg2[%add3A_339, %dma_start3A_340] : memref<65536x512xf32, #tpu.memory_space<hbm>> -> memref<80x512xf32, #tpu.memory_space<hbm>>
    %dma_start3A_342 = arith.constant 0 : i32
    %dma_start3A_343 = tpu.memref_slice %arg2[%add3A_339, %dma_start3A_342] : memref<65536x512xf32, #tpu.memory_space<hbm>> -> memref<80x512xf32, #tpu.memory_space<hbm>>
    tpu.enqueue_dma source(%dma_start3A_343 : memref<80x512xf32, #tpu.memory_space<hbm>>) target(%arg4 : memref<80x512xf32, #tpu.memory_space<vmem>>) target_semaphore(%arg7 : memref<!tpu.dma_semaphore, #tpu.memory_space<semaphore_mem>>)
    %scan3A_344 = arith.constant 0 : i32
    %scan3A_345 = arith.constant 0 : i32
    %scan3A_346 = arith.constant 80 : i32
    %scan3A_347 = arith.addi %scan3A_345, %scan3A_346 : i32
    %scan3A_348 = arith.constant 1 : i32
    scf.for %scan3A_824 = %scan3A_345 to %scan3A_347 step %scan3A_348  : i32 {
      %get3A = arith.index_cast %scan3A_824 : i32 to index
      %get3A_825 = arith.constant 0 : index
      %get3A_826 = tpu.vector_load %arg5[%get3A, %get3A_825] {strides = array<i32>} : memref<80x512xf32, #tpu.memory_space<vmem>>, vector<1x16xf32>,
      %get3A_827 = vector.shape_cast %get3A_826 : vector<1x16xf32> to vector<16xf32>
      %jit3A = arith.constant 0.000000e+00 : f32
      %broadcast_in_dim3A = vector.broadcast %jit3A : f32 to vector<16xf32>
      %select_n3A = arith.select %eq3A_4, %broadcast_in_dim3A, %get3A_827 : vector<16xi1>, vector<16xf32>
      %swap3A = arith.index_cast %scan3A_824 : i32 to index
      %swap3A_828 = arith.constant 0 : index
      %swap3A_829 = tpu.vector_load %arg5[%swap3A, %swap3A_828] {strides = array<i32>} : memref<80x512xf32, #tpu.memory_space<vmem>>, vector<1x16xf32>,
      %swap3A_830 = vector.shape_cast %swap3A_829 : vector<1x16xf32> to vector<16xf32>
      %swap3A_831 = vector.shape_cast %select_n3A : vector<16xf32> to vector<1x16xf32>
      tpu.vector_store %arg5[%swap3A, %swap3A_828], %swap3A_831 {strides = array<i32>} : memref<80x512xf32, #tpu.memory_space<vmem>>, vector<1x16xf32>,
      %get3A_832 = arith.index_cast %scan3A_824 : i32 to index
      %get3A_833 = arith.constant 112 : index
      %get3A_834 = tpu.vector_load %arg5[%get3A_832, %get3A_833] {strides = array<i32>} : memref<80x512xf32, #tpu.memory_space<vmem>>, vector<1x16xf32>,
      %get3A_835 = vector.shape_cast %get3A_834 : vector<1x16xf32> to vector<16xf32>
      %jit3A_836 = arith.constant 0.000000e+00 : f32
      %broadcast_in_dim3A_837 = vector.broadcast %jit3A_836 : f32 to vector<16xf32>
      %select_n3A_838 = arith.select %eq3A_7, %broadcast_in_dim3A_837, %get3A_835 : vector<16xi1>, vector<16xf32>
      %swap3A_839 = arith.index_cast %scan3A_824 : i32 to index
      %swap3A_840 = arith.constant 112 : index
      %swap3A_841 = tpu.vector_load %arg5[%swap3A_839, %swap3A_840] {strides = array<i32>} : memref<80x512xf32, #tpu.memory_space<vmem>>, vector<1x16xf32>,
      %swap3A_842 = vector.shape_cast %swap3A_841 : vector<1x16xf32> to vector<16xf32>
      %swap3A_843 = vector.shape_cast %select_n3A_838 : vector<16xf32> to vector<1x16xf32>
      tpu.vector_store %arg5[%swap3A_839, %swap3A_840], %swap3A_843 {strides = array<i32>} : memref<80x512xf32, #tpu.memory_space<vmem>>, vector<1x16xf32>,
      %get3A_844 = arith.index_cast %scan3A_824 : i32 to index
      %get3A_845 = arith.constant 256 : index
      %get3A_846 = tpu.vector_load %arg5[%get3A_844, %get3A_845] {strides = array<i32>} : memref<80x512xf32, #tpu.memory_space<vmem>>, vector<1x16xf32>,
      %get3A_847 = vector.shape_cast %get3A_846 : vector<1x16xf32> to vector<16xf32>
      %jit3A_848 = arith.constant 0.000000e+00 : f32
      %broadcast_in_dim3A_849 = vector.broadcast %jit3A_848 : f32 to vector<16xf32>
      %select_n3A_850 = arith.select %or3A, %broadcast_in_dim3A_849, %get3A_847 : vector<16xi1>, vector<16xf32>
      %swap3A_851 = arith.index_cast %scan3A_824 : i32 to index
      %swap3A_852 = arith.constant 256 : index
      %swap3A_853 = tpu.vector_load %arg5[%swap3A_851, %swap3A_852] {strides = array<i32>} : memref<80x512xf32, #tpu.memory_space<vmem>>, vector<1x16xf32>,
      %swap3A_854 = vector.shape_cast %swap3A_853 : vector<1x16xf32> to vector<16xf32>
      %swap3A_855 = vector.shape_cast %select_n3A_850 : vector<16xf32> to vector<1x16xf32>
      tpu.vector_store %arg5[%swap3A_851, %swap3A_852], %swap3A_855 {strides = array<i32>} : memref<80x512xf32, #tpu.memory_space<vmem>>, vector<1x16xf32>,
      %get3A_856 = arith.index_cast %scan3A_824 : i32 to index
      %get3A_857 = arith.constant 320 : index
      %get3A_858 = tpu.vector_load %arg5[%get3A_856, %get3A_857] {strides = array<i32>} : memref<80x512xf32, #tpu.memory_space<vmem>>, vector<1x16xf32>,
      %get3A_859 = vector.shape_cast %get3A_858 : vector<1x16xf32> to vector<16xf32>
      %jit3A_860 = arith.constant 0.000000e+00 : f32
      %broadcast_in_dim3A_861 = vector.broadcast %jit3A_860 : f32 to vector<16xf32>
      %select_n3A_862 = arith.select %eq3A_16, %broadcast_in_dim3A_861, %get3A_859 : vector<16xi1>, vector<16xf32>
      %swap3A_863 = arith.index_cast %scan3A_824 : i32 to index
      %swap3A_864 = arith.constant 320 : index
      %swap3A_865 = tpu.vector_load %arg5[%swap3A_863, %swap3A_864] {strides = array<i32>} : memref<80x512xf32, #tpu.memory_space<vmem>>, vector<1x16xf32>,
      %swap3A_866 = vector.shape_cast %swap3A_865 : vector<1x16xf32> to vector<16xf32>
      %swap3A_867 = vector.shape_cast %select_n3A_862 : vector<16xf32> to vector<1x16xf32>
      tpu.vector_store %arg5[%swap3A_863, %swap3A_864], %swap3A_867 {strides = array<i32>} : memref<80x512xf32, #tpu.memory_space<vmem>>, vector<1x16xf32>,
      %get3A_868 = arith.index_cast %scan3A_824 : i32 to index
      %get3A_869 = arith.constant 336 : index
      %get3A_870 = tpu.vector_load %arg5[%get3A_868, %get3A_869] {strides = array<i32>} : memref<80x512xf32, #tpu.memory_space<vmem>>, vector<1x16xf32>,
      %get3A_871 = vector.shape_cast %get3A_870 : vector<1x16xf32> to vector<16xf32>
      %jit3A_872 = arith.constant 0.000000e+00 : f32
      %broadcast_in_dim3A_873 = vector.broadcast %jit3A_872 : f32 to vector<16xf32>
      %select_n3A_874 = arith.select %eq3A_19, %broadcast_in_dim3A_873, %get3A_871 : vector<16xi1>, vector<16xf32>
      %swap3A_875 = arith.index_cast %scan3A_824 : i32 to index
      %swap3A_876 = arith.constant 336 : index
      %swap3A_877 = tpu.vector_load %arg5[%swap3A_875, %swap3A_876] {strides = array<i32>} : memref<80x512xf32, #tpu.memory_space<vmem>>, vector<1x16xf32>,
      %swap3A_878 = vector.shape_cast %swap3A_877 : vector<1x16xf32> to vector<16xf32>
      %swap3A_879 = vector.shape_cast %select_n3A_874 : vector<16xf32> to vector<1x16xf32>
      tpu.vector_store %arg5[%swap3A_875, %swap3A_876], %swap3A_879 {strides = array<i32>} : memref<80x512xf32, #tpu.memory_space<vmem>>, vector<1x16xf32>,
      %get3A_880 = arith.index_cast %scan3A_824 : i32 to index
      %get3A_881 = arith.constant 368 : index
      %get3A_882 = tpu.vector_load %arg5[%get3A_880, %get3A_881] {strides = array<i32>} : memref<80x512xf32, #tpu.memory_space<vmem>>, vector<1x16xf32>,
      %get3A_883 = vector.shape_cast %get3A_882 : vector<1x16xf32> to vector<16xf32>
      %jit3A_884 = arith.constant 0.000000e+00 : f32
      %broadcast_in_dim3A_885 = vector.broadcast %jit3A_884 : f32 to vector<16xf32>
      %select_n3A_886 = arith.select %eq3A_22, %broadcast_in_dim3A_885, %get3A_883 : vector<16xi1>, vector<16xf32>
      %swap3A_887 = arith.index_cast %scan3A_824 : i32 to index
      %swap3A_888 = arith.constant 368 : index
      %swap3A_889 = tpu.vector_load %arg5[%swap3A_887, %swap3A_888] {strides = array<i32>} : memref<80x512xf32, #tpu.memory_space<vmem>>, vector<1x16xf32>,
      %swap3A_890 = vector.shape_cast %swap3A_889 : vector<1x16xf32> to vector<16xf32>
      %swap3A_891 = vector.shape_cast %select_n3A_886 : vector<16xf32> to vector<1x16xf32>
      tpu.vector_store %arg5[%swap3A_887, %swap3A_888], %swap3A_891 {strides = array<i32>} : memref<80x512xf32, #tpu.memory_space<vmem>>, vector<1x16xf32>,
    }
    %scan3A_349 = arith.constant 80 : i32
    %add3A_350 = arith.constant 800 : i32
    %add3A_351 = arith.addi %mul3A_2, %add3A_350 : i32
    %dma_start3A_352 = arith.constant 0 : i32
    %dma_start3A_353 = tpu.memref_slice %arg3[%add3A_351, %dma_start3A_352] : memref<65536x512xf32, #tpu.memory_space<hbm>> -> memref<80x512xf32, #tpu.memory_space<hbm>>
    %dma_start3A_354 = arith.constant 0 : i32
    %dma_start3A_355 = tpu.memref_slice %arg3[%add3A_351, %dma_start3A_354] : memref<65536x512xf32, #tpu.memory_space<hbm>> -> memref<80x512xf32, #tpu.memory_space<hbm>>
    tpu.enqueue_dma source(%arg5 : memref<80x512xf32, #tpu.memory_space<vmem>>) target(%dma_start3A_355 : memref<80x512xf32, #tpu.memory_space<hbm>>) target_semaphore(%arg11 : memref<!tpu.dma_semaphore, #tpu.memory_space<semaphore_mem>>)
    %add3A_356 = arith.constant 880 : i32
    %add3A_357 = arith.addi %mul3A_2, %add3A_356 : i32
    %dma_wait3A_358 = arith.constant 0 : i32
    %dma_wait3A_359 = tpu.memref_slice %arg2[%add3A_357, %dma_wait3A_358] : memref<65536x512xf32, #tpu.memory_space<hbm>> -> memref<80x512xf32, #tpu.memory_space<hbm>>
    %dma_wait3A_360 = arith.constant 0 : i32
    %dma_wait3A_361 = tpu.memref_slice %arg2[%add3A_357, %dma_wait3A_360] : memref<65536x512xf32, #tpu.memory_space<hbm>> -> memref<80x512xf32, #tpu.memory_space<hbm>>
    tpu.wait_dma2 semaphore(%arg9 : memref<!tpu.dma_semaphore, #tpu.memory_space<semaphore_mem>>) src(%dma_wait3A_361 : memref<80x512xf32, #tpu.memory_space<hbm>>) dst(%arg6 : memref<80x512xf32, #tpu.memory_space<vmem>>)
    %add3A_362 = arith.constant 800 : i32
    %add3A_363 = arith.addi %mul3A_2, %add3A_362 : i32
    %dma_wait3A_364 = arith.constant 0 : i32
    %dma_wait3A_365 = tpu.memref_slice %arg3[%add3A_363, %dma_wait3A_364] : memref<65536x512xf32, #tpu.memory_space<hbm>> -> memref<80x512xf32, #tpu.memory_space<hbm>>
    %dma_wait3A_366 = arith.constant 0 : i32
    %dma_wait3A_367 = tpu.memref_slice %arg3[%add3A_363, %dma_wait3A_366] : memref<65536x512xf32, #tpu.memory_space<hbm>> -> memref<80x512xf32, #tpu.memory_space<hbm>>
    tpu.wait_dma2 semaphore(%arg11 : memref<!tpu.dma_semaphore, #tpu.memory_space<semaphore_mem>>) src(%arg5 : memref<80x512xf32, #tpu.memory_space<vmem>>) dst(%dma_wait3A_367 : memref<80x512xf32, #tpu.memory_space<hbm>>)
    %add3A_368 = arith.constant 1040 : i32
    %add3A_369 = arith.addi %mul3A_2, %add3A_368 : i32
    %dma_start3A_370 = arith.constant 0 : i32
    %dma_start3A_371 = tpu.memref_slice %arg2[%add3A_369, %dma_start3A_370] : memref<65536x512xf32, #tpu.memory_space<hbm>> -> memref<80x512xf32, #tpu.memory_space<hbm>>
    %dma_start3A_372 = arith.constant 0 : i32
    %dma_start3A_373 = tpu.memref_slice %arg2[%add3A_369, %dma_start3A_372] : memref<65536x512xf32, #tpu.memory_space<hbm>> -> memref<80x512xf32, #tpu.memory_space<hbm>>
    tpu.enqueue_dma source(%dma_start3A_373 : memref<80x512xf32, #tpu.memory_space<hbm>>) target(%arg5 : memref<80x512xf32, #tpu.memory_space<vmem>>) target_semaphore(%arg8 : memref<!tpu.dma_semaphore, #tpu.memory_space<semaphore_mem>>)
    %scan3A_374 = arith.constant 0 : i32
    %scan3A_375 = arith.constant 0 : i32
    %scan3A_376 = arith.constant 80 : i32
    %scan3A_377 = arith.addi %scan3A_375, %scan3A_376 : i32
    %scan3A_378 = arith.constant 1 : i32
    scf.for %scan3A_824 = %scan3A_375 to %scan3A_377 step %scan3A_378  : i32 {
      %get3A = arith.index_cast %scan3A_824 : i32 to index
      %get3A_825 = arith.constant 0 : index
      %get3A_826 = tpu.vector_load %arg6[%get3A, %get3A_825] {strides = array<i32>} : memref<80x512xf32, #tpu.memory_space<vmem>>, vector<1x16xf32>,
      %get3A_827 = vector.shape_cast %get3A_826 : vector<1x16xf32> to vector<16xf32>
      %jit3A = arith.constant 0.000000e+00 : f32
      %broadcast_in_dim3A = vector.broadcast %jit3A : f32 to vector<16xf32>
      %select_n3A = arith.select %eq3A_4, %broadcast_in_dim3A, %get3A_827 : vector<16xi1>, vector<16xf32>
      %swap3A = arith.index_cast %scan3A_824 : i32 to index
      %swap3A_828 = arith.constant 0 : index
      %swap3A_829 = tpu.vector_load %arg6[%swap3A, %swap3A_828] {strides = array<i32>} : memref<80x512xf32, #tpu.memory_space<vmem>>, vector<1x16xf32>,
      %swap3A_830 = vector.shape_cast %swap3A_829 : vector<1x16xf32> to vector<16xf32>
      %swap3A_831 = vector.shape_cast %select_n3A : vector<16xf32> to vector<1x16xf32>
      tpu.vector_store %arg6[%swap3A, %swap3A_828], %swap3A_831 {strides = array<i32>} : memref<80x512xf32, #tpu.memory_space<vmem>>, vector<1x16xf32>,
      %get3A_832 = arith.index_cast %scan3A_824 : i32 to index
      %get3A_833 = arith.constant 112 : index
      %get3A_834 = tpu.vector_load %arg6[%get3A_832, %get3A_833] {strides = array<i32>} : memref<80x512xf32, #tpu.memory_space<vmem>>, vector<1x16xf32>,
      %get3A_835 = vector.shape_cast %get3A_834 : vector<1x16xf32> to vector<16xf32>
      %jit3A_836 = arith.constant 0.000000e+00 : f32
      %broadcast_in_dim3A_837 = vector.broadcast %jit3A_836 : f32 to vector<16xf32>
      %select_n3A_838 = arith.select %eq3A_7, %broadcast_in_dim3A_837, %get3A_835 : vector<16xi1>, vector<16xf32>
      %swap3A_839 = arith.index_cast %scan3A_824 : i32 to index
      %swap3A_840 = arith.constant 112 : index
      %swap3A_841 = tpu.vector_load %arg6[%swap3A_839, %swap3A_840] {strides = array<i32>} : memref<80x512xf32, #tpu.memory_space<vmem>>, vector<1x16xf32>,
      %swap3A_842 = vector.shape_cast %swap3A_841 : vector<1x16xf32> to vector<16xf32>
      %swap3A_843 = vector.shape_cast %select_n3A_838 : vector<16xf32> to vector<1x16xf32>
      tpu.vector_store %arg6[%swap3A_839, %swap3A_840], %swap3A_843 {strides = array<i32>} : memref<80x512xf32, #tpu.memory_space<vmem>>, vector<1x16xf32>,
      %get3A_844 = arith.index_cast %scan3A_824 : i32 to index
      %get3A_845 = arith.constant 256 : index
      %get3A_846 = tpu.vector_load %arg6[%get3A_844, %get3A_845] {strides = array<i32>} : memref<80x512xf32, #tpu.memory_space<vmem>>, vector<1x16xf32>,
      %get3A_847 = vector.shape_cast %get3A_846 : vector<1x16xf32> to vector<16xf32>
      %jit3A_848 = arith.constant 0.000000e+00 : f32
      %broadcast_in_dim3A_849 = vector.broadcast %jit3A_848 : f32 to vector<16xf32>
      %select_n3A_850 = arith.select %or3A, %broadcast_in_dim3A_849, %get3A_847 : vector<16xi1>, vector<16xf32>
      %swap3A_851 = arith.index_cast %scan3A_824 : i32 to index
      %swap3A_852 = arith.constant 256 : index
      %swap3A_853 = tpu.vector_load %arg6[%swap3A_851, %swap3A_852] {strides = array<i32>} : memref<80x512xf32, #tpu.memory_space<vmem>>, vector<1x16xf32>,
      %swap3A_854 = vector.shape_cast %swap3A_853 : vector<1x16xf32> to vector<16xf32>
      %swap3A_855 = vector.shape_cast %select_n3A_850 : vector<16xf32> to vector<1x16xf32>
      tpu.vector_store %arg6[%swap3A_851, %swap3A_852], %swap3A_855 {strides = array<i32>} : memref<80x512xf32, #tpu.memory_space<vmem>>, vector<1x16xf32>,
      %get3A_856 = arith.index_cast %scan3A_824 : i32 to index
      %get3A_857 = arith.constant 320 : index
      %get3A_858 = tpu.vector_load %arg6[%get3A_856, %get3A_857] {strides = array<i32>} : memref<80x512xf32, #tpu.memory_space<vmem>>, vector<1x16xf32>,
      %get3A_859 = vector.shape_cast %get3A_858 : vector<1x16xf32> to vector<16xf32>
      %jit3A_860 = arith.constant 0.000000e+00 : f32
      %broadcast_in_dim3A_861 = vector.broadcast %jit3A_860 : f32 to vector<16xf32>
      %select_n3A_862 = arith.select %eq3A_16, %broadcast_in_dim3A_861, %get3A_859 : vector<16xi1>, vector<16xf32>
      %swap3A_863 = arith.index_cast %scan3A_824 : i32 to index
      %swap3A_864 = arith.constant 320 : index
      %swap3A_865 = tpu.vector_load %arg6[%swap3A_863, %swap3A_864] {strides = array<i32>} : memref<80x512xf32, #tpu.memory_space<vmem>>, vector<1x16xf32>,
      %swap3A_866 = vector.shape_cast %swap3A_865 : vector<1x16xf32> to vector<16xf32>
      %swap3A_867 = vector.shape_cast %select_n3A_862 : vector<16xf32> to vector<1x16xf32>
      tpu.vector_store %arg6[%swap3A_863, %swap3A_864], %swap3A_867 {strides = array<i32>} : memref<80x512xf32, #tpu.memory_space<vmem>>, vector<1x16xf32>,
      %get3A_868 = arith.index_cast %scan3A_824 : i32 to index
      %get3A_869 = arith.constant 336 : index
      %get3A_870 = tpu.vector_load %arg6[%get3A_868, %get3A_869] {strides = array<i32>} : memref<80x512xf32, #tpu.memory_space<vmem>>, vector<1x16xf32>,
      %get3A_871 = vector.shape_cast %get3A_870 : vector<1x16xf32> to vector<16xf32>
      %jit3A_872 = arith.constant 0.000000e+00 : f32
      %broadcast_in_dim3A_873 = vector.broadcast %jit3A_872 : f32 to vector<16xf32>
      %select_n3A_874 = arith.select %eq3A_19, %broadcast_in_dim3A_873, %get3A_871 : vector<16xi1>, vector<16xf32>
      %swap3A_875 = arith.index_cast %scan3A_824 : i32 to index
      %swap3A_876 = arith.constant 336 : index
      %swap3A_877 = tpu.vector_load %arg6[%swap3A_875, %swap3A_876] {strides = array<i32>} : memref<80x512xf32, #tpu.memory_space<vmem>>, vector<1x16xf32>,
      %swap3A_878 = vector.shape_cast %swap3A_877 : vector<1x16xf32> to vector<16xf32>
      %swap3A_879 = vector.shape_cast %select_n3A_874 : vector<16xf32> to vector<1x16xf32>
      tpu.vector_store %arg6[%swap3A_875, %swap3A_876], %swap3A_879 {strides = array<i32>} : memref<80x512xf32, #tpu.memory_space<vmem>>, vector<1x16xf32>,
      %get3A_880 = arith.index_cast %scan3A_824 : i32 to index
      %get3A_881 = arith.constant 368 : index
      %get3A_882 = tpu.vector_load %arg6[%get3A_880, %get3A_881] {strides = array<i32>} : memref<80x512xf32, #tpu.memory_space<vmem>>, vector<1x16xf32>,
      %get3A_883 = vector.shape_cast %get3A_882 : vector<1x16xf32> to vector<16xf32>
      %jit3A_884 = arith.constant 0.000000e+00 : f32
      %broadcast_in_dim3A_885 = vector.broadcast %jit3A_884 : f32 to vector<16xf32>
      %select_n3A_886 = arith.select %eq3A_22, %broadcast_in_dim3A_885, %get3A_883 : vector<16xi1>, vector<16xf32>
      %swap3A_887 = arith.index_cast %scan3A_824 : i32 to index
      %swap3A_888 = arith.constant 368 : index
      %swap3A_889 = tpu.vector_load %arg6[%swap3A_887, %swap3A_888] {strides = array<i32>} : memref<80x512xf32, #tpu.memory_space<vmem>>, vector<1x16xf32>,
      %swap3A_890 = vector.shape_cast %swap3A_889 : vector<1x16xf32> to vector<16xf32>
      %swap3A_891 = vector.shape_cast %select_n3A_886 : vector<16xf32> to vector<1x16xf32>
      tpu.vector_store %arg6[%swap3A_887, %swap3A_888], %swap3A_891 {strides = array<i32>} : memref<80x512xf32, #tpu.memory_space<vmem>>, vector<1x16xf32>,
    }
    %scan3A_379 = arith.constant 80 : i32
    %add3A_380 = arith.constant 880 : i32
    %add3A_381 = arith.addi %mul3A_2, %add3A_380 : i32
    %dma_start3A_382 = arith.constant 0 : i32
    %dma_start3A_383 = tpu.memref_slice %arg3[%add3A_381, %dma_start3A_382] : memref<65536x512xf32, #tpu.memory_space<hbm>> -> memref<80x512xf32, #tpu.memory_space<hbm>>
    %dma_start3A_384 = arith.constant 0 : i32
    %dma_start3A_385 = tpu.memref_slice %arg3[%add3A_381, %dma_start3A_384] : memref<65536x512xf32, #tpu.memory_space<hbm>> -> memref<80x512xf32, #tpu.memory_space<hbm>>
    tpu.enqueue_dma source(%arg6 : memref<80x512xf32, #tpu.memory_space<vmem>>) target(%dma_start3A_385 : memref<80x512xf32, #tpu.memory_space<hbm>>) target_semaphore(%arg12 : memref<!tpu.dma_semaphore, #tpu.memory_space<semaphore_mem>>)
    %add3A_386 = arith.constant 960 : i32
    %add3A_387 = arith.addi %mul3A_2, %add3A_386 : i32
    %dma_wait3A_388 = arith.constant 0 : i32
    %dma_wait3A_389 = tpu.memref_slice %arg2[%add3A_387, %dma_wait3A_388] : memref<65536x512xf32, #tpu.memory_space<hbm>> -> memref<80x512xf32, #tpu.memory_space<hbm>>
    %dma_wait3A_390 = arith.constant 0 : i32
    %dma_wait3A_391 = tpu.memref_slice %arg2[%add3A_387, %dma_wait3A_390] : memref<65536x512xf32, #tpu.memory_space<hbm>> -> memref<80x512xf32, #tpu.memory_space<hbm>>
    tpu.wait_dma2 semaphore(%arg7 : memref<!tpu.dma_semaphore, #tpu.memory_space<semaphore_mem>>) src(%dma_wait3A_391 : memref<80x512xf32, #tpu.memory_space<hbm>>) dst(%arg4 : memref<80x512xf32, #tpu.memory_space<vmem>>)
    %add3A_392 = arith.constant 880 : i32
    %add3A_393 = arith.addi %mul3A_2, %add3A_392 : i32
    %dma_wait3A_394 = arith.constant 0 : i32
    %dma_wait3A_395 = tpu.memref_slice %arg3[%add3A_393, %dma_wait3A_394] : memref<65536x512xf32, #tpu.memory_space<hbm>> -> memref<80x512xf32, #tpu.memory_space<hbm>>
    %dma_wait3A_396 = arith.constant 0 : i32
    %dma_wait3A_397 = tpu.memref_slice %arg3[%add3A_393, %dma_wait3A_396] : memref<65536x512xf32, #tpu.memory_space<hbm>> -> memref<80x512xf32, #tpu.memory_space<hbm>>
    tpu.wait_dma2 semaphore(%arg12 : memref<!tpu.dma_semaphore, #tpu.memory_space<semaphore_mem>>) src(%arg6 : memref<80x512xf32, #tpu.memory_space<vmem>>) dst(%dma_wait3A_397 : memref<80x512xf32, #tpu.memory_space<hbm>>)
    %add3A_398 = arith.constant 1120 : i32
    %add3A_399 = arith.addi %mul3A_2, %add3A_398 : i32
    %dma_start3A_400 = arith.constant 0 : i32
    %dma_start3A_401 = tpu.memref_slice %arg2[%add3A_399, %dma_start3A_400] : memref<65536x512xf32, #tpu.memory_space<hbm>> -> memref<80x512xf32, #tpu.memory_space<hbm>>
    %dma_start3A_402 = arith.constant 0 : i32
    %dma_start3A_403 = tpu.memref_slice %arg2[%add3A_399, %dma_start3A_402] : memref<65536x512xf32, #tpu.memory_space<hbm>> -> memref<80x512xf32, #tpu.memory_space<hbm>>
    tpu.enqueue_dma source(%dma_start3A_403 : memref<80x512xf32, #tpu.memory_space<hbm>>) target(%arg6 : memref<80x512xf32, #tpu.memory_space<vmem>>) target_semaphore(%arg9 : memref<!tpu.dma_semaphore, #tpu.memory_space<semaphore_mem>>)
    %scan3A_404 = arith.constant 0 : i32
    %scan3A_405 = arith.constant 0 : i32
    %scan3A_406 = arith.constant 80 : i32
    %scan3A_407 = arith.addi %scan3A_405, %scan3A_406 : i32
    %scan3A_408 = arith.constant 1 : i32
    scf.for %scan3A_824 = %scan3A_405 to %scan3A_407 step %scan3A_408  : i32 {
      %get3A = arith.index_cast %scan3A_824 : i32 to index
      %get3A_825 = arith.constant 0 : index
      %get3A_826 = tpu.vector_load %arg4[%get3A, %get3A_825] {strides = array<i32>} : memref<80x512xf32, #tpu.memory_space<vmem>>, vector<1x16xf32>,
      %get3A_827 = vector.shape_cast %get3A_826 : vector<1x16xf32> to vector<16xf32>
      %jit3A = arith.constant 0.000000e+00 : f32
      %broadcast_in_dim3A = vector.broadcast %jit3A : f32 to vector<16xf32>
      %select_n3A = arith.select %eq3A_4, %broadcast_in_dim3A, %get3A_827 : vector<16xi1>, vector<16xf32>
      %swap3A = arith.index_cast %scan3A_824 : i32 to index
      %swap3A_828 = arith.constant 0 : index
      %swap3A_829 = tpu.vector_load %arg4[%swap3A, %swap3A_828] {strides = array<i32>} : memref<80x512xf32, #tpu.memory_space<vmem>>, vector<1x16xf32>,
      %swap3A_830 = vector.shape_cast %swap3A_829 : vector<1x16xf32> to vector<16xf32>
      %swap3A_831 = vector.shape_cast %select_n3A : vector<16xf32> to vector<1x16xf32>
      tpu.vector_store %arg4[%swap3A, %swap3A_828], %swap3A_831 {strides = array<i32>} : memref<80x512xf32, #tpu.memory_space<vmem>>, vector<1x16xf32>,
      %get3A_832 = arith.index_cast %scan3A_824 : i32 to index
      %get3A_833 = arith.constant 112 : index
      %get3A_834 = tpu.vector_load %arg4[%get3A_832, %get3A_833] {strides = array<i32>} : memref<80x512xf32, #tpu.memory_space<vmem>>, vector<1x16xf32>,
      %get3A_835 = vector.shape_cast %get3A_834 : vector<1x16xf32> to vector<16xf32>
      %jit3A_836 = arith.constant 0.000000e+00 : f32
      %broadcast_in_dim3A_837 = vector.broadcast %jit3A_836 : f32 to vector<16xf32>
      %select_n3A_838 = arith.select %eq3A_7, %broadcast_in_dim3A_837, %get3A_835 : vector<16xi1>, vector<16xf32>
      %swap3A_839 = arith.index_cast %scan3A_824 : i32 to index
      %swap3A_840 = arith.constant 112 : index
      %swap3A_841 = tpu.vector_load %arg4[%swap3A_839, %swap3A_840] {strides = array<i32>} : memref<80x512xf32, #tpu.memory_space<vmem>>, vector<1x16xf32>,
      %swap3A_842 = vector.shape_cast %swap3A_841 : vector<1x16xf32> to vector<16xf32>
      %swap3A_843 = vector.shape_cast %select_n3A_838 : vector<16xf32> to vector<1x16xf32>
      tpu.vector_store %arg4[%swap3A_839, %swap3A_840], %swap3A_843 {strides = array<i32>} : memref<80x512xf32, #tpu.memory_space<vmem>>, vector<1x16xf32>,
      %get3A_844 = arith.index_cast %scan3A_824 : i32 to index
      %get3A_845 = arith.constant 256 : index
      %get3A_846 = tpu.vector_load %arg4[%get3A_844, %get3A_845] {strides = array<i32>} : memref<80x512xf32, #tpu.memory_space<vmem>>, vector<1x16xf32>,
      %get3A_847 = vector.shape_cast %get3A_846 : vector<1x16xf32> to vector<16xf32>
      %jit3A_848 = arith.constant 0.000000e+00 : f32
      %broadcast_in_dim3A_849 = vector.broadcast %jit3A_848 : f32 to vector<16xf32>
      %select_n3A_850 = arith.select %or3A, %broadcast_in_dim3A_849, %get3A_847 : vector<16xi1>, vector<16xf32>
      %swap3A_851 = arith.index_cast %scan3A_824 : i32 to index
      %swap3A_852 = arith.constant 256 : index
      %swap3A_853 = tpu.vector_load %arg4[%swap3A_851, %swap3A_852] {strides = array<i32>} : memref<80x512xf32, #tpu.memory_space<vmem>>, vector<1x16xf32>,
      %swap3A_854 = vector.shape_cast %swap3A_853 : vector<1x16xf32> to vector<16xf32>
      %swap3A_855 = vector.shape_cast %select_n3A_850 : vector<16xf32> to vector<1x16xf32>
      tpu.vector_store %arg4[%swap3A_851, %swap3A_852], %swap3A_855 {strides = array<i32>} : memref<80x512xf32, #tpu.memory_space<vmem>>, vector<1x16xf32>,
      %get3A_856 = arith.index_cast %scan3A_824 : i32 to index
      %get3A_857 = arith.constant 320 : index
      %get3A_858 = tpu.vector_load %arg4[%get3A_856, %get3A_857] {strides = array<i32>} : memref<80x512xf32, #tpu.memory_space<vmem>>, vector<1x16xf32>,
      %get3A_859 = vector.shape_cast %get3A_858 : vector<1x16xf32> to vector<16xf32>
      %jit3A_860 = arith.constant 0.000000e+00 : f32
      %broadcast_in_dim3A_861 = vector.broadcast %jit3A_860 : f32 to vector<16xf32>
      %select_n3A_862 = arith.select %eq3A_16, %broadcast_in_dim3A_861, %get3A_859 : vector<16xi1>, vector<16xf32>
      %swap3A_863 = arith.index_cast %scan3A_824 : i32 to index
      %swap3A_864 = arith.constant 320 : index
      %swap3A_865 = tpu.vector_load %arg4[%swap3A_863, %swap3A_864] {strides = array<i32>} : memref<80x512xf32, #tpu.memory_space<vmem>>, vector<1x16xf32>,
      %swap3A_866 = vector.shape_cast %swap3A_865 : vector<1x16xf32> to vector<16xf32>
      %swap3A_867 = vector.shape_cast %select_n3A_862 : vector<16xf32> to vector<1x16xf32>
      tpu.vector_store %arg4[%swap3A_863, %swap3A_864], %swap3A_867 {strides = array<i32>} : memref<80x512xf32, #tpu.memory_space<vmem>>, vector<1x16xf32>,
      %get3A_868 = arith.index_cast %scan3A_824 : i32 to index
      %get3A_869 = arith.constant 336 : index
      %get3A_870 = tpu.vector_load %arg4[%get3A_868, %get3A_869] {strides = array<i32>} : memref<80x512xf32, #tpu.memory_space<vmem>>, vector<1x16xf32>,
      %get3A_871 = vector.shape_cast %get3A_870 : vector<1x16xf32> to vector<16xf32>
      %jit3A_872 = arith.constant 0.000000e+00 : f32
      %broadcast_in_dim3A_873 = vector.broadcast %jit3A_872 : f32 to vector<16xf32>
      %select_n3A_874 = arith.select %eq3A_19, %broadcast_in_dim3A_873, %get3A_871 : vector<16xi1>, vector<16xf32>
      %swap3A_875 = arith.index_cast %scan3A_824 : i32 to index
      %swap3A_876 = arith.constant 336 : index
      %swap3A_877 = tpu.vector_load %arg4[%swap3A_875, %swap3A_876] {strides = array<i32>} : memref<80x512xf32, #tpu.memory_space<vmem>>, vector<1x16xf32>,
      %swap3A_878 = vector.shape_cast %swap3A_877 : vector<1x16xf32> to vector<16xf32>
      %swap3A_879 = vector.shape_cast %select_n3A_874 : vector<16xf32> to vector<1x16xf32>
      tpu.vector_store %arg4[%swap3A_875, %swap3A_876], %swap3A_879 {strides = array<i32>} : memref<80x512xf32, #tpu.memory_space<vmem>>, vector<1x16xf32>,
      %get3A_880 = arith.index_cast %scan3A_824 : i32 to index
      %get3A_881 = arith.constant 368 : index
      %get3A_882 = tpu.vector_load %arg4[%get3A_880, %get3A_881] {strides = array<i32>} : memref<80x512xf32, #tpu.memory_space<vmem>>, vector<1x16xf32>,
      %get3A_883 = vector.shape_cast %get3A_882 : vector<1x16xf32> to vector<16xf32>
      %jit3A_884 = arith.constant 0.000000e+00 : f32
      %broadcast_in_dim3A_885 = vector.broadcast %jit3A_884 : f32 to vector<16xf32>
      %select_n3A_886 = arith.select %eq3A_22, %broadcast_in_dim3A_885, %get3A_883 : vector<16xi1>, vector<16xf32>
      %swap3A_887 = arith.index_cast %scan3A_824 : i32 to index
      %swap3A_888 = arith.constant 368 : index
      %swap3A_889 = tpu.vector_load %arg4[%swap3A_887, %swap3A_888] {strides = array<i32>} : memref<80x512xf32, #tpu.memory_space<vmem>>, vector<1x16xf32>,
      %swap3A_890 = vector.shape_cast %swap3A_889 : vector<1x16xf32> to vector<16xf32>
      %swap3A_891 = vector.shape_cast %select_n3A_886 : vector<16xf32> to vector<1x16xf32>
      tpu.vector_store %arg4[%swap3A_887, %swap3A_888], %swap3A_891 {strides = array<i32>} : memref<80x512xf32, #tpu.memory_space<vmem>>, vector<1x16xf32>,
    }
    %scan3A_409 = arith.constant 80 : i32
    %add3A_410 = arith.constant 960 : i32
    %add3A_411 = arith.addi %mul3A_2, %add3A_410 : i32
    %dma_start3A_412 = arith.constant 0 : i32
    %dma_start3A_413 = tpu.memref_slice %arg3[%add3A_411, %dma_start3A_412] : memref<65536x512xf32, #tpu.memory_space<hbm>> -> memref<80x512xf32, #tpu.memory_space<hbm>>
    %dma_start3A_414 = arith.constant 0 : i32
    %dma_start3A_415 = tpu.memref_slice %arg3[%add3A_411, %dma_start3A_414] : memref<65536x512xf32, #tpu.memory_space<hbm>> -> memref<80x512xf32, #tpu.memory_space<hbm>>
    tpu.enqueue_dma source(%arg4 : memref<80x512xf32, #tpu.memory_space<vmem>>) target(%dma_start3A_415 : memref<80x512xf32, #tpu.memory_space<hbm>>) target_semaphore(%arg10 : memref<!tpu.dma_semaphore, #tpu.memory_space<semaphore_mem>>)
    %add3A_416 = arith.constant 1040 : i32
    %add3A_417 = arith.addi %mul3A_2, %add3A_416 : i32
    %dma_wait3A_418 = arith.constant 0 : i32
    %dma_wait3A_419 = tpu.memref_slice %arg2[%add3A_417, %dma_wait3A_418] : memref<65536x512xf32, #tpu.memory_space<hbm>> -> memref<80x512xf32, #tpu.memory_space<hbm>>
    %dma_wait3A_420 = arith.constant 0 : i32
    %dma_wait3A_421 = tpu.memref_slice %arg2[%add3A_417, %dma_wait3A_420] : memref<65536x512xf32, #tpu.memory_space<hbm>> -> memref<80x512xf32, #tpu.memory_space<hbm>>
    tpu.wait_dma2 semaphore(%arg8 : memref<!tpu.dma_semaphore, #tpu.memory_space<semaphore_mem>>) src(%dma_wait3A_421 : memref<80x512xf32, #tpu.memory_space<hbm>>) dst(%arg5 : memref<80x512xf32, #tpu.memory_space<vmem>>)
    %add3A_422 = arith.constant 960 : i32
    %add3A_423 = arith.addi %mul3A_2, %add3A_422 : i32
    %dma_wait3A_424 = arith.constant 0 : i32
    %dma_wait3A_425 = tpu.memref_slice %arg3[%add3A_423, %dma_wait3A_424] : memref<65536x512xf32, #tpu.memory_space<hbm>> -> memref<80x512xf32, #tpu.memory_space<hbm>>
    %dma_wait3A_426 = arith.constant 0 : i32
    %dma_wait3A_427 = tpu.memref_slice %arg3[%add3A_423, %dma_wait3A_426] : memref<65536x512xf32, #tpu.memory_space<hbm>> -> memref<80x512xf32, #tpu.memory_space<hbm>>
    tpu.wait_dma2 semaphore(%arg10 : memref<!tpu.dma_semaphore, #tpu.memory_space<semaphore_mem>>) src(%arg4 : memref<80x512xf32, #tpu.memory_space<vmem>>) dst(%dma_wait3A_427 : memref<80x512xf32, #tpu.memory_space<hbm>>)
    %add3A_428 = arith.constant 1200 : i32
    %add3A_429 = arith.addi %mul3A_2, %add3A_428 : i32
    %dma_start3A_430 = arith.constant 0 : i32
    %dma_start3A_431 = tpu.memref_slice %arg2[%add3A_429, %dma_start3A_430] : memref<65536x512xf32, #tpu.memory_space<hbm>> -> memref<80x512xf32, #tpu.memory_space<hbm>>
    %dma_start3A_432 = arith.constant 0 : i32
    %dma_start3A_433 = tpu.memref_slice %arg2[%add3A_429, %dma_start3A_432] : memref<65536x512xf32, #tpu.memory_space<hbm>> -> memref<80x512xf32, #tpu.memory_space<hbm>>
    tpu.enqueue_dma source(%dma_start3A_433 : memref<80x512xf32, #tpu.memory_space<hbm>>) target(%arg4 : memref<80x512xf32, #tpu.memory_space<vmem>>) target_semaphore(%arg7 : memref<!tpu.dma_semaphore, #tpu.memory_space<semaphore_mem>>)
    %scan3A_434 = arith.constant 0 : i32
    %scan3A_435 = arith.constant 0 : i32
    %scan3A_436 = arith.constant 80 : i32
    %scan3A_437 = arith.addi %scan3A_435, %scan3A_436 : i32
    %scan3A_438 = arith.constant 1 : i32
    scf.for %scan3A_824 = %scan3A_435 to %scan3A_437 step %scan3A_438  : i32 {
      %get3A = arith.index_cast %scan3A_824 : i32 to index
      %get3A_825 = arith.constant 0 : index
      %get3A_826 = tpu.vector_load %arg5[%get3A, %get3A_825] {strides = array<i32>} : memref<80x512xf32, #tpu.memory_space<vmem>>, vector<1x16xf32>,
      %get3A_827 = vector.shape_cast %get3A_826 : vector<1x16xf32> to vector<16xf32>
      %jit3A = arith.constant 0.000000e+00 : f32
      %broadcast_in_dim3A = vector.broadcast %jit3A : f32 to vector<16xf32>
      %select_n3A = arith.select %eq3A_4, %broadcast_in_dim3A, %get3A_827 : vector<16xi1>, vector<16xf32>
      %swap3A = arith.index_cast %scan3A_824 : i32 to index
      %swap3A_828 = arith.constant 0 : index
      %swap3A_829 = tpu.vector_load %arg5[%swap3A, %swap3A_828] {strides = array<i32>} : memref<80x512xf32, #tpu.memory_space<vmem>>, vector<1x16xf32>,
      %swap3A_830 = vector.shape_cast %swap3A_829 : vector<1x16xf32> to vector<16xf32>
      %swap3A_831 = vector.shape_cast %select_n3A : vector<16xf32> to vector<1x16xf32>
      tpu.vector_store %arg5[%swap3A, %swap3A_828], %swap3A_831 {strides = array<i32>} : memref<80x512xf32, #tpu.memory_space<vmem>>, vector<1x16xf32>,
      %get3A_832 = arith.index_cast %scan3A_824 : i32 to index
      %get3A_833 = arith.constant 112 : index
      %get3A_834 = tpu.vector_load %arg5[%get3A_832, %get3A_833] {strides = array<i32>} : memref<80x512xf32, #tpu.memory_space<vmem>>, vector<1x16xf32>,
      %get3A_835 = vector.shape_cast %get3A_834 : vector<1x16xf32> to vector<16xf32>
      %jit3A_836 = arith.constant 0.000000e+00 : f32
      %broadcast_in_dim3A_837 = vector.broadcast %jit3A_836 : f32 to vector<16xf32>
      %select_n3A_838 = arith.select %eq3A_7, %broadcast_in_dim3A_837, %get3A_835 : vector<16xi1>, vector<16xf32>
      %swap3A_839 = arith.index_cast %scan3A_824 : i32 to index
      %swap3A_840 = arith.constant 112 : index
      %swap3A_841 = tpu.vector_load %arg5[%swap3A_839, %swap3A_840] {strides = array<i32>} : memref<80x512xf32, #tpu.memory_space<vmem>>, vector<1x16xf32>,
      %swap3A_842 = vector.shape_cast %swap3A_841 : vector<1x16xf32> to vector<16xf32>
      %swap3A_843 = vector.shape_cast %select_n3A_838 : vector<16xf32> to vector<1x16xf32>
      tpu.vector_store %arg5[%swap3A_839, %swap3A_840], %swap3A_843 {strides = array<i32>} : memref<80x512xf32, #tpu.memory_space<vmem>>, vector<1x16xf32>,
      %get3A_844 = arith.index_cast %scan3A_824 : i32 to index
      %get3A_845 = arith.constant 256 : index
      %get3A_846 = tpu.vector_load %arg5[%get3A_844, %get3A_845] {strides = array<i32>} : memref<80x512xf32, #tpu.memory_space<vmem>>, vector<1x16xf32>,
      %get3A_847 = vector.shape_cast %get3A_846 : vector<1x16xf32> to vector<16xf32>
      %jit3A_848 = arith.constant 0.000000e+00 : f32
      %broadcast_in_dim3A_849 = vector.broadcast %jit3A_848 : f32 to vector<16xf32>
      %select_n3A_850 = arith.select %or3A, %broadcast_in_dim3A_849, %get3A_847 : vector<16xi1>, vector<16xf32>
      %swap3A_851 = arith.index_cast %scan3A_824 : i32 to index
      %swap3A_852 = arith.constant 256 : index
      %swap3A_853 = tpu.vector_load %arg5[%swap3A_851, %swap3A_852] {strides = array<i32>} : memref<80x512xf32, #tpu.memory_space<vmem>>, vector<1x16xf32>,
      %swap3A_854 = vector.shape_cast %swap3A_853 : vector<1x16xf32> to vector<16xf32>
      %swap3A_855 = vector.shape_cast %select_n3A_850 : vector<16xf32> to vector<1x16xf32>
      tpu.vector_store %arg5[%swap3A_851, %swap3A_852], %swap3A_855 {strides = array<i32>} : memref<80x512xf32, #tpu.memory_space<vmem>>, vector<1x16xf32>,
      %get3A_856 = arith.index_cast %scan3A_824 : i32 to index
      %get3A_857 = arith.constant 320 : index
      %get3A_858 = tpu.vector_load %arg5[%get3A_856, %get3A_857] {strides = array<i32>} : memref<80x512xf32, #tpu.memory_space<vmem>>, vector<1x16xf32>,
      %get3A_859 = vector.shape_cast %get3A_858 : vector<1x16xf32> to vector<16xf32>
      %jit3A_860 = arith.constant 0.000000e+00 : f32
      %broadcast_in_dim3A_861 = vector.broadcast %jit3A_860 : f32 to vector<16xf32>
      %select_n3A_862 = arith.select %eq3A_16, %broadcast_in_dim3A_861, %get3A_859 : vector<16xi1>, vector<16xf32>
      %swap3A_863 = arith.index_cast %scan3A_824 : i32 to index
      %swap3A_864 = arith.constant 320 : index
      %swap3A_865 = tpu.vector_load %arg5[%swap3A_863, %swap3A_864] {strides = array<i32>} : memref<80x512xf32, #tpu.memory_space<vmem>>, vector<1x16xf32>,
      %swap3A_866 = vector.shape_cast %swap3A_865 : vector<1x16xf32> to vector<16xf32>
      %swap3A_867 = vector.shape_cast %select_n3A_862 : vector<16xf32> to vector<1x16xf32>
      tpu.vector_store %arg5[%swap3A_863, %swap3A_864], %swap3A_867 {strides = array<i32>} : memref<80x512xf32, #tpu.memory_space<vmem>>, vector<1x16xf32>,
      %get3A_868 = arith.index_cast %scan3A_824 : i32 to index
      %get3A_869 = arith.constant 336 : index
      %get3A_870 = tpu.vector_load %arg5[%get3A_868, %get3A_869] {strides = array<i32>} : memref<80x512xf32, #tpu.memory_space<vmem>>, vector<1x16xf32>,
      %get3A_871 = vector.shape_cast %get3A_870 : vector<1x16xf32> to vector<16xf32>
      %jit3A_872 = arith.constant 0.000000e+00 : f32
      %broadcast_in_dim3A_873 = vector.broadcast %jit3A_872 : f32 to vector<16xf32>
      %select_n3A_874 = arith.select %eq3A_19, %broadcast_in_dim3A_873, %get3A_871 : vector<16xi1>, vector<16xf32>
      %swap3A_875 = arith.index_cast %scan3A_824 : i32 to index
      %swap3A_876 = arith.constant 336 : index
      %swap3A_877 = tpu.vector_load %arg5[%swap3A_875, %swap3A_876] {strides = array<i32>} : memref<80x512xf32, #tpu.memory_space<vmem>>, vector<1x16xf32>,
      %swap3A_878 = vector.shape_cast %swap3A_877 : vector<1x16xf32> to vector<16xf32>
      %swap3A_879 = vector.shape_cast %select_n3A_874 : vector<16xf32> to vector<1x16xf32>
      tpu.vector_store %arg5[%swap3A_875, %swap3A_876], %swap3A_879 {strides = array<i32>} : memref<80x512xf32, #tpu.memory_space<vmem>>, vector<1x16xf32>,
      %get3A_880 = arith.index_cast %scan3A_824 : i32 to index
      %get3A_881 = arith.constant 368 : index
      %get3A_882 = tpu.vector_load %arg5[%get3A_880, %get3A_881] {strides = array<i32>} : memref<80x512xf32, #tpu.memory_space<vmem>>, vector<1x16xf32>,
      %get3A_883 = vector.shape_cast %get3A_882 : vector<1x16xf32> to vector<16xf32>
      %jit3A_884 = arith.constant 0.000000e+00 : f32
      %broadcast_in_dim3A_885 = vector.broadcast %jit3A_884 : f32 to vector<16xf32>
      %select_n3A_886 = arith.select %eq3A_22, %broadcast_in_dim3A_885, %get3A_883 : vector<16xi1>, vector<16xf32>
      %swap3A_887 = arith.index_cast %scan3A_824 : i32 to index
      %swap3A_888 = arith.constant 368 : index
      %swap3A_889 = tpu.vector_load %arg5[%swap3A_887, %swap3A_888] {strides = array<i32>} : memref<80x512xf32, #tpu.memory_space<vmem>>, vector<1x16xf32>,
      %swap3A_890 = vector.shape_cast %swap3A_889 : vector<1x16xf32> to vector<16xf32>
      %swap3A_891 = vector.shape_cast %select_n3A_886 : vector<16xf32> to vector<1x16xf32>
      tpu.vector_store %arg5[%swap3A_887, %swap3A_888], %swap3A_891 {strides = array<i32>} : memref<80x512xf32, #tpu.memory_space<vmem>>, vector<1x16xf32>,
    }
    %scan3A_439 = arith.constant 80 : i32
    %add3A_440 = arith.constant 1040 : i32
    %add3A_441 = arith.addi %mul3A_2, %add3A_440 : i32
    %dma_start3A_442 = arith.constant 0 : i32
    %dma_start3A_443 = tpu.memref_slice %arg3[%add3A_441, %dma_start3A_442] : memref<65536x512xf32, #tpu.memory_space<hbm>> -> memref<80x512xf32, #tpu.memory_space<hbm>>
    %dma_start3A_444 = arith.constant 0 : i32
    %dma_start3A_445 = tpu.memref_slice %arg3[%add3A_441, %dma_start3A_444] : memref<65536x512xf32, #tpu.memory_space<hbm>> -> memref<80x512xf32, #tpu.memory_space<hbm>>
    tpu.enqueue_dma source(%arg5 : memref<80x512xf32, #tpu.memory_space<vmem>>) target(%dma_start3A_445 : memref<80x512xf32, #tpu.memory_space<hbm>>) target_semaphore(%arg11 : memref<!tpu.dma_semaphore, #tpu.memory_space<semaphore_mem>>)
    %add3A_446 = arith.constant 1120 : i32
    %add3A_447 = arith.addi %mul3A_2, %add3A_446 : i32
    %dma_wait3A_448 = arith.constant 0 : i32
    %dma_wait3A_449 = tpu.memref_slice %arg2[%add3A_447, %dma_wait3A_448] : memref<65536x512xf32, #tpu.memory_space<hbm>> -> memref<80x512xf32, #tpu.memory_space<hbm>>
    %dma_wait3A_450 = arith.constant 0 : i32
    %dma_wait3A_451 = tpu.memref_slice %arg2[%add3A_447, %dma_wait3A_450] : memref<65536x512xf32, #tpu.memory_space<hbm>> -> memref<80x512xf32, #tpu.memory_space<hbm>>
    tpu.wait_dma2 semaphore(%arg9 : memref<!tpu.dma_semaphore, #tpu.memory_space<semaphore_mem>>) src(%dma_wait3A_451 : memref<80x512xf32, #tpu.memory_space<hbm>>) dst(%arg6 : memref<80x512xf32, #tpu.memory_space<vmem>>)
    %add3A_452 = arith.constant 1040 : i32
    %add3A_453 = arith.addi %mul3A_2, %add3A_452 : i32
    %dma_wait3A_454 = arith.constant 0 : i32
    %dma_wait3A_455 = tpu.memref_slice %arg3[%add3A_453, %dma_wait3A_454] : memref<65536x512xf32, #tpu.memory_space<hbm>> -> memref<80x512xf32, #tpu.memory_space<hbm>>
    %dma_wait3A_456 = arith.constant 0 : i32
    %dma_wait3A_457 = tpu.memref_slice %arg3[%add3A_453, %dma_wait3A_456] : memref<65536x512xf32, #tpu.memory_space<hbm>> -> memref<80x512xf32, #tpu.memory_space<hbm>>
    tpu.wait_dma2 semaphore(%arg11 : memref<!tpu.dma_semaphore, #tpu.memory_space<semaphore_mem>>) src(%arg5 : memref<80x512xf32, #tpu.memory_space<vmem>>) dst(%dma_wait3A_457 : memref<80x512xf32, #tpu.memory_space<hbm>>)
    %add3A_458 = arith.constant 1280 : i32
    %add3A_459 = arith.addi %mul3A_2, %add3A_458 : i32
    %dma_start3A_460 = arith.constant 0 : i32
    %dma_start3A_461 = tpu.memref_slice %arg2[%add3A_459, %dma_start3A_460] : memref<65536x512xf32, #tpu.memory_space<hbm>> -> memref<80x512xf32, #tpu.memory_space<hbm>>
    %dma_start3A_462 = arith.constant 0 : i32
    %dma_start3A_463 = tpu.memref_slice %arg2[%add3A_459, %dma_start3A_462] : memref<65536x512xf32, #tpu.memory_space<hbm>> -> memref<80x512xf32, #tpu.memory_space<hbm>>
    tpu.enqueue_dma source(%dma_start3A_463 : memref<80x512xf32, #tpu.memory_space<hbm>>) target(%arg5 : memref<80x512xf32, #tpu.memory_space<vmem>>) target_semaphore(%arg8 : memref<!tpu.dma_semaphore, #tpu.memory_space<semaphore_mem>>)
    %scan3A_464 = arith.constant 0 : i32
    %scan3A_465 = arith.constant 0 : i32
    %scan3A_466 = arith.constant 80 : i32
    %scan3A_467 = arith.addi %scan3A_465, %scan3A_466 : i32
    %scan3A_468 = arith.constant 1 : i32
    scf.for %scan3A_824 = %scan3A_465 to %scan3A_467 step %scan3A_468  : i32 {
      %get3A = arith.index_cast %scan3A_824 : i32 to index
      %get3A_825 = arith.constant 0 : index
      %get3A_826 = tpu.vector_load %arg6[%get3A, %get3A_825] {strides = array<i32>} : memref<80x512xf32, #tpu.memory_space<vmem>>, vector<1x16xf32>,
      %get3A_827 = vector.shape_cast %get3A_826 : vector<1x16xf32> to vector<16xf32>
      %jit3A = arith.constant 0.000000e+00 : f32
      %broadcast_in_dim3A = vector.broadcast %jit3A : f32 to vector<16xf32>
      %select_n3A = arith.select %eq3A_4, %broadcast_in_dim3A, %get3A_827 : vector<16xi1>, vector<16xf32>
      %swap3A = arith.index_cast %scan3A_824 : i32 to index
      %swap3A_828 = arith.constant 0 : index
      %swap3A_829 = tpu.vector_load %arg6[%swap3A, %swap3A_828] {strides = array<i32>} : memref<80x512xf32, #tpu.memory_space<vmem>>, vector<1x16xf32>,
      %swap3A_830 = vector.shape_cast %swap3A_829 : vector<1x16xf32> to vector<16xf32>
      %swap3A_831 = vector.shape_cast %select_n3A : vector<16xf32> to vector<1x16xf32>
      tpu.vector_store %arg6[%swap3A, %swap3A_828], %swap3A_831 {strides = array<i32>} : memref<80x512xf32, #tpu.memory_space<vmem>>, vector<1x16xf32>,
      %get3A_832 = arith.index_cast %scan3A_824 : i32 to index
      %get3A_833 = arith.constant 112 : index
      %get3A_834 = tpu.vector_load %arg6[%get3A_832, %get3A_833] {strides = array<i32>} : memref<80x512xf32, #tpu.memory_space<vmem>>, vector<1x16xf32>,
      %get3A_835 = vector.shape_cast %get3A_834 : vector<1x16xf32> to vector<16xf32>
      %jit3A_836 = arith.constant 0.000000e+00 : f32
      %broadcast_in_dim3A_837 = vector.broadcast %jit3A_836 : f32 to vector<16xf32>
      %select_n3A_838 = arith.select %eq3A_7, %broadcast_in_dim3A_837, %get3A_835 : vector<16xi1>, vector<16xf32>
      %swap3A_839 = arith.index_cast %scan3A_824 : i32 to index
      %swap3A_840 = arith.constant 112 : index
      %swap3A_841 = tpu.vector_load %arg6[%swap3A_839, %swap3A_840] {strides = array<i32>} : memref<80x512xf32, #tpu.memory_space<vmem>>, vector<1x16xf32>,
      %swap3A_842 = vector.shape_cast %swap3A_841 : vector<1x16xf32> to vector<16xf32>
      %swap3A_843 = vector.shape_cast %select_n3A_838 : vector<16xf32> to vector<1x16xf32>
      tpu.vector_store %arg6[%swap3A_839, %swap3A_840], %swap3A_843 {strides = array<i32>} : memref<80x512xf32, #tpu.memory_space<vmem>>, vector<1x16xf32>,
      %get3A_844 = arith.index_cast %scan3A_824 : i32 to index
      %get3A_845 = arith.constant 256 : index
      %get3A_846 = tpu.vector_load %arg6[%get3A_844, %get3A_845] {strides = array<i32>} : memref<80x512xf32, #tpu.memory_space<vmem>>, vector<1x16xf32>,
      %get3A_847 = vector.shape_cast %get3A_846 : vector<1x16xf32> to vector<16xf32>
      %jit3A_848 = arith.constant 0.000000e+00 : f32
      %broadcast_in_dim3A_849 = vector.broadcast %jit3A_848 : f32 to vector<16xf32>
      %select_n3A_850 = arith.select %or3A, %broadcast_in_dim3A_849, %get3A_847 : vector<16xi1>, vector<16xf32>
      %swap3A_851 = arith.index_cast %scan3A_824 : i32 to index
      %swap3A_852 = arith.constant 256 : index
      %swap3A_853 = tpu.vector_load %arg6[%swap3A_851, %swap3A_852] {strides = array<i32>} : memref<80x512xf32, #tpu.memory_space<vmem>>, vector<1x16xf32>,
      %swap3A_854 = vector.shape_cast %swap3A_853 : vector<1x16xf32> to vector<16xf32>
      %swap3A_855 = vector.shape_cast %select_n3A_850 : vector<16xf32> to vector<1x16xf32>
      tpu.vector_store %arg6[%swap3A_851, %swap3A_852], %swap3A_855 {strides = array<i32>} : memref<80x512xf32, #tpu.memory_space<vmem>>, vector<1x16xf32>,
      %get3A_856 = arith.index_cast %scan3A_824 : i32 to index
      %get3A_857 = arith.constant 320 : index
      %get3A_858 = tpu.vector_load %arg6[%get3A_856, %get3A_857] {strides = array<i32>} : memref<80x512xf32, #tpu.memory_space<vmem>>, vector<1x16xf32>,
      %get3A_859 = vector.shape_cast %get3A_858 : vector<1x16xf32> to vector<16xf32>
      %jit3A_860 = arith.constant 0.000000e+00 : f32
      %broadcast_in_dim3A_861 = vector.broadcast %jit3A_860 : f32 to vector<16xf32>
      %select_n3A_862 = arith.select %eq3A_16, %broadcast_in_dim3A_861, %get3A_859 : vector<16xi1>, vector<16xf32>
      %swap3A_863 = arith.index_cast %scan3A_824 : i32 to index
      %swap3A_864 = arith.constant 320 : index
      %swap3A_865 = tpu.vector_load %arg6[%swap3A_863, %swap3A_864] {strides = array<i32>} : memref<80x512xf32, #tpu.memory_space<vmem>>, vector<1x16xf32>,
      %swap3A_866 = vector.shape_cast %swap3A_865 : vector<1x16xf32> to vector<16xf32>
      %swap3A_867 = vector.shape_cast %select_n3A_862 : vector<16xf32> to vector<1x16xf32>
      tpu.vector_store %arg6[%swap3A_863, %swap3A_864], %swap3A_867 {strides = array<i32>} : memref<80x512xf32, #tpu.memory_space<vmem>>, vector<1x16xf32>,
      %get3A_868 = arith.index_cast %scan3A_824 : i32 to index
      %get3A_869 = arith.constant 336 : index
      %get3A_870 = tpu.vector_load %arg6[%get3A_868, %get3A_869] {strides = array<i32>} : memref<80x512xf32, #tpu.memory_space<vmem>>, vector<1x16xf32>,
      %get3A_871 = vector.shape_cast %get3A_870 : vector<1x16xf32> to vector<16xf32>
      %jit3A_872 = arith.constant 0.000000e+00 : f32
      %broadcast_in_dim3A_873 = vector.broadcast %jit3A_872 : f32 to vector<16xf32>
      %select_n3A_874 = arith.select %eq3A_19, %broadcast_in_dim3A_873, %get3A_871 : vector<16xi1>, vector<16xf32>
      %swap3A_875 = arith.index_cast %scan3A_824 : i32 to index
      %swap3A_876 = arith.constant 336 : index
      %swap3A_877 = tpu.vector_load %arg6[%swap3A_875, %swap3A_876] {strides = array<i32>} : memref<80x512xf32, #tpu.memory_space<vmem>>, vector<1x16xf32>,
      %swap3A_878 = vector.shape_cast %swap3A_877 : vector<1x16xf32> to vector<16xf32>
      %swap3A_879 = vector.shape_cast %select_n3A_874 : vector<16xf32> to vector<1x16xf32>
      tpu.vector_store %arg6[%swap3A_875, %swap3A_876], %swap3A_879 {strides = array<i32>} : memref<80x512xf32, #tpu.memory_space<vmem>>, vector<1x16xf32>,
      %get3A_880 = arith.index_cast %scan3A_824 : i32 to index
      %get3A_881 = arith.constant 368 : index
      %get3A_882 = tpu.vector_load %arg6[%get3A_880, %get3A_881] {strides = array<i32>} : memref<80x512xf32, #tpu.memory_space<vmem>>, vector<1x16xf32>,
      %get3A_883 = vector.shape_cast %get3A_882 : vector<1x16xf32> to vector<16xf32>
      %jit3A_884 = arith.constant 0.000000e+00 : f32
      %broadcast_in_dim3A_885 = vector.broadcast %jit3A_884 : f32 to vector<16xf32>
      %select_n3A_886 = arith.select %eq3A_22, %broadcast_in_dim3A_885, %get3A_883 : vector<16xi1>, vector<16xf32>
      %swap3A_887 = arith.index_cast %scan3A_824 : i32 to index
      %swap3A_888 = arith.constant 368 : index
      %swap3A_889 = tpu.vector_load %arg6[%swap3A_887, %swap3A_888] {strides = array<i32>} : memref<80x512xf32, #tpu.memory_space<vmem>>, vector<1x16xf32>,
      %swap3A_890 = vector.shape_cast %swap3A_889 : vector<1x16xf32> to vector<16xf32>
      %swap3A_891 = vector.shape_cast %select_n3A_886 : vector<16xf32> to vector<1x16xf32>
      tpu.vector_store %arg6[%swap3A_887, %swap3A_888], %swap3A_891 {strides = array<i32>} : memref<80x512xf32, #tpu.memory_space<vmem>>, vector<1x16xf32>,
    }
    %scan3A_469 = arith.constant 80 : i32
    %add3A_470 = arith.constant 1120 : i32
    %add3A_471 = arith.addi %mul3A_2, %add3A_470 : i32
    %dma_start3A_472 = arith.constant 0 : i32
    %dma_start3A_473 = tpu.memref_slice %arg3[%add3A_471, %dma_start3A_472] : memref<65536x512xf32, #tpu.memory_space<hbm>> -> memref<80x512xf32, #tpu.memory_space<hbm>>
    %dma_start3A_474 = arith.constant 0 : i32
    %dma_start3A_475 = tpu.memref_slice %arg3[%add3A_471, %dma_start3A_474] : memref<65536x512xf32, #tpu.memory_space<hbm>> -> memref<80x512xf32, #tpu.memory_space<hbm>>
    tpu.enqueue_dma source(%arg6 : memref<80x512xf32, #tpu.memory_space<vmem>>) target(%dma_start3A_475 : memref<80x512xf32, #tpu.memory_space<hbm>>) target_semaphore(%arg12 : memref<!tpu.dma_semaphore, #tpu.memory_space<semaphore_mem>>)
    %add3A_476 = arith.constant 1200 : i32
    %add3A_477 = arith.addi %mul3A_2, %add3A_476 : i32
    %dma_wait3A_478 = arith.constant 0 : i32
    %dma_wait3A_479 = tpu.memref_slice %arg2[%add3A_477, %dma_wait3A_478] : memref<65536x512xf32, #tpu.memory_space<hbm>> -> memref<80x512xf32, #tpu.memory_space<hbm>>
    %dma_wait3A_480 = arith.constant 0 : i32
    %dma_wait3A_481 = tpu.memref_slice %arg2[%add3A_477, %dma_wait3A_480] : memref<65536x512xf32, #tpu.memory_space<hbm>> -> memref<80x512xf32, #tpu.memory_space<hbm>>
    tpu.wait_dma2 semaphore(%arg7 : memref<!tpu.dma_semaphore, #tpu.memory_space<semaphore_mem>>) src(%dma_wait3A_481 : memref<80x512xf32, #tpu.memory_space<hbm>>) dst(%arg4 : memref<80x512xf32, #tpu.memory_space<vmem>>)
    %add3A_482 = arith.constant 1120 : i32
    %add3A_483 = arith.addi %mul3A_2, %add3A_482 : i32
    %dma_wait3A_484 = arith.constant 0 : i32
    %dma_wait3A_485 = tpu.memref_slice %arg3[%add3A_483, %dma_wait3A_484] : memref<65536x512xf32, #tpu.memory_space<hbm>> -> memref<80x512xf32, #tpu.memory_space<hbm>>
    %dma_wait3A_486 = arith.constant 0 : i32
    %dma_wait3A_487 = tpu.memref_slice %arg3[%add3A_483, %dma_wait3A_486] : memref<65536x512xf32, #tpu.memory_space<hbm>> -> memref<80x512xf32, #tpu.memory_space<hbm>>
    tpu.wait_dma2 semaphore(%arg12 : memref<!tpu.dma_semaphore, #tpu.memory_space<semaphore_mem>>) src(%arg6 : memref<80x512xf32, #tpu.memory_space<vmem>>) dst(%dma_wait3A_487 : memref<80x512xf32, #tpu.memory_space<hbm>>)
    %add3A_488 = arith.constant 1360 : i32
    %add3A_489 = arith.addi %mul3A_2, %add3A_488 : i32
    %dma_start3A_490 = arith.constant 0 : i32
    %dma_start3A_491 = tpu.memref_slice %arg2[%add3A_489, %dma_start3A_490] : memref<65536x512xf32, #tpu.memory_space<hbm>> -> memref<80x512xf32, #tpu.memory_space<hbm>>
    %dma_start3A_492 = arith.constant 0 : i32
    %dma_start3A_493 = tpu.memref_slice %arg2[%add3A_489, %dma_start3A_492] : memref<65536x512xf32, #tpu.memory_space<hbm>> -> memref<80x512xf32, #tpu.memory_space<hbm>>
    tpu.enqueue_dma source(%dma_start3A_493 : memref<80x512xf32, #tpu.memory_space<hbm>>) target(%arg6 : memref<80x512xf32, #tpu.memory_space<vmem>>) target_semaphore(%arg9 : memref<!tpu.dma_semaphore, #tpu.memory_space<semaphore_mem>>)
    %scan3A_494 = arith.constant 0 : i32
    %scan3A_495 = arith.constant 0 : i32
    %scan3A_496 = arith.constant 80 : i32
    %scan3A_497 = arith.addi %scan3A_495, %scan3A_496 : i32
    %scan3A_498 = arith.constant 1 : i32
    scf.for %scan3A_824 = %scan3A_495 to %scan3A_497 step %scan3A_498  : i32 {
      %get3A = arith.index_cast %scan3A_824 : i32 to index
      %get3A_825 = arith.constant 0 : index
      %get3A_826 = tpu.vector_load %arg4[%get3A, %get3A_825] {strides = array<i32>} : memref<80x512xf32, #tpu.memory_space<vmem>>, vector<1x16xf32>,
      %get3A_827 = vector.shape_cast %get3A_826 : vector<1x16xf32> to vector<16xf32>
      %jit3A = arith.constant 0.000000e+00 : f32
      %broadcast_in_dim3A = vector.broadcast %jit3A : f32 to vector<16xf32>
      %select_n3A = arith.select %eq3A_4, %broadcast_in_dim3A, %get3A_827 : vector<16xi1>, vector<16xf32>
      %swap3A = arith.index_cast %scan3A_824 : i32 to index
      %swap3A_828 = arith.constant 0 : index
      %swap3A_829 = tpu.vector_load %arg4[%swap3A, %swap3A_828] {strides = array<i32>} : memref<80x512xf32, #tpu.memory_space<vmem>>, vector<1x16xf32>,
      %swap3A_830 = vector.shape_cast %swap3A_829 : vector<1x16xf32> to vector<16xf32>
      %swap3A_831 = vector.shape_cast %select_n3A : vector<16xf32> to vector<1x16xf32>
      tpu.vector_store %arg4[%swap3A, %swap3A_828], %swap3A_831 {strides = array<i32>} : memref<80x512xf32, #tpu.memory_space<vmem>>, vector<1x16xf32>,
      %get3A_832 = arith.index_cast %scan3A_824 : i32 to index
      %get3A_833 = arith.constant 112 : index
      %get3A_834 = tpu.vector_load %arg4[%get3A_832, %get3A_833] {strides = array<i32>} : memref<80x512xf32, #tpu.memory_space<vmem>>, vector<1x16xf32>,
      %get3A_835 = vector.shape_cast %get3A_834 : vector<1x16xf32> to vector<16xf32>
      %jit3A_836 = arith.constant 0.000000e+00 : f32
      %broadcast_in_dim3A_837 = vector.broadcast %jit3A_836 : f32 to vector<16xf32>
      %select_n3A_838 = arith.select %eq3A_7, %broadcast_in_dim3A_837, %get3A_835 : vector<16xi1>, vector<16xf32>
      %swap3A_839 = arith.index_cast %scan3A_824 : i32 to index
      %swap3A_840 = arith.constant 112 : index
      %swap3A_841 = tpu.vector_load %arg4[%swap3A_839, %swap3A_840] {strides = array<i32>} : memref<80x512xf32, #tpu.memory_space<vmem>>, vector<1x16xf32>,
      %swap3A_842 = vector.shape_cast %swap3A_841 : vector<1x16xf32> to vector<16xf32>
      %swap3A_843 = vector.shape_cast %select_n3A_838 : vector<16xf32> to vector<1x16xf32>
      tpu.vector_store %arg4[%swap3A_839, %swap3A_840], %swap3A_843 {strides = array<i32>} : memref<80x512xf32, #tpu.memory_space<vmem>>, vector<1x16xf32>,
      %get3A_844 = arith.index_cast %scan3A_824 : i32 to index
      %get3A_845 = arith.constant 256 : index
      %get3A_846 = tpu.vector_load %arg4[%get3A_844, %get3A_845] {strides = array<i32>} : memref<80x512xf32, #tpu.memory_space<vmem>>, vector<1x16xf32>,
      %get3A_847 = vector.shape_cast %get3A_846 : vector<1x16xf32> to vector<16xf32>
      %jit3A_848 = arith.constant 0.000000e+00 : f32
      %broadcast_in_dim3A_849 = vector.broadcast %jit3A_848 : f32 to vector<16xf32>
      %select_n3A_850 = arith.select %or3A, %broadcast_in_dim3A_849, %get3A_847 : vector<16xi1>, vector<16xf32>
      %swap3A_851 = arith.index_cast %scan3A_824 : i32 to index
      %swap3A_852 = arith.constant 256 : index
      %swap3A_853 = tpu.vector_load %arg4[%swap3A_851, %swap3A_852] {strides = array<i32>} : memref<80x512xf32, #tpu.memory_space<vmem>>, vector<1x16xf32>,
      %swap3A_854 = vector.shape_cast %swap3A_853 : vector<1x16xf32> to vector<16xf32>
      %swap3A_855 = vector.shape_cast %select_n3A_850 : vector<16xf32> to vector<1x16xf32>
      tpu.vector_store %arg4[%swap3A_851, %swap3A_852], %swap3A_855 {strides = array<i32>} : memref<80x512xf32, #tpu.memory_space<vmem>>, vector<1x16xf32>,
      %get3A_856 = arith.index_cast %scan3A_824 : i32 to index
      %get3A_857 = arith.constant 320 : index
      %get3A_858 = tpu.vector_load %arg4[%get3A_856, %get3A_857] {strides = array<i32>} : memref<80x512xf32, #tpu.memory_space<vmem>>, vector<1x16xf32>,
      %get3A_859 = vector.shape_cast %get3A_858 : vector<1x16xf32> to vector<16xf32>
      %jit3A_860 = arith.constant 0.000000e+00 : f32
      %broadcast_in_dim3A_861 = vector.broadcast %jit3A_860 : f32 to vector<16xf32>
      %select_n3A_862 = arith.select %eq3A_16, %broadcast_in_dim3A_861, %get3A_859 : vector<16xi1>, vector<16xf32>
      %swap3A_863 = arith.index_cast %scan3A_824 : i32 to index
      %swap3A_864 = arith.constant 320 : index
      %swap3A_865 = tpu.vector_load %arg4[%swap3A_863, %swap3A_864] {strides = array<i32>} : memref<80x512xf32, #tpu.memory_space<vmem>>, vector<1x16xf32>,
      %swap3A_866 = vector.shape_cast %swap3A_865 : vector<1x16xf32> to vector<16xf32>
      %swap3A_867 = vector.shape_cast %select_n3A_862 : vector<16xf32> to vector<1x16xf32>
      tpu.vector_store %arg4[%swap3A_863, %swap3A_864], %swap3A_867 {strides = array<i32>} : memref<80x512xf32, #tpu.memory_space<vmem>>, vector<1x16xf32>,
      %get3A_868 = arith.index_cast %scan3A_824 : i32 to index
      %get3A_869 = arith.constant 336 : index
      %get3A_870 = tpu.vector_load %arg4[%get3A_868, %get3A_869] {strides = array<i32>} : memref<80x512xf32, #tpu.memory_space<vmem>>, vector<1x16xf32>,
      %get3A_871 = vector.shape_cast %get3A_870 : vector<1x16xf32> to vector<16xf32>
      %jit3A_872 = arith.constant 0.000000e+00 : f32
      %broadcast_in_dim3A_873 = vector.broadcast %jit3A_872 : f32 to vector<16xf32>
      %select_n3A_874 = arith.select %eq3A_19, %broadcast_in_dim3A_873, %get3A_871 : vector<16xi1>, vector<16xf32>
      %swap3A_875 = arith.index_cast %scan3A_824 : i32 to index
      %swap3A_876 = arith.constant 336 : index
      %swap3A_877 = tpu.vector_load %arg4[%swap3A_875, %swap3A_876] {strides = array<i32>} : memref<80x512xf32, #tpu.memory_space<vmem>>, vector<1x16xf32>,
      %swap3A_878 = vector.shape_cast %swap3A_877 : vector<1x16xf32> to vector<16xf32>
      %swap3A_879 = vector.shape_cast %select_n3A_874 : vector<16xf32> to vector<1x16xf32>
      tpu.vector_store %arg4[%swap3A_875, %swap3A_876], %swap3A_879 {strides = array<i32>} : memref<80x512xf32, #tpu.memory_space<vmem>>, vector<1x16xf32>,
      %get3A_880 = arith.index_cast %scan3A_824 : i32 to index
      %get3A_881 = arith.constant 368 : index
      %get3A_882 = tpu.vector_load %arg4[%get3A_880, %get3A_881] {strides = array<i32>} : memref<80x512xf32, #tpu.memory_space<vmem>>, vector<1x16xf32>,
      %get3A_883 = vector.shape_cast %get3A_882 : vector<1x16xf32> to vector<16xf32>
      %jit3A_884 = arith.constant 0.000000e+00 : f32
      %broadcast_in_dim3A_885 = vector.broadcast %jit3A_884 : f32 to vector<16xf32>
      %select_n3A_886 = arith.select %eq3A_22, %broadcast_in_dim3A_885, %get3A_883 : vector<16xi1>, vector<16xf32>
      %swap3A_887 = arith.index_cast %scan3A_824 : i32 to index
      %swap3A_888 = arith.constant 368 : index
      %swap3A_889 = tpu.vector_load %arg4[%swap3A_887, %swap3A_888] {strides = array<i32>} : memref<80x512xf32, #tpu.memory_space<vmem>>, vector<1x16xf32>,
      %swap3A_890 = vector.shape_cast %swap3A_889 : vector<1x16xf32> to vector<16xf32>
      %swap3A_891 = vector.shape_cast %select_n3A_886 : vector<16xf32> to vector<1x16xf32>
      tpu.vector_store %arg4[%swap3A_887, %swap3A_888], %swap3A_891 {strides = array<i32>} : memref<80x512xf32, #tpu.memory_space<vmem>>, vector<1x16xf32>,
    }
    %scan3A_499 = arith.constant 80 : i32
    %add3A_500 = arith.constant 1200 : i32
    %add3A_501 = arith.addi %mul3A_2, %add3A_500 : i32
    %dma_start3A_502 = arith.constant 0 : i32
    %dma_start3A_503 = tpu.memref_slice %arg3[%add3A_501, %dma_start3A_502] : memref<65536x512xf32, #tpu.memory_space<hbm>> -> memref<80x512xf32, #tpu.memory_space<hbm>>
    %dma_start3A_504 = arith.constant 0 : i32
    %dma_start3A_505 = tpu.memref_slice %arg3[%add3A_501, %dma_start3A_504] : memref<65536x512xf32, #tpu.memory_space<hbm>> -> memref<80x512xf32, #tpu.memory_space<hbm>>
    tpu.enqueue_dma source(%arg4 : memref<80x512xf32, #tpu.memory_space<vmem>>) target(%dma_start3A_505 : memref<80x512xf32, #tpu.memory_space<hbm>>) target_semaphore(%arg10 : memref<!tpu.dma_semaphore, #tpu.memory_space<semaphore_mem>>)
    %add3A_506 = arith.constant 1280 : i32
    %add3A_507 = arith.addi %mul3A_2, %add3A_506 : i32
    %dma_wait3A_508 = arith.constant 0 : i32
    %dma_wait3A_509 = tpu.memref_slice %arg2[%add3A_507, %dma_wait3A_508] : memref<65536x512xf32, #tpu.memory_space<hbm>> -> memref<80x512xf32, #tpu.memory_space<hbm>>
    %dma_wait3A_510 = arith.constant 0 : i32
    %dma_wait3A_511 = tpu.memref_slice %arg2[%add3A_507, %dma_wait3A_510] : memref<65536x512xf32, #tpu.memory_space<hbm>> -> memref<80x512xf32, #tpu.memory_space<hbm>>
    tpu.wait_dma2 semaphore(%arg8 : memref<!tpu.dma_semaphore, #tpu.memory_space<semaphore_mem>>) src(%dma_wait3A_511 : memref<80x512xf32, #tpu.memory_space<hbm>>) dst(%arg5 : memref<80x512xf32, #tpu.memory_space<vmem>>)
    %add3A_512 = arith.constant 1200 : i32
    %add3A_513 = arith.addi %mul3A_2, %add3A_512 : i32
    %dma_wait3A_514 = arith.constant 0 : i32
    %dma_wait3A_515 = tpu.memref_slice %arg3[%add3A_513, %dma_wait3A_514] : memref<65536x512xf32, #tpu.memory_space<hbm>> -> memref<80x512xf32, #tpu.memory_space<hbm>>
    %dma_wait3A_516 = arith.constant 0 : i32
    %dma_wait3A_517 = tpu.memref_slice %arg3[%add3A_513, %dma_wait3A_516] : memref<65536x512xf32, #tpu.memory_space<hbm>> -> memref<80x512xf32, #tpu.memory_space<hbm>>
    tpu.wait_dma2 semaphore(%arg10 : memref<!tpu.dma_semaphore, #tpu.memory_space<semaphore_mem>>) src(%arg4 : memref<80x512xf32, #tpu.memory_space<vmem>>) dst(%dma_wait3A_517 : memref<80x512xf32, #tpu.memory_space<hbm>>)
    %add3A_518 = arith.constant 1440 : i32
    %add3A_519 = arith.addi %mul3A_2, %add3A_518 : i32
    %dma_start3A_520 = arith.constant 0 : i32
    %dma_start3A_521 = tpu.memref_slice %arg2[%add3A_519, %dma_start3A_520] : memref<65536x512xf32, #tpu.memory_space<hbm>> -> memref<80x512xf32, #tpu.memory_space<hbm>>
    %dma_start3A_522 = arith.constant 0 : i32
    %dma_start3A_523 = tpu.memref_slice %arg2[%add3A_519, %dma_start3A_522] : memref<65536x512xf32, #tpu.memory_space<hbm>> -> memref<80x512xf32, #tpu.memory_space<hbm>>
    tpu.enqueue_dma source(%dma_start3A_523 : memref<80x512xf32, #tpu.memory_space<hbm>>) target(%arg4 : memref<80x512xf32, #tpu.memory_space<vmem>>) target_semaphore(%arg7 : memref<!tpu.dma_semaphore, #tpu.memory_space<semaphore_mem>>)
    %scan3A_524 = arith.constant 0 : i32
    %scan3A_525 = arith.constant 0 : i32
    %scan3A_526 = arith.constant 80 : i32
    %scan3A_527 = arith.addi %scan3A_525, %scan3A_526 : i32
    %scan3A_528 = arith.constant 1 : i32
    scf.for %scan3A_824 = %scan3A_525 to %scan3A_527 step %scan3A_528  : i32 {
      %get3A = arith.index_cast %scan3A_824 : i32 to index
      %get3A_825 = arith.constant 0 : index
      %get3A_826 = tpu.vector_load %arg5[%get3A, %get3A_825] {strides = array<i32>} : memref<80x512xf32, #tpu.memory_space<vmem>>, vector<1x16xf32>,
      %get3A_827 = vector.shape_cast %get3A_826 : vector<1x16xf32> to vector<16xf32>
      %jit3A = arith.constant 0.000000e+00 : f32
      %broadcast_in_dim3A = vector.broadcast %jit3A : f32 to vector<16xf32>
      %select_n3A = arith.select %eq3A_4, %broadcast_in_dim3A, %get3A_827 : vector<16xi1>, vector<16xf32>
      %swap3A = arith.index_cast %scan3A_824 : i32 to index
      %swap3A_828 = arith.constant 0 : index
      %swap3A_829 = tpu.vector_load %arg5[%swap3A, %swap3A_828] {strides = array<i32>} : memref<80x512xf32, #tpu.memory_space<vmem>>, vector<1x16xf32>,
      %swap3A_830 = vector.shape_cast %swap3A_829 : vector<1x16xf32> to vector<16xf32>
      %swap3A_831 = vector.shape_cast %select_n3A : vector<16xf32> to vector<1x16xf32>
      tpu.vector_store %arg5[%swap3A, %swap3A_828], %swap3A_831 {strides = array<i32>} : memref<80x512xf32, #tpu.memory_space<vmem>>, vector<1x16xf32>,
      %get3A_832 = arith.index_cast %scan3A_824 : i32 to index
      %get3A_833 = arith.constant 112 : index
      %get3A_834 = tpu.vector_load %arg5[%get3A_832, %get3A_833] {strides = array<i32>} : memref<80x512xf32, #tpu.memory_space<vmem>>, vector<1x16xf32>,
      %get3A_835 = vector.shape_cast %get3A_834 : vector<1x16xf32> to vector<16xf32>
      %jit3A_836 = arith.constant 0.000000e+00 : f32
      %broadcast_in_dim3A_837 = vector.broadcast %jit3A_836 : f32 to vector<16xf32>
      %select_n3A_838 = arith.select %eq3A_7, %broadcast_in_dim3A_837, %get3A_835 : vector<16xi1>, vector<16xf32>
      %swap3A_839 = arith.index_cast %scan3A_824 : i32 to index
      %swap3A_840 = arith.constant 112 : index
      %swap3A_841 = tpu.vector_load %arg5[%swap3A_839, %swap3A_840] {strides = array<i32>} : memref<80x512xf32, #tpu.memory_space<vmem>>, vector<1x16xf32>,
      %swap3A_842 = vector.shape_cast %swap3A_841 : vector<1x16xf32> to vector<16xf32>
      %swap3A_843 = vector.shape_cast %select_n3A_838 : vector<16xf32> to vector<1x16xf32>
      tpu.vector_store %arg5[%swap3A_839, %swap3A_840], %swap3A_843 {strides = array<i32>} : memref<80x512xf32, #tpu.memory_space<vmem>>, vector<1x16xf32>,
      %get3A_844 = arith.index_cast %scan3A_824 : i32 to index
      %get3A_845 = arith.constant 256 : index
      %get3A_846 = tpu.vector_load %arg5[%get3A_844, %get3A_845] {strides = array<i32>} : memref<80x512xf32, #tpu.memory_space<vmem>>, vector<1x16xf32>,
      %get3A_847 = vector.shape_cast %get3A_846 : vector<1x16xf32> to vector<16xf32>
      %jit3A_848 = arith.constant 0.000000e+00 : f32
      %broadcast_in_dim3A_849 = vector.broadcast %jit3A_848 : f32 to vector<16xf32>
      %select_n3A_850 = arith.select %or3A, %broadcast_in_dim3A_849, %get3A_847 : vector<16xi1>, vector<16xf32>
      %swap3A_851 = arith.index_cast %scan3A_824 : i32 to index
      %swap3A_852 = arith.constant 256 : index
      %swap3A_853 = tpu.vector_load %arg5[%swap3A_851, %swap3A_852] {strides = array<i32>} : memref<80x512xf32, #tpu.memory_space<vmem>>, vector<1x16xf32>,
      %swap3A_854 = vector.shape_cast %swap3A_853 : vector<1x16xf32> to vector<16xf32>
      %swap3A_855 = vector.shape_cast %select_n3A_850 : vector<16xf32> to vector<1x16xf32>
      tpu.vector_store %arg5[%swap3A_851, %swap3A_852], %swap3A_855 {strides = array<i32>} : memref<80x512xf32, #tpu.memory_space<vmem>>, vector<1x16xf32>,
      %get3A_856 = arith.index_cast %scan3A_824 : i32 to index
      %get3A_857 = arith.constant 320 : index
      %get3A_858 = tpu.vector_load %arg5[%get3A_856, %get3A_857] {strides = array<i32>} : memref<80x512xf32, #tpu.memory_space<vmem>>, vector<1x16xf32>,
      %get3A_859 = vector.shape_cast %get3A_858 : vector<1x16xf32> to vector<16xf32>
      %jit3A_860 = arith.constant 0.000000e+00 : f32
      %broadcast_in_dim3A_861 = vector.broadcast %jit3A_860 : f32 to vector<16xf32>
      %select_n3A_862 = arith.select %eq3A_16, %broadcast_in_dim3A_861, %get3A_859 : vector<16xi1>, vector<16xf32>
      %swap3A_863 = arith.index_cast %scan3A_824 : i32 to index
      %swap3A_864 = arith.constant 320 : index
      %swap3A_865 = tpu.vector_load %arg5[%swap3A_863, %swap3A_864] {strides = array<i32>} : memref<80x512xf32, #tpu.memory_space<vmem>>, vector<1x16xf32>,
      %swap3A_866 = vector.shape_cast %swap3A_865 : vector<1x16xf32> to vector<16xf32>
      %swap3A_867 = vector.shape_cast %select_n3A_862 : vector<16xf32> to vector<1x16xf32>
      tpu.vector_store %arg5[%swap3A_863, %swap3A_864], %swap3A_867 {strides = array<i32>} : memref<80x512xf32, #tpu.memory_space<vmem>>, vector<1x16xf32>,
      %get3A_868 = arith.index_cast %scan3A_824 : i32 to index
      %get3A_869 = arith.constant 336 : index
      %get3A_870 = tpu.vector_load %arg5[%get3A_868, %get3A_869] {strides = array<i32>} : memref<80x512xf32, #tpu.memory_space<vmem>>, vector<1x16xf32>,
      %get3A_871 = vector.shape_cast %get3A_870 : vector<1x16xf32> to vector<16xf32>
      %jit3A_872 = arith.constant 0.000000e+00 : f32
      %broadcast_in_dim3A_873 = vector.broadcast %jit3A_872 : f32 to vector<16xf32>
      %select_n3A_874 = arith.select %eq3A_19, %broadcast_in_dim3A_873, %get3A_871 : vector<16xi1>, vector<16xf32>
      %swap3A_875 = arith.index_cast %scan3A_824 : i32 to index
      %swap3A_876 = arith.constant 336 : index
      %swap3A_877 = tpu.vector_load %arg5[%swap3A_875, %swap3A_876] {strides = array<i32>} : memref<80x512xf32, #tpu.memory_space<vmem>>, vector<1x16xf32>,
      %swap3A_878 = vector.shape_cast %swap3A_877 : vector<1x16xf32> to vector<16xf32>
      %swap3A_879 = vector.shape_cast %select_n3A_874 : vector<16xf32> to vector<1x16xf32>
      tpu.vector_store %arg5[%swap3A_875, %swap3A_876], %swap3A_879 {strides = array<i32>} : memref<80x512xf32, #tpu.memory_space<vmem>>, vector<1x16xf32>,
      %get3A_880 = arith.index_cast %scan3A_824 : i32 to index
      %get3A_881 = arith.constant 368 : index
      %get3A_882 = tpu.vector_load %arg5[%get3A_880, %get3A_881] {strides = array<i32>} : memref<80x512xf32, #tpu.memory_space<vmem>>, vector<1x16xf32>,
      %get3A_883 = vector.shape_cast %get3A_882 : vector<1x16xf32> to vector<16xf32>
      %jit3A_884 = arith.constant 0.000000e+00 : f32
      %broadcast_in_dim3A_885 = vector.broadcast %jit3A_884 : f32 to vector<16xf32>
      %select_n3A_886 = arith.select %eq3A_22, %broadcast_in_dim3A_885, %get3A_883 : vector<16xi1>, vector<16xf32>
      %swap3A_887 = arith.index_cast %scan3A_824 : i32 to index
      %swap3A_888 = arith.constant 368 : index
      %swap3A_889 = tpu.vector_load %arg5[%swap3A_887, %swap3A_888] {strides = array<i32>} : memref<80x512xf32, #tpu.memory_space<vmem>>, vector<1x16xf32>,
      %swap3A_890 = vector.shape_cast %swap3A_889 : vector<1x16xf32> to vector<16xf32>
      %swap3A_891 = vector.shape_cast %select_n3A_886 : vector<16xf32> to vector<1x16xf32>
      tpu.vector_store %arg5[%swap3A_887, %swap3A_888], %swap3A_891 {strides = array<i32>} : memref<80x512xf32, #tpu.memory_space<vmem>>, vector<1x16xf32>,
    }
    %scan3A_529 = arith.constant 80 : i32
    %add3A_530 = arith.constant 1280 : i32
    %add3A_531 = arith.addi %mul3A_2, %add3A_530 : i32
    %dma_start3A_532 = arith.constant 0 : i32
    %dma_start3A_533 = tpu.memref_slice %arg3[%add3A_531, %dma_start3A_532] : memref<65536x512xf32, #tpu.memory_space<hbm>> -> memref<80x512xf32, #tpu.memory_space<hbm>>
    %dma_start3A_534 = arith.constant 0 : i32
    %dma_start3A_535 = tpu.memref_slice %arg3[%add3A_531, %dma_start3A_534] : memref<65536x512xf32, #tpu.memory_space<hbm>> -> memref<80x512xf32, #tpu.memory_space<hbm>>
    tpu.enqueue_dma source(%arg5 : memref<80x512xf32, #tpu.memory_space<vmem>>) target(%dma_start3A_535 : memref<80x512xf32, #tpu.memory_space<hbm>>) target_semaphore(%arg11 : memref<!tpu.dma_semaphore, #tpu.memory_space<semaphore_mem>>)
    %add3A_536 = arith.constant 1360 : i32
    %add3A_537 = arith.addi %mul3A_2, %add3A_536 : i32
    %dma_wait3A_538 = arith.constant 0 : i32
    %dma_wait3A_539 = tpu.memref_slice %arg2[%add3A_537, %dma_wait3A_538] : memref<65536x512xf32, #tpu.memory_space<hbm>> -> memref<80x512xf32, #tpu.memory_space<hbm>>
    %dma_wait3A_540 = arith.constant 0 : i32
    %dma_wait3A_541 = tpu.memref_slice %arg2[%add3A_537, %dma_wait3A_540] : memref<65536x512xf32, #tpu.memory_space<hbm>> -> memref<80x512xf32, #tpu.memory_space<hbm>>
    tpu.wait_dma2 semaphore(%arg9 : memref<!tpu.dma_semaphore, #tpu.memory_space<semaphore_mem>>) src(%dma_wait3A_541 : memref<80x512xf32, #tpu.memory_space<hbm>>) dst(%arg6 : memref<80x512xf32, #tpu.memory_space<vmem>>)
    %add3A_542 = arith.constant 1280 : i32
    %add3A_543 = arith.addi %mul3A_2, %add3A_542 : i32
    %dma_wait3A_544 = arith.constant 0 : i32
    %dma_wait3A_545 = tpu.memref_slice %arg3[%add3A_543, %dma_wait3A_544] : memref<65536x512xf32, #tpu.memory_space<hbm>> -> memref<80x512xf32, #tpu.memory_space<hbm>>
    %dma_wait3A_546 = arith.constant 0 : i32
    %dma_wait3A_547 = tpu.memref_slice %arg3[%add3A_543, %dma_wait3A_546] : memref<65536x512xf32, #tpu.memory_space<hbm>> -> memref<80x512xf32, #tpu.memory_space<hbm>>
    tpu.wait_dma2 semaphore(%arg11 : memref<!tpu.dma_semaphore, #tpu.memory_space<semaphore_mem>>) src(%arg5 : memref<80x512xf32, #tpu.memory_space<vmem>>) dst(%dma_wait3A_547 : memref<80x512xf32, #tpu.memory_space<hbm>>)
    %add3A_548 = arith.constant 1520 : i32
    %add3A_549 = arith.addi %mul3A_2, %add3A_548 : i32
    %dma_start3A_550 = arith.constant 0 : i32
    %dma_start3A_551 = tpu.memref_slice %arg2[%add3A_549, %dma_start3A_550] : memref<65536x512xf32, #tpu.memory_space<hbm>> -> memref<80x512xf32, #tpu.memory_space<hbm>>
    %dma_start3A_552 = arith.constant 0 : i32
    %dma_start3A_553 = tpu.memref_slice %arg2[%add3A_549, %dma_start3A_552] : memref<65536x512xf32, #tpu.memory_space<hbm>> -> memref<80x512xf32, #tpu.memory_space<hbm>>
    tpu.enqueue_dma source(%dma_start3A_553 : memref<80x512xf32, #tpu.memory_space<hbm>>) target(%arg5 : memref<80x512xf32, #tpu.memory_space<vmem>>) target_semaphore(%arg8 : memref<!tpu.dma_semaphore, #tpu.memory_space<semaphore_mem>>)
    %scan3A_554 = arith.constant 0 : i32
    %scan3A_555 = arith.constant 0 : i32
    %scan3A_556 = arith.constant 80 : i32
    %scan3A_557 = arith.addi %scan3A_555, %scan3A_556 : i32
    %scan3A_558 = arith.constant 1 : i32
    scf.for %scan3A_824 = %scan3A_555 to %scan3A_557 step %scan3A_558  : i32 {
      %get3A = arith.index_cast %scan3A_824 : i32 to index
      %get3A_825 = arith.constant 0 : index
      %get3A_826 = tpu.vector_load %arg6[%get3A, %get3A_825] {strides = array<i32>} : memref<80x512xf32, #tpu.memory_space<vmem>>, vector<1x16xf32>,
      %get3A_827 = vector.shape_cast %get3A_826 : vector<1x16xf32> to vector<16xf32>
      %jit3A = arith.constant 0.000000e+00 : f32
      %broadcast_in_dim3A = vector.broadcast %jit3A : f32 to vector<16xf32>
      %select_n3A = arith.select %eq3A_4, %broadcast_in_dim3A, %get3A_827 : vector<16xi1>, vector<16xf32>
      %swap3A = arith.index_cast %scan3A_824 : i32 to index
      %swap3A_828 = arith.constant 0 : index
      %swap3A_829 = tpu.vector_load %arg6[%swap3A, %swap3A_828] {strides = array<i32>} : memref<80x512xf32, #tpu.memory_space<vmem>>, vector<1x16xf32>,
      %swap3A_830 = vector.shape_cast %swap3A_829 : vector<1x16xf32> to vector<16xf32>
      %swap3A_831 = vector.shape_cast %select_n3A : vector<16xf32> to vector<1x16xf32>
      tpu.vector_store %arg6[%swap3A, %swap3A_828], %swap3A_831 {strides = array<i32>} : memref<80x512xf32, #tpu.memory_space<vmem>>, vector<1x16xf32>,
      %get3A_832 = arith.index_cast %scan3A_824 : i32 to index
      %get3A_833 = arith.constant 112 : index
      %get3A_834 = tpu.vector_load %arg6[%get3A_832, %get3A_833] {strides = array<i32>} : memref<80x512xf32, #tpu.memory_space<vmem>>, vector<1x16xf32>,
      %get3A_835 = vector.shape_cast %get3A_834 : vector<1x16xf32> to vector<16xf32>
      %jit3A_836 = arith.constant 0.000000e+00 : f32
      %broadcast_in_dim3A_837 = vector.broadcast %jit3A_836 : f32 to vector<16xf32>
      %select_n3A_838 = arith.select %eq3A_7, %broadcast_in_dim3A_837, %get3A_835 : vector<16xi1>, vector<16xf32>
      %swap3A_839 = arith.index_cast %scan3A_824 : i32 to index
      %swap3A_840 = arith.constant 112 : index
      %swap3A_841 = tpu.vector_load %arg6[%swap3A_839, %swap3A_840] {strides = array<i32>} : memref<80x512xf32, #tpu.memory_space<vmem>>, vector<1x16xf32>,
      %swap3A_842 = vector.shape_cast %swap3A_841 : vector<1x16xf32> to vector<16xf32>
      %swap3A_843 = vector.shape_cast %select_n3A_838 : vector<16xf32> to vector<1x16xf32>
      tpu.vector_store %arg6[%swap3A_839, %swap3A_840], %swap3A_843 {strides = array<i32>} : memref<80x512xf32, #tpu.memory_space<vmem>>, vector<1x16xf32>,
      %get3A_844 = arith.index_cast %scan3A_824 : i32 to index
      %get3A_845 = arith.constant 256 : index
      %get3A_846 = tpu.vector_load %arg6[%get3A_844, %get3A_845] {strides = array<i32>} : memref<80x512xf32, #tpu.memory_space<vmem>>, vector<1x16xf32>,
      %get3A_847 = vector.shape_cast %get3A_846 : vector<1x16xf32> to vector<16xf32>
      %jit3A_848 = arith.constant 0.000000e+00 : f32
      %broadcast_in_dim3A_849 = vector.broadcast %jit3A_848 : f32 to vector<16xf32>
      %select_n3A_850 = arith.select %or3A, %broadcast_in_dim3A_849, %get3A_847 : vector<16xi1>, vector<16xf32>
      %swap3A_851 = arith.index_cast %scan3A_824 : i32 to index
      %swap3A_852 = arith.constant 256 : index
      %swap3A_853 = tpu.vector_load %arg6[%swap3A_851, %swap3A_852] {strides = array<i32>} : memref<80x512xf32, #tpu.memory_space<vmem>>, vector<1x16xf32>,
      %swap3A_854 = vector.shape_cast %swap3A_853 : vector<1x16xf32> to vector<16xf32>
      %swap3A_855 = vector.shape_cast %select_n3A_850 : vector<16xf32> to vector<1x16xf32>
      tpu.vector_store %arg6[%swap3A_851, %swap3A_852], %swap3A_855 {strides = array<i32>} : memref<80x512xf32, #tpu.memory_space<vmem>>, vector<1x16xf32>,
      %get3A_856 = arith.index_cast %scan3A_824 : i32 to index
      %get3A_857 = arith.constant 320 : index
      %get3A_858 = tpu.vector_load %arg6[%get3A_856, %get3A_857] {strides = array<i32>} : memref<80x512xf32, #tpu.memory_space<vmem>>, vector<1x16xf32>,
      %get3A_859 = vector.shape_cast %get3A_858 : vector<1x16xf32> to vector<16xf32>
      %jit3A_860 = arith.constant 0.000000e+00 : f32
      %broadcast_in_dim3A_861 = vector.broadcast %jit3A_860 : f32 to vector<16xf32>
      %select_n3A_862 = arith.select %eq3A_16, %broadcast_in_dim3A_861, %get3A_859 : vector<16xi1>, vector<16xf32>
      %swap3A_863 = arith.index_cast %scan3A_824 : i32 to index
      %swap3A_864 = arith.constant 320 : index
      %swap3A_865 = tpu.vector_load %arg6[%swap3A_863, %swap3A_864] {strides = array<i32>} : memref<80x512xf32, #tpu.memory_space<vmem>>, vector<1x16xf32>,
      %swap3A_866 = vector.shape_cast %swap3A_865 : vector<1x16xf32> to vector<16xf32>
      %swap3A_867 = vector.shape_cast %select_n3A_862 : vector<16xf32> to vector<1x16xf32>
      tpu.vector_store %arg6[%swap3A_863, %swap3A_864], %swap3A_867 {strides = array<i32>} : memref<80x512xf32, #tpu.memory_space<vmem>>, vector<1x16xf32>,
      %get3A_868 = arith.index_cast %scan3A_824 : i32 to index
      %get3A_869 = arith.constant 336 : index
      %get3A_870 = tpu.vector_load %arg6[%get3A_868, %get3A_869] {strides = array<i32>} : memref<80x512xf32, #tpu.memory_space<vmem>>, vector<1x16xf32>,
      %get3A_871 = vector.shape_cast %get3A_870 : vector<1x16xf32> to vector<16xf32>
      %jit3A_872 = arith.constant 0.000000e+00 : f32
      %broadcast_in_dim3A_873 = vector.broadcast %jit3A_872 : f32 to vector<16xf32>
      %select_n3A_874 = arith.select %eq3A_19, %broadcast_in_dim3A_873, %get3A_871 : vector<16xi1>, vector<16xf32>
      %swap3A_875 = arith.index_cast %scan3A_824 : i32 to index
      %swap3A_876 = arith.constant 336 : index
      %swap3A_877 = tpu.vector_load %arg6[%swap3A_875, %swap3A_876] {strides = array<i32>} : memref<80x512xf32, #tpu.memory_space<vmem>>, vector<1x16xf32>,
      %swap3A_878 = vector.shape_cast %swap3A_877 : vector<1x16xf32> to vector<16xf32>
      %swap3A_879 = vector.shape_cast %select_n3A_874 : vector<16xf32> to vector<1x16xf32>
      tpu.vector_store %arg6[%swap3A_875, %swap3A_876], %swap3A_879 {strides = array<i32>} : memref<80x512xf32, #tpu.memory_space<vmem>>, vector<1x16xf32>,
      %get3A_880 = arith.index_cast %scan3A_824 : i32 to index
      %get3A_881 = arith.constant 368 : index
      %get3A_882 = tpu.vector_load %arg6[%get3A_880, %get3A_881] {strides = array<i32>} : memref<80x512xf32, #tpu.memory_space<vmem>>, vector<1x16xf32>,
      %get3A_883 = vector.shape_cast %get3A_882 : vector<1x16xf32> to vector<16xf32>
      %jit3A_884 = arith.constant 0.000000e+00 : f32
      %broadcast_in_dim3A_885 = vector.broadcast %jit3A_884 : f32 to vector<16xf32>
      %select_n3A_886 = arith.select %eq3A_22, %broadcast_in_dim3A_885, %get3A_883 : vector<16xi1>, vector<16xf32>
      %swap3A_887 = arith.index_cast %scan3A_824 : i32 to index
      %swap3A_888 = arith.constant 368 : index
      %swap3A_889 = tpu.vector_load %arg6[%swap3A_887, %swap3A_888] {strides = array<i32>} : memref<80x512xf32, #tpu.memory_space<vmem>>, vector<1x16xf32>,
      %swap3A_890 = vector.shape_cast %swap3A_889 : vector<1x16xf32> to vector<16xf32>
      %swap3A_891 = vector.shape_cast %select_n3A_886 : vector<16xf32> to vector<1x16xf32>
      tpu.vector_store %arg6[%swap3A_887, %swap3A_888], %swap3A_891 {strides = array<i32>} : memref<80x512xf32, #tpu.memory_space<vmem>>, vector<1x16xf32>,
    }
    %scan3A_559 = arith.constant 80 : i32
    %add3A_560 = arith.constant 1360 : i32
    %add3A_561 = arith.addi %mul3A_2, %add3A_560 : i32
    %dma_start3A_562 = arith.constant 0 : i32
    %dma_start3A_563 = tpu.memref_slice %arg3[%add3A_561, %dma_start3A_562] : memref<65536x512xf32, #tpu.memory_space<hbm>> -> memref<80x512xf32, #tpu.memory_space<hbm>>
    %dma_start3A_564 = arith.constant 0 : i32
    %dma_start3A_565 = tpu.memref_slice %arg3[%add3A_561, %dma_start3A_564] : memref<65536x512xf32, #tpu.memory_space<hbm>> -> memref<80x512xf32, #tpu.memory_space<hbm>>
    tpu.enqueue_dma source(%arg6 : memref<80x512xf32, #tpu.memory_space<vmem>>) target(%dma_start3A_565 : memref<80x512xf32, #tpu.memory_space<hbm>>) target_semaphore(%arg12 : memref<!tpu.dma_semaphore, #tpu.memory_space<semaphore_mem>>)
    %add3A_566 = arith.constant 1440 : i32
    %add3A_567 = arith.addi %mul3A_2, %add3A_566 : i32
    %dma_wait3A_568 = arith.constant 0 : i32
    %dma_wait3A_569 = tpu.memref_slice %arg2[%add3A_567, %dma_wait3A_568] : memref<65536x512xf32, #tpu.memory_space<hbm>> -> memref<80x512xf32, #tpu.memory_space<hbm>>
    %dma_wait3A_570 = arith.constant 0 : i32
    %dma_wait3A_571 = tpu.memref_slice %arg2[%add3A_567, %dma_wait3A_570] : memref<65536x512xf32, #tpu.memory_space<hbm>> -> memref<80x512xf32, #tpu.memory_space<hbm>>
    tpu.wait_dma2 semaphore(%arg7 : memref<!tpu.dma_semaphore, #tpu.memory_space<semaphore_mem>>) src(%dma_wait3A_571 : memref<80x512xf32, #tpu.memory_space<hbm>>) dst(%arg4 : memref<80x512xf32, #tpu.memory_space<vmem>>)
    %add3A_572 = arith.constant 1360 : i32
    %add3A_573 = arith.addi %mul3A_2, %add3A_572 : i32
    %dma_wait3A_574 = arith.constant 0 : i32
    %dma_wait3A_575 = tpu.memref_slice %arg3[%add3A_573, %dma_wait3A_574] : memref<65536x512xf32, #tpu.memory_space<hbm>> -> memref<80x512xf32, #tpu.memory_space<hbm>>
    %dma_wait3A_576 = arith.constant 0 : i32
    %dma_wait3A_577 = tpu.memref_slice %arg3[%add3A_573, %dma_wait3A_576] : memref<65536x512xf32, #tpu.memory_space<hbm>> -> memref<80x512xf32, #tpu.memory_space<hbm>>
    tpu.wait_dma2 semaphore(%arg12 : memref<!tpu.dma_semaphore, #tpu.memory_space<semaphore_mem>>) src(%arg6 : memref<80x512xf32, #tpu.memory_space<vmem>>) dst(%dma_wait3A_577 : memref<80x512xf32, #tpu.memory_space<hbm>>)
    %add3A_578 = arith.constant 1600 : i32
    %add3A_579 = arith.addi %mul3A_2, %add3A_578 : i32
    %dma_start3A_580 = arith.constant 0 : i32
    %dma_start3A_581 = tpu.memref_slice %arg2[%add3A_579, %dma_start3A_580] : memref<65536x512xf32, #tpu.memory_space<hbm>> -> memref<80x512xf32, #tpu.memory_space<hbm>>
    %dma_start3A_582 = arith.constant 0 : i32
    %dma_start3A_583 = tpu.memref_slice %arg2[%add3A_579, %dma_start3A_582] : memref<65536x512xf32, #tpu.memory_space<hbm>> -> memref<80x512xf32, #tpu.memory_space<hbm>>
    tpu.enqueue_dma source(%dma_start3A_583 : memref<80x512xf32, #tpu.memory_space<hbm>>) target(%arg6 : memref<80x512xf32, #tpu.memory_space<vmem>>) target_semaphore(%arg9 : memref<!tpu.dma_semaphore, #tpu.memory_space<semaphore_mem>>)
    %scan3A_584 = arith.constant 0 : i32
    %scan3A_585 = arith.constant 0 : i32
    %scan3A_586 = arith.constant 80 : i32
    %scan3A_587 = arith.addi %scan3A_585, %scan3A_586 : i32
    %scan3A_588 = arith.constant 1 : i32
    scf.for %scan3A_824 = %scan3A_585 to %scan3A_587 step %scan3A_588  : i32 {
      %get3A = arith.index_cast %scan3A_824 : i32 to index
      %get3A_825 = arith.constant 0 : index
      %get3A_826 = tpu.vector_load %arg4[%get3A, %get3A_825] {strides = array<i32>} : memref<80x512xf32, #tpu.memory_space<vmem>>, vector<1x16xf32>,
      %get3A_827 = vector.shape_cast %get3A_826 : vector<1x16xf32> to vector<16xf32>
      %jit3A = arith.constant 0.000000e+00 : f32
      %broadcast_in_dim3A = vector.broadcast %jit3A : f32 to vector<16xf32>
      %select_n3A = arith.select %eq3A_4, %broadcast_in_dim3A, %get3A_827 : vector<16xi1>, vector<16xf32>
      %swap3A = arith.index_cast %scan3A_824 : i32 to index
      %swap3A_828 = arith.constant 0 : index
      %swap3A_829 = tpu.vector_load %arg4[%swap3A, %swap3A_828] {strides = array<i32>} : memref<80x512xf32, #tpu.memory_space<vmem>>, vector<1x16xf32>,
      %swap3A_830 = vector.shape_cast %swap3A_829 : vector<1x16xf32> to vector<16xf32>
      %swap3A_831 = vector.shape_cast %select_n3A : vector<16xf32> to vector<1x16xf32>
      tpu.vector_store %arg4[%swap3A, %swap3A_828], %swap3A_831 {strides = array<i32>} : memref<80x512xf32, #tpu.memory_space<vmem>>, vector<1x16xf32>,
      %get3A_832 = arith.index_cast %scan3A_824 : i32 to index
      %get3A_833 = arith.constant 112 : index
      %get3A_834 = tpu.vector_load %arg4[%get3A_832, %get3A_833] {strides = array<i32>} : memref<80x512xf32, #tpu.memory_space<vmem>>, vector<1x16xf32>,
      %get3A_835 = vector.shape_cast %get3A_834 : vector<1x16xf32> to vector<16xf32>
      %jit3A_836 = arith.constant 0.000000e+00 : f32
      %broadcast_in_dim3A_837 = vector.broadcast %jit3A_836 : f32 to vector<16xf32>
      %select_n3A_838 = arith.select %eq3A_7, %broadcast_in_dim3A_837, %get3A_835 : vector<16xi1>, vector<16xf32>
      %swap3A_839 = arith.index_cast %scan3A_824 : i32 to index
      %swap3A_840 = arith.constant 112 : index
      %swap3A_841 = tpu.vector_load %arg4[%swap3A_839, %swap3A_840] {strides = array<i32>} : memref<80x512xf32, #tpu.memory_space<vmem>>, vector<1x16xf32>,
      %swap3A_842 = vector.shape_cast %swap3A_841 : vector<1x16xf32> to vector<16xf32>
      %swap3A_843 = vector.shape_cast %select_n3A_838 : vector<16xf32> to vector<1x16xf32>
      tpu.vector_store %arg4[%swap3A_839, %swap3A_840], %swap3A_843 {strides = array<i32>} : memref<80x512xf32, #tpu.memory_space<vmem>>, vector<1x16xf32>,
      %get3A_844 = arith.index_cast %scan3A_824 : i32 to index
      %get3A_845 = arith.constant 256 : index
      %get3A_846 = tpu.vector_load %arg4[%get3A_844, %get3A_845] {strides = array<i32>} : memref<80x512xf32, #tpu.memory_space<vmem>>, vector<1x16xf32>,
      %get3A_847 = vector.shape_cast %get3A_846 : vector<1x16xf32> to vector<16xf32>
      %jit3A_848 = arith.constant 0.000000e+00 : f32
      %broadcast_in_dim3A_849 = vector.broadcast %jit3A_848 : f32 to vector<16xf32>
      %select_n3A_850 = arith.select %or3A, %broadcast_in_dim3A_849, %get3A_847 : vector<16xi1>, vector<16xf32>
      %swap3A_851 = arith.index_cast %scan3A_824 : i32 to index
      %swap3A_852 = arith.constant 256 : index
      %swap3A_853 = tpu.vector_load %arg4[%swap3A_851, %swap3A_852] {strides = array<i32>} : memref<80x512xf32, #tpu.memory_space<vmem>>, vector<1x16xf32>,
      %swap3A_854 = vector.shape_cast %swap3A_853 : vector<1x16xf32> to vector<16xf32>
      %swap3A_855 = vector.shape_cast %select_n3A_850 : vector<16xf32> to vector<1x16xf32>
      tpu.vector_store %arg4[%swap3A_851, %swap3A_852], %swap3A_855 {strides = array<i32>} : memref<80x512xf32, #tpu.memory_space<vmem>>, vector<1x16xf32>,
      %get3A_856 = arith.index_cast %scan3A_824 : i32 to index
      %get3A_857 = arith.constant 320 : index
      %get3A_858 = tpu.vector_load %arg4[%get3A_856, %get3A_857] {strides = array<i32>} : memref<80x512xf32, #tpu.memory_space<vmem>>, vector<1x16xf32>,
      %get3A_859 = vector.shape_cast %get3A_858 : vector<1x16xf32> to vector<16xf32>
      %jit3A_860 = arith.constant 0.000000e+00 : f32
      %broadcast_in_dim3A_861 = vector.broadcast %jit3A_860 : f32 to vector<16xf32>
      %select_n3A_862 = arith.select %eq3A_16, %broadcast_in_dim3A_861, %get3A_859 : vector<16xi1>, vector<16xf32>
      %swap3A_863 = arith.index_cast %scan3A_824 : i32 to index
      %swap3A_864 = arith.constant 320 : index
      %swap3A_865 = tpu.vector_load %arg4[%swap3A_863, %swap3A_864] {strides = array<i32>} : memref<80x512xf32, #tpu.memory_space<vmem>>, vector<1x16xf32>,
      %swap3A_866 = vector.shape_cast %swap3A_865 : vector<1x16xf32> to vector<16xf32>
      %swap3A_867 = vector.shape_cast %select_n3A_862 : vector<16xf32> to vector<1x16xf32>
      tpu.vector_store %arg4[%swap3A_863, %swap3A_864], %swap3A_867 {strides = array<i32>} : memref<80x512xf32, #tpu.memory_space<vmem>>, vector<1x16xf32>,
      %get3A_868 = arith.index_cast %scan3A_824 : i32 to index
      %get3A_869 = arith.constant 336 : index
      %get3A_870 = tpu.vector_load %arg4[%get3A_868, %get3A_869] {strides = array<i32>} : memref<80x512xf32, #tpu.memory_space<vmem>>, vector<1x16xf32>,
      %get3A_871 = vector.shape_cast %get3A_870 : vector<1x16xf32> to vector<16xf32>
      %jit3A_872 = arith.constant 0.000000e+00 : f32
      %broadcast_in_dim3A_873 = vector.broadcast %jit3A_872 : f32 to vector<16xf32>
      %select_n3A_874 = arith.select %eq3A_19, %broadcast_in_dim3A_873, %get3A_871 : vector<16xi1>, vector<16xf32>
      %swap3A_875 = arith.index_cast %scan3A_824 : i32 to index
      %swap3A_876 = arith.constant 336 : index
      %swap3A_877 = tpu.vector_load %arg4[%swap3A_875, %swap3A_876] {strides = array<i32>} : memref<80x512xf32, #tpu.memory_space<vmem>>, vector<1x16xf32>,
      %swap3A_878 = vector.shape_cast %swap3A_877 : vector<1x16xf32> to vector<16xf32>
      %swap3A_879 = vector.shape_cast %select_n3A_874 : vector<16xf32> to vector<1x16xf32>
      tpu.vector_store %arg4[%swap3A_875, %swap3A_876], %swap3A_879 {strides = array<i32>} : memref<80x512xf32, #tpu.memory_space<vmem>>, vector<1x16xf32>,
      %get3A_880 = arith.index_cast %scan3A_824 : i32 to index
      %get3A_881 = arith.constant 368 : index
      %get3A_882 = tpu.vector_load %arg4[%get3A_880, %get3A_881] {strides = array<i32>} : memref<80x512xf32, #tpu.memory_space<vmem>>, vector<1x16xf32>,
      %get3A_883 = vector.shape_cast %get3A_882 : vector<1x16xf32> to vector<16xf32>
      %jit3A_884 = arith.constant 0.000000e+00 : f32
      %broadcast_in_dim3A_885 = vector.broadcast %jit3A_884 : f32 to vector<16xf32>
      %select_n3A_886 = arith.select %eq3A_22, %broadcast_in_dim3A_885, %get3A_883 : vector<16xi1>, vector<16xf32>
      %swap3A_887 = arith.index_cast %scan3A_824 : i32 to index
      %swap3A_888 = arith.constant 368 : index
      %swap3A_889 = tpu.vector_load %arg4[%swap3A_887, %swap3A_888] {strides = array<i32>} : memref<80x512xf32, #tpu.memory_space<vmem>>, vector<1x16xf32>,
      %swap3A_890 = vector.shape_cast %swap3A_889 : vector<1x16xf32> to vector<16xf32>
      %swap3A_891 = vector.shape_cast %select_n3A_886 : vector<16xf32> to vector<1x16xf32>
      tpu.vector_store %arg4[%swap3A_887, %swap3A_888], %swap3A_891 {strides = array<i32>} : memref<80x512xf32, #tpu.memory_space<vmem>>, vector<1x16xf32>,
    }
    %scan3A_589 = arith.constant 80 : i32
    %add3A_590 = arith.constant 1440 : i32
    %add3A_591 = arith.addi %mul3A_2, %add3A_590 : i32
    %dma_start3A_592 = arith.constant 0 : i32
    %dma_start3A_593 = tpu.memref_slice %arg3[%add3A_591, %dma_start3A_592] : memref<65536x512xf32, #tpu.memory_space<hbm>> -> memref<80x512xf32, #tpu.memory_space<hbm>>
    %dma_start3A_594 = arith.constant 0 : i32
    %dma_start3A_595 = tpu.memref_slice %arg3[%add3A_591, %dma_start3A_594] : memref<65536x512xf32, #tpu.memory_space<hbm>> -> memref<80x512xf32, #tpu.memory_space<hbm>>
    tpu.enqueue_dma source(%arg4 : memref<80x512xf32, #tpu.memory_space<vmem>>) target(%dma_start3A_595 : memref<80x512xf32, #tpu.memory_space<hbm>>) target_semaphore(%arg10 : memref<!tpu.dma_semaphore, #tpu.memory_space<semaphore_mem>>)
    %add3A_596 = arith.constant 1520 : i32
    %add3A_597 = arith.addi %mul3A_2, %add3A_596 : i32
    %dma_wait3A_598 = arith.constant 0 : i32
    %dma_wait3A_599 = tpu.memref_slice %arg2[%add3A_597, %dma_wait3A_598] : memref<65536x512xf32, #tpu.memory_space<hbm>> -> memref<80x512xf32, #tpu.memory_space<hbm>>
    %dma_wait3A_600 = arith.constant 0 : i32
    %dma_wait3A_601 = tpu.memref_slice %arg2[%add3A_597, %dma_wait3A_600] : memref<65536x512xf32, #tpu.memory_space<hbm>> -> memref<80x512xf32, #tpu.memory_space<hbm>>
    tpu.wait_dma2 semaphore(%arg8 : memref<!tpu.dma_semaphore, #tpu.memory_space<semaphore_mem>>) src(%dma_wait3A_601 : memref<80x512xf32, #tpu.memory_space<hbm>>) dst(%arg5 : memref<80x512xf32, #tpu.memory_space<vmem>>)
    %add3A_602 = arith.constant 1440 : i32
    %add3A_603 = arith.addi %mul3A_2, %add3A_602 : i32
    %dma_wait3A_604 = arith.constant 0 : i32
    %dma_wait3A_605 = tpu.memref_slice %arg3[%add3A_603, %dma_wait3A_604] : memref<65536x512xf32, #tpu.memory_space<hbm>> -> memref<80x512xf32, #tpu.memory_space<hbm>>
    %dma_wait3A_606 = arith.constant 0 : i32
    %dma_wait3A_607 = tpu.memref_slice %arg3[%add3A_603, %dma_wait3A_606] : memref<65536x512xf32, #tpu.memory_space<hbm>> -> memref<80x512xf32, #tpu.memory_space<hbm>>
    tpu.wait_dma2 semaphore(%arg10 : memref<!tpu.dma_semaphore, #tpu.memory_space<semaphore_mem>>) src(%arg4 : memref<80x512xf32, #tpu.memory_space<vmem>>) dst(%dma_wait3A_607 : memref<80x512xf32, #tpu.memory_space<hbm>>)
    %add3A_608 = arith.constant 1680 : i32
    %add3A_609 = arith.addi %mul3A_2, %add3A_608 : i32
    %dma_start3A_610 = arith.constant 0 : i32
    %dma_start3A_611 = tpu.memref_slice %arg2[%add3A_609, %dma_start3A_610] : memref<65536x512xf32, #tpu.memory_space<hbm>> -> memref<80x512xf32, #tpu.memory_space<hbm>>
    %dma_start3A_612 = arith.constant 0 : i32
    %dma_start3A_613 = tpu.memref_slice %arg2[%add3A_609, %dma_start3A_612] : memref<65536x512xf32, #tpu.memory_space<hbm>> -> memref<80x512xf32, #tpu.memory_space<hbm>>
    tpu.enqueue_dma source(%dma_start3A_613 : memref<80x512xf32, #tpu.memory_space<hbm>>) target(%arg4 : memref<80x512xf32, #tpu.memory_space<vmem>>) target_semaphore(%arg7 : memref<!tpu.dma_semaphore, #tpu.memory_space<semaphore_mem>>)
    %scan3A_614 = arith.constant 0 : i32
    %scan3A_615 = arith.constant 0 : i32
    %scan3A_616 = arith.constant 80 : i32
    %scan3A_617 = arith.addi %scan3A_615, %scan3A_616 : i32
    %scan3A_618 = arith.constant 1 : i32
    scf.for %scan3A_824 = %scan3A_615 to %scan3A_617 step %scan3A_618  : i32 {
      %get3A = arith.index_cast %scan3A_824 : i32 to index
      %get3A_825 = arith.constant 0 : index
      %get3A_826 = tpu.vector_load %arg5[%get3A, %get3A_825] {strides = array<i32>} : memref<80x512xf32, #tpu.memory_space<vmem>>, vector<1x16xf32>,
      %get3A_827 = vector.shape_cast %get3A_826 : vector<1x16xf32> to vector<16xf32>
      %jit3A = arith.constant 0.000000e+00 : f32
      %broadcast_in_dim3A = vector.broadcast %jit3A : f32 to vector<16xf32>
      %select_n3A = arith.select %eq3A_4, %broadcast_in_dim3A, %get3A_827 : vector<16xi1>, vector<16xf32>
      %swap3A = arith.index_cast %scan3A_824 : i32 to index
      %swap3A_828 = arith.constant 0 : index
      %swap3A_829 = tpu.vector_load %arg5[%swap3A, %swap3A_828] {strides = array<i32>} : memref<80x512xf32, #tpu.memory_space<vmem>>, vector<1x16xf32>,
      %swap3A_830 = vector.shape_cast %swap3A_829 : vector<1x16xf32> to vector<16xf32>
      %swap3A_831 = vector.shape_cast %select_n3A : vector<16xf32> to vector<1x16xf32>
      tpu.vector_store %arg5[%swap3A, %swap3A_828], %swap3A_831 {strides = array<i32>} : memref<80x512xf32, #tpu.memory_space<vmem>>, vector<1x16xf32>,
      %get3A_832 = arith.index_cast %scan3A_824 : i32 to index
      %get3A_833 = arith.constant 112 : index
      %get3A_834 = tpu.vector_load %arg5[%get3A_832, %get3A_833] {strides = array<i32>} : memref<80x512xf32, #tpu.memory_space<vmem>>, vector<1x16xf32>,
      %get3A_835 = vector.shape_cast %get3A_834 : vector<1x16xf32> to vector<16xf32>
      %jit3A_836 = arith.constant 0.000000e+00 : f32
      %broadcast_in_dim3A_837 = vector.broadcast %jit3A_836 : f32 to vector<16xf32>
      %select_n3A_838 = arith.select %eq3A_7, %broadcast_in_dim3A_837, %get3A_835 : vector<16xi1>, vector<16xf32>
      %swap3A_839 = arith.index_cast %scan3A_824 : i32 to index
      %swap3A_840 = arith.constant 112 : index
      %swap3A_841 = tpu.vector_load %arg5[%swap3A_839, %swap3A_840] {strides = array<i32>} : memref<80x512xf32, #tpu.memory_space<vmem>>, vector<1x16xf32>,
      %swap3A_842 = vector.shape_cast %swap3A_841 : vector<1x16xf32> to vector<16xf32>
      %swap3A_843 = vector.shape_cast %select_n3A_838 : vector<16xf32> to vector<1x16xf32>
      tpu.vector_store %arg5[%swap3A_839, %swap3A_840], %swap3A_843 {strides = array<i32>} : memref<80x512xf32, #tpu.memory_space<vmem>>, vector<1x16xf32>,
      %get3A_844 = arith.index_cast %scan3A_824 : i32 to index
      %get3A_845 = arith.constant 256 : index
      %get3A_846 = tpu.vector_load %arg5[%get3A_844, %get3A_845] {strides = array<i32>} : memref<80x512xf32, #tpu.memory_space<vmem>>, vector<1x16xf32>,
      %get3A_847 = vector.shape_cast %get3A_846 : vector<1x16xf32> to vector<16xf32>
      %jit3A_848 = arith.constant 0.000000e+00 : f32
      %broadcast_in_dim3A_849 = vector.broadcast %jit3A_848 : f32 to vector<16xf32>
      %select_n3A_850 = arith.select %or3A, %broadcast_in_dim3A_849, %get3A_847 : vector<16xi1>, vector<16xf32>
      %swap3A_851 = arith.index_cast %scan3A_824 : i32 to index
      %swap3A_852 = arith.constant 256 : index
      %swap3A_853 = tpu.vector_load %arg5[%swap3A_851, %swap3A_852] {strides = array<i32>} : memref<80x512xf32, #tpu.memory_space<vmem>>, vector<1x16xf32>,
      %swap3A_854 = vector.shape_cast %swap3A_853 : vector<1x16xf32> to vector<16xf32>
      %swap3A_855 = vector.shape_cast %select_n3A_850 : vector<16xf32> to vector<1x16xf32>
      tpu.vector_store %arg5[%swap3A_851, %swap3A_852], %swap3A_855 {strides = array<i32>} : memref<80x512xf32, #tpu.memory_space<vmem>>, vector<1x16xf32>,
      %get3A_856 = arith.index_cast %scan3A_824 : i32 to index
      %get3A_857 = arith.constant 320 : index
      %get3A_858 = tpu.vector_load %arg5[%get3A_856, %get3A_857] {strides = array<i32>} : memref<80x512xf32, #tpu.memory_space<vmem>>, vector<1x16xf32>,
      %get3A_859 = vector.shape_cast %get3A_858 : vector<1x16xf32> to vector<16xf32>
      %jit3A_860 = arith.constant 0.000000e+00 : f32
      %broadcast_in_dim3A_861 = vector.broadcast %jit3A_860 : f32 to vector<16xf32>
      %select_n3A_862 = arith.select %eq3A_16, %broadcast_in_dim3A_861, %get3A_859 : vector<16xi1>, vector<16xf32>
      %swap3A_863 = arith.index_cast %scan3A_824 : i32 to index
      %swap3A_864 = arith.constant 320 : index
      %swap3A_865 = tpu.vector_load %arg5[%swap3A_863, %swap3A_864] {strides = array<i32>} : memref<80x512xf32, #tpu.memory_space<vmem>>, vector<1x16xf32>,
      %swap3A_866 = vector.shape_cast %swap3A_865 : vector<1x16xf32> to vector<16xf32>
      %swap3A_867 = vector.shape_cast %select_n3A_862 : vector<16xf32> to vector<1x16xf32>
      tpu.vector_store %arg5[%swap3A_863, %swap3A_864], %swap3A_867 {strides = array<i32>} : memref<80x512xf32, #tpu.memory_space<vmem>>, vector<1x16xf32>,
      %get3A_868 = arith.index_cast %scan3A_824 : i32 to index
      %get3A_869 = arith.constant 336 : index
      %get3A_870 = tpu.vector_load %arg5[%get3A_868, %get3A_869] {strides = array<i32>} : memref<80x512xf32, #tpu.memory_space<vmem>>, vector<1x16xf32>,
      %get3A_871 = vector.shape_cast %get3A_870 : vector<1x16xf32> to vector<16xf32>
      %jit3A_872 = arith.constant 0.000000e+00 : f32
      %broadcast_in_dim3A_873 = vector.broadcast %jit3A_872 : f32 to vector<16xf32>
      %select_n3A_874 = arith.select %eq3A_19, %broadcast_in_dim3A_873, %get3A_871 : vector<16xi1>, vector<16xf32>
      %swap3A_875 = arith.index_cast %scan3A_824 : i32 to index
      %swap3A_876 = arith.constant 336 : index
      %swap3A_877 = tpu.vector_load %arg5[%swap3A_875, %swap3A_876] {strides = array<i32>} : memref<80x512xf32, #tpu.memory_space<vmem>>, vector<1x16xf32>,
      %swap3A_878 = vector.shape_cast %swap3A_877 : vector<1x16xf32> to vector<16xf32>
      %swap3A_879 = vector.shape_cast %select_n3A_874 : vector<16xf32> to vector<1x16xf32>
      tpu.vector_store %arg5[%swap3A_875, %swap3A_876], %swap3A_879 {strides = array<i32>} : memref<80x512xf32, #tpu.memory_space<vmem>>, vector<1x16xf32>,
      %get3A_880 = arith.index_cast %scan3A_824 : i32 to index
      %get3A_881 = arith.constant 368 : index
      %get3A_882 = tpu.vector_load %arg5[%get3A_880, %get3A_881] {strides = array<i32>} : memref<80x512xf32, #tpu.memory_space<vmem>>, vector<1x16xf32>,
      %get3A_883 = vector.shape_cast %get3A_882 : vector<1x16xf32> to vector<16xf32>
      %jit3A_884 = arith.constant 0.000000e+00 : f32
      %broadcast_in_dim3A_885 = vector.broadcast %jit3A_884 : f32 to vector<16xf32>
      %select_n3A_886 = arith.select %eq3A_22, %broadcast_in_dim3A_885, %get3A_883 : vector<16xi1>, vector<16xf32>
      %swap3A_887 = arith.index_cast %scan3A_824 : i32 to index
      %swap3A_888 = arith.constant 368 : index
      %swap3A_889 = tpu.vector_load %arg5[%swap3A_887, %swap3A_888] {strides = array<i32>} : memref<80x512xf32, #tpu.memory_space<vmem>>, vector<1x16xf32>,
      %swap3A_890 = vector.shape_cast %swap3A_889 : vector<1x16xf32> to vector<16xf32>
      %swap3A_891 = vector.shape_cast %select_n3A_886 : vector<16xf32> to vector<1x16xf32>
      tpu.vector_store %arg5[%swap3A_887, %swap3A_888], %swap3A_891 {strides = array<i32>} : memref<80x512xf32, #tpu.memory_space<vmem>>, vector<1x16xf32>,
    }
    %scan3A_619 = arith.constant 80 : i32
    %add3A_620 = arith.constant 1520 : i32
    %add3A_621 = arith.addi %mul3A_2, %add3A_620 : i32
    %dma_start3A_622 = arith.constant 0 : i32
    %dma_start3A_623 = tpu.memref_slice %arg3[%add3A_621, %dma_start3A_622] : memref<65536x512xf32, #tpu.memory_space<hbm>> -> memref<80x512xf32, #tpu.memory_space<hbm>>
    %dma_start3A_624 = arith.constant 0 : i32
    %dma_start3A_625 = tpu.memref_slice %arg3[%add3A_621, %dma_start3A_624] : memref<65536x512xf32, #tpu.memory_space<hbm>> -> memref<80x512xf32, #tpu.memory_space<hbm>>
    tpu.enqueue_dma source(%arg5 : memref<80x512xf32, #tpu.memory_space<vmem>>) target(%dma_start3A_625 : memref<80x512xf32, #tpu.memory_space<hbm>>) target_semaphore(%arg11 : memref<!tpu.dma_semaphore, #tpu.memory_space<semaphore_mem>>)
    %add3A_626 = arith.constant 1600 : i32
    %add3A_627 = arith.addi %mul3A_2, %add3A_626 : i32
    %dma_wait3A_628 = arith.constant 0 : i32
    %dma_wait3A_629 = tpu.memref_slice %arg2[%add3A_627, %dma_wait3A_628] : memref<65536x512xf32, #tpu.memory_space<hbm>> -> memref<80x512xf32, #tpu.memory_space<hbm>>
    %dma_wait3A_630 = arith.constant 0 : i32
    %dma_wait3A_631 = tpu.memref_slice %arg2[%add3A_627, %dma_wait3A_630] : memref<65536x512xf32, #tpu.memory_space<hbm>> -> memref<80x512xf32, #tpu.memory_space<hbm>>
    tpu.wait_dma2 semaphore(%arg9 : memref<!tpu.dma_semaphore, #tpu.memory_space<semaphore_mem>>) src(%dma_wait3A_631 : memref<80x512xf32, #tpu.memory_space<hbm>>) dst(%arg6 : memref<80x512xf32, #tpu.memory_space<vmem>>)
    %add3A_632 = arith.constant 1520 : i32
    %add3A_633 = arith.addi %mul3A_2, %add3A_632 : i32
    %dma_wait3A_634 = arith.constant 0 : i32
    %dma_wait3A_635 = tpu.memref_slice %arg3[%add3A_633, %dma_wait3A_634] : memref<65536x512xf32, #tpu.memory_space<hbm>> -> memref<80x512xf32, #tpu.memory_space<hbm>>
    %dma_wait3A_636 = arith.constant 0 : i32
    %dma_wait3A_637 = tpu.memref_slice %arg3[%add3A_633, %dma_wait3A_636] : memref<65536x512xf32, #tpu.memory_space<hbm>> -> memref<80x512xf32, #tpu.memory_space<hbm>>
    tpu.wait_dma2 semaphore(%arg11 : memref<!tpu.dma_semaphore, #tpu.memory_space<semaphore_mem>>) src(%arg5 : memref<80x512xf32, #tpu.memory_space<vmem>>) dst(%dma_wait3A_637 : memref<80x512xf32, #tpu.memory_space<hbm>>)
    %add3A_638 = arith.constant 1760 : i32
    %add3A_639 = arith.addi %mul3A_2, %add3A_638 : i32
    %dma_start3A_640 = arith.constant 0 : i32
    %dma_start3A_641 = tpu.memref_slice %arg2[%add3A_639, %dma_start3A_640] : memref<65536x512xf32, #tpu.memory_space<hbm>> -> memref<80x512xf32, #tpu.memory_space<hbm>>
    %dma_start3A_642 = arith.constant 0 : i32
    %dma_start3A_643 = tpu.memref_slice %arg2[%add3A_639, %dma_start3A_642] : memref<65536x512xf32, #tpu.memory_space<hbm>> -> memref<80x512xf32, #tpu.memory_space<hbm>>
    tpu.enqueue_dma source(%dma_start3A_643 : memref<80x512xf32, #tpu.memory_space<hbm>>) target(%arg5 : memref<80x512xf32, #tpu.memory_space<vmem>>) target_semaphore(%arg8 : memref<!tpu.dma_semaphore, #tpu.memory_space<semaphore_mem>>)
    %scan3A_644 = arith.constant 0 : i32
    %scan3A_645 = arith.constant 0 : i32
    %scan3A_646 = arith.constant 80 : i32
    %scan3A_647 = arith.addi %scan3A_645, %scan3A_646 : i32
    %scan3A_648 = arith.constant 1 : i32
    scf.for %scan3A_824 = %scan3A_645 to %scan3A_647 step %scan3A_648  : i32 {
      %get3A = arith.index_cast %scan3A_824 : i32 to index
      %get3A_825 = arith.constant 0 : index
      %get3A_826 = tpu.vector_load %arg6[%get3A, %get3A_825] {strides = array<i32>} : memref<80x512xf32, #tpu.memory_space<vmem>>, vector<1x16xf32>,
      %get3A_827 = vector.shape_cast %get3A_826 : vector<1x16xf32> to vector<16xf32>
      %jit3A = arith.constant 0.000000e+00 : f32
      %broadcast_in_dim3A = vector.broadcast %jit3A : f32 to vector<16xf32>
      %select_n3A = arith.select %eq3A_4, %broadcast_in_dim3A, %get3A_827 : vector<16xi1>, vector<16xf32>
      %swap3A = arith.index_cast %scan3A_824 : i32 to index
      %swap3A_828 = arith.constant 0 : index
      %swap3A_829 = tpu.vector_load %arg6[%swap3A, %swap3A_828] {strides = array<i32>} : memref<80x512xf32, #tpu.memory_space<vmem>>, vector<1x16xf32>,
      %swap3A_830 = vector.shape_cast %swap3A_829 : vector<1x16xf32> to vector<16xf32>
      %swap3A_831 = vector.shape_cast %select_n3A : vector<16xf32> to vector<1x16xf32>
      tpu.vector_store %arg6[%swap3A, %swap3A_828], %swap3A_831 {strides = array<i32>} : memref<80x512xf32, #tpu.memory_space<vmem>>, vector<1x16xf32>,
      %get3A_832 = arith.index_cast %scan3A_824 : i32 to index
      %get3A_833 = arith.constant 112 : index
      %get3A_834 = tpu.vector_load %arg6[%get3A_832, %get3A_833] {strides = array<i32>} : memref<80x512xf32, #tpu.memory_space<vmem>>, vector<1x16xf32>,
      %get3A_835 = vector.shape_cast %get3A_834 : vector<1x16xf32> to vector<16xf32>
      %jit3A_836 = arith.constant 0.000000e+00 : f32
      %broadcast_in_dim3A_837 = vector.broadcast %jit3A_836 : f32 to vector<16xf32>
      %select_n3A_838 = arith.select %eq3A_7, %broadcast_in_dim3A_837, %get3A_835 : vector<16xi1>, vector<16xf32>
      %swap3A_839 = arith.index_cast %scan3A_824 : i32 to index
      %swap3A_840 = arith.constant 112 : index
      %swap3A_841 = tpu.vector_load %arg6[%swap3A_839, %swap3A_840] {strides = array<i32>} : memref<80x512xf32, #tpu.memory_space<vmem>>, vector<1x16xf32>,
      %swap3A_842 = vector.shape_cast %swap3A_841 : vector<1x16xf32> to vector<16xf32>
      %swap3A_843 = vector.shape_cast %select_n3A_838 : vector<16xf32> to vector<1x16xf32>
      tpu.vector_store %arg6[%swap3A_839, %swap3A_840], %swap3A_843 {strides = array<i32>} : memref<80x512xf32, #tpu.memory_space<vmem>>, vector<1x16xf32>,
      %get3A_844 = arith.index_cast %scan3A_824 : i32 to index
      %get3A_845 = arith.constant 256 : index
      %get3A_846 = tpu.vector_load %arg6[%get3A_844, %get3A_845] {strides = array<i32>} : memref<80x512xf32, #tpu.memory_space<vmem>>, vector<1x16xf32>,
      %get3A_847 = vector.shape_cast %get3A_846 : vector<1x16xf32> to vector<16xf32>
      %jit3A_848 = arith.constant 0.000000e+00 : f32
      %broadcast_in_dim3A_849 = vector.broadcast %jit3A_848 : f32 to vector<16xf32>
      %select_n3A_850 = arith.select %or3A, %broadcast_in_dim3A_849, %get3A_847 : vector<16xi1>, vector<16xf32>
      %swap3A_851 = arith.index_cast %scan3A_824 : i32 to index
      %swap3A_852 = arith.constant 256 : index
      %swap3A_853 = tpu.vector_load %arg6[%swap3A_851, %swap3A_852] {strides = array<i32>} : memref<80x512xf32, #tpu.memory_space<vmem>>, vector<1x16xf32>,
      %swap3A_854 = vector.shape_cast %swap3A_853 : vector<1x16xf32> to vector<16xf32>
      %swap3A_855 = vector.shape_cast %select_n3A_850 : vector<16xf32> to vector<1x16xf32>
      tpu.vector_store %arg6[%swap3A_851, %swap3A_852], %swap3A_855 {strides = array<i32>} : memref<80x512xf32, #tpu.memory_space<vmem>>, vector<1x16xf32>,
      %get3A_856 = arith.index_cast %scan3A_824 : i32 to index
      %get3A_857 = arith.constant 320 : index
      %get3A_858 = tpu.vector_load %arg6[%get3A_856, %get3A_857] {strides = array<i32>} : memref<80x512xf32, #tpu.memory_space<vmem>>, vector<1x16xf32>,
      %get3A_859 = vector.shape_cast %get3A_858 : vector<1x16xf32> to vector<16xf32>
      %jit3A_860 = arith.constant 0.000000e+00 : f32
      %broadcast_in_dim3A_861 = vector.broadcast %jit3A_860 : f32 to vector<16xf32>
      %select_n3A_862 = arith.select %eq3A_16, %broadcast_in_dim3A_861, %get3A_859 : vector<16xi1>, vector<16xf32>
      %swap3A_863 = arith.index_cast %scan3A_824 : i32 to index
      %swap3A_864 = arith.constant 320 : index
      %swap3A_865 = tpu.vector_load %arg6[%swap3A_863, %swap3A_864] {strides = array<i32>} : memref<80x512xf32, #tpu.memory_space<vmem>>, vector<1x16xf32>,
      %swap3A_866 = vector.shape_cast %swap3A_865 : vector<1x16xf32> to vector<16xf32>
      %swap3A_867 = vector.shape_cast %select_n3A_862 : vector<16xf32> to vector<1x16xf32>
      tpu.vector_store %arg6[%swap3A_863, %swap3A_864], %swap3A_867 {strides = array<i32>} : memref<80x512xf32, #tpu.memory_space<vmem>>, vector<1x16xf32>,
      %get3A_868 = arith.index_cast %scan3A_824 : i32 to index
      %get3A_869 = arith.constant 336 : index
      %get3A_870 = tpu.vector_load %arg6[%get3A_868, %get3A_869] {strides = array<i32>} : memref<80x512xf32, #tpu.memory_space<vmem>>, vector<1x16xf32>,
      %get3A_871 = vector.shape_cast %get3A_870 : vector<1x16xf32> to vector<16xf32>
      %jit3A_872 = arith.constant 0.000000e+00 : f32
      %broadcast_in_dim3A_873 = vector.broadcast %jit3A_872 : f32 to vector<16xf32>
      %select_n3A_874 = arith.select %eq3A_19, %broadcast_in_dim3A_873, %get3A_871 : vector<16xi1>, vector<16xf32>
      %swap3A_875 = arith.index_cast %scan3A_824 : i32 to index
      %swap3A_876 = arith.constant 336 : index
      %swap3A_877 = tpu.vector_load %arg6[%swap3A_875, %swap3A_876] {strides = array<i32>} : memref<80x512xf32, #tpu.memory_space<vmem>>, vector<1x16xf32>,
      %swap3A_878 = vector.shape_cast %swap3A_877 : vector<1x16xf32> to vector<16xf32>
      %swap3A_879 = vector.shape_cast %select_n3A_874 : vector<16xf32> to vector<1x16xf32>
      tpu.vector_store %arg6[%swap3A_875, %swap3A_876], %swap3A_879 {strides = array<i32>} : memref<80x512xf32, #tpu.memory_space<vmem>>, vector<1x16xf32>,
      %get3A_880 = arith.index_cast %scan3A_824 : i32 to index
      %get3A_881 = arith.constant 368 : index
      %get3A_882 = tpu.vector_load %arg6[%get3A_880, %get3A_881] {strides = array<i32>} : memref<80x512xf32, #tpu.memory_space<vmem>>, vector<1x16xf32>,
      %get3A_883 = vector.shape_cast %get3A_882 : vector<1x16xf32> to vector<16xf32>
      %jit3A_884 = arith.constant 0.000000e+00 : f32
      %broadcast_in_dim3A_885 = vector.broadcast %jit3A_884 : f32 to vector<16xf32>
      %select_n3A_886 = arith.select %eq3A_22, %broadcast_in_dim3A_885, %get3A_883 : vector<16xi1>, vector<16xf32>
      %swap3A_887 = arith.index_cast %scan3A_824 : i32 to index
      %swap3A_888 = arith.constant 368 : index
      %swap3A_889 = tpu.vector_load %arg6[%swap3A_887, %swap3A_888] {strides = array<i32>} : memref<80x512xf32, #tpu.memory_space<vmem>>, vector<1x16xf32>,
      %swap3A_890 = vector.shape_cast %swap3A_889 : vector<1x16xf32> to vector<16xf32>
      %swap3A_891 = vector.shape_cast %select_n3A_886 : vector<16xf32> to vector<1x16xf32>
      tpu.vector_store %arg6[%swap3A_887, %swap3A_888], %swap3A_891 {strides = array<i32>} : memref<80x512xf32, #tpu.memory_space<vmem>>, vector<1x16xf32>,
    }
    %scan3A_649 = arith.constant 80 : i32
    %add3A_650 = arith.constant 1600 : i32
    %add3A_651 = arith.addi %mul3A_2, %add3A_650 : i32
    %dma_start3A_652 = arith.constant 0 : i32
    %dma_start3A_653 = tpu.memref_slice %arg3[%add3A_651, %dma_start3A_652] : memref<65536x512xf32, #tpu.memory_space<hbm>> -> memref<80x512xf32, #tpu.memory_space<hbm>>
    %dma_start3A_654 = arith.constant 0 : i32
    %dma_start3A_655 = tpu.memref_slice %arg3[%add3A_651, %dma_start3A_654] : memref<65536x512xf32, #tpu.memory_space<hbm>> -> memref<80x512xf32, #tpu.memory_space<hbm>>
    tpu.enqueue_dma source(%arg6 : memref<80x512xf32, #tpu.memory_space<vmem>>) target(%dma_start3A_655 : memref<80x512xf32, #tpu.memory_space<hbm>>) target_semaphore(%arg12 : memref<!tpu.dma_semaphore, #tpu.memory_space<semaphore_mem>>)
    %add3A_656 = arith.constant 1680 : i32
    %add3A_657 = arith.addi %mul3A_2, %add3A_656 : i32
    %dma_wait3A_658 = arith.constant 0 : i32
    %dma_wait3A_659 = tpu.memref_slice %arg2[%add3A_657, %dma_wait3A_658] : memref<65536x512xf32, #tpu.memory_space<hbm>> -> memref<80x512xf32, #tpu.memory_space<hbm>>
    %dma_wait3A_660 = arith.constant 0 : i32
    %dma_wait3A_661 = tpu.memref_slice %arg2[%add3A_657, %dma_wait3A_660] : memref<65536x512xf32, #tpu.memory_space<hbm>> -> memref<80x512xf32, #tpu.memory_space<hbm>>
    tpu.wait_dma2 semaphore(%arg7 : memref<!tpu.dma_semaphore, #tpu.memory_space<semaphore_mem>>) src(%dma_wait3A_661 : memref<80x512xf32, #tpu.memory_space<hbm>>) dst(%arg4 : memref<80x512xf32, #tpu.memory_space<vmem>>)
    %add3A_662 = arith.constant 1600 : i32
    %add3A_663 = arith.addi %mul3A_2, %add3A_662 : i32
    %dma_wait3A_664 = arith.constant 0 : i32
    %dma_wait3A_665 = tpu.memref_slice %arg3[%add3A_663, %dma_wait3A_664] : memref<65536x512xf32, #tpu.memory_space<hbm>> -> memref<80x512xf32, #tpu.memory_space<hbm>>
    %dma_wait3A_666 = arith.constant 0 : i32
    %dma_wait3A_667 = tpu.memref_slice %arg3[%add3A_663, %dma_wait3A_666] : memref<65536x512xf32, #tpu.memory_space<hbm>> -> memref<80x512xf32, #tpu.memory_space<hbm>>
    tpu.wait_dma2 semaphore(%arg12 : memref<!tpu.dma_semaphore, #tpu.memory_space<semaphore_mem>>) src(%arg6 : memref<80x512xf32, #tpu.memory_space<vmem>>) dst(%dma_wait3A_667 : memref<80x512xf32, #tpu.memory_space<hbm>>)
    %add3A_668 = arith.constant 1840 : i32
    %add3A_669 = arith.addi %mul3A_2, %add3A_668 : i32
    %dma_start3A_670 = arith.constant 0 : i32
    %dma_start3A_671 = tpu.memref_slice %arg2[%add3A_669, %dma_start3A_670] : memref<65536x512xf32, #tpu.memory_space<hbm>> -> memref<80x512xf32, #tpu.memory_space<hbm>>
    %dma_start3A_672 = arith.constant 0 : i32
    %dma_start3A_673 = tpu.memref_slice %arg2[%add3A_669, %dma_start3A_672] : memref<65536x512xf32, #tpu.memory_space<hbm>> -> memref<80x512xf32, #tpu.memory_space<hbm>>
    tpu.enqueue_dma source(%dma_start3A_673 : memref<80x512xf32, #tpu.memory_space<hbm>>) target(%arg6 : memref<80x512xf32, #tpu.memory_space<vmem>>) target_semaphore(%arg9 : memref<!tpu.dma_semaphore, #tpu.memory_space<semaphore_mem>>)
    %scan3A_674 = arith.constant 0 : i32
    %scan3A_675 = arith.constant 0 : i32
    %scan3A_676 = arith.constant 80 : i32
    %scan3A_677 = arith.addi %scan3A_675, %scan3A_676 : i32
    %scan3A_678 = arith.constant 1 : i32
    scf.for %scan3A_824 = %scan3A_675 to %scan3A_677 step %scan3A_678  : i32 {
      %get3A = arith.index_cast %scan3A_824 : i32 to index
      %get3A_825 = arith.constant 0 : index
      %get3A_826 = tpu.vector_load %arg4[%get3A, %get3A_825] {strides = array<i32>} : memref<80x512xf32, #tpu.memory_space<vmem>>, vector<1x16xf32>,
      %get3A_827 = vector.shape_cast %get3A_826 : vector<1x16xf32> to vector<16xf32>
      %jit3A = arith.constant 0.000000e+00 : f32
      %broadcast_in_dim3A = vector.broadcast %jit3A : f32 to vector<16xf32>
      %select_n3A = arith.select %eq3A_4, %broadcast_in_dim3A, %get3A_827 : vector<16xi1>, vector<16xf32>
      %swap3A = arith.index_cast %scan3A_824 : i32 to index
      %swap3A_828 = arith.constant 0 : index
      %swap3A_829 = tpu.vector_load %arg4[%swap3A, %swap3A_828] {strides = array<i32>} : memref<80x512xf32, #tpu.memory_space<vmem>>, vector<1x16xf32>,
      %swap3A_830 = vector.shape_cast %swap3A_829 : vector<1x16xf32> to vector<16xf32>
      %swap3A_831 = vector.shape_cast %select_n3A : vector<16xf32> to vector<1x16xf32>
      tpu.vector_store %arg4[%swap3A, %swap3A_828], %swap3A_831 {strides = array<i32>} : memref<80x512xf32, #tpu.memory_space<vmem>>, vector<1x16xf32>,
      %get3A_832 = arith.index_cast %scan3A_824 : i32 to index
      %get3A_833 = arith.constant 112 : index
      %get3A_834 = tpu.vector_load %arg4[%get3A_832, %get3A_833] {strides = array<i32>} : memref<80x512xf32, #tpu.memory_space<vmem>>, vector<1x16xf32>,
      %get3A_835 = vector.shape_cast %get3A_834 : vector<1x16xf32> to vector<16xf32>
      %jit3A_836 = arith.constant 0.000000e+00 : f32
      %broadcast_in_dim3A_837 = vector.broadcast %jit3A_836 : f32 to vector<16xf32>
      %select_n3A_838 = arith.select %eq3A_7, %broadcast_in_dim3A_837, %get3A_835 : vector<16xi1>, vector<16xf32>
      %swap3A_839 = arith.index_cast %scan3A_824 : i32 to index
      %swap3A_840 = arith.constant 112 : index
      %swap3A_841 = tpu.vector_load %arg4[%swap3A_839, %swap3A_840] {strides = array<i32>} : memref<80x512xf32, #tpu.memory_space<vmem>>, vector<1x16xf32>,
      %swap3A_842 = vector.shape_cast %swap3A_841 : vector<1x16xf32> to vector<16xf32>
      %swap3A_843 = vector.shape_cast %select_n3A_838 : vector<16xf32> to vector<1x16xf32>
      tpu.vector_store %arg4[%swap3A_839, %swap3A_840], %swap3A_843 {strides = array<i32>} : memref<80x512xf32, #tpu.memory_space<vmem>>, vector<1x16xf32>,
      %get3A_844 = arith.index_cast %scan3A_824 : i32 to index
      %get3A_845 = arith.constant 256 : index
      %get3A_846 = tpu.vector_load %arg4[%get3A_844, %get3A_845] {strides = array<i32>} : memref<80x512xf32, #tpu.memory_space<vmem>>, vector<1x16xf32>,
      %get3A_847 = vector.shape_cast %get3A_846 : vector<1x16xf32> to vector<16xf32>
      %jit3A_848 = arith.constant 0.000000e+00 : f32
      %broadcast_in_dim3A_849 = vector.broadcast %jit3A_848 : f32 to vector<16xf32>
      %select_n3A_850 = arith.select %or3A, %broadcast_in_dim3A_849, %get3A_847 : vector<16xi1>, vector<16xf32>
      %swap3A_851 = arith.index_cast %scan3A_824 : i32 to index
      %swap3A_852 = arith.constant 256 : index
      %swap3A_853 = tpu.vector_load %arg4[%swap3A_851, %swap3A_852] {strides = array<i32>} : memref<80x512xf32, #tpu.memory_space<vmem>>, vector<1x16xf32>,
      %swap3A_854 = vector.shape_cast %swap3A_853 : vector<1x16xf32> to vector<16xf32>
      %swap3A_855 = vector.shape_cast %select_n3A_850 : vector<16xf32> to vector<1x16xf32>
      tpu.vector_store %arg4[%swap3A_851, %swap3A_852], %swap3A_855 {strides = array<i32>} : memref<80x512xf32, #tpu.memory_space<vmem>>, vector<1x16xf32>,
      %get3A_856 = arith.index_cast %scan3A_824 : i32 to index
      %get3A_857 = arith.constant 320 : index
      %get3A_858 = tpu.vector_load %arg4[%get3A_856, %get3A_857] {strides = array<i32>} : memref<80x512xf32, #tpu.memory_space<vmem>>, vector<1x16xf32>,
      %get3A_859 = vector.shape_cast %get3A_858 : vector<1x16xf32> to vector<16xf32>
      %jit3A_860 = arith.constant 0.000000e+00 : f32
      %broadcast_in_dim3A_861 = vector.broadcast %jit3A_860 : f32 to vector<16xf32>
      %select_n3A_862 = arith.select %eq3A_16, %broadcast_in_dim3A_861, %get3A_859 : vector<16xi1>, vector<16xf32>
      %swap3A_863 = arith.index_cast %scan3A_824 : i32 to index
      %swap3A_864 = arith.constant 320 : index
      %swap3A_865 = tpu.vector_load %arg4[%swap3A_863, %swap3A_864] {strides = array<i32>} : memref<80x512xf32, #tpu.memory_space<vmem>>, vector<1x16xf32>,
      %swap3A_866 = vector.shape_cast %swap3A_865 : vector<1x16xf32> to vector<16xf32>
      %swap3A_867 = vector.shape_cast %select_n3A_862 : vector<16xf32> to vector<1x16xf32>
      tpu.vector_store %arg4[%swap3A_863, %swap3A_864], %swap3A_867 {strides = array<i32>} : memref<80x512xf32, #tpu.memory_space<vmem>>, vector<1x16xf32>,
      %get3A_868 = arith.index_cast %scan3A_824 : i32 to index
      %get3A_869 = arith.constant 336 : index
      %get3A_870 = tpu.vector_load %arg4[%get3A_868, %get3A_869] {strides = array<i32>} : memref<80x512xf32, #tpu.memory_space<vmem>>, vector<1x16xf32>,
      %get3A_871 = vector.shape_cast %get3A_870 : vector<1x16xf32> to vector<16xf32>
      %jit3A_872 = arith.constant 0.000000e+00 : f32
      %broadcast_in_dim3A_873 = vector.broadcast %jit3A_872 : f32 to vector<16xf32>
      %select_n3A_874 = arith.select %eq3A_19, %broadcast_in_dim3A_873, %get3A_871 : vector<16xi1>, vector<16xf32>
      %swap3A_875 = arith.index_cast %scan3A_824 : i32 to index
      %swap3A_876 = arith.constant 336 : index
      %swap3A_877 = tpu.vector_load %arg4[%swap3A_875, %swap3A_876] {strides = array<i32>} : memref<80x512xf32, #tpu.memory_space<vmem>>, vector<1x16xf32>,
      %swap3A_878 = vector.shape_cast %swap3A_877 : vector<1x16xf32> to vector<16xf32>
      %swap3A_879 = vector.shape_cast %select_n3A_874 : vector<16xf32> to vector<1x16xf32>
      tpu.vector_store %arg4[%swap3A_875, %swap3A_876], %swap3A_879 {strides = array<i32>} : memref<80x512xf32, #tpu.memory_space<vmem>>, vector<1x16xf32>,
      %get3A_880 = arith.index_cast %scan3A_824 : i32 to index
      %get3A_881 = arith.constant 368 : index
      %get3A_882 = tpu.vector_load %arg4[%get3A_880, %get3A_881] {strides = array<i32>} : memref<80x512xf32, #tpu.memory_space<vmem>>, vector<1x16xf32>,
      %get3A_883 = vector.shape_cast %get3A_882 : vector<1x16xf32> to vector<16xf32>
      %jit3A_884 = arith.constant 0.000000e+00 : f32
      %broadcast_in_dim3A_885 = vector.broadcast %jit3A_884 : f32 to vector<16xf32>
      %select_n3A_886 = arith.select %eq3A_22, %broadcast_in_dim3A_885, %get3A_883 : vector<16xi1>, vector<16xf32>
      %swap3A_887 = arith.index_cast %scan3A_824 : i32 to index
      %swap3A_888 = arith.constant 368 : index
      %swap3A_889 = tpu.vector_load %arg4[%swap3A_887, %swap3A_888] {strides = array<i32>} : memref<80x512xf32, #tpu.memory_space<vmem>>, vector<1x16xf32>,
      %swap3A_890 = vector.shape_cast %swap3A_889 : vector<1x16xf32> to vector<16xf32>
      %swap3A_891 = vector.shape_cast %select_n3A_886 : vector<16xf32> to vector<1x16xf32>
      tpu.vector_store %arg4[%swap3A_887, %swap3A_888], %swap3A_891 {strides = array<i32>} : memref<80x512xf32, #tpu.memory_space<vmem>>, vector<1x16xf32>,
    }
    %scan3A_679 = arith.constant 80 : i32
    %add3A_680 = arith.constant 1680 : i32
    %add3A_681 = arith.addi %mul3A_2, %add3A_680 : i32
    %dma_start3A_682 = arith.constant 0 : i32
    %dma_start3A_683 = tpu.memref_slice %arg3[%add3A_681, %dma_start3A_682] : memref<65536x512xf32, #tpu.memory_space<hbm>> -> memref<80x512xf32, #tpu.memory_space<hbm>>
    %dma_start3A_684 = arith.constant 0 : i32
    %dma_start3A_685 = tpu.memref_slice %arg3[%add3A_681, %dma_start3A_684] : memref<65536x512xf32, #tpu.memory_space<hbm>> -> memref<80x512xf32, #tpu.memory_space<hbm>>
    tpu.enqueue_dma source(%arg4 : memref<80x512xf32, #tpu.memory_space<vmem>>) target(%dma_start3A_685 : memref<80x512xf32, #tpu.memory_space<hbm>>) target_semaphore(%arg10 : memref<!tpu.dma_semaphore, #tpu.memory_space<semaphore_mem>>)
    %add3A_686 = arith.constant 1760 : i32
    %add3A_687 = arith.addi %mul3A_2, %add3A_686 : i32
    %dma_wait3A_688 = arith.constant 0 : i32
    %dma_wait3A_689 = tpu.memref_slice %arg2[%add3A_687, %dma_wait3A_688] : memref<65536x512xf32, #tpu.memory_space<hbm>> -> memref<80x512xf32, #tpu.memory_space<hbm>>
    %dma_wait3A_690 = arith.constant 0 : i32
    %dma_wait3A_691 = tpu.memref_slice %arg2[%add3A_687, %dma_wait3A_690] : memref<65536x512xf32, #tpu.memory_space<hbm>> -> memref<80x512xf32, #tpu.memory_space<hbm>>
    tpu.wait_dma2 semaphore(%arg8 : memref<!tpu.dma_semaphore, #tpu.memory_space<semaphore_mem>>) src(%dma_wait3A_691 : memref<80x512xf32, #tpu.memory_space<hbm>>) dst(%arg5 : memref<80x512xf32, #tpu.memory_space<vmem>>)
    %add3A_692 = arith.constant 1680 : i32
    %add3A_693 = arith.addi %mul3A_2, %add3A_692 : i32
    %dma_wait3A_694 = arith.constant 0 : i32
    %dma_wait3A_695 = tpu.memref_slice %arg3[%add3A_693, %dma_wait3A_694] : memref<65536x512xf32, #tpu.memory_space<hbm>> -> memref<80x512xf32, #tpu.memory_space<hbm>>
    %dma_wait3A_696 = arith.constant 0 : i32
    %dma_wait3A_697 = tpu.memref_slice %arg3[%add3A_693, %dma_wait3A_696] : memref<65536x512xf32, #tpu.memory_space<hbm>> -> memref<80x512xf32, #tpu.memory_space<hbm>>
    tpu.wait_dma2 semaphore(%arg10 : memref<!tpu.dma_semaphore, #tpu.memory_space<semaphore_mem>>) src(%arg4 : memref<80x512xf32, #tpu.memory_space<vmem>>) dst(%dma_wait3A_697 : memref<80x512xf32, #tpu.memory_space<hbm>>)
    %add3A_698 = arith.constant 1920 : i32
    %add3A_699 = arith.addi %mul3A_2, %add3A_698 : i32
    %dma_start3A_700 = arith.constant 0 : i32
    %dma_start3A_701 = tpu.memref_slice %arg2[%add3A_699, %dma_start3A_700] : memref<65536x512xf32, #tpu.memory_space<hbm>> -> memref<80x512xf32, #tpu.memory_space<hbm>>
    %dma_start3A_702 = arith.constant 0 : i32
    %dma_start3A_703 = tpu.memref_slice %arg2[%add3A_699, %dma_start3A_702] : memref<65536x512xf32, #tpu.memory_space<hbm>> -> memref<80x512xf32, #tpu.memory_space<hbm>>
    tpu.enqueue_dma source(%dma_start3A_703 : memref<80x512xf32, #tpu.memory_space<hbm>>) target(%arg4 : memref<80x512xf32, #tpu.memory_space<vmem>>) target_semaphore(%arg7 : memref<!tpu.dma_semaphore, #tpu.memory_space<semaphore_mem>>)
    %scan3A_704 = arith.constant 0 : i32
    %scan3A_705 = arith.constant 0 : i32
    %scan3A_706 = arith.constant 80 : i32
    %scan3A_707 = arith.addi %scan3A_705, %scan3A_706 : i32
    %scan3A_708 = arith.constant 1 : i32
    scf.for %scan3A_824 = %scan3A_705 to %scan3A_707 step %scan3A_708  : i32 {
      %get3A = arith.index_cast %scan3A_824 : i32 to index
      %get3A_825 = arith.constant 0 : index
      %get3A_826 = tpu.vector_load %arg5[%get3A, %get3A_825] {strides = array<i32>} : memref<80x512xf32, #tpu.memory_space<vmem>>, vector<1x16xf32>,
      %get3A_827 = vector.shape_cast %get3A_826 : vector<1x16xf32> to vector<16xf32>
      %jit3A = arith.constant 0.000000e+00 : f32
      %broadcast_in_dim3A = vector.broadcast %jit3A : f32 to vector<16xf32>
      %select_n3A = arith.select %eq3A_4, %broadcast_in_dim3A, %get3A_827 : vector<16xi1>, vector<16xf32>
      %swap3A = arith.index_cast %scan3A_824 : i32 to index
      %swap3A_828 = arith.constant 0 : index
      %swap3A_829 = tpu.vector_load %arg5[%swap3A, %swap3A_828] {strides = array<i32>} : memref<80x512xf32, #tpu.memory_space<vmem>>, vector<1x16xf32>,
      %swap3A_830 = vector.shape_cast %swap3A_829 : vector<1x16xf32> to vector<16xf32>
      %swap3A_831 = vector.shape_cast %select_n3A : vector<16xf32> to vector<1x16xf32>
      tpu.vector_store %arg5[%swap3A, %swap3A_828], %swap3A_831 {strides = array<i32>} : memref<80x512xf32, #tpu.memory_space<vmem>>, vector<1x16xf32>,
      %get3A_832 = arith.index_cast %scan3A_824 : i32 to index
      %get3A_833 = arith.constant 112 : index
      %get3A_834 = tpu.vector_load %arg5[%get3A_832, %get3A_833] {strides = array<i32>} : memref<80x512xf32, #tpu.memory_space<vmem>>, vector<1x16xf32>,
      %get3A_835 = vector.shape_cast %get3A_834 : vector<1x16xf32> to vector<16xf32>
      %jit3A_836 = arith.constant 0.000000e+00 : f32
      %broadcast_in_dim3A_837 = vector.broadcast %jit3A_836 : f32 to vector<16xf32>
      %select_n3A_838 = arith.select %eq3A_7, %broadcast_in_dim3A_837, %get3A_835 : vector<16xi1>, vector<16xf32>
      %swap3A_839 = arith.index_cast %scan3A_824 : i32 to index
      %swap3A_840 = arith.constant 112 : index
      %swap3A_841 = tpu.vector_load %arg5[%swap3A_839, %swap3A_840] {strides = array<i32>} : memref<80x512xf32, #tpu.memory_space<vmem>>, vector<1x16xf32>,
      %swap3A_842 = vector.shape_cast %swap3A_841 : vector<1x16xf32> to vector<16xf32>
      %swap3A_843 = vector.shape_cast %select_n3A_838 : vector<16xf32> to vector<1x16xf32>
      tpu.vector_store %arg5[%swap3A_839, %swap3A_840], %swap3A_843 {strides = array<i32>} : memref<80x512xf32, #tpu.memory_space<vmem>>, vector<1x16xf32>,
      %get3A_844 = arith.index_cast %scan3A_824 : i32 to index
      %get3A_845 = arith.constant 256 : index
      %get3A_846 = tpu.vector_load %arg5[%get3A_844, %get3A_845] {strides = array<i32>} : memref<80x512xf32, #tpu.memory_space<vmem>>, vector<1x16xf32>,
      %get3A_847 = vector.shape_cast %get3A_846 : vector<1x16xf32> to vector<16xf32>
      %jit3A_848 = arith.constant 0.000000e+00 : f32
      %broadcast_in_dim3A_849 = vector.broadcast %jit3A_848 : f32 to vector<16xf32>
      %select_n3A_850 = arith.select %or3A, %broadcast_in_dim3A_849, %get3A_847 : vector<16xi1>, vector<16xf32>
      %swap3A_851 = arith.index_cast %scan3A_824 : i32 to index
      %swap3A_852 = arith.constant 256 : index
      %swap3A_853 = tpu.vector_load %arg5[%swap3A_851, %swap3A_852] {strides = array<i32>} : memref<80x512xf32, #tpu.memory_space<vmem>>, vector<1x16xf32>,
      %swap3A_854 = vector.shape_cast %swap3A_853 : vector<1x16xf32> to vector<16xf32>
      %swap3A_855 = vector.shape_cast %select_n3A_850 : vector<16xf32> to vector<1x16xf32>
      tpu.vector_store %arg5[%swap3A_851, %swap3A_852], %swap3A_855 {strides = array<i32>} : memref<80x512xf32, #tpu.memory_space<vmem>>, vector<1x16xf32>,
      %get3A_856 = arith.index_cast %scan3A_824 : i32 to index
      %get3A_857 = arith.constant 320 : index
      %get3A_858 = tpu.vector_load %arg5[%get3A_856, %get3A_857] {strides = array<i32>} : memref<80x512xf32, #tpu.memory_space<vmem>>, vector<1x16xf32>,
      %get3A_859 = vector.shape_cast %get3A_858 : vector<1x16xf32> to vector<16xf32>
      %jit3A_860 = arith.constant 0.000000e+00 : f32
      %broadcast_in_dim3A_861 = vector.broadcast %jit3A_860 : f32 to vector<16xf32>
      %select_n3A_862 = arith.select %eq3A_16, %broadcast_in_dim3A_861, %get3A_859 : vector<16xi1>, vector<16xf32>
      %swap3A_863 = arith.index_cast %scan3A_824 : i32 to index
      %swap3A_864 = arith.constant 320 : index
      %swap3A_865 = tpu.vector_load %arg5[%swap3A_863, %swap3A_864] {strides = array<i32>} : memref<80x512xf32, #tpu.memory_space<vmem>>, vector<1x16xf32>,
      %swap3A_866 = vector.shape_cast %swap3A_865 : vector<1x16xf32> to vector<16xf32>
      %swap3A_867 = vector.shape_cast %select_n3A_862 : vector<16xf32> to vector<1x16xf32>
      tpu.vector_store %arg5[%swap3A_863, %swap3A_864], %swap3A_867 {strides = array<i32>} : memref<80x512xf32, #tpu.memory_space<vmem>>, vector<1x16xf32>,
      %get3A_868 = arith.index_cast %scan3A_824 : i32 to index
      %get3A_869 = arith.constant 336 : index
      %get3A_870 = tpu.vector_load %arg5[%get3A_868, %get3A_869] {strides = array<i32>} : memref<80x512xf32, #tpu.memory_space<vmem>>, vector<1x16xf32>,
      %get3A_871 = vector.shape_cast %get3A_870 : vector<1x16xf32> to vector<16xf32>
      %jit3A_872 = arith.constant 0.000000e+00 : f32
      %broadcast_in_dim3A_873 = vector.broadcast %jit3A_872 : f32 to vector<16xf32>
      %select_n3A_874 = arith.select %eq3A_19, %broadcast_in_dim3A_873, %get3A_871 : vector<16xi1>, vector<16xf32>
      %swap3A_875 = arith.index_cast %scan3A_824 : i32 to index
      %swap3A_876 = arith.constant 336 : index
      %swap3A_877 = tpu.vector_load %arg5[%swap3A_875, %swap3A_876] {strides = array<i32>} : memref<80x512xf32, #tpu.memory_space<vmem>>, vector<1x16xf32>,
      %swap3A_878 = vector.shape_cast %swap3A_877 : vector<1x16xf32> to vector<16xf32>
      %swap3A_879 = vector.shape_cast %select_n3A_874 : vector<16xf32> to vector<1x16xf32>
      tpu.vector_store %arg5[%swap3A_875, %swap3A_876], %swap3A_879 {strides = array<i32>} : memref<80x512xf32, #tpu.memory_space<vmem>>, vector<1x16xf32>,
      %get3A_880 = arith.index_cast %scan3A_824 : i32 to index
      %get3A_881 = arith.constant 368 : index
      %get3A_882 = tpu.vector_load %arg5[%get3A_880, %get3A_881] {strides = array<i32>} : memref<80x512xf32, #tpu.memory_space<vmem>>, vector<1x16xf32>,
      %get3A_883 = vector.shape_cast %get3A_882 : vector<1x16xf32> to vector<16xf32>
      %jit3A_884 = arith.constant 0.000000e+00 : f32
      %broadcast_in_dim3A_885 = vector.broadcast %jit3A_884 : f32 to vector<16xf32>
      %select_n3A_886 = arith.select %eq3A_22, %broadcast_in_dim3A_885, %get3A_883 : vector<16xi1>, vector<16xf32>
      %swap3A_887 = arith.index_cast %scan3A_824 : i32 to index
      %swap3A_888 = arith.constant 368 : index
      %swap3A_889 = tpu.vector_load %arg5[%swap3A_887, %swap3A_888] {strides = array<i32>} : memref<80x512xf32, #tpu.memory_space<vmem>>, vector<1x16xf32>,
      %swap3A_890 = vector.shape_cast %swap3A_889 : vector<1x16xf32> to vector<16xf32>
      %swap3A_891 = vector.shape_cast %select_n3A_886 : vector<16xf32> to vector<1x16xf32>
      tpu.vector_store %arg5[%swap3A_887, %swap3A_888], %swap3A_891 {strides = array<i32>} : memref<80x512xf32, #tpu.memory_space<vmem>>, vector<1x16xf32>,
    }
    %scan3A_709 = arith.constant 80 : i32
    %add3A_710 = arith.constant 1760 : i32
    %add3A_711 = arith.addi %mul3A_2, %add3A_710 : i32
    %dma_start3A_712 = arith.constant 0 : i32
    %dma_start3A_713 = tpu.memref_slice %arg3[%add3A_711, %dma_start3A_712] : memref<65536x512xf32, #tpu.memory_space<hbm>> -> memref<80x512xf32, #tpu.memory_space<hbm>>
    %dma_start3A_714 = arith.constant 0 : i32
    %dma_start3A_715 = tpu.memref_slice %arg3[%add3A_711, %dma_start3A_714] : memref<65536x512xf32, #tpu.memory_space<hbm>> -> memref<80x512xf32, #tpu.memory_space<hbm>>
    tpu.enqueue_dma source(%arg5 : memref<80x512xf32, #tpu.memory_space<vmem>>) target(%dma_start3A_715 : memref<80x512xf32, #tpu.memory_space<hbm>>) target_semaphore(%arg11 : memref<!tpu.dma_semaphore, #tpu.memory_space<semaphore_mem>>)
    %add3A_716 = arith.constant 1840 : i32
    %add3A_717 = arith.addi %mul3A_2, %add3A_716 : i32
    %dma_wait3A_718 = arith.constant 0 : i32
    %dma_wait3A_719 = tpu.memref_slice %arg2[%add3A_717, %dma_wait3A_718] : memref<65536x512xf32, #tpu.memory_space<hbm>> -> memref<80x512xf32, #tpu.memory_space<hbm>>
    %dma_wait3A_720 = arith.constant 0 : i32
    %dma_wait3A_721 = tpu.memref_slice %arg2[%add3A_717, %dma_wait3A_720] : memref<65536x512xf32, #tpu.memory_space<hbm>> -> memref<80x512xf32, #tpu.memory_space<hbm>>
    tpu.wait_dma2 semaphore(%arg9 : memref<!tpu.dma_semaphore, #tpu.memory_space<semaphore_mem>>) src(%dma_wait3A_721 : memref<80x512xf32, #tpu.memory_space<hbm>>) dst(%arg6 : memref<80x512xf32, #tpu.memory_space<vmem>>)
    %add3A_722 = arith.constant 1760 : i32
    %add3A_723 = arith.addi %mul3A_2, %add3A_722 : i32
    %dma_wait3A_724 = arith.constant 0 : i32
    %dma_wait3A_725 = tpu.memref_slice %arg3[%add3A_723, %dma_wait3A_724] : memref<65536x512xf32, #tpu.memory_space<hbm>> -> memref<80x512xf32, #tpu.memory_space<hbm>>
    %dma_wait3A_726 = arith.constant 0 : i32
    %dma_wait3A_727 = tpu.memref_slice %arg3[%add3A_723, %dma_wait3A_726] : memref<65536x512xf32, #tpu.memory_space<hbm>> -> memref<80x512xf32, #tpu.memory_space<hbm>>
    tpu.wait_dma2 semaphore(%arg11 : memref<!tpu.dma_semaphore, #tpu.memory_space<semaphore_mem>>) src(%arg5 : memref<80x512xf32, #tpu.memory_space<vmem>>) dst(%dma_wait3A_727 : memref<80x512xf32, #tpu.memory_space<hbm>>)
    %add3A_728 = arith.constant 2000 : i32
    %add3A_729 = arith.addi %mul3A_2, %add3A_728 : i32
    %dma_start3A_730 = arith.constant 0 : i32
    %dma_start3A_731 = arith.constant 0 : i32
    %dma_start3A_732 = tpu.memref_slice %arg5[%dma_start3A_730, %dma_start3A_731] : memref<80x512xf32, #tpu.memory_space<vmem>> -> memref<48x512xf32, #tpu.memory_space<vmem>>
    %dma_start3A_733 = arith.constant 0 : i32
    %dma_start3A_734 = tpu.memref_slice %arg2[%add3A_729, %dma_start3A_733] : memref<65536x512xf32, #tpu.memory_space<hbm>> -> memref<48x512xf32, #tpu.memory_space<hbm>>
    %dma_start3A_735 = arith.constant 0 : i32
    %dma_start3A_736 = arith.constant 0 : i32
    %dma_start3A_737 = tpu.memref_slice %arg5[%dma_start3A_735, %dma_start3A_736] : memref<80x512xf32, #tpu.memory_space<vmem>> -> memref<48x512xf32, #tpu.memory_space<vmem>>
    %dma_start3A_738 = arith.constant 0 : i32
    %dma_start3A_739 = tpu.memref_slice %arg2[%add3A_729, %dma_start3A_738] : memref<65536x512xf32, #tpu.memory_space<hbm>> -> memref<48x512xf32, #tpu.memory_space<hbm>>
    tpu.enqueue_dma source(%dma_start3A_739 : memref<48x512xf32, #tpu.memory_space<hbm>>) target(%dma_start3A_737 : memref<48x512xf32, #tpu.memory_space<vmem>>) target_semaphore(%arg8 : memref<!tpu.dma_semaphore, #tpu.memory_space<semaphore_mem>>)
    %scan3A_740 = arith.constant 0 : i32
    %scan3A_741 = arith.constant 0 : i32
    %scan3A_742 = arith.constant 80 : i32
    %scan3A_743 = arith.addi %scan3A_741, %scan3A_742 : i32
    %scan3A_744 = arith.constant 1 : i32
    scf.for %scan3A_824 = %scan3A_741 to %scan3A_743 step %scan3A_744  : i32 {
      %get3A = arith.index_cast %scan3A_824 : i32 to index
      %get3A_825 = arith.constant 0 : index
      %get3A_826 = tpu.vector_load %arg6[%get3A, %get3A_825] {strides = array<i32>} : memref<80x512xf32, #tpu.memory_space<vmem>>, vector<1x16xf32>,
      %get3A_827 = vector.shape_cast %get3A_826 : vector<1x16xf32> to vector<16xf32>
      %jit3A = arith.constant 0.000000e+00 : f32
      %broadcast_in_dim3A = vector.broadcast %jit3A : f32 to vector<16xf32>
      %select_n3A = arith.select %eq3A_4, %broadcast_in_dim3A, %get3A_827 : vector<16xi1>, vector<16xf32>
      %swap3A = arith.index_cast %scan3A_824 : i32 to index
      %swap3A_828 = arith.constant 0 : index
      %swap3A_829 = tpu.vector_load %arg6[%swap3A, %swap3A_828] {strides = array<i32>} : memref<80x512xf32, #tpu.memory_space<vmem>>, vector<1x16xf32>,
      %swap3A_830 = vector.shape_cast %swap3A_829 : vector<1x16xf32> to vector<16xf32>
      %swap3A_831 = vector.shape_cast %select_n3A : vector<16xf32> to vector<1x16xf32>
      tpu.vector_store %arg6[%swap3A, %swap3A_828], %swap3A_831 {strides = array<i32>} : memref<80x512xf32, #tpu.memory_space<vmem>>, vector<1x16xf32>,
      %get3A_832 = arith.index_cast %scan3A_824 : i32 to index
      %get3A_833 = arith.constant 112 : index
      %get3A_834 = tpu.vector_load %arg6[%get3A_832, %get3A_833] {strides = array<i32>} : memref<80x512xf32, #tpu.memory_space<vmem>>, vector<1x16xf32>,
      %get3A_835 = vector.shape_cast %get3A_834 : vector<1x16xf32> to vector<16xf32>
      %jit3A_836 = arith.constant 0.000000e+00 : f32
      %broadcast_in_dim3A_837 = vector.broadcast %jit3A_836 : f32 to vector<16xf32>
      %select_n3A_838 = arith.select %eq3A_7, %broadcast_in_dim3A_837, %get3A_835 : vector<16xi1>, vector<16xf32>
      %swap3A_839 = arith.index_cast %scan3A_824 : i32 to index
      %swap3A_840 = arith.constant 112 : index
      %swap3A_841 = tpu.vector_load %arg6[%swap3A_839, %swap3A_840] {strides = array<i32>} : memref<80x512xf32, #tpu.memory_space<vmem>>, vector<1x16xf32>,
      %swap3A_842 = vector.shape_cast %swap3A_841 : vector<1x16xf32> to vector<16xf32>
      %swap3A_843 = vector.shape_cast %select_n3A_838 : vector<16xf32> to vector<1x16xf32>
      tpu.vector_store %arg6[%swap3A_839, %swap3A_840], %swap3A_843 {strides = array<i32>} : memref<80x512xf32, #tpu.memory_space<vmem>>, vector<1x16xf32>,
      %get3A_844 = arith.index_cast %scan3A_824 : i32 to index
      %get3A_845 = arith.constant 256 : index
      %get3A_846 = tpu.vector_load %arg6[%get3A_844, %get3A_845] {strides = array<i32>} : memref<80x512xf32, #tpu.memory_space<vmem>>, vector<1x16xf32>,
      %get3A_847 = vector.shape_cast %get3A_846 : vector<1x16xf32> to vector<16xf32>
      %jit3A_848 = arith.constant 0.000000e+00 : f32
      %broadcast_in_dim3A_849 = vector.broadcast %jit3A_848 : f32 to vector<16xf32>
      %select_n3A_850 = arith.select %or3A, %broadcast_in_dim3A_849, %get3A_847 : vector<16xi1>, vector<16xf32>
      %swap3A_851 = arith.index_cast %scan3A_824 : i32 to index
      %swap3A_852 = arith.constant 256 : index
      %swap3A_853 = tpu.vector_load %arg6[%swap3A_851, %swap3A_852] {strides = array<i32>} : memref<80x512xf32, #tpu.memory_space<vmem>>, vector<1x16xf32>,
      %swap3A_854 = vector.shape_cast %swap3A_853 : vector<1x16xf32> to vector<16xf32>
      %swap3A_855 = vector.shape_cast %select_n3A_850 : vector<16xf32> to vector<1x16xf32>
      tpu.vector_store %arg6[%swap3A_851, %swap3A_852], %swap3A_855 {strides = array<i32>} : memref<80x512xf32, #tpu.memory_space<vmem>>, vector<1x16xf32>,
      %get3A_856 = arith.index_cast %scan3A_824 : i32 to index
      %get3A_857 = arith.constant 320 : index
      %get3A_858 = tpu.vector_load %arg6[%get3A_856, %get3A_857] {strides = array<i32>} : memref<80x512xf32, #tpu.memory_space<vmem>>, vector<1x16xf32>,
      %get3A_859 = vector.shape_cast %get3A_858 : vector<1x16xf32> to vector<16xf32>
      %jit3A_860 = arith.constant 0.000000e+00 : f32
      %broadcast_in_dim3A_861 = vector.broadcast %jit3A_860 : f32 to vector<16xf32>
      %select_n3A_862 = arith.select %eq3A_16, %broadcast_in_dim3A_861, %get3A_859 : vector<16xi1>, vector<16xf32>
      %swap3A_863 = arith.index_cast %scan3A_824 : i32 to index
      %swap3A_864 = arith.constant 320 : index
      %swap3A_865 = tpu.vector_load %arg6[%swap3A_863, %swap3A_864] {strides = array<i32>} : memref<80x512xf32, #tpu.memory_space<vmem>>, vector<1x16xf32>,
      %swap3A_866 = vector.shape_cast %swap3A_865 : vector<1x16xf32> to vector<16xf32>
      %swap3A_867 = vector.shape_cast %select_n3A_862 : vector<16xf32> to vector<1x16xf32>
      tpu.vector_store %arg6[%swap3A_863, %swap3A_864], %swap3A_867 {strides = array<i32>} : memref<80x512xf32, #tpu.memory_space<vmem>>, vector<1x16xf32>,
      %get3A_868 = arith.index_cast %scan3A_824 : i32 to index
      %get3A_869 = arith.constant 336 : index
      %get3A_870 = tpu.vector_load %arg6[%get3A_868, %get3A_869] {strides = array<i32>} : memref<80x512xf32, #tpu.memory_space<vmem>>, vector<1x16xf32>,
      %get3A_871 = vector.shape_cast %get3A_870 : vector<1x16xf32> to vector<16xf32>
      %jit3A_872 = arith.constant 0.000000e+00 : f32
      %broadcast_in_dim3A_873 = vector.broadcast %jit3A_872 : f32 to vector<16xf32>
      %select_n3A_874 = arith.select %eq3A_19, %broadcast_in_dim3A_873, %get3A_871 : vector<16xi1>, vector<16xf32>
      %swap3A_875 = arith.index_cast %scan3A_824 : i32 to index
      %swap3A_876 = arith.constant 336 : index
      %swap3A_877 = tpu.vector_load %arg6[%swap3A_875, %swap3A_876] {strides = array<i32>} : memref<80x512xf32, #tpu.memory_space<vmem>>, vector<1x16xf32>,
      %swap3A_878 = vector.shape_cast %swap3A_877 : vector<1x16xf32> to vector<16xf32>
      %swap3A_879 = vector.shape_cast %select_n3A_874 : vector<16xf32> to vector<1x16xf32>
      tpu.vector_store %arg6[%swap3A_875, %swap3A_876], %swap3A_879 {strides = array<i32>} : memref<80x512xf32, #tpu.memory_space<vmem>>, vector<1x16xf32>,
      %get3A_880 = arith.index_cast %scan3A_824 : i32 to index
      %get3A_881 = arith.constant 368 : index
      %get3A_882 = tpu.vector_load %arg6[%get3A_880, %get3A_881] {strides = array<i32>} : memref<80x512xf32, #tpu.memory_space<vmem>>, vector<1x16xf32>,
      %get3A_883 = vector.shape_cast %get3A_882 : vector<1x16xf32> to vector<16xf32>
      %jit3A_884 = arith.constant 0.000000e+00 : f32
      %broadcast_in_dim3A_885 = vector.broadcast %jit3A_884 : f32 to vector<16xf32>
      %select_n3A_886 = arith.select %eq3A_22, %broadcast_in_dim3A_885, %get3A_883 : vector<16xi1>, vector<16xf32>
      %swap3A_887 = arith.index_cast %scan3A_824 : i32 to index
      %swap3A_888 = arith.constant 368 : index
      %swap3A_889 = tpu.vector_load %arg6[%swap3A_887, %swap3A_888] {strides = array<i32>} : memref<80x512xf32, #tpu.memory_space<vmem>>, vector<1x16xf32>,
      %swap3A_890 = vector.shape_cast %swap3A_889 : vector<1x16xf32> to vector<16xf32>
      %swap3A_891 = vector.shape_cast %select_n3A_886 : vector<16xf32> to vector<1x16xf32>
      tpu.vector_store %arg6[%swap3A_887, %swap3A_888], %swap3A_891 {strides = array<i32>} : memref<80x512xf32, #tpu.memory_space<vmem>>, vector<1x16xf32>,
    }
    %scan3A_745 = arith.constant 80 : i32
    %add3A_746 = arith.constant 1840 : i32
    %add3A_747 = arith.addi %mul3A_2, %add3A_746 : i32
    %dma_start3A_748 = arith.constant 0 : i32
    %dma_start3A_749 = tpu.memref_slice %arg3[%add3A_747, %dma_start3A_748] : memref<65536x512xf32, #tpu.memory_space<hbm>> -> memref<80x512xf32, #tpu.memory_space<hbm>>
    %dma_start3A_750 = arith.constant 0 : i32
    %dma_start3A_751 = tpu.memref_slice %arg3[%add3A_747, %dma_start3A_750] : memref<65536x512xf32, #tpu.memory_space<hbm>> -> memref<80x512xf32, #tpu.memory_space<hbm>>
    tpu.enqueue_dma source(%arg6 : memref<80x512xf32, #tpu.memory_space<vmem>>) target(%dma_start3A_751 : memref<80x512xf32, #tpu.memory_space<hbm>>) target_semaphore(%arg12 : memref<!tpu.dma_semaphore, #tpu.memory_space<semaphore_mem>>)
    %add3A_752 = arith.constant 1920 : i32
    %add3A_753 = arith.addi %mul3A_2, %add3A_752 : i32
    %dma_wait3A_754 = arith.constant 0 : i32
    %dma_wait3A_755 = tpu.memref_slice %arg2[%add3A_753, %dma_wait3A_754] : memref<65536x512xf32, #tpu.memory_space<hbm>> -> memref<80x512xf32, #tpu.memory_space<hbm>>
    %dma_wait3A_756 = arith.constant 0 : i32
    %dma_wait3A_757 = tpu.memref_slice %arg2[%add3A_753, %dma_wait3A_756] : memref<65536x512xf32, #tpu.memory_space<hbm>> -> memref<80x512xf32, #tpu.memory_space<hbm>>
    tpu.wait_dma2 semaphore(%arg7 : memref<!tpu.dma_semaphore, #tpu.memory_space<semaphore_mem>>) src(%dma_wait3A_757 : memref<80x512xf32, #tpu.memory_space<hbm>>) dst(%arg4 : memref<80x512xf32, #tpu.memory_space<vmem>>)
    %scan3A_758 = arith.constant 0 : i32
    %scan3A_759 = arith.constant 0 : i32
    %scan3A_760 = arith.constant 80 : i32
    %scan3A_761 = arith.addi %scan3A_759, %scan3A_760 : i32
    %scan3A_762 = arith.constant 1 : i32
    scf.for %scan3A_824 = %scan3A_759 to %scan3A_761 step %scan3A_762  : i32 {
      %get3A = arith.index_cast %scan3A_824 : i32 to index
      %get3A_825 = arith.constant 0 : index
      %get3A_826 = tpu.vector_load %arg4[%get3A, %get3A_825] {strides = array<i32>} : memref<80x512xf32, #tpu.memory_space<vmem>>, vector<1x16xf32>,
      %get3A_827 = vector.shape_cast %get3A_826 : vector<1x16xf32> to vector<16xf32>
      %jit3A = arith.constant 0.000000e+00 : f32
      %broadcast_in_dim3A = vector.broadcast %jit3A : f32 to vector<16xf32>
      %select_n3A = arith.select %eq3A_4, %broadcast_in_dim3A, %get3A_827 : vector<16xi1>, vector<16xf32>
      %swap3A = arith.index_cast %scan3A_824 : i32 to index
      %swap3A_828 = arith.constant 0 : index
      %swap3A_829 = tpu.vector_load %arg4[%swap3A, %swap3A_828] {strides = array<i32>} : memref<80x512xf32, #tpu.memory_space<vmem>>, vector<1x16xf32>,
      %swap3A_830 = vector.shape_cast %swap3A_829 : vector<1x16xf32> to vector<16xf32>
      %swap3A_831 = vector.shape_cast %select_n3A : vector<16xf32> to vector<1x16xf32>
      tpu.vector_store %arg4[%swap3A, %swap3A_828], %swap3A_831 {strides = array<i32>} : memref<80x512xf32, #tpu.memory_space<vmem>>, vector<1x16xf32>,
      %get3A_832 = arith.index_cast %scan3A_824 : i32 to index
      %get3A_833 = arith.constant 112 : index
      %get3A_834 = tpu.vector_load %arg4[%get3A_832, %get3A_833] {strides = array<i32>} : memref<80x512xf32, #tpu.memory_space<vmem>>, vector<1x16xf32>,
      %get3A_835 = vector.shape_cast %get3A_834 : vector<1x16xf32> to vector<16xf32>
      %jit3A_836 = arith.constant 0.000000e+00 : f32
      %broadcast_in_dim3A_837 = vector.broadcast %jit3A_836 : f32 to vector<16xf32>
      %select_n3A_838 = arith.select %eq3A_7, %broadcast_in_dim3A_837, %get3A_835 : vector<16xi1>, vector<16xf32>
      %swap3A_839 = arith.index_cast %scan3A_824 : i32 to index
      %swap3A_840 = arith.constant 112 : index
      %swap3A_841 = tpu.vector_load %arg4[%swap3A_839, %swap3A_840] {strides = array<i32>} : memref<80x512xf32, #tpu.memory_space<vmem>>, vector<1x16xf32>,
      %swap3A_842 = vector.shape_cast %swap3A_841 : vector<1x16xf32> to vector<16xf32>
      %swap3A_843 = vector.shape_cast %select_n3A_838 : vector<16xf32> to vector<1x16xf32>
      tpu.vector_store %arg4[%swap3A_839, %swap3A_840], %swap3A_843 {strides = array<i32>} : memref<80x512xf32, #tpu.memory_space<vmem>>, vector<1x16xf32>,
      %get3A_844 = arith.index_cast %scan3A_824 : i32 to index
      %get3A_845 = arith.constant 256 : index
      %get3A_846 = tpu.vector_load %arg4[%get3A_844, %get3A_845] {strides = array<i32>} : memref<80x512xf32, #tpu.memory_space<vmem>>, vector<1x16xf32>,
      %get3A_847 = vector.shape_cast %get3A_846 : vector<1x16xf32> to vector<16xf32>
      %jit3A_848 = arith.constant 0.000000e+00 : f32
      %broadcast_in_dim3A_849 = vector.broadcast %jit3A_848 : f32 to vector<16xf32>
      %select_n3A_850 = arith.select %or3A, %broadcast_in_dim3A_849, %get3A_847 : vector<16xi1>, vector<16xf32>
      %swap3A_851 = arith.index_cast %scan3A_824 : i32 to index
      %swap3A_852 = arith.constant 256 : index
      %swap3A_853 = tpu.vector_load %arg4[%swap3A_851, %swap3A_852] {strides = array<i32>} : memref<80x512xf32, #tpu.memory_space<vmem>>, vector<1x16xf32>,
      %swap3A_854 = vector.shape_cast %swap3A_853 : vector<1x16xf32> to vector<16xf32>
      %swap3A_855 = vector.shape_cast %select_n3A_850 : vector<16xf32> to vector<1x16xf32>
      tpu.vector_store %arg4[%swap3A_851, %swap3A_852], %swap3A_855 {strides = array<i32>} : memref<80x512xf32, #tpu.memory_space<vmem>>, vector<1x16xf32>,
      %get3A_856 = arith.index_cast %scan3A_824 : i32 to index
      %get3A_857 = arith.constant 320 : index
      %get3A_858 = tpu.vector_load %arg4[%get3A_856, %get3A_857] {strides = array<i32>} : memref<80x512xf32, #tpu.memory_space<vmem>>, vector<1x16xf32>,
      %get3A_859 = vector.shape_cast %get3A_858 : vector<1x16xf32> to vector<16xf32>
      %jit3A_860 = arith.constant 0.000000e+00 : f32
      %broadcast_in_dim3A_861 = vector.broadcast %jit3A_860 : f32 to vector<16xf32>
      %select_n3A_862 = arith.select %eq3A_16, %broadcast_in_dim3A_861, %get3A_859 : vector<16xi1>, vector<16xf32>
      %swap3A_863 = arith.index_cast %scan3A_824 : i32 to index
      %swap3A_864 = arith.constant 320 : index
      %swap3A_865 = tpu.vector_load %arg4[%swap3A_863, %swap3A_864] {strides = array<i32>} : memref<80x512xf32, #tpu.memory_space<vmem>>, vector<1x16xf32>,
      %swap3A_866 = vector.shape_cast %swap3A_865 : vector<1x16xf32> to vector<16xf32>
      %swap3A_867 = vector.shape_cast %select_n3A_862 : vector<16xf32> to vector<1x16xf32>
      tpu.vector_store %arg4[%swap3A_863, %swap3A_864], %swap3A_867 {strides = array<i32>} : memref<80x512xf32, #tpu.memory_space<vmem>>, vector<1x16xf32>,
      %get3A_868 = arith.index_cast %scan3A_824 : i32 to index
      %get3A_869 = arith.constant 336 : index
      %get3A_870 = tpu.vector_load %arg4[%get3A_868, %get3A_869] {strides = array<i32>} : memref<80x512xf32, #tpu.memory_space<vmem>>, vector<1x16xf32>,
      %get3A_871 = vector.shape_cast %get3A_870 : vector<1x16xf32> to vector<16xf32>
      %jit3A_872 = arith.constant 0.000000e+00 : f32
      %broadcast_in_dim3A_873 = vector.broadcast %jit3A_872 : f32 to vector<16xf32>
      %select_n3A_874 = arith.select %eq3A_19, %broadcast_in_dim3A_873, %get3A_871 : vector<16xi1>, vector<16xf32>
      %swap3A_875 = arith.index_cast %scan3A_824 : i32 to index
      %swap3A_876 = arith.constant 336 : index
      %swap3A_877 = tpu.vector_load %arg4[%swap3A_875, %swap3A_876] {strides = array<i32>} : memref<80x512xf32, #tpu.memory_space<vmem>>, vector<1x16xf32>,
      %swap3A_878 = vector.shape_cast %swap3A_877 : vector<1x16xf32> to vector<16xf32>
      %swap3A_879 = vector.shape_cast %select_n3A_874 : vector<16xf32> to vector<1x16xf32>
      tpu.vector_store %arg4[%swap3A_875, %swap3A_876], %swap3A_879 {strides = array<i32>} : memref<80x512xf32, #tpu.memory_space<vmem>>, vector<1x16xf32>,
      %get3A_880 = arith.index_cast %scan3A_824 : i32 to index
      %get3A_881 = arith.constant 368 : index
      %get3A_882 = tpu.vector_load %arg4[%get3A_880, %get3A_881] {strides = array<i32>} : memref<80x512xf32, #tpu.memory_space<vmem>>, vector<1x16xf32>,
      %get3A_883 = vector.shape_cast %get3A_882 : vector<1x16xf32> to vector<16xf32>
      %jit3A_884 = arith.constant 0.000000e+00 : f32
      %broadcast_in_dim3A_885 = vector.broadcast %jit3A_884 : f32 to vector<16xf32>
      %select_n3A_886 = arith.select %eq3A_22, %broadcast_in_dim3A_885, %get3A_883 : vector<16xi1>, vector<16xf32>
      %swap3A_887 = arith.index_cast %scan3A_824 : i32 to index
      %swap3A_888 = arith.constant 368 : index
      %swap3A_889 = tpu.vector_load %arg4[%swap3A_887, %swap3A_888] {strides = array<i32>} : memref<80x512xf32, #tpu.memory_space<vmem>>, vector<1x16xf32>,
      %swap3A_890 = vector.shape_cast %swap3A_889 : vector<1x16xf32> to vector<16xf32>
      %swap3A_891 = vector.shape_cast %select_n3A_886 : vector<16xf32> to vector<1x16xf32>
      tpu.vector_store %arg4[%swap3A_887, %swap3A_888], %swap3A_891 {strides = array<i32>} : memref<80x512xf32, #tpu.memory_space<vmem>>, vector<1x16xf32>,
    }
    %scan3A_763 = arith.constant 80 : i32
    %add3A_764 = arith.constant 1920 : i32
    %add3A_765 = arith.addi %mul3A_2, %add3A_764 : i32
    %dma_start3A_766 = arith.constant 0 : i32
    %dma_start3A_767 = tpu.memref_slice %arg3[%add3A_765, %dma_start3A_766] : memref<65536x512xf32, #tpu.memory_space<hbm>> -> memref<80x512xf32, #tpu.memory_space<hbm>>
    %dma_start3A_768 = arith.constant 0 : i32
    %dma_start3A_769 = tpu.memref_slice %arg3[%add3A_765, %dma_start3A_768] : memref<65536x512xf32, #tpu.memory_space<hbm>> -> memref<80x512xf32, #tpu.memory_space<hbm>>
    tpu.enqueue_dma source(%arg4 : memref<80x512xf32, #tpu.memory_space<vmem>>) target(%dma_start3A_769 : memref<80x512xf32, #tpu.memory_space<hbm>>) target_semaphore(%arg10 : memref<!tpu.dma_semaphore, #tpu.memory_space<semaphore_mem>>)
    %add3A_770 = arith.constant 2000 : i32
    %add3A_771 = arith.addi %mul3A_2, %add3A_770 : i32
    %dma_wait3A_772 = arith.constant 0 : i32
    %dma_wait3A_773 = arith.constant 0 : i32
    %dma_wait3A_774 = tpu.memref_slice %arg5[%dma_wait3A_772, %dma_wait3A_773] : memref<80x512xf32, #tpu.memory_space<vmem>> -> memref<48x512xf32, #tpu.memory_space<vmem>>
    %dma_wait3A_775 = arith.constant 0 : i32
    %dma_wait3A_776 = tpu.memref_slice %arg2[%add3A_771, %dma_wait3A_775] : memref<65536x512xf32, #tpu.memory_space<hbm>> -> memref<48x512xf32, #tpu.memory_space<hbm>>
    %dma_wait3A_777 = arith.constant 0 : i32
    %dma_wait3A_778 = arith.constant 0 : i32
    %dma_wait3A_779 = tpu.memref_slice %arg5[%dma_wait3A_777, %dma_wait3A_778] : memref<80x512xf32, #tpu.memory_space<vmem>> -> memref<48x512xf32, #tpu.memory_space<vmem>>
    %dma_wait3A_780 = arith.constant 0 : i32
    %dma_wait3A_781 = tpu.memref_slice %arg2[%add3A_771, %dma_wait3A_780] : memref<65536x512xf32, #tpu.memory_space<hbm>> -> memref<48x512xf32, #tpu.memory_space<hbm>>
    tpu.wait_dma2 semaphore(%arg8 : memref<!tpu.dma_semaphore, #tpu.memory_space<semaphore_mem>>) src(%dma_wait3A_781 : memref<48x512xf32, #tpu.memory_space<hbm>>) dst(%dma_wait3A_779 : memref<48x512xf32, #tpu.memory_space<vmem>>)
    %scan3A_782 = arith.constant 0 : i32
    %scan3A_783 = arith.constant 0 : i32
    %scan3A_784 = arith.constant 48 : i32
    %scan3A_785 = arith.addi %scan3A_783, %scan3A_784 : i32
    %scan3A_786 = arith.constant 1 : i32
    scf.for %scan3A_824 = %scan3A_783 to %scan3A_785 step %scan3A_786  : i32 {
      %get3A = arith.index_cast %scan3A_824 : i32 to index
      %get3A_825 = arith.constant 0 : index
      %get3A_826 = tpu.vector_load %arg5[%get3A, %get3A_825] {strides = array<i32>} : memref<80x512xf32, #tpu.memory_space<vmem>>, vector<1x16xf32>,
      %get3A_827 = vector.shape_cast %get3A_826 : vector<1x16xf32> to vector<16xf32>
      %jit3A = arith.constant 0.000000e+00 : f32
      %broadcast_in_dim3A = vector.broadcast %jit3A : f32 to vector<16xf32>
      %select_n3A = arith.select %eq3A_4, %broadcast_in_dim3A, %get3A_827 : vector<16xi1>, vector<16xf32>
      %swap3A = arith.index_cast %scan3A_824 : i32 to index
      %swap3A_828 = arith.constant 0 : index
      %swap3A_829 = tpu.vector_load %arg5[%swap3A, %swap3A_828] {strides = array<i32>} : memref<80x512xf32, #tpu.memory_space<vmem>>, vector<1x16xf32>,
      %swap3A_830 = vector.shape_cast %swap3A_829 : vector<1x16xf32> to vector<16xf32>
      %swap3A_831 = vector.shape_cast %select_n3A : vector<16xf32> to vector<1x16xf32>
      tpu.vector_store %arg5[%swap3A, %swap3A_828], %swap3A_831 {strides = array<i32>} : memref<80x512xf32, #tpu.memory_space<vmem>>, vector<1x16xf32>,
      %get3A_832 = arith.index_cast %scan3A_824 : i32 to index
      %get3A_833 = arith.constant 112 : index
      %get3A_834 = tpu.vector_load %arg5[%get3A_832, %get3A_833] {strides = array<i32>} : memref<80x512xf32, #tpu.memory_space<vmem>>, vector<1x16xf32>,
      %get3A_835 = vector.shape_cast %get3A_834 : vector<1x16xf32> to vector<16xf32>
      %jit3A_836 = arith.constant 0.000000e+00 : f32
      %broadcast_in_dim3A_837 = vector.broadcast %jit3A_836 : f32 to vector<16xf32>
      %select_n3A_838 = arith.select %eq3A_7, %broadcast_in_dim3A_837, %get3A_835 : vector<16xi1>, vector<16xf32>
      %swap3A_839 = arith.index_cast %scan3A_824 : i32 to index
      %swap3A_840 = arith.constant 112 : index
      %swap3A_841 = tpu.vector_load %arg5[%swap3A_839, %swap3A_840] {strides = array<i32>} : memref<80x512xf32, #tpu.memory_space<vmem>>, vector<1x16xf32>,
      %swap3A_842 = vector.shape_cast %swap3A_841 : vector<1x16xf32> to vector<16xf32>
      %swap3A_843 = vector.shape_cast %select_n3A_838 : vector<16xf32> to vector<1x16xf32>
      tpu.vector_store %arg5[%swap3A_839, %swap3A_840], %swap3A_843 {strides = array<i32>} : memref<80x512xf32, #tpu.memory_space<vmem>>, vector<1x16xf32>,
      %get3A_844 = arith.index_cast %scan3A_824 : i32 to index
      %get3A_845 = arith.constant 256 : index
      %get3A_846 = tpu.vector_load %arg5[%get3A_844, %get3A_845] {strides = array<i32>} : memref<80x512xf32, #tpu.memory_space<vmem>>, vector<1x16xf32>,
      %get3A_847 = vector.shape_cast %get3A_846 : vector<1x16xf32> to vector<16xf32>
      %jit3A_848 = arith.constant 0.000000e+00 : f32
      %broadcast_in_dim3A_849 = vector.broadcast %jit3A_848 : f32 to vector<16xf32>
      %select_n3A_850 = arith.select %or3A, %broadcast_in_dim3A_849, %get3A_847 : vector<16xi1>, vector<16xf32>
      %swap3A_851 = arith.index_cast %scan3A_824 : i32 to index
      %swap3A_852 = arith.constant 256 : index
      %swap3A_853 = tpu.vector_load %arg5[%swap3A_851, %swap3A_852] {strides = array<i32>} : memref<80x512xf32, #tpu.memory_space<vmem>>, vector<1x16xf32>,
      %swap3A_854 = vector.shape_cast %swap3A_853 : vector<1x16xf32> to vector<16xf32>
      %swap3A_855 = vector.shape_cast %select_n3A_850 : vector<16xf32> to vector<1x16xf32>
      tpu.vector_store %arg5[%swap3A_851, %swap3A_852], %swap3A_855 {strides = array<i32>} : memref<80x512xf32, #tpu.memory_space<vmem>>, vector<1x16xf32>,
      %get3A_856 = arith.index_cast %scan3A_824 : i32 to index
      %get3A_857 = arith.constant 320 : index
      %get3A_858 = tpu.vector_load %arg5[%get3A_856, %get3A_857] {strides = array<i32>} : memref<80x512xf32, #tpu.memory_space<vmem>>, vector<1x16xf32>,
      %get3A_859 = vector.shape_cast %get3A_858 : vector<1x16xf32> to vector<16xf32>
      %jit3A_860 = arith.constant 0.000000e+00 : f32
      %broadcast_in_dim3A_861 = vector.broadcast %jit3A_860 : f32 to vector<16xf32>
      %select_n3A_862 = arith.select %eq3A_16, %broadcast_in_dim3A_861, %get3A_859 : vector<16xi1>, vector<16xf32>
      %swap3A_863 = arith.index_cast %scan3A_824 : i32 to index
      %swap3A_864 = arith.constant 320 : index
      %swap3A_865 = tpu.vector_load %arg5[%swap3A_863, %swap3A_864] {strides = array<i32>} : memref<80x512xf32, #tpu.memory_space<vmem>>, vector<1x16xf32>,
      %swap3A_866 = vector.shape_cast %swap3A_865 : vector<1x16xf32> to vector<16xf32>
      %swap3A_867 = vector.shape_cast %select_n3A_862 : vector<16xf32> to vector<1x16xf32>
      tpu.vector_store %arg5[%swap3A_863, %swap3A_864], %swap3A_867 {strides = array<i32>} : memref<80x512xf32, #tpu.memory_space<vmem>>, vector<1x16xf32>,
      %get3A_868 = arith.index_cast %scan3A_824 : i32 to index
      %get3A_869 = arith.constant 336 : index
      %get3A_870 = tpu.vector_load %arg5[%get3A_868, %get3A_869] {strides = array<i32>} : memref<80x512xf32, #tpu.memory_space<vmem>>, vector<1x16xf32>,
      %get3A_871 = vector.shape_cast %get3A_870 : vector<1x16xf32> to vector<16xf32>
      %jit3A_872 = arith.constant 0.000000e+00 : f32
      %broadcast_in_dim3A_873 = vector.broadcast %jit3A_872 : f32 to vector<16xf32>
      %select_n3A_874 = arith.select %eq3A_19, %broadcast_in_dim3A_873, %get3A_871 : vector<16xi1>, vector<16xf32>
      %swap3A_875 = arith.index_cast %scan3A_824 : i32 to index
      %swap3A_876 = arith.constant 336 : index
      %swap3A_877 = tpu.vector_load %arg5[%swap3A_875, %swap3A_876] {strides = array<i32>} : memref<80x512xf32, #tpu.memory_space<vmem>>, vector<1x16xf32>,
      %swap3A_878 = vector.shape_cast %swap3A_877 : vector<1x16xf32> to vector<16xf32>
      %swap3A_879 = vector.shape_cast %select_n3A_874 : vector<16xf32> to vector<1x16xf32>
      tpu.vector_store %arg5[%swap3A_875, %swap3A_876], %swap3A_879 {strides = array<i32>} : memref<80x512xf32, #tpu.memory_space<vmem>>, vector<1x16xf32>,
      %get3A_880 = arith.index_cast %scan3A_824 : i32 to index
      %get3A_881 = arith.constant 368 : index
      %get3A_882 = tpu.vector_load %arg5[%get3A_880, %get3A_881] {strides = array<i32>} : memref<80x512xf32, #tpu.memory_space<vmem>>, vector<1x16xf32>,
      %get3A_883 = vector.shape_cast %get3A_882 : vector<1x16xf32> to vector<16xf32>
      %jit3A_884 = arith.constant 0.000000e+00 : f32
      %broadcast_in_dim3A_885 = vector.broadcast %jit3A_884 : f32 to vector<16xf32>
      %select_n3A_886 = arith.select %eq3A_22, %broadcast_in_dim3A_885, %get3A_883 : vector<16xi1>, vector<16xf32>
      %swap3A_887 = arith.index_cast %scan3A_824 : i32 to index
      %swap3A_888 = arith.constant 368 : index
      %swap3A_889 = tpu.vector_load %arg5[%swap3A_887, %swap3A_888] {strides = array<i32>} : memref<80x512xf32, #tpu.memory_space<vmem>>, vector<1x16xf32>,
      %swap3A_890 = vector.shape_cast %swap3A_889 : vector<1x16xf32> to vector<16xf32>
      %swap3A_891 = vector.shape_cast %select_n3A_886 : vector<16xf32> to vector<1x16xf32>
      tpu.vector_store %arg5[%swap3A_887, %swap3A_888], %swap3A_891 {strides = array<i32>} : memref<80x512xf32, #tpu.memory_space<vmem>>, vector<1x16xf32>,
    }
    %scan3A_787 = arith.constant 48 : i32
    %add3A_788 = arith.constant 2000 : i32
    %add3A_789 = arith.addi %mul3A_2, %add3A_788 : i32
    %dma_start3A_790 = arith.constant 0 : i32
    %dma_start3A_791 = arith.constant 0 : i32
    %dma_start3A_792 = tpu.memref_slice %arg5[%dma_start3A_790, %dma_start3A_791] : memref<80x512xf32, #tpu.memory_space<vmem>> -> memref<48x512xf32, #tpu.memory_space<vmem>>
    %dma_start3A_793 = arith.constant 0 : i32
    %dma_start3A_794 = tpu.memref_slice %arg3[%add3A_789, %dma_start3A_793] : memref<65536x512xf32, #tpu.memory_space<hbm>> -> memref<48x512xf32, #tpu.memory_space<hbm>>
    %dma_start3A_795 = arith.constant 0 : i32
    %dma_start3A_796 = tpu.memref_slice %arg3[%add3A_789, %dma_start3A_795] : memref<65536x512xf32, #tpu.memory_space<hbm>> -> memref<48x512xf32, #tpu.memory_space<hbm>>
    %dma_start3A_797 = arith.constant 0 : i32
    %dma_start3A_798 = arith.constant 0 : i32
    %dma_start3A_799 = tpu.memref_slice %arg5[%dma_start3A_797, %dma_start3A_798] : memref<80x512xf32, #tpu.memory_space<vmem>> -> memref<48x512xf32, #tpu.memory_space<vmem>>
    tpu.enqueue_dma source(%dma_start3A_799 : memref<48x512xf32, #tpu.memory_space<vmem>>) target(%dma_start3A_796 : memref<48x512xf32, #tpu.memory_space<hbm>>) target_semaphore(%arg11 : memref<!tpu.dma_semaphore, #tpu.memory_space<semaphore_mem>>)
    %add3A_800 = arith.constant 1840 : i32
    %add3A_801 = arith.addi %mul3A_2, %add3A_800 : i32
    %dma_wait3A_802 = arith.constant 0 : i32
    %dma_wait3A_803 = tpu.memref_slice %arg3[%add3A_801, %dma_wait3A_802] : memref<65536x512xf32, #tpu.memory_space<hbm>> -> memref<80x512xf32, #tpu.memory_space<hbm>>
    %dma_wait3A_804 = arith.constant 0 : i32
    %dma_wait3A_805 = tpu.memref_slice %arg3[%add3A_801, %dma_wait3A_804] : memref<65536x512xf32, #tpu.memory_space<hbm>> -> memref<80x512xf32, #tpu.memory_space<hbm>>
    tpu.wait_dma2 semaphore(%arg12 : memref<!tpu.dma_semaphore, #tpu.memory_space<semaphore_mem>>) src(%arg6 : memref<80x512xf32, #tpu.memory_space<vmem>>) dst(%dma_wait3A_805 : memref<80x512xf32, #tpu.memory_space<hbm>>)
    %add3A_806 = arith.constant 1920 : i32
    %add3A_807 = arith.addi %mul3A_2, %add3A_806 : i32
    %dma_wait3A_808 = arith.constant 0 : i32
    %dma_wait3A_809 = tpu.memref_slice %arg3[%add3A_807, %dma_wait3A_808] : memref<65536x512xf32, #tpu.memory_space<hbm>> -> memref<80x512xf32, #tpu.memory_space<hbm>>
    %dma_wait3A_810 = arith.constant 0 : i32
    %dma_wait3A_811 = tpu.memref_slice %arg3[%add3A_807, %dma_wait3A_810] : memref<65536x512xf32, #tpu.memory_space<hbm>> -> memref<80x512xf32, #tpu.memory_space<hbm>>
    tpu.wait_dma2 semaphore(%arg10 : memref<!tpu.dma_semaphore, #tpu.memory_space<semaphore_mem>>) src(%arg4 : memref<80x512xf32, #tpu.memory_space<vmem>>) dst(%dma_wait3A_811 : memref<80x512xf32, #tpu.memory_space<hbm>>)
    %add3A_812 = arith.constant 2000 : i32
    %add3A_813 = arith.addi %mul3A_2, %add3A_812 : i32
    %dma_wait3A_814 = arith.constant 0 : i32
    %dma_wait3A_815 = arith.constant 0 : i32
    %dma_wait3A_816 = tpu.memref_slice %arg5[%dma_wait3A_814, %dma_wait3A_815] : memref<80x512xf32, #tpu.memory_space<vmem>> -> memref<48x512xf32, #tpu.memory_space<vmem>>
    %dma_wait3A_817 = arith.constant 0 : i32
    %dma_wait3A_818 = tpu.memref_slice %arg3[%add3A_813, %dma_wait3A_817] : memref<65536x512xf32, #tpu.memory_space<hbm>> -> memref<48x512xf32, #tpu.memory_space<hbm>>
    %dma_wait3A_819 = arith.constant 0 : i32
    %dma_wait3A_820 = tpu.memref_slice %arg3[%add3A_813, %dma_wait3A_819] : memref<65536x512xf32, #tpu.memory_space<hbm>> -> memref<48x512xf32, #tpu.memory_space<hbm>>
    %dma_wait3A_821 = arith.constant 0 : i32
    %dma_wait3A_822 = arith.constant 0 : i32
    %dma_wait3A_823 = tpu.memref_slice %arg5[%dma_wait3A_821, %dma_wait3A_822] : memref<80x512xf32, #tpu.memory_space<vmem>> -> memref<48x512xf32, #tpu.memory_space<vmem>>
    tpu.wait_dma2 semaphore(%arg11 : memref<!tpu.dma_semaphore, #tpu.memory_space<semaphore_mem>>) src(%dma_wait3A_823 : memref<48x512xf32, #tpu.memory_space<vmem>>) dst(%dma_wait3A_820 : memref<48x512xf32, #tpu.memory_space<hbm>>)
    return
  }
}

</mosaic_0001>

<sc_bundles>
// kernel: kernel.3.cloned.1.call-start
scs
__scs_entry_jumppad:
0x0: {  	(pc) =	sbr.rel $0x88, $3  }
0x1: {  	(tag) =	ssettag $0x0;
	lr =	simm.s32 $0x1  }
0x2: {  	[smem:$0x3FA0] =	sst lr;
	_ =	strace $0xD0000000  }
0x3: {  	_ = 	snop  }
0x4: {  	_ = 	snop  }
0x5: {  	_ = 	snop  }
0x6: {  	_ = 	snop  }
0x7: {  	_ = 	snop  }
__scs_overlays_trampoline_lowered:
0x8: {  	[smem:$0x3FAF] =	sst s0  }
0x9: {  	[smem:$0x3FB0] =	sst s1  }
0xa: {  	[smem:$0x3FB1] =	sst s2  }
0xb: {  	[smem:$0x3FB2] =	sst s3  }
0xc: {  	[smem:$0x3FB3] =	sst s4  }
0xd: {  	[smem:$0x3FB4] =	sst s5  }
0xe: {  	[smem:$0x3FB5] =	sst s6  }
0xf: {  	[smem:$0x3FB6] =	sst s7  }
0x10: {  	[smem:$0x3FB7] =	sst s8  }
0x11: {  	[smem:$0x3FB8] =	sst s9;
	s0 =	simm.s32 @!p0 $0x0  }
0x12: {  	s1 =	sld [smem:$0x3F9E];
	s0 =	simm.s32 @p0 $0x1  }
0x13: {  	[smem:$0x3FB9] =	sst s0;
	s0 =	simm.s32 @!p1 $0x0  }
0x14: {  	s2 =	sld [smem:$0x3F9D];
	s0 =	simm.s32 @p1 $0x1  }
0x15: {  	[smem:$0x3FBA] =	sst s0;
	s0 =	simm.s32 @!p2 $0x0  }
0x16: {  	s3 =	sld [smem:$0x3FDB];
	s0 =	simm.s32 @p2 $0x1  }
0x17: {  	s4 =	simm.s32 $0x1BF5;
	[smem:$0x3FBC] =	sst s0  }
0x18: {  	s0 =	sld [smem:$0x3F9F];
	_ =	swait.ge [sflag:s4], $0x0  }
0x19: {  	s7 =	sld [smem:$0x3FA0]  }
0x1a: {  	s8 =	sadd.s32 $0xFFFFE003, lr  }
0x1b: {  	s9 =	sadd.s32 $0xFFFFFEF7, lr;
	s5 =	simm.s32 $0xFFFFFFFF;
	p2 =	slt.u32 s8, $0xFFFFF086  }
0x1c: {  	p1 =	slt.u32 s9, $0xF7A;
	s5 =	simm.s32 @!p2 $0x0  }
0x1d: {  	s5 =	simm.s32 @p1 $0x1;
	p0 =	seq.s32 s7, s2  }
0x1e: {  	s7 =	smul.u32 @!p0 $0xF7A, s2;
	p2 =	seq.s32 @!p0 s5, $0x0  }
0x1f: {  	s9 =	smul.u32 $0xF7A, s1;
	s8 =	simm.s32 @!p0 $0x1BF5;
	p2 =	por !p2, p0  }
0x20: {  	[sflag:s8] =	ssyncset.s32 @!p0 $0xFFFFF086;
	s6 =	sadd.s32 @!p0 s3, s7;
	s7 =	simm.s32 @!p0 $0x108  }
0x21: {  	s3 =	sadd.s32 s3, s9;
	s6 =	sadd.s32 @!p0 $0x88, s6;
	s7 =	simm.s32 @p2 $0x1082  }
0x22: {  	[simem:s7], [sflag:s8] =	dma.local @!p0 [hbm:s6], $0xF7A  }
0x23: {  	s9 =	sor.u32 $0xD0000000, s2;
	s6 =	simm.s32 $0x108;
	_ =	swait.ge @!p0 [sflag:s8], $0x0  }
0x24: {  	s3 =	sadd.s32 $0x88, s3;
	s6 =	simm.s32 @!p1 $0x1082;
	[sflag:s4] =	ssyncset.s32 $0xFFFFF086  }
0x25: {  	[simem:s6], [sflag:s4] =	dma.local [hbm:s3], $0xF7A  }
0x26: {  	[smem:$0x3FA0] =	sst s1;
	(tag) =	ssettag s2;
	_ =	strace s9  }
0x27: {  	s1 =	sld [smem:$0x3FB0]  }
0x28: {  	s2 =	sld [smem:$0x3FB1]  }
0x29: {  	s4 =	sld [smem:$0x3FB3]  }
0x2a: {  	p0 =	seq.s32 s5, $0x0;
	s5 =	sld [smem:$0x3FB4]  }
0x2b: {  	s6 =	sld [smem:$0x3FB5]  }
0x2c: {  	s7 =	sld [smem:$0x3FB6]  }
0x2d: {  	s3 =	simm.s32 $0x108;
	s8 =	sld [smem:$0x3FB7]  }
0x2e: {  	s3 =	simm.s32 @!p0 $0x1082;
	s9 =	sld [smem:$0x3FB8]  }
0x2f: {  	lr =	sadd.s32 s0, s3;
	s0 =	sld [smem:$0x3FAF]  }
0x30: {  	s3 =	sld [smem:$0x3FB2]  }
0x31: {  	[smem:$0x3FBB] =	sst s10  }
0x32: {  	s10 =	sld [smem:$0x3FB9];
	_ =	sdelay $0x3  }
0x33: {  	p0 =	seq.s32 s10, $0x1;
	s10 =	sld [smem:$0x3FBB];
	_ =	sdelay $0x3  }
0x34: {  	[smem:$0x3FBB] =	sst s10  }
0x35: {  	s10 =	sld [smem:$0x3FBA];
	_ =	sdelay $0x3  }
0x36: {  	p1 =	seq.s32 s10, $0x1;
	s10 =	sld [smem:$0x3FBB];
	_ =	sdelay $0x3  }
0x37: {  	[smem:$0x3FBB] =	sst s10  }
0x38: {  	s10 =	sld [smem:$0x3FBC]  }
0x39: {  	_ = 	snop;
	(pc) =	sbr.ind lr, $3  }
0x3a: {  	_ = 	snop  }
0x3b: {  	_ = 	snop  }
0x3c: {  	p2 =	seq.s32 s10, $0x1;
	s10 =	sld [smem:$0x3FBB]  }
0x3d: {  	_ =	shalt  }
0x3e: {  	_ =	shalt  }
0x3f: {  	_ =	shalt  }
0x40: {  	_ =	shalt  }
0x41: {  	_ =	shalt  }
0x42: {  	_ =	shalt  }
0x43: {  	_ =	shalt  }
0x44: {  	_ =	shalt  }
0x45: {  	_ =	shalt  }
0x46: {  	_ =	shalt  }
0x47: {  	_ =	shalt  }
0x48: {  	_ =	shalt  }
0x49: {  	_ =	shalt  }
0x4a: {  	_ =	shalt  }
0x4b: {  	_ =	shalt  }
0x4c: {  	_ =	shalt  }
0x4d: {  	_ =	shalt  }
0x4e: {  	_ =	shalt  }
0x4f: {  	_ =	shalt  }
0x50: {  	_ =	shalt  }
0x51: {  	_ =	shalt  }
0x52: {  	_ =	shalt  }
0x53: {  	_ =	shalt  }
0x54: {  	_ =	shalt  }
0x55: {  	_ =	shalt  }
0x56: {  	_ =	shalt  }
0x57: {  	_ =	shalt  }
0x58: {  	_ =	shalt  }
0x59: {  	_ =	shalt  }
0x5a: {  	_ =	shalt  }
0x5b: {  	_ =	shalt  }
0x5c: {  	_ =	shalt  }
0x5d: {  	_ =	shalt  }
0x5e: {  	_ =	shalt  }
0x5f: {  	_ =	shalt  }
0x60: {  	_ =	shalt  }
0x61: {  	_ =	shalt  }
0x62: {  	_ =	shalt  }
0x63: {  	_ =	shalt  }
0x64: {  	_ =	shalt  }
0x65: {  	_ =	shalt  }
0x66: {  	_ =	shalt  }
0x67: {  	_ =	shalt  }
0x68: {  	_ =	shalt  }
0x69: {  	_ =	shalt  }
0x6a: {  	_ =	shalt  }
0x6b: {  	_ =	shalt  }
0x6c: {  	_ =	shalt  }
0x6d: {  	_ =	shalt  }
0x6e: {  	_ =	shalt  }
0x6f: {  	_ =	shalt  }
0x70: {  	_ =	shalt  }
0x71: {  	_ =	shalt  }
0x72: {  	_ =	shalt  }
0x73: {  	_ =	shalt  }
0x74: {  	_ =	shalt  }
0x75: {  	_ =	shalt  }
0x76: {  	_ =	shalt  }
0x77: {  	_ =	shalt  }
0x78: {  	_ =	shalt  }
0x79: {  	_ =	shalt  }
0x7a: {  	_ =	shalt  }
0x7b: {  	_ =	shalt  }
0x7c: {  	_ =	shalt  }
0x7d: {  	_ =	shalt  }
0x7e: {  	_ =	shalt  }
0x7f: {  	_ =	shalt  }
0x80: {  	_ =	shalt  }
0x81: {  	_ =	shalt  }
0x82: {  	_ =	shalt  }
0x83: {  	_ =	shalt  }
0x84: {  	_ =	shalt  }
0x85: {  	_ =	shalt  }
0x86: {  	_ =	shalt  }
0x87: {  	_ =	shalt  }
.Lfunc_end0:
.L_simem_size_0:
called_computation_lowered:
.L_overlay_start_0:
0x88: {  	s2 =	sld [smem:$0x3FD9]  }
0x89: {  	s3 =	sld [smem:$0x3FFE];
	_ =	sdelay $0x1  }
0x8a: {  	s1 =	srdreg.scid  }
0x8b: {  	s0 =	sand.u32 $0x1, s1  }
0x8c: {  	s18 =	sshll.u32 s0, $0xA;
	s2 =	sadd.s32 s3, s2  }
0x8d: {  	s2 =	sadd.s32 s2, s18  }
0x8e: {  	[smem:$0x3FC7] =	sst s2  }
0x8f: {  	_ = 	snop  }
0x90: {  	s2 =	sld [smem:$0x3FC9]  }
0x91: {  	s19 =	sld [smem:$0x3FD0];
	(tm) =	ssettm $0x1  }
0x92: {  	s4 =	sld [smem:$0x3FFB];
	_ =	sdelay $0x3  }
0x93: {  	_ =	strace s4  }
0x94: {  	s4 =	sld [smem:$0x3FFC];
	_ =	sdelay $0x3  }
0x95: {  	_ =	strace s4  }
0x96: {  	s4 =	sld [smem:$0x3FFD];
	_ =	sdelay $0x3  }
0x97: {  	_ =	strace s4  }
0x98: {  	_ =	strace $0x8FFFFFFF  }
0x99: {  	s20 =	sld [smem:$0x3FDB];
	_ =	sdelay $0x1  }
0x9a: {  	s5 =	simm.s32 $_scs_section_size  }
0x9b: {  	s6 =	simm.s32 $_size__tile_overlayer_lowered;
	s7 =	simm.s32 $_tile_overlayer_lowered  }
0x9c: {  	s23 =	simm.s32 $0x1BFF;
	s22 =	sshll.u32 s7, $0x1;
	s4 =	sadd.s32 s5, s20  }
0x9d: {  	s8 =	simm.s32 $0x0;
	s21 =	sshll.u32 s6, $0x1;
	s6 =	sadd.s32 s22, s4  }
0x9e: {  	[timem:s8], [sflag:s23] =	dma.local [hbm:s6], s21  }
0x9f: {  	_ =	swait.ge [sflag:s23], s21  }
0xa0: {  	s5 =	ssub.s32 $0x0, s21;
	[sflag:s23] =	ssyncset.done $0x0  }
0xa1: {  	[sflag:s23] =	ssyncadd.s32 s5;
	_ =	sdelay $0x1  }
0xa2: {  	s24 =	simm.s32 $0x1B8B  }
0xa3: {  	_ =	swait.ge [sflag:s24], $0x1  }
0xa4: {  	[sflag:s24] =	ssyncset.done $0x0  }
0xa5: {  	s25 =	simm.s32 $0x1B8E;
	[sflag:s24] =	ssyncadd.s32 $0xFFFFFFFF  }
0xa6: {  	s26 =	simm.s32 $execute0_lowered;
	[smem:$0x3FD2] =	sst s25  }
0xa7: {  	s5 =	sshll.u32 s26, $0x1;
	_ =	strace $0x80000046;
	[dreg:$0x1] =	wrdreg $0xFFFFFFFF  }
0xa8: {  	s28 =	simm.s32 $_size_execute0_lowered;
	s4 =	sadd.s32 s4, s5;
	[dreg:$0x0] =	wrdreg $0x0  }
0xa9: {  	s5 =	sshll.u32 s28, $0x1;
	[dreg:$0x2] =	wrdreg s4  }
0xaa: {  	[dreg:$0x3] =	wrdreg s5  }
0xab: {  	[dreg:$0x4] =	wrdreg $0xC0  }
0xac: {  	_ =	task [dreg:s8], $0x5FFFF  }
0xad: {  	[dreg:$0x1] =	wrdreg $0xFFFFFFFF  }
0xae: {  	[dreg:$0x0] =	wrdreg $0x60  }
0xaf: {  	[dreg:$0x2] =	wrdreg s2  }
0xb0: {  	[dreg:$0x3] =	wrdreg s19  }
0xb1: {  	[dreg:$0x4] =	wrdreg $0x9  }
0xb2: {  	_ =	task.clear_ibuf [dreg:s8], $0x5FFFF;
	_ =	strace $0x90000046  }
0xb3: {  	s29 =	simm.s32 $0x9;
	_ =	strace $0x80000048  }
0xb4: {  	_ =	swait.ge [sflag:s29], $0x1  }
0xb5: {  	[sflag:s29] =	ssyncadd.s32 $0xFFFFFFFF  }
0xb6: {  	_ =	strace $0x90000048  }
0xb7: {  	_ =	sfence  }
0xb8: {  	s30 =	sld [smem:$0x0];
	_ =	sdelay $0x2  }
0xb9: {  	s31 =	sshll.u32 s1, $0xD;
	s1 =	sshrl.u32 s1, $0x2  }
0xba: {  	s3 =	sand.u32 $0x4000, s31;
	s1 =	sadd.s32 s1, s30  }
0xbb: {  	s0 =	sor.u32 s3, s0;
	s1 =	sshll.u32 s1, $0x11  }
0xbc: {  	s0 =	sor.u32 s1, s0  }
0xbd: {  	s0 =	sadd.s32 $0x8F2B, s0  }
0xbe: {  	[sflag:s0] =	ssyncadd.remote.s32 $0x1  }
0xbf: {  	_ =	sfence.sel $0xFFFF  }
0xc0: {  	[dreg:$0x0] =	wrdreg $0xFFFFFFFF;
	(pc) =	sbr.abs _section_cstart, $3  }
0xc1: {  	[dreg:$0x1] =	wrdreg $0xFFFFFFFF  }
0xc2: {  	_ =	task.clear_ibuf [dreg:s8], $0x2FFFF;
	_ =	strace $0x9FFFFFFF  }
0xc3: {  	(tm) =	ssettm $0x7FFFFFFF  }
tec
execute0_lowered:
.L_overlay_start_1:
0x0: {  	(tag) =	ssettag $0x1  }
0x1: {  	s3 =	srdreg.scid  }
0x2: {  	s2 =	rddreg [dreg:$0x0];
	s5 =	stileid.u32;
	s3 =	sand.u32 $0x1, s3  }
0x3: {  	s5 =	sshll.u32 s5, $0x12;
	s4 =	ssub.s32 $0x2, s3;
	s3 =	sshll.u32 s3, $0x11  }
0x4: {  	s0 =	rddreg [dreg:$0x1];
	s1 =	simm.s32 $0x0;
	s18 =	sor.u32 s3, s5  }
0x5: {  	[smem:$0x7FF] =	sst s1;
	s17 =	sor.u32 $0x1400, s18  }
0x6: {  	s6 =	sshrl.u32 s4, $0x1;
	s5 =	sor.u32 $0x2800, s18;
	s19 =	sadd.s32 s2, s17  }
0x7: {  	s21 =	sor.u32 $0x3C00, s18;
	s20 =	sadd.s32 s2, s5;
	[dreg:$0x3] =	wrdreg s19  }
0x8: {  	s3 =	ssub.s32 s4, s6;
	s7 =	sadd.s32 s2, s21;
	[dreg:$0x4] =	wrdreg s20  }
0x9: {  	s22 =	sor.u32 $0x5000, s18;
	s4 =	sadd.s32 s0, s17;
	[dreg:$0x5] =	wrdreg s7  }
0xa: {  	s23 =	sadd.s32 s2, s22;
	[dreg:$0x6] =	wrdreg s4  }
0xb: {  	s24 =	sor.u32 $0x6400, s18;
	s5 =	sadd.s32 s0, s5;
	[dreg:$0x7] =	wrdreg s23  }
0xc: {  	s25 =	sadd.s32 s2, s24;
	[dreg:$0x8] =	wrdreg s5  }
0xd: {  	s26 =	sor.u32 $0x7800, s18;
	s6 =	sadd.s32 s0, s21;
	[dreg:$0x9] =	wrdreg s25  }
0xe: {  	s9 =	sor.u32 $0x8C00, s18;
	s8 =	sadd.s32 s2, s26;
	[dreg:$0xa] =	wrdreg s6  }
0xf: {  	s11 =	sor.u32 $0xA000, s18;
	s10 =	sadd.s32 s2, s9;
	[dreg:$0xb] =	wrdreg s8  }
0x10: {  	s13 =	sor.u32 $0xB400, s18;
	s12 =	sadd.s32 s2, s11;
	[dreg:$0xd] =	wrdreg s10  }
0x11: {  	s15 =	sor.u32 $0xC800, s18;
	s14 =	sadd.s32 s2, s13;
	[dreg:$0xf] =	wrdreg s12  }
0x12: {  	s28 =	simm.s32 $0x14000;
	s16 =	sadd.s32 s2, s15;
	[dreg:$0x11] =	wrdreg s14  }
0x13: {  	s29 =	simm.s32 $0x2;
	s17 =	sadd.s32 s0, s13;
	[dreg:$0x13] =	wrdreg s16  }
0x14: {  	s30 =	simm.s32 $0x4;
	s4 =	sadd.s32 s0, s22;
	[dreg:$0x15] =	wrdreg s17  }
0x15: {  	s31 =	simm.s32 $0x3;
	s5 =	sadd.s32 s0, s24;
	[dreg:$0xc] =	wrdreg s4  }
0x16: {  	s13 =	sor.u32 $0x15400, s18;
	s6 =	sadd.s32 s0, s26;
	[dreg:$0xe] =	wrdreg s5  }
0x17: {  	s19 =	sor.u32 $0xDC00, s18;
	[dreg:$0x10] =	wrdreg s6;
	s4 =	sadd.s32 s0, s9  }
0x18: {  	s20 =	sor.u32 $0xF000, s18;
	s5 =	sadd.s32 s0, s11;
	[dreg:$0x12] =	wrdreg s4  }
0x19: {  	s24 =	sor.u32 $0x10400, s18;
	s21 =	sadd.s32 s2, s19;
	[dreg:$0x14] =	wrdreg s5  }
0x1a: {  	s25 =	sor.u32 $0x11800, s18;
	s22 =	sadd.s32 s2, s20;
	[dreg:$0x17] =	wrdreg s21  }
0x1b: {  	s8 =	sor.u32 $0x12C00, s18;
	s23 =	sadd.s32 s0, s20;
	[dreg:$0x19] =	wrdreg s22  }
0x1c: {  	s14 =	sor.u32 $0x16800, s18;
	s26 =	sadd.s32 s2, s24;
	[dreg:$0x1a] =	wrdreg s23  }
0x1d: {  	s6 =	sadd.s32 s2, s25;
	s7 =	sadd.s32 s0, s25;
	[dreg:$0x1b] =	wrdreg s26  }
0x1e: {  	s9 =	sor.u32 $0x14000, s18;
	s10 =	sadd.s32 s2, s8;
	[dreg:$0x1d] =	wrdreg s6  }
0x1f: {  	s16 =	sadd.s32 s2, s14;
	s17 =	sadd.s32 s0, s14;
	[dreg:$0x1e] =	wrdreg s7  }
0x20: {  	s20 =	sor.u32 $0x19000, s18;
	s25 =	sor.u32 $0x1E000, s18;
	[dreg:$0x1f] =	wrdreg s10  }
0x21: {  	s4 =	sadd.s32 s0, s15;
	s11 =	sadd.s32 s2, s9;
	[smem:$0x7FA] =	sst s16  }
0x22: {  	s12 =	sadd.s32 s0, s9;
	s15 =	sadd.s32 s2, s13;
	[smem:$0x7FB] =	sst s17  }
0x23: {  	s10 =	sadd.s32 s2, s20;
	s22 =	sor.u32 $0x1A400, s18;
	[dreg:$0x16] =	wrdreg s4  }
0x24: {  	s23 =	sor.u32 $0x1B800, s18;
	s16 =	sadd.s32 s2, s18;
	[smem:$0x7F6] =	sst s11  }
0x25: {  	s17 =	sadd.s32 s0, s18;
	s26 =	sor.u32 $0x1F400, s18;
	[smem:$0x7F7] =	sst s12  }
0x26: {  	s4 =	sadd.s32 s0, s19;
	[smem:$0x7F8] =	sst s15;
	s19 =	sor.u32 $0x17C00, s18  }
0x27: {  	s11 =	sadd.s32 s0, s20;
	s12 =	sadd.s32 s2, s22;
	s14 =	sadd.s32 s2, s23  }
0x28: {  	s15 =	sadd.s32 s0, s23;
	s20 =	sadd.s32 s2, s26;
	s23 =	sadd.s32 s0, s26  }
0x29: {  	s26 =	simm.s32 $0x1;
	[dreg:$0x18] =	wrdreg s4;
	s4 =	sadd.s32 s0, s24  }
0x2a: {  	s21 =	sadd.s32 s2, s19;
	s24 =	sor.u32 $0x1CC00, s18;
	[dreg:$0x1c] =	wrdreg s4  }
0x2b: {  	s4 =	sadd.s32 s0, s8;
	[smem:$0x7FC] =	sst s21;
	s18 =	sadd.s32 s2, s24  }
0x2c: {  	s21 =	sadd.s32 s0, s24;
	s24 =	smax.u32 s3, $0x1;
	s3 =	simm.s32 $0x0  }
0x2d: {  	[smem:$0x7F5] =	sst s4;
	s4 =	sadd.s32 s0, s13;
	s13 =	sadd.s32 s0, s22  }
0x2e: {  	s22 =	sadd.s32 s0, s25;
	[smem:$0x7F9] =	sst s4;
	s4 =	sadd.s32 s0, s19  }
0x2f: {  	s19 =	sadd.s32 s2, s25;
	s25 =	simm.s32 $0xA000;
	[smem:$0x7FD] =	sst s4  }
0x30: {  	v0 =	vlaneseq.u32;
	vm0 =	vcmask $0x1F28;
	s0 =	simm.s32 $0x5;
	s2 =	simm.s32 $0x6;
	_ =	strace $0x80000047  }
.LBB2_1:
0x31: {  	[tilespmem:s1], [sflag:$0x1] =	stream.linear.gather [hbm4b:s16+s1], $0xA000, $0x38;
	[tilespmem:$0x1E000] =	vst v63  }
0x32: {  	s4 =	rddreg [dreg:$0x3]  }
0x33: {  	[tilespmem:s25], [sflag:$0x2] =	stream.linear.gather [hbm4b:s4+s1], $0xA000, $0x38;
	[tilespmem:$0x1E000] =	vst v63  }
0x34: {  	_ =	swait.ge [sflag:s26], $0xA000  }
0x35: {  	s8 =	sand.u32 $0xF000, s1;
	s5 =	sand.u32 $0x380, s1;
	[sflag:s26] =	ssyncset.done $0x0  }
0x36: {  	s4 =	sor.u32 s5, s8;
	s7 =	rddreg [dreg:$0x4];
	[sflag:s26] =	ssyncadd.s32 $0xFFFF6000  }
0x37: {  	[tilespmem:s28], [sflag:$0x3] =	stream.linear.gather [hbm4b:s7+s1], $0xA000, $0x38;
	[tilespmem:$0x1E000] =	vst v63  }
0x38: {  	v1 =	vld [tilespmem:s4+$0x0]  }
0x39: {  	v2 =	vld [tilespmem:s4+$0x70]  }
0x3a: {  	v4 =	vld [tilespmem:s4+$0x840]  }
0x3b: {  	v5 =	vld [tilespmem:s4+$0x800];
	_ =	sdelay $0x1  }
0x3c: {  	s9 =	simm.s32 $0x200;
	vm1 =	veq.s32 v0, $0x8;
	s6 =	simm.s32 $0x80;
	v6 =	vld [tilespmem:s4+$0x850]  }
0x3d: {  	vm2 =	veq.s32 v0, $0xB;
	s5 =	sand.u32 $0xF000, s9;
	s7 =	sand.u32 $0x380, s6;
	v7 =	vld [tilespmem:s4+$0x870];
	v1 =	vsel vm1, $0x0, v1  }
0x3e: {  	vm3 =	veq.s32 v0, $0x6;
	s5 =	sor.u32 s7, s5;
	[tilespmem:s4+$0x0] =	vst v1;
	v1 =	vsel vm2, $0x0, v2  }
0x3f: {  	v2 =	vsel vm3, $0x0, v4;
	v4 =	vnsel vm0, $0x0, v5;
	v3 =	vld [tilespmem:s5+$0x0];
	[tilespmem:s4+$0x70] =	vst v1  }
0x40: {  	vm4 =	veq.s32 v0, $0x2;
	[tilespmem:s4+$0x800] =	vst v4;
	v1 =	vld [tilespmem:s5+$0x70]  }
0x41: {  	v5 =	vsel vm4, $0x0, v6;
	[tilespmem:s4+$0x840] =	vst v2;
	v4 =	vld [tilespmem:s5+$0x800]  }
0x42: {  	s7 =	simm.s32 $0x400;
	v2 =	vld [tilespmem:s5+$0x840];
	[tilespmem:s4+$0x850] =	vst v5;
	v5 =	vsel vm2, $0x0, v7  }
.LBB2_2:
0x43: {  	p0 =	sne.s32 s7, $0x9E00;
	v6 =	vld [tilespmem:s5+$0x850];
	s6 =	sadd.s32 $0x80, s6;
	[tilespmem:s4+$0x870] =	vst v5;
	s4 =	smov.u32 s5  }
0x44: {  	s5 =	sand.u32 $0xF000, s7;
	s8 =	sand.u32 $0x380, s6;
	v3 =	vsel vm1, $0x0, v3;
	v5 =	vld [tilespmem:s4+$0x870]  }
.Ltmp0:
0x45: {  	s5 =	sor.u32 s8, s5;
	[tilespmem:s4+$0x0] =	vst v3;
	v1 =	vsel vm2, $0x0, v1;
	(pc) =	sbr.rel @p0 .LBB2_2-.Ltmp0, $4  }
0x46: {  	v3 =	vld [tilespmem:s5+$0x0];
	[tilespmem:s4+$0x70] =	vst v1;
	v4 =	vnsel vm0, $0x0, v4  }
0x47: {  	v1 =	vld [tilespmem:s5+$0x70];
	[tilespmem:s4+$0x800] =	vst v4;
	v2 =	vsel vm3, $0x0, v2  }
0x48: {  	v4 =	vld [tilespmem:s5+$0x800];
	[tilespmem:s4+$0x840] =	vst v2;
	v6 =	vsel vm4, $0x0, v6  }
0x49: {  	s7 =	sadd.s32 $0x200, s7;
	v2 =	vld [tilespmem:s5+$0x840];
	[tilespmem:s4+$0x850] =	vst v6;
	v5 =	vsel vm2, $0x0, v5  }
0x4a: {  	v6 =	vld [tilespmem:s5+$0x850];
	vm1 =	veq.s32 v0, $0x8;
	[tilespmem:s4+$0x870] =	vst v5  }
0x4b: {  	vm2 =	veq.s32 v0, $0xB;
	v3 =	vsel vm1, $0x0, v3;
	v5 =	vld [tilespmem:s5+$0x870]  }
0x4c: {  	[tilespmem:s5+$0x0] =	vst v3;
	v1 =	vsel vm2, $0x0, v1  }
0x4d: {  	vm3 =	veq.s32 v0, $0x6;
	[tilespmem:s5+$0x70] =	vst v1;
	v1 =	vnsel vm0, $0x0, v4  }
0x4e: {  	vm4 =	veq.s32 v0, $0x2;
	[tilespmem:s5+$0x800] =	vst v1;
	v1 =	vsel vm3, $0x0, v2  }
0x4f: {  	[tilespmem:s5+$0x840] =	vst v1;
	v1 =	vsel vm4, $0x0, v6  }
0x50: {  	[tilespmem:s5+$0x850] =	vst v1;
	v1 =	vsel vm2, $0x0, v5  }
0x51: {  	s6 =	simm.s32 $0x0;
	[tilespmem:s5+$0x870] =	vst v1  }
0x52: {  	[hbm4b:s17+s6] =	stream.linear.scatter [tilespmem:s6], [sflag:$0x4], $0xA000, $0x38;
	[tilespmem:$0x1E000] =	vst v63  }
0x53: {  	_ =	swait.ge [sflag:s29], $0xA000  }
0x54: {  	[sflag:s29] =	ssyncset.done $0x0  }
0x55: {  	[sflag:s29] =	ssyncadd.s32 $0xFFFF6000  }
0x56: {  	_ =	swait.ge [sflag:s30], $0xA000  }
0x57: {  	s8 =	sand.u32 $0xF000, s6;
	s4 =	sand.u32 $0x380, s6;
	[sflag:s30] =	ssyncset.done $0x0  }
0x58: {  	s4 =	sor.u32 s4, s8;
	s7 =	rddreg [dreg:$0x5];
	[sflag:s30] =	ssyncadd.s32 $0xFFFF6000  }
0x59: {  	[tilespmem:s6], [sflag:$0x1] =	stream.linear.gather [hbm4b:s7+s6], $0xA000, $0x38;
	[tilespmem:$0x1E000] =	vst v63  }
0x5a: {  	v1 =	vld [tilespmem:s4+$0xA000]  }
0x5b: {  	v2 =	vld [tilespmem:s4+$0xA070]  }
0x5c: {  	v4 =	vld [tilespmem:s4+$0xA840]  }
0x5d: {  	v5 =	vld [tilespmem:s4+$0xA800];
	_ =	sdelay $0x1  }
0x5e: {  	s9 =	simm.s32 $0x200;
	s6 =	simm.s32 $0x80;
	v6 =	vld [tilespmem:s4+$0xA850]  }
0x5f: {  	s5 =	sand.u32 $0xF000, s9;
	s7 =	sand.u32 $0x380, s6;
	v7 =	vld [tilespmem:s4+$0xA870];
	v1 =	vsel vm1, $0x0, v1  }
0x60: {  	s5 =	sor.u32 s7, s5;
	[tilespmem:s4+$0xA000] =	vst v1;
	v1 =	vsel vm2, $0x0, v2  }
0x61: {  	v3 =	vld [tilespmem:s5+$0xA000];
	[tilespmem:s4+$0xA070] =	vst v1;
	v1 =	vsel vm3, $0x0, v4;
	v4 =	vnsel vm0, $0x0, v5  }
0x62: {  	v2 =	vld [tilespmem:s5+$0xA070];
	[tilespmem:s4+$0xA800] =	vst v4  }
0x63: {  	v5 =	vsel vm4, $0x0, v6;
	[tilespmem:s4+$0xA840] =	vst v1;
	v4 =	vld [tilespmem:s5+$0xA800]  }
0x64: {  	s7 =	simm.s32 $0x400;
	v1 =	vld [tilespmem:s5+$0xA840];
	[tilespmem:s4+$0xA850] =	vst v5;
	v5 =	vsel vm2, $0x0, v7  }
.LBB2_4:
0x65: {  	p0 =	sne.s32 s7, $0x9E00;
	v6 =	vld [tilespmem:s5+$0xA850];
	s6 =	sadd.s32 $0x80, s6;
	[tilespmem:s4+$0xA870] =	vst v5;
	s4 =	smov.u32 s5  }
0x66: {  	s5 =	sand.u32 $0xF000, s7;
	s8 =	sand.u32 $0x380, s6;
	v3 =	vsel vm1, $0x0, v3;
	v5 =	vld [tilespmem:s4+$0xA870]  }
.Ltmp1:
0x67: {  	s5 =	sor.u32 s8, s5;
	[tilespmem:s4+$0xA000] =	vst v3;
	v2 =	vsel vm2, $0x0, v2;
	(pc) =	sbr.rel @p0 .LBB2_4-.Ltmp1, $4  }
0x68: {  	v3 =	vld [tilespmem:s5+$0xA000];
	[tilespmem:s4+$0xA070] =	vst v2;
	v4 =	vnsel vm0, $0x0, v4  }
0x69: {  	v2 =	vld [tilespmem:s5+$0xA070];
	[tilespmem:s4+$0xA800] =	vst v4;
	v1 =	vsel vm3, $0x0, v1  }
0x6a: {  	v4 =	vld [tilespmem:s5+$0xA800];
	[tilespmem:s4+$0xA840] =	vst v1;
	v6 =	vsel vm4, $0x0, v6  }
0x6b: {  	s7 =	sadd.s32 $0x200, s7;
	v1 =	vld [tilespmem:s5+$0xA840];
	[tilespmem:s4+$0xA850] =	vst v6;
	v5 =	vsel vm2, $0x0, v5  }
0x6c: {  	v6 =	vld [tilespmem:s5+$0xA850];
	vm2 =	veq.s32 v0, $0x8;
	[tilespmem:s4+$0xA870] =	vst v5  }
0x6d: {  	vm1 =	veq.s32 v0, $0xB;
	v3 =	vsel vm2, $0x0, v3;
	v5 =	vld [tilespmem:s5+$0xA870]  }
0x6e: {  	[tilespmem:s5+$0xA000] =	vst v3;
	v2 =	vsel vm1, $0x0, v2  }
0x6f: {  	vm3 =	veq.s32 v0, $0x6;
	[tilespmem:s5+$0xA070] =	vst v2;
	v2 =	vnsel vm0, $0x0, v4  }
0x70: {  	vm4 =	veq.s32 v0, $0x2;
	[tilespmem:s5+$0xA800] =	vst v2;
	v1 =	vsel vm3, $0x0, v1  }
0x71: {  	[tilespmem:s5+$0xA840] =	vst v1;
	v1 =	vsel vm4, $0x0, v6  }
0x72: {  	[tilespmem:s5+$0xA850] =	vst v1;
	v1 =	vsel vm1, $0x0, v5  }
0x73: {  	s9 =	simm.s32 $0x0;
	s6 =	rddreg [dreg:$0x6];
	[tilespmem:s5+$0xA870] =	vst v1  }
0x74: {  	[hbm4b:s6+s9] =	stream.linear.scatter [tilespmem:s25], [sflag:$0x5], $0xA000, $0x38;
	[tilespmem:$0x1E000] =	vst v63  }
0x75: {  	_ =	swait.ge [sflag:s31], $0xA000  }
0x76: {  	[sflag:s31] =	ssyncset.done $0x0  }
0x77: {  	[sflag:s31] =	ssyncadd.s32 $0xFFFF6000  }
0x78: {  	_ =	swait.ge [sflag:s0], $0xA000  }
0x79: {  	s8 =	sand.u32 $0xF000, s9;
	s4 =	sand.u32 $0x380, s9;
	[sflag:s0] =	ssyncset.done $0x0  }
0x7a: {  	s6 =	sor.u32 s4, s8;
	s7 =	rddreg [dreg:$0x7];
	[sflag:s0] =	ssyncadd.s32 $0xFFFF6000  }
0x7b: {  	[tilespmem:s25], [sflag:$0x2] =	stream.linear.gather [hbm4b:s7+s9], $0xA000, $0x38;
	[tilespmem:$0x1E000] =	vst v63  }
0x7c: {  	s4 =	sadd.s32 $0x14000, s6;
	v1 =	vld [tilespmem:s6+$0x14000]  }
0x7d: {  	v2 =	vld [tilespmem:s4+$0x70]  }
0x7e: {  	v5 =	vld [tilespmem:s4+$0x800]  }
0x7f: {  	v6 =	vld [tilespmem:s4+$0x840]  }
0x80: {  	s9 =	simm.s32 $0x200;
	s7 =	simm.s32 $0x80;
	v7 =	vld [tilespmem:s4+$0x850]  }
0x81: {  	s5 =	sand.u32 $0xF000, s9;
	s8 =	sand.u32 $0x380, s7;
	v4 =	vld [tilespmem:s4+$0x870];
	v1 =	vsel vm2, $0x0, v1  }
0x82: {  	s5 =	sor.u32 s8, s5;
	[tilespmem:s6+$0x14000] =	vst v1;
	v1 =	vsel vm1, $0x0, v2  }
0x83: {  	s6 =	sadd.s32 $0x14000, s5;
	v2 =	vnsel vm0, $0x0, v5;
	v3 =	vld [tilespmem:s5+$0x14000];
	[tilespmem:s4+$0x70] =	vst v1  }
0x84: {  	v5 =	vsel vm3, $0x0, v6;
	[tilespmem:s4+$0x800] =	vst v2;
	v1 =	vld [tilespmem:s6+$0x70]  }
0x85: {  	s8 =	simm.s32 $0x400;
	[tilespmem:s4+$0x840] =	vst v5;
	v5 =	vsel vm4, $0x0, v7;
	v2 =	vld [tilespmem:s6+$0x800]  }
.LBB2_6:
0x86: {  	p0 =	sne.s32 s8, $0x9E00;
	v6 =	vld [tilespmem:s6+$0x840];
	[tilespmem:s4+$0x850] =	vst v5;
	v4 =	vsel vm1, $0x0, v4  }
0x87: {  	s7 =	sadd.s32 $0x80, s7;
	v5 =	vld [tilespmem:s6+$0x850];
	[tilespmem:s4+$0x870] =	vst v4;
	s4 =	smov.u32 s6  }
.Ltmp2:
0x88: {  	s6 =	sand.u32 $0xF000, s8;
	s9 =	sand.u32 $0x380, s7;
	v3 =	vsel vm2, $0x0, v3;
	v4 =	vld [tilespmem:s4+$0x870];
	(pc) =	sbr.rel @p0 .LBB2_6-.Ltmp2, $4  }
0x89: {  	[tilespmem:s5+$0x14000] =	vst v3;
	s5 =	sor.u32 s9, s6;
	v1 =	vsel vm1, $0x0, v1  }
0x8a: {  	s6 =	sadd.s32 $0x14000, s5;
	v3 =	vld [tilespmem:s5+$0x14000];
	[tilespmem:s4+$0x70] =	vst v1;
	v2 =	vnsel vm0, $0x0, v2  }
0x8b: {  	v1 =	vld [tilespmem:s6+$0x70];
	[tilespmem:s4+$0x800] =	vst v2;
	v6 =	vsel vm3, $0x0, v6  }
0x8c: {  	s8 =	sadd.s32 $0x200, s8;
	v2 =	vld [tilespmem:s6+$0x800];
	[tilespmem:s4+$0x840] =	vst v6;
	v5 =	vsel vm4, $0x0, v5  }
0x8d: {  	v6 =	vld [tilespmem:s6+$0x840];
	[tilespmem:s4+$0x850] =	vst v5;
	v4 =	vsel vm1, $0x0, v4  }
0x8e: {  	vm1 =	veq.s32 v0, $0x8;
	v5 =	vld [tilespmem:s6+$0x850];
	[tilespmem:s4+$0x870] =	vst v4  }
0x8f: {  	vm2 =	veq.s32 v0, $0xB;
	v3 =	vsel vm1, $0x0, v3;
	v4 =	vld [tilespmem:s6+$0x870]  }
0x90: {  	[tilespmem:s5+$0x14000] =	vst v3;
	v1 =	vsel vm2, $0x0, v1  }
0x91: {  	vm3 =	veq.s32 v0, $0x6;
	[tilespmem:s6+$0x70] =	vst v1;
	v1 =	vnsel vm0, $0x0, v2  }
0x92: {  	vm4 =	veq.s32 v0, $0x2;
	[tilespmem:s6+$0x800] =	vst v1;
	v1 =	vsel vm3, $0x0, v6  }
0x93: {  	[tilespmem:s6+$0x840] =	vst v1;
	v1 =	vsel vm4, $0x0, v5  }
0x94: {  	[tilespmem:s6+$0x850] =	vst v1;
	v1 =	vsel vm2, $0x0, v4  }
0x95: {  	s9 =	simm.s32 $0x0;
	[tilespmem:s6+$0x870] =	vst v1;
	s6 =	rddreg [dreg:$0x8]  }
0x96: {  	[hbm4b:s6+s9] =	stream.linear.scatter [tilespmem:s28], [sflag:$0x6], $0xA000, $0x38;
	[tilespmem:$0x1E000] =	vst v63  }
0x97: {  	_ =	swait.ge [sflag:s26], $0xA000  }
0x98: {  	[sflag:s26] =	ssyncset.done $0x0  }
0x99: {  	[sflag:s26] =	ssyncadd.s32 $0xFFFF6000  }
0x9a: {  	_ =	swait.ge [sflag:s2], $0xA000  }
0x9b: {  	s8 =	sand.u32 $0xF000, s9;
	s4 =	sand.u32 $0x380, s9;
	[sflag:s2] =	ssyncset.done $0x0  }
0x9c: {  	s4 =	sor.u32 s4, s8;
	s7 =	rddreg [dreg:$0x9];
	[sflag:s2] =	ssyncadd.s32 $0xFFFF6000  }
0x9d: {  	[tilespmem:s28], [sflag:$0x3] =	stream.linear.gather [hbm4b:s7+s9], $0xA000, $0x38;
	[tilespmem:$0x1E000] =	vst v63  }
0x9e: {  	v1 =	vld [tilespmem:s4+$0x0]  }
0x9f: {  	v2 =	vld [tilespmem:s4+$0x70]  }
0xa0: {  	v4 =	vld [tilespmem:s4+$0x840]  }
0xa1: {  	v5 =	vld [tilespmem:s4+$0x800];
	_ =	sdelay $0x1  }
0xa2: {  	s6 =	simm.s32 $0x80;
	s9 =	simm.s32 $0x200;
	v6 =	vld [tilespmem:s4+$0x850]  }
0xa3: {  	s7 =	sand.u32 $0x380, s6;
	s5 =	sand.u32 $0xF000, s9;
	v7 =	vld [tilespmem:s4+$0x870];
	v1 =	vsel vm1, $0x0, v1  }
0xa4: {  	s5 =	sor.u32 s7, s5;
	[tilespmem:s4+$0x0] =	vst v1;
	v1 =	vsel vm2, $0x0, v2  }
0xa5: {  	v3 =	vld [tilespmem:s5+$0x0];
	[tilespmem:s4+$0x70] =	vst v1;
	v1 =	vsel vm3, $0x0, v4;
	v4 =	vnsel vm0, $0x0, v5  }
0xa6: {  	v2 =	vld [tilespmem:s5+$0x70];
	[tilespmem:s4+$0x800] =	vst v4  }
0xa7: {  	v5 =	vsel vm4, $0x0, v6;
	[tilespmem:s4+$0x840] =	vst v1;
	v4 =	vld [tilespmem:s5+$0x800]  }
0xa8: {  	s7 =	simm.s32 $0x400;
	v1 =	vld [tilespmem:s5+$0x840];
	[tilespmem:s4+$0x850] =	vst v5;
	v5 =	vsel vm2, $0x0, v7  }
.LBB2_8:
0xa9: {  	p0 =	sne.s32 s7, $0x9E00;
	v6 =	vld [tilespmem:s5+$0x850];
	s6 =	sadd.s32 $0x80, s6;
	[tilespmem:s4+$0x870] =	vst v5;
	s4 =	smov.u32 s5  }
0xaa: {  	s5 =	sand.u32 $0xF000, s7;
	s8 =	sand.u32 $0x380, s6;
	v3 =	vsel vm1, $0x0, v3;
	v5 =	vld [tilespmem:s4+$0x870]  }
.Ltmp3:
0xab: {  	s5 =	sor.u32 s8, s5;
	[tilespmem:s4+$0x0] =	vst v3;
	v2 =	vsel vm2, $0x0, v2;
	(pc) =	sbr.rel @p0 .LBB2_8-.Ltmp3, $4  }
0xac: {  	v3 =	vld [tilespmem:s5+$0x0];
	[tilespmem:s4+$0x70] =	vst v2;
	v4 =	vnsel vm0, $0x0, v4  }
0xad: {  	v2 =	vld [tilespmem:s5+$0x70];
	[tilespmem:s4+$0x800] =	vst v4;
	v1 =	vsel vm3, $0x0, v1  }
0xae: {  	v4 =	vld [tilespmem:s5+$0x800];
	[tilespmem:s4+$0x840] =	vst v1;
	v6 =	vsel vm4, $0x0, v6  }
0xaf: {  	s7 =	sadd.s32 $0x200, s7;
	v1 =	vld [tilespmem:s5+$0x840];
	[tilespmem:s4+$0x850] =	vst v6;
	v5 =	vsel vm2, $0x0, v5  }
0xb0: {  	v6 =	vld [tilespmem:s5+$0x850];
	vm1 =	veq.s32 v0, $0x8;
	[tilespmem:s4+$0x870] =	vst v5  }
0xb1: {  	vm2 =	veq.s32 v0, $0xB;
	v3 =	vsel vm1, $0x0, v3;
	v5 =	vld [tilespmem:s5+$0x870]  }
0xb2: {  	[tilespmem:s5+$0x0] =	vst v3;
	v2 =	vsel vm2, $0x0, v2  }
0xb3: {  	vm3 =	veq.s32 v0, $0x6;
	[tilespmem:s5+$0x70] =	vst v2;
	v2 =	vnsel vm0, $0x0, v4  }
0xb4: {  	vm4 =	veq.s32 v0, $0x2;
	[tilespmem:s5+$0x800] =	vst v2;
	v1 =	vsel vm3, $0x0, v1  }
0xb5: {  	[tilespmem:s5+$0x840] =	vst v1;
	v1 =	vsel vm4, $0x0, v6  }
0xb6: {  	[tilespmem:s5+$0x850] =	vst v1;
	v1 =	vsel vm2, $0x0, v5  }
0xb7: {  	s9 =	simm.s32 $0x0;
	s6 =	rddreg [dreg:$0xa];
	[tilespmem:s5+$0x870] =	vst v1  }
0xb8: {  	[hbm4b:s6+s9] =	stream.linear.scatter [tilespmem:s9], [sflag:$0x4], $0xA000, $0x38;
	[tilespmem:$0x1E000] =	vst v63  }
0xb9: {  	_ =	swait.ge [sflag:s29], $0xA000  }
0xba: {  	[sflag:s29] =	ssyncset.done $0x0  }
0xbb: {  	[sflag:s29] =	ssyncadd.s32 $0xFFFF6000  }
0xbc: {  	_ =	swait.ge [sflag:s30], $0xA000  }
0xbd: {  	s8 =	sand.u32 $0xF000, s9;
	s4 =	sand.u32 $0x380, s9;
	[sflag:s30] =	ssyncset.done $0x0  }
0xbe: {  	s4 =	sor.u32 s4, s8;
	s7 =	rddreg [dreg:$0xb];
	[sflag:s30] =	ssyncadd.s32 $0xFFFF6000  }
0xbf: {  	[tilespmem:s9], [sflag:$0x1] =	stream.linear.gather [hbm4b:s7+s9], $0xA000, $0x38;
	[tilespmem:$0x1E000] =	vst v63  }
0xc0: {  	v1 =	vld [tilespmem:s4+$0xA000]  }
0xc1: {  	v2 =	vld [tilespmem:s4+$0xA070]  }
0xc2: {  	v4 =	vld [tilespmem:s4+$0xA840]  }
0xc3: {  	v5 =	vld [tilespmem:s4+$0xA800];
	_ =	sdelay $0x1  }
0xc4: {  	s6 =	simm.s32 $0x80;
	s9 =	simm.s32 $0x200;
	v6 =	vld [tilespmem:s4+$0xA850]  }
0xc5: {  	s7 =	sand.u32 $0x380, s6;
	s5 =	sand.u32 $0xF000, s9;
	v7 =	vld [tilespmem:s4+$0xA870];
	v1 =	vsel vm1, $0x0, v1  }
0xc6: {  	s5 =	sor.u32 s7, s5;
	[tilespmem:s4+$0xA000] =	vst v1;
	v1 =	vsel vm2, $0x0, v2  }
0xc7: {  	v3 =	vld [tilespmem:s5+$0xA000];
	[tilespmem:s4+$0xA070] =	vst v1;
	v1 =	vsel vm3, $0x0, v4;
	v4 =	vnsel vm0, $0x0, v5  }
0xc8: {  	v2 =	vld [tilespmem:s5+$0xA070];
	[tilespmem:s4+$0xA800] =	vst v4  }
0xc9: {  	v5 =	vsel vm4, $0x0, v6;
	[tilespmem:s4+$0xA840] =	vst v1;
	v4 =	vld [tilespmem:s5+$0xA800]  }
0xca: {  	s7 =	simm.s32 $0x400;
	v1 =	vld [tilespmem:s5+$0xA840];
	[tilespmem:s4+$0xA850] =	vst v5;
	v5 =	vsel vm2, $0x0, v7  }
.LBB2_10:
0xcb: {  	p0 =	sne.s32 s7, $0x9E00;
	v6 =	vld [tilespmem:s5+$0xA850];
	s6 =	sadd.s32 $0x80, s6;
	[tilespmem:s4+$0xA870] =	vst v5;
	s4 =	smov.u32 s5  }
0xcc: {  	s5 =	sand.u32 $0xF000, s7;
	s8 =	sand.u32 $0x380, s6;
	v3 =	vsel vm1, $0x0, v3;
	v5 =	vld [tilespmem:s4+$0xA870]  }
.Ltmp4:
0xcd: {  	s5 =	sor.u32 s8, s5;
	[tilespmem:s4+$0xA000] =	vst v3;
	v2 =	vsel vm2, $0x0, v2;
	(pc) =	sbr.rel @p0 .LBB2_10-.Ltmp4, $4  }
0xce: {  	v3 =	vld [tilespmem:s5+$0xA000];
	[tilespmem:s4+$0xA070] =	vst v2;
	v4 =	vnsel vm0, $0x0, v4  }
0xcf: {  	v2 =	vld [tilespmem:s5+$0xA070];
	[tilespmem:s4+$0xA800] =	vst v4;
	v1 =	vsel vm3, $0x0, v1  }
0xd0: {  	v4 =	vld [tilespmem:s5+$0xA800];
	[tilespmem:s4+$0xA840] =	vst v1;
	v6 =	vsel vm4, $0x0, v6  }
0xd1: {  	s7 =	sadd.s32 $0x200, s7;
	v1 =	vld [tilespmem:s5+$0xA840];
	[tilespmem:s4+$0xA850] =	vst v6;
	v5 =	vsel vm2, $0x0, v5  }
0xd2: {  	v6 =	vld [tilespmem:s5+$0xA850];
	vm2 =	veq.s32 v0, $0x8;
	[tilespmem:s4+$0xA870] =	vst v5  }
0xd3: {  	vm1 =	veq.s32 v0, $0xB;
	v3 =	vsel vm2, $0x0, v3;
	v5 =	vld [tilespmem:s5+$0xA870]  }
0xd4: {  	[tilespmem:s5+$0xA000] =	vst v3;
	v2 =	vsel vm1, $0x0, v2  }
0xd5: {  	vm3 =	veq.s32 v0, $0x6;
	[tilespmem:s5+$0xA070] =	vst v2;
	v2 =	vnsel vm0, $0x0, v4  }
0xd6: {  	vm4 =	veq.s32 v0, $0x2;
	[tilespmem:s5+$0xA800] =	vst v2;
	v1 =	vsel vm3, $0x0, v1  }
0xd7: {  	[tilespmem:s5+$0xA840] =	vst v1;
	v1 =	vsel vm4, $0x0, v6  }
0xd8: {  	[tilespmem:s5+$0xA850] =	vst v1;
	v1 =	vsel vm1, $0x0, v5  }
0xd9: {  	s9 =	simm.s32 $0x0;
	s6 =	rddreg [dreg:$0xc];
	[tilespmem:s5+$0xA870] =	vst v1  }
0xda: {  	[hbm4b:s6+s9] =	stream.linear.scatter [tilespmem:s25], [sflag:$0x5], $0xA000, $0x38;
	[tilespmem:$0x1E000] =	vst v63  }
0xdb: {  	_ =	swait.ge [sflag:s31], $0xA000  }
0xdc: {  	[sflag:s31] =	ssyncset.done $0x0  }
0xdd: {  	[sflag:s31] =	ssyncadd.s32 $0xFFFF6000  }
0xde: {  	_ =	swait.ge [sflag:s0], $0xA000  }
0xdf: {  	s8 =	sand.u32 $0xF000, s9;
	s4 =	sand.u32 $0x380, s9;
	[sflag:s0] =	ssyncset.done $0x0  }
0xe0: {  	s6 =	sor.u32 s4, s8;
	s7 =	rddreg [dreg:$0xd];
	[sflag:s0] =	ssyncadd.s32 $0xFFFF6000  }
0xe1: {  	[tilespmem:s25], [sflag:$0x2] =	stream.linear.gather [hbm4b:s7+s9], $0xA000, $0x38;
	[tilespmem:$0x1E000] =	vst v63  }
0xe2: {  	s4 =	sadd.s32 $0x14000, s6;
	v1 =	vld [tilespmem:s6+$0x14000]  }
0xe3: {  	v2 =	vld [tilespmem:s4+$0x70]  }
0xe4: {  	v5 =	vld [tilespmem:s4+$0x800]  }
0xe5: {  	v6 =	vld [tilespmem:s4+$0x840]  }
0xe6: {  	s9 =	simm.s32 $0x200;
	s7 =	simm.s32 $0x80;
	v7 =	vld [tilespmem:s4+$0x850]  }
0xe7: {  	s5 =	sand.u32 $0xF000, s9;
	s8 =	sand.u32 $0x380, s7;
	v4 =	vld [tilespmem:s4+$0x870];
	v1 =	vsel vm2, $0x0, v1  }
0xe8: {  	s5 =	sor.u32 s8, s5;
	[tilespmem:s6+$0x14000] =	vst v1;
	v1 =	vsel vm1, $0x0, v2  }
0xe9: {  	s6 =	sadd.s32 $0x14000, s5;
	v2 =	vnsel vm0, $0x0, v5;
	v3 =	vld [tilespmem:s5+$0x14000];
	[tilespmem:s4+$0x70] =	vst v1  }
0xea: {  	v5 =	vsel vm3, $0x0, v6;
	[tilespmem:s4+$0x800] =	vst v2;
	v1 =	vld [tilespmem:s6+$0x70]  }
0xeb: {  	s8 =	simm.s32 $0x400;
	[tilespmem:s4+$0x840] =	vst v5;
	v5 =	vsel vm4, $0x0, v7;
	v2 =	vld [tilespmem:s6+$0x800]  }
.LBB2_12:
0xec: {  	p0 =	sne.s32 s8, $0x9E00;
	v6 =	vld [tilespmem:s6+$0x840];
	[tilespmem:s4+$0x850] =	vst v5;
	v4 =	vsel vm1, $0x0, v4  }
0xed: {  	s7 =	sadd.s32 $0x80, s7;
	v5 =	vld [tilespmem:s6+$0x850];
	[tilespmem:s4+$0x870] =	vst v4;
	s4 =	smov.u32 s6  }
.Ltmp5:
0xee: {  	s6 =	sand.u32 $0xF000, s8;
	s9 =	sand.u32 $0x380, s7;
	v3 =	vsel vm2, $0x0, v3;
	v4 =	vld [tilespmem:s4+$0x870];
	(pc) =	sbr.rel @p0 .LBB2_12-.Ltmp5, $4  }
0xef: {  	[tilespmem:s5+$0x14000] =	vst v3;
	s5 =	sor.u32 s9, s6;
	v1 =	vsel vm1, $0x0, v1  }
0xf0: {  	s6 =	sadd.s32 $0x14000, s5;
	v3 =	vld [tilespmem:s5+$0x14000];
	[tilespmem:s4+$0x70] =	vst v1;
	v2 =	vnsel vm0, $0x0, v2  }
0xf1: {  	v1 =	vld [tilespmem:s6+$0x70];
	[tilespmem:s4+$0x800] =	vst v2;
	v6 =	vsel vm3, $0x0, v6  }
0xf2: {  	s8 =	sadd.s32 $0x200, s8;
	v2 =	vld [tilespmem:s6+$0x800];
	[tilespmem:s4+$0x840] =	vst v6;
	v5 =	vsel vm4, $0x0, v5  }
0xf3: {  	v6 =	vld [tilespmem:s6+$0x840];
	[tilespmem:s4+$0x850] =	vst v5;
	v4 =	vsel vm1, $0x0, v4  }
0xf4: {  	vm1 =	veq.s32 v0, $0x8;
	v5 =	vld [tilespmem:s6+$0x850];
	[tilespmem:s4+$0x870] =	vst v4  }
0xf5: {  	vm2 =	veq.s32 v0, $0xB;
	v3 =	vsel vm1, $0x0, v3;
	v4 =	vld [tilespmem:s6+$0x870]  }
0xf6: {  	[tilespmem:s5+$0x14000] =	vst v3;
	v1 =	vsel vm2, $0x0, v1  }
0xf7: {  	vm3 =	veq.s32 v0, $0x6;
	[tilespmem:s6+$0x70] =	vst v1;
	v1 =	vnsel vm0, $0x0, v2  }
0xf8: {  	vm4 =	veq.s32 v0, $0x2;
	[tilespmem:s6+$0x800] =	vst v1;
	v1 =	vsel vm3, $0x0, v6  }
0xf9: {  	[tilespmem:s6+$0x840] =	vst v1;
	v1 =	vsel vm4, $0x0, v5  }
0xfa: {  	[tilespmem:s6+$0x850] =	vst v1;
	v1 =	vsel vm2, $0x0, v4  }
0xfb: {  	s9 =	simm.s32 $0x0;
	[tilespmem:s6+$0x870] =	vst v1;
	s6 =	rddreg [dreg:$0xe]  }
0xfc: {  	[hbm4b:s6+s9] =	stream.linear.scatter [tilespmem:s28], [sflag:$0x6], $0xA000, $0x38;
	[tilespmem:$0x1E000] =	vst v63  }
0xfd: {  	_ =	swait.ge [sflag:s26], $0xA000  }
0xfe: {  	[sflag:s26] =	ssyncset.done $0x0  }
0xff: {  	[sflag:s26] =	ssyncadd.s32 $0xFFFF6000  }
0x100: {  	_ =	swait.ge [sflag:s2], $0xA000  }
0x101: {  	s8 =	sand.u32 $0xF000, s9;
	s4 =	sand.u32 $0x380, s9;
	[sflag:s2] =	ssyncset.done $0x0  }
0x102: {  	s4 =	sor.u32 s4, s8;
	s7 =	rddreg [dreg:$0xf];
	[sflag:s2] =	ssyncadd.s32 $0xFFFF6000  }
0x103: {  	[tilespmem:s28], [sflag:$0x3] =	stream.linear.gather [hbm4b:s7+s9], $0xA000, $0x38;
	[tilespmem:$0x1E000] =	vst v63  }
0x104: {  	v1 =	vld [tilespmem:s4+$0x0]  }
0x105: {  	v2 =	vld [tilespmem:s4+$0x70]  }
0x106: {  	v4 =	vld [tilespmem:s4+$0x840]  }
0x107: {  	v5 =	vld [tilespmem:s4+$0x800];
	_ =	sdelay $0x1  }
0x108: {  	s6 =	simm.s32 $0x80;
	s9 =	simm.s32 $0x200;
	v6 =	vld [tilespmem:s4+$0x850]  }
0x109: {  	s7 =	sand.u32 $0x380, s6;
	s5 =	sand.u32 $0xF000, s9;
	v7 =	vld [tilespmem:s4+$0x870];
	v1 =	vsel vm1, $0x0, v1  }
0x10a: {  	s5 =	sor.u32 s7, s5;
	[tilespmem:s4+$0x0] =	vst v1;
	v1 =	vsel vm2, $0x0, v2  }
0x10b: {  	v3 =	vld [tilespmem:s5+$0x0];
	[tilespmem:s4+$0x70] =	vst v1;
	v1 =	vsel vm3, $0x0, v4;
	v4 =	vnsel vm0, $0x0, v5  }
0x10c: {  	v2 =	vld [tilespmem:s5+$0x70];
	[tilespmem:s4+$0x800] =	vst v4  }
0x10d: {  	v5 =	vsel vm4, $0x0, v6;
	[tilespmem:s4+$0x840] =	vst v1;
	v4 =	vld [tilespmem:s5+$0x800]  }
0x10e: {  	s7 =	simm.s32 $0x400;
	v1 =	vld [tilespmem:s5+$0x840];
	[tilespmem:s4+$0x850] =	vst v5;
	v5 =	vsel vm2, $0x0, v7  }
.LBB2_14:
0x10f: {  	p0 =	sne.s32 s7, $0x9E00;
	v6 =	vld [tilespmem:s5+$0x850];
	s6 =	sadd.s32 $0x80, s6;
	[tilespmem:s4+$0x870] =	vst v5;
	s4 =	smov.u32 s5  }
0x110: {  	s5 =	sand.u32 $0xF000, s7;
	s8 =	sand.u32 $0x380, s6;
	v3 =	vsel vm1, $0x0, v3;
	v5 =	vld [tilespmem:s4+$0x870]  }
.Ltmp6:
0x111: {  	s5 =	sor.u32 s8, s5;
	[tilespmem:s4+$0x0] =	vst v3;
	v2 =	vsel vm2, $0x0, v2;
	(pc) =	sbr.rel @p0 .LBB2_14-.Ltmp6, $4  }
0x112: {  	v3 =	vld [tilespmem:s5+$0x0];
	[tilespmem:s4+$0x70] =	vst v2;
	v4 =	vnsel vm0, $0x0, v4  }
0x113: {  	v2 =	vld [tilespmem:s5+$0x70];
	[tilespmem:s4+$0x800] =	vst v4;
	v1 =	vsel vm3, $0x0, v1  }
0x114: {  	v4 =	vld [tilespmem:s5+$0x800];
	[tilespmem:s4+$0x840] =	vst v1;
	v6 =	vsel vm4, $0x0, v6  }
0x115: {  	s7 =	sadd.s32 $0x200, s7;
	v1 =	vld [tilespmem:s5+$0x840];
	[tilespmem:s4+$0x850] =	vst v6;
	v5 =	vsel vm2, $0x0, v5  }
0x116: {  	v6 =	vld [tilespmem:s5+$0x850];
	vm1 =	veq.s32 v0, $0x8;
	[tilespmem:s4+$0x870] =	vst v5  }
0x117: {  	vm2 =	veq.s32 v0, $0xB;
	v3 =	vsel vm1, $0x0, v3;
	v5 =	vld [tilespmem:s5+$0x870]  }
0x118: {  	[tilespmem:s5+$0x0] =	vst v3;
	v2 =	vsel vm2, $0x0, v2  }
0x119: {  	vm3 =	veq.s32 v0, $0x6;
	[tilespmem:s5+$0x70] =	vst v2;
	v2 =	vnsel vm0, $0x0, v4  }
0x11a: {  	vm4 =	veq.s32 v0, $0x2;
	[tilespmem:s5+$0x800] =	vst v2;
	v1 =	vsel vm3, $0x0, v1  }
0x11b: {  	[tilespmem:s5+$0x840] =	vst v1;
	v1 =	vsel vm4, $0x0, v6  }
0x11c: {  	[tilespmem:s5+$0x850] =	vst v1;
	v1 =	vsel vm2, $0x0, v5  }
0x11d: {  	s9 =	simm.s32 $0x0;
	s6 =	rddreg [dreg:$0x10];
	[tilespmem:s5+$0x870] =	vst v1  }
0x11e: {  	[hbm4b:s6+s9] =	stream.linear.scatter [tilespmem:s9], [sflag:$0x4], $0xA000, $0x38;
	[tilespmem:$0x1E000] =	vst v63  }
0x11f: {  	_ =	swait.ge [sflag:s29], $0xA000  }
0x120: {  	[sflag:s29] =	ssyncset.done $0x0  }
0x121: {  	[sflag:s29] =	ssyncadd.s32 $0xFFFF6000  }
0x122: {  	_ =	swait.ge [sflag:s30], $0xA000  }
0x123: {  	s8 =	sand.u32 $0xF000, s9;
	s4 =	sand.u32 $0x380, s9;
	[sflag:s30] =	ssyncset.done $0x0  }
0x124: {  	s4 =	sor.u32 s4, s8;
	s7 =	rddreg [dreg:$0x11];
	[sflag:s30] =	ssyncadd.s32 $0xFFFF6000  }
0x125: {  	[tilespmem:s9], [sflag:$0x1] =	stream.linear.gather [hbm4b:s7+s9], $0xA000, $0x38;
	[tilespmem:$0x1E000] =	vst v63  }
0x126: {  	v1 =	vld [tilespmem:s4+$0xA000]  }
0x127: {  	v2 =	vld [tilespmem:s4+$0xA070]  }
0x128: {  	v4 =	vld [tilespmem:s4+$0xA840]  }
0x129: {  	v5 =	vld [tilespmem:s4+$0xA800];
	_ =	sdelay $0x1  }
0x12a: {  	s6 =	simm.s32 $0x80;
	s9 =	simm.s32 $0x200;
	v6 =	vld [tilespmem:s4+$0xA850]  }
0x12b: {  	s7 =	sand.u32 $0x380, s6;
	s5 =	sand.u32 $0xF000, s9;
	v7 =	vld [tilespmem:s4+$0xA870];
	v1 =	vsel vm1, $0x0, v1  }
0x12c: {  	s5 =	sor.u32 s7, s5;
	[tilespmem:s4+$0xA000] =	vst v1;
	v1 =	vsel vm2, $0x0, v2  }
0x12d: {  	v3 =	vld [tilespmem:s5+$0xA000];
	[tilespmem:s4+$0xA070] =	vst v1;
	v1 =	vsel vm3, $0x0, v4;
	v4 =	vnsel vm0, $0x0, v5  }
0x12e: {  	v2 =	vld [tilespmem:s5+$0xA070];
	[tilespmem:s4+$0xA800] =	vst v4  }
0x12f: {  	v5 =	vsel vm4, $0x0, v6;
	[tilespmem:s4+$0xA840] =	vst v1;
	v4 =	vld [tilespmem:s5+$0xA800]  }
0x130: {  	s7 =	simm.s32 $0x400;
	v1 =	vld [tilespmem:s5+$0xA840];
	[tilespmem:s4+$0xA850] =	vst v5;
	v5 =	vsel vm2, $0x0, v7  }
.LBB2_16:
0x131: {  	p0 =	sne.s32 s7, $0x9E00;
	v6 =	vld [tilespmem:s5+$0xA850];
	s6 =	sadd.s32 $0x80, s6;
	[tilespmem:s4+$0xA870] =	vst v5;
	s4 =	smov.u32 s5  }
0x132: {  	s5 =	sand.u32 $0xF000, s7;
	s8 =	sand.u32 $0x380, s6;
	v3 =	vsel vm1, $0x0, v3;
	v5 =	vld [tilespmem:s4+$0xA870]  }
.Ltmp7:
0x133: {  	s5 =	sor.u32 s8, s5;
	[tilespmem:s4+$0xA000] =	vst v3;
	v2 =	vsel vm2, $0x0, v2;
	(pc) =	sbr.rel @p0 .LBB2_16-.Ltmp7, $4  }
0x134: {  	v3 =	vld [tilespmem:s5+$0xA000];
	[tilespmem:s4+$0xA070] =	vst v2;
	v4 =	vnsel vm0, $0x0, v4  }
0x135: {  	v2 =	vld [tilespmem:s5+$0xA070];
	[tilespmem:s4+$0xA800] =	vst v4;
	v1 =	vsel vm3, $0x0, v1  }
0x136: {  	v4 =	vld [tilespmem:s5+$0xA800];
	[tilespmem:s4+$0xA840] =	vst v1;
	v6 =	vsel vm4, $0x0, v6  }
0x137: {  	s7 =	sadd.s32 $0x200, s7;
	v1 =	vld [tilespmem:s5+$0xA840];
	[tilespmem:s4+$0xA850] =	vst v6;
	v5 =	vsel vm2, $0x0, v5  }
0x138: {  	v6 =	vld [tilespmem:s5+$0xA850];
	vm2 =	veq.s32 v0, $0x8;
	[tilespmem:s4+$0xA870] =	vst v5  }
0x139: {  	vm1 =	veq.s32 v0, $0xB;
	v3 =	vsel vm2, $0x0, v3;
	v5 =	vld [tilespmem:s5+$0xA870]  }
0x13a: {  	[tilespmem:s5+$0xA000] =	vst v3;
	v2 =	vsel vm1, $0x0, v2  }
0x13b: {  	vm3 =	veq.s32 v0, $0x6;
	[tilespmem:s5+$0xA070] =	vst v2;
	v2 =	vnsel vm0, $0x0, v4  }
0x13c: {  	vm4 =	veq.s32 v0, $0x2;
	[tilespmem:s5+$0xA800] =	vst v2;
	v1 =	vsel vm3, $0x0, v1  }
0x13d: {  	[tilespmem:s5+$0xA840] =	vst v1;
	v1 =	vsel vm4, $0x0, v6  }
0x13e: {  	[tilespmem:s5+$0xA850] =	vst v1;
	v1 =	vsel vm1, $0x0, v5  }
0x13f: {  	s9 =	simm.s32 $0x0;
	s6 =	rddreg [dreg:$0x12];
	[tilespmem:s5+$0xA870] =	vst v1  }
0x140: {  	[hbm4b:s6+s9] =	stream.linear.scatter [tilespmem:s25], [sflag:$0x5], $0xA000, $0x38;
	[tilespmem:$0x1E000] =	vst v63  }
0x141: {  	_ =	swait.ge [sflag:s31], $0xA000  }
0x142: {  	[sflag:s31] =	ssyncset.done $0x0  }
0x143: {  	[sflag:s31] =	ssyncadd.s32 $0xFFFF6000  }
0x144: {  	_ =	swait.ge [sflag:s0], $0xA000  }
0x145: {  	s8 =	sand.u32 $0xF000, s9;
	s4 =	sand.u32 $0x380, s9;
	[sflag:s0] =	ssyncset.done $0x0  }
0x146: {  	s6 =	sor.u32 s4, s8;
	s7 =	rddreg [dreg:$0x13];
	[sflag:s0] =	ssyncadd.s32 $0xFFFF6000  }
0x147: {  	[tilespmem:s25], [sflag:$0x2] =	stream.linear.gather [hbm4b:s7+s9], $0xA000, $0x38;
	[tilespmem:$0x1E000] =	vst v63  }
0x148: {  	s4 =	sadd.s32 $0x14000, s6;
	v1 =	vld [tilespmem:s6+$0x14000]  }
0x149: {  	v2 =	vld [tilespmem:s4+$0x70]  }
0x14a: {  	v5 =	vld [tilespmem:s4+$0x800]  }
0x14b: {  	v6 =	vld [tilespmem:s4+$0x840]  }
0x14c: {  	s9 =	simm.s32 $0x200;
	s7 =	simm.s32 $0x80;
	v7 =	vld [tilespmem:s4+$0x850]  }
0x14d: {  	s5 =	sand.u32 $0xF000, s9;
	s8 =	sand.u32 $0x380, s7;
	v4 =	vld [tilespmem:s4+$0x870];
	v1 =	vsel vm2, $0x0, v1  }
0x14e: {  	s5 =	sor.u32 s8, s5;
	[tilespmem:s6+$0x14000] =	vst v1;
	v1 =	vsel vm1, $0x0, v2  }
0x14f: {  	s6 =	sadd.s32 $0x14000, s5;
	v2 =	vnsel vm0, $0x0, v5;
	v3 =	vld [tilespmem:s5+$0x14000];
	[tilespmem:s4+$0x70] =	vst v1  }
0x150: {  	v5 =	vsel vm3, $0x0, v6;
	[tilespmem:s4+$0x800] =	vst v2;
	v1 =	vld [tilespmem:s6+$0x70]  }
0x151: {  	s8 =	simm.s32 $0x400;
	[tilespmem:s4+$0x840] =	vst v5;
	v5 =	vsel vm4, $0x0, v7;
	v2 =	vld [tilespmem:s6+$0x800]  }
.LBB2_18:
0x152: {  	p0 =	sne.s32 s8, $0x9E00;
	v6 =	vld [tilespmem:s6+$0x840];
	[tilespmem:s4+$0x850] =	vst v5;
	v4 =	vsel vm1, $0x0, v4  }
0x153: {  	s7 =	sadd.s32 $0x80, s7;
	v5 =	vld [tilespmem:s6+$0x850];
	[tilespmem:s4+$0x870] =	vst v4;
	s4 =	smov.u32 s6  }
.Ltmp8:
0x154: {  	s6 =	sand.u32 $0xF000, s8;
	s9 =	sand.u32 $0x380, s7;
	v3 =	vsel vm2, $0x0, v3;
	v4 =	vld [tilespmem:s4+$0x870];
	(pc) =	sbr.rel @p0 .LBB2_18-.Ltmp8, $4  }
0x155: {  	[tilespmem:s5+$0x14000] =	vst v3;
	s5 =	sor.u32 s9, s6;
	v1 =	vsel vm1, $0x0, v1  }
0x156: {  	s6 =	sadd.s32 $0x14000, s5;
	v3 =	vld [tilespmem:s5+$0x14000];
	[tilespmem:s4+$0x70] =	vst v1;
	v2 =	vnsel vm0, $0x0, v2  }
0x157: {  	v1 =	vld [tilespmem:s6+$0x70];
	[tilespmem:s4+$0x800] =	vst v2;
	v6 =	vsel vm3, $0x0, v6  }
0x158: {  	s8 =	sadd.s32 $0x200, s8;
	v2 =	vld [tilespmem:s6+$0x800];
	[tilespmem:s4+$0x840] =	vst v6;
	v5 =	vsel vm4, $0x0, v5  }
0x159: {  	v6 =	vld [tilespmem:s6+$0x840];
	[tilespmem:s4+$0x850] =	vst v5;
	v4 =	vsel vm1, $0x0, v4  }
0x15a: {  	vm1 =	veq.s32 v0, $0x8;
	v5 =	vld [tilespmem:s6+$0x850];
	[tilespmem:s4+$0x870] =	vst v4  }
0x15b: {  	vm2 =	veq.s32 v0, $0xB;
	v3 =	vsel vm1, $0x0, v3;
	v4 =	vld [tilespmem:s6+$0x870]  }
0x15c: {  	[tilespmem:s5+$0x14000] =	vst v3;
	v1 =	vsel vm2, $0x0, v1  }
0x15d: {  	vm3 =	veq.s32 v0, $0x6;
	[tilespmem:s6+$0x70] =	vst v1;
	v1 =	vnsel vm0, $0x0, v2  }
0x15e: {  	vm4 =	veq.s32 v0, $0x2;
	[tilespmem:s6+$0x800] =	vst v1;
	v1 =	vsel vm3, $0x0, v6  }
0x15f: {  	[tilespmem:s6+$0x840] =	vst v1;
	v1 =	vsel vm4, $0x0, v5  }
0x160: {  	[tilespmem:s6+$0x850] =	vst v1;
	v1 =	vsel vm2, $0x0, v4  }
0x161: {  	s9 =	simm.s32 $0x0;
	[tilespmem:s6+$0x870] =	vst v1;
	s6 =	rddreg [dreg:$0x14]  }
0x162: {  	[hbm4b:s6+s9] =	stream.linear.scatter [tilespmem:s28], [sflag:$0x6], $0xA000, $0x38;
	[tilespmem:$0x1E000] =	vst v63  }
0x163: {  	_ =	swait.ge [sflag:s26], $0xA000  }
0x164: {  	[sflag:s26] =	ssyncset.done $0x0  }
0x165: {  	[sflag:s26] =	ssyncadd.s32 $0xFFFF6000  }
0x166: {  	_ =	swait.ge [sflag:s2], $0xA000  }
0x167: {  	s8 =	sand.u32 $0xF000, s9;
	s4 =	sand.u32 $0x380, s9;
	[sflag:s2] =	ssyncset.done $0x0  }
0x168: {  	s4 =	sor.u32 s4, s8;
	s7 =	rddreg [dreg:$0x17];
	[sflag:s2] =	ssyncadd.s32 $0xFFFF6000  }
0x169: {  	[tilespmem:s28], [sflag:$0x3] =	stream.linear.gather [hbm4b:s7+s9], $0xA000, $0x38;
	[tilespmem:$0x1E000] =	vst v63  }
0x16a: {  	v1 =	vld [tilespmem:s4+$0x0]  }
0x16b: {  	v2 =	vld [tilespmem:s4+$0x70]  }
0x16c: {  	v4 =	vld [tilespmem:s4+$0x840]  }
0x16d: {  	v5 =	vld [tilespmem:s4+$0x800];
	_ =	sdelay $0x1  }
0x16e: {  	s6 =	simm.s32 $0x80;
	s9 =	simm.s32 $0x200;
	v6 =	vld [tilespmem:s4+$0x850]  }
0x16f: {  	s7 =	sand.u32 $0x380, s6;
	s5 =	sand.u32 $0xF000, s9;
	v7 =	vld [tilespmem:s4+$0x870];
	v1 =	vsel vm1, $0x0, v1  }
0x170: {  	s5 =	sor.u32 s7, s5;
	[tilespmem:s4+$0x0] =	vst v1;
	v1 =	vsel vm2, $0x0, v2  }
0x171: {  	v3 =	vld [tilespmem:s5+$0x0];
	[tilespmem:s4+$0x70] =	vst v1;
	v1 =	vsel vm3, $0x0, v4;
	v4 =	vnsel vm0, $0x0, v5  }
0x172: {  	v2 =	vld [tilespmem:s5+$0x70];
	[tilespmem:s4+$0x800] =	vst v4  }
0x173: {  	v5 =	vsel vm4, $0x0, v6;
	[tilespmem:s4+$0x840] =	vst v1;
	v4 =	vld [tilespmem:s5+$0x800]  }
0x174: {  	s7 =	simm.s32 $0x400;
	v1 =	vld [tilespmem:s5+$0x840];
	[tilespmem:s4+$0x850] =	vst v5;
	v5 =	vsel vm2, $0x0, v7  }
.LBB2_20:
0x175: {  	p0 =	sne.s32 s7, $0x9E00;
	v6 =	vld [tilespmem:s5+$0x850];
	s6 =	sadd.s32 $0x80, s6;
	[tilespmem:s4+$0x870] =	vst v5;
	s4 =	smov.u32 s5  }
0x176: {  	s5 =	sand.u32 $0xF000, s7;
	s8 =	sand.u32 $0x380, s6;
	v3 =	vsel vm1, $0x0, v3;
	v5 =	vld [tilespmem:s4+$0x870]  }
.Ltmp9:
0x177: {  	s5 =	sor.u32 s8, s5;
	[tilespmem:s4+$0x0] =	vst v3;
	v2 =	vsel vm2, $0x0, v2;
	(pc) =	sbr.rel @p0 .LBB2_20-.Ltmp9, $4  }
0x178: {  	v3 =	vld [tilespmem:s5+$0x0];
	[tilespmem:s4+$0x70] =	vst v2;
	v4 =	vnsel vm0, $0x0, v4  }
0x179: {  	v2 =	vld [tilespmem:s5+$0x70];
	[tilespmem:s4+$0x800] =	vst v4;
	v1 =	vsel vm3, $0x0, v1  }
0x17a: {  	v4 =	vld [tilespmem:s5+$0x800];
	[tilespmem:s4+$0x840] =	vst v1;
	v6 =	vsel vm4, $0x0, v6  }
0x17b: {  	s7 =	sadd.s32 $0x200, s7;
	v1 =	vld [tilespmem:s5+$0x840];
	[tilespmem:s4+$0x850] =	vst v6;
	v5 =	vsel vm2, $0x0, v5  }
0x17c: {  	v6 =	vld [tilespmem:s5+$0x850];
	vm1 =	veq.s32 v0, $0x8;
	[tilespmem:s4+$0x870] =	vst v5  }
0x17d: {  	vm2 =	veq.s32 v0, $0xB;
	v3 =	vsel vm1, $0x0, v3;
	v5 =	vld [tilespmem:s5+$0x870]  }
0x17e: {  	[tilespmem:s5+$0x0] =	vst v3;
	v2 =	vsel vm2, $0x0, v2  }
0x17f: {  	vm3 =	veq.s32 v0, $0x6;
	[tilespmem:s5+$0x70] =	vst v2;
	v2 =	vnsel vm0, $0x0, v4  }
0x180: {  	vm4 =	veq.s32 v0, $0x2;
	[tilespmem:s5+$0x800] =	vst v2;
	v1 =	vsel vm3, $0x0, v1  }
0x181: {  	[tilespmem:s5+$0x840] =	vst v1;
	v1 =	vsel vm4, $0x0, v6  }
0x182: {  	[tilespmem:s5+$0x850] =	vst v1;
	v1 =	vsel vm2, $0x0, v5  }
0x183: {  	s9 =	simm.s32 $0x0;
	s6 =	rddreg [dreg:$0x15];
	[tilespmem:s5+$0x870] =	vst v1  }
0x184: {  	[hbm4b:s6+s9] =	stream.linear.scatter [tilespmem:s9], [sflag:$0x4], $0xA000, $0x38;
	[tilespmem:$0x1E000] =	vst v63  }
0x185: {  	_ =	swait.ge [sflag:s29], $0xA000  }
0x186: {  	[sflag:s29] =	ssyncset.done $0x0  }
0x187: {  	[sflag:s29] =	ssyncadd.s32 $0xFFFF6000  }
0x188: {  	_ =	swait.ge [sflag:s30], $0xA000  }
0x189: {  	s8 =	sand.u32 $0xF000, s9;
	s4 =	sand.u32 $0x380, s9;
	[sflag:s30] =	ssyncset.done $0x0  }
0x18a: {  	s4 =	sor.u32 s4, s8;
	s7 =	rddreg [dreg:$0x19];
	[sflag:s30] =	ssyncadd.s32 $0xFFFF6000  }
0x18b: {  	[tilespmem:s9], [sflag:$0x1] =	stream.linear.gather [hbm4b:s7+s9], $0xA000, $0x38;
	[tilespmem:$0x1E000] =	vst v63  }
0x18c: {  	v1 =	vld [tilespmem:s4+$0xA000]  }
0x18d: {  	v2 =	vld [tilespmem:s4+$0xA070]  }
0x18e: {  	v4 =	vld [tilespmem:s4+$0xA840]  }
0x18f: {  	v5 =	vld [tilespmem:s4+$0xA800];
	_ =	sdelay $0x1  }
0x190: {  	s6 =	simm.s32 $0x80;
	s9 =	simm.s32 $0x200;
	v6 =	vld [tilespmem:s4+$0xA850]  }
0x191: {  	s7 =	sand.u32 $0x380, s6;
	s5 =	sand.u32 $0xF000, s9;
	v7 =	vld [tilespmem:s4+$0xA870];
	v1 =	vsel vm1, $0x0, v1  }
0x192: {  	s5 =	sor.u32 s7, s5;
	[tilespmem:s4+$0xA000] =	vst v1;
	v1 =	vsel vm2, $0x0, v2  }
0x193: {  	v3 =	vld [tilespmem:s5+$0xA000];
	[tilespmem:s4+$0xA070] =	vst v1;
	v1 =	vsel vm3, $0x0, v4;
	v4 =	vnsel vm0, $0x0, v5  }
0x194: {  	v2 =	vld [tilespmem:s5+$0xA070];
	[tilespmem:s4+$0xA800] =	vst v4  }
0x195: {  	v5 =	vsel vm4, $0x0, v6;
	[tilespmem:s4+$0xA840] =	vst v1;
	v4 =	vld [tilespmem:s5+$0xA800]  }
0x196: {  	s7 =	simm.s32 $0x400;
	v1 =	vld [tilespmem:s5+$0xA840];
	[tilespmem:s4+$0xA850] =	vst v5;
	v5 =	vsel vm2, $0x0, v7  }
.LBB2_22:
0x197: {  	p0 =	sne.s32 s7, $0x9E00;
	v6 =	vld [tilespmem:s5+$0xA850];
	s6 =	sadd.s32 $0x80, s6;
	[tilespmem:s4+$0xA870] =	vst v5;
	s4 =	smov.u32 s5  }
0x198: {  	s5 =	sand.u32 $0xF000, s7;
	s8 =	sand.u32 $0x380, s6;
	v3 =	vsel vm1, $0x0, v3;
	v5 =	vld [tilespmem:s4+$0xA870]  }
.Ltmp10:
0x199: {  	s5 =	sor.u32 s8, s5;
	[tilespmem:s4+$0xA000] =	vst v3;
	v2 =	vsel vm2, $0x0, v2;
	(pc) =	sbr.rel @p0 .LBB2_22-.Ltmp10, $4  }
0x19a: {  	v3 =	vld [tilespmem:s5+$0xA000];
	[tilespmem:s4+$0xA070] =	vst v2;
	v4 =	vnsel vm0, $0x0, v4  }
0x19b: {  	v2 =	vld [tilespmem:s5+$0xA070];
	[tilespmem:s4+$0xA800] =	vst v4;
	v1 =	vsel vm3, $0x0, v1  }
0x19c: {  	v4 =	vld [tilespmem:s5+$0xA800];
	[tilespmem:s4+$0xA840] =	vst v1;
	v6 =	vsel vm4, $0x0, v6  }
0x19d: {  	s7 =	sadd.s32 $0x200, s7;
	v1 =	vld [tilespmem:s5+$0xA840];
	[tilespmem:s4+$0xA850] =	vst v6;
	v5 =	vsel vm2, $0x0, v5  }
0x19e: {  	v6 =	vld [tilespmem:s5+$0xA850];
	vm2 =	veq.s32 v0, $0x8;
	[tilespmem:s4+$0xA870] =	vst v5  }
0x19f: {  	vm1 =	veq.s32 v0, $0xB;
	v3 =	vsel vm2, $0x0, v3;
	v5 =	vld [tilespmem:s5+$0xA870]  }
0x1a0: {  	[tilespmem:s5+$0xA000] =	vst v3;
	v2 =	vsel vm1, $0x0, v2  }
0x1a1: {  	vm3 =	veq.s32 v0, $0x6;
	[tilespmem:s5+$0xA070] =	vst v2;
	v2 =	vnsel vm0, $0x0, v4  }
0x1a2: {  	vm4 =	veq.s32 v0, $0x2;
	[tilespmem:s5+$0xA800] =	vst v2;
	v1 =	vsel vm3, $0x0, v1  }
0x1a3: {  	[tilespmem:s5+$0xA840] =	vst v1;
	v1 =	vsel vm4, $0x0, v6  }
0x1a4: {  	[tilespmem:s5+$0xA850] =	vst v1;
	v1 =	vsel vm1, $0x0, v5  }
0x1a5: {  	s9 =	simm.s32 $0x0;
	s6 =	rddreg [dreg:$0x16];
	[tilespmem:s5+$0xA870] =	vst v1  }
0x1a6: {  	[hbm4b:s6+s9] =	stream.linear.scatter [tilespmem:s25], [sflag:$0x5], $0xA000, $0x38;
	[tilespmem:$0x1E000] =	vst v63  }
0x1a7: {  	_ =	swait.ge [sflag:s31], $0xA000  }
0x1a8: {  	[sflag:s31] =	ssyncset.done $0x0  }
0x1a9: {  	[sflag:s31] =	ssyncadd.s32 $0xFFFF6000  }
0x1aa: {  	_ =	swait.ge [sflag:s0], $0xA000  }
0x1ab: {  	s8 =	sand.u32 $0xF000, s9;
	s4 =	sand.u32 $0x380, s9;
	[sflag:s0] =	ssyncset.done $0x0  }
0x1ac: {  	s6 =	sor.u32 s4, s8;
	s7 =	rddreg [dreg:$0x1b];
	[sflag:s0] =	ssyncadd.s32 $0xFFFF6000  }
0x1ad: {  	[tilespmem:s25], [sflag:$0x2] =	stream.linear.gather [hbm4b:s7+s9], $0xA000, $0x38;
	[tilespmem:$0x1E000] =	vst v63  }
0x1ae: {  	s4 =	sadd.s32 $0x14000, s6;
	v1 =	vld [tilespmem:s6+$0x14000]  }
0x1af: {  	v2 =	vld [tilespmem:s4+$0x70]  }
0x1b0: {  	v5 =	vld [tilespmem:s4+$0x800]  }
0x1b1: {  	v6 =	vld [tilespmem:s4+$0x840]  }
0x1b2: {  	s9 =	simm.s32 $0x200;
	s7 =	simm.s32 $0x80;
	v7 =	vld [tilespmem:s4+$0x850]  }
0x1b3: {  	s5 =	sand.u32 $0xF000, s9;
	s8 =	sand.u32 $0x380, s7;
	v4 =	vld [tilespmem:s4+$0x870];
	v1 =	vsel vm2, $0x0, v1  }
0x1b4: {  	s5 =	sor.u32 s8, s5;
	[tilespmem:s6+$0x14000] =	vst v1;
	v1 =	vsel vm1, $0x0, v2  }
0x1b5: {  	s6 =	sadd.s32 $0x14000, s5;
	v2 =	vnsel vm0, $0x0, v5;
	v3 =	vld [tilespmem:s5+$0x14000];
	[tilespmem:s4+$0x70] =	vst v1  }
0x1b6: {  	v5 =	vsel vm3, $0x0, v6;
	[tilespmem:s4+$0x800] =	vst v2;
	v1 =	vld [tilespmem:s6+$0x70]  }
0x1b7: {  	s8 =	simm.s32 $0x400;
	[tilespmem:s4+$0x840] =	vst v5;
	v5 =	vsel vm4, $0x0, v7;
	v2 =	vld [tilespmem:s6+$0x800]  }
.LBB2_24:
0x1b8: {  	p0 =	sne.s32 s8, $0x9E00;
	v6 =	vld [tilespmem:s6+$0x840];
	[tilespmem:s4+$0x850] =	vst v5;
	v4 =	vsel vm1, $0x0, v4  }
0x1b9: {  	s7 =	sadd.s32 $0x80, s7;
	v5 =	vld [tilespmem:s6+$0x850];
	[tilespmem:s4+$0x870] =	vst v4;
	s4 =	smov.u32 s6  }
.Ltmp11:
0x1ba: {  	s6 =	sand.u32 $0xF000, s8;
	s9 =	sand.u32 $0x380, s7;
	v3 =	vsel vm2, $0x0, v3;
	v4 =	vld [tilespmem:s4+$0x870];
	(pc) =	sbr.rel @p0 .LBB2_24-.Ltmp11, $4  }
0x1bb: {  	[tilespmem:s5+$0x14000] =	vst v3;
	s5 =	sor.u32 s9, s6;
	v1 =	vsel vm1, $0x0, v1  }
0x1bc: {  	s6 =	sadd.s32 $0x14000, s5;
	v3 =	vld [tilespmem:s5+$0x14000];
	[tilespmem:s4+$0x70] =	vst v1;
	v2 =	vnsel vm0, $0x0, v2  }
0x1bd: {  	v1 =	vld [tilespmem:s6+$0x70];
	[tilespmem:s4+$0x800] =	vst v2;
	v6 =	vsel vm3, $0x0, v6  }
0x1be: {  	s8 =	sadd.s32 $0x200, s8;
	v2 =	vld [tilespmem:s6+$0x800];
	[tilespmem:s4+$0x840] =	vst v6;
	v5 =	vsel vm4, $0x0, v5  }
0x1bf: {  	v6 =	vld [tilespmem:s6+$0x840];
	[tilespmem:s4+$0x850] =	vst v5;
	v4 =	vsel vm1, $0x0, v4  }
0x1c0: {  	vm1 =	veq.s32 v0, $0x8;
	v5 =	vld [tilespmem:s6+$0x850];
	[tilespmem:s4+$0x870] =	vst v4  }
0x1c1: {  	vm2 =	veq.s32 v0, $0xB;
	v3 =	vsel vm1, $0x0, v3;
	v4 =	vld [tilespmem:s6+$0x870]  }
0x1c2: {  	[tilespmem:s5+$0x14000] =	vst v3;
	v1 =	vsel vm2, $0x0, v1  }
0x1c3: {  	vm3 =	veq.s32 v0, $0x6;
	[tilespmem:s6+$0x70] =	vst v1;
	v1 =	vnsel vm0, $0x0, v2  }
0x1c4: {  	vm4 =	veq.s32 v0, $0x2;
	[tilespmem:s6+$0x800] =	vst v1;
	v1 =	vsel vm3, $0x0, v6  }
0x1c5: {  	[tilespmem:s6+$0x840] =	vst v1;
	v1 =	vsel vm4, $0x0, v5  }
0x1c6: {  	[tilespmem:s6+$0x850] =	vst v1;
	v1 =	vsel vm2, $0x0, v4  }
0x1c7: {  	s9 =	simm.s32 $0x0;
	[tilespmem:s6+$0x870] =	vst v1;
	s6 =	rddreg [dreg:$0x18]  }
0x1c8: {  	[hbm4b:s6+s9] =	stream.linear.scatter [tilespmem:s28], [sflag:$0x6], $0xA000, $0x38;
	[tilespmem:$0x1E000] =	vst v63  }
0x1c9: {  	_ =	swait.ge [sflag:s26], $0xA000  }
0x1ca: {  	[sflag:s26] =	ssyncset.done $0x0  }
0x1cb: {  	[sflag:s26] =	ssyncadd.s32 $0xFFFF6000  }
0x1cc: {  	_ =	swait.ge [sflag:s2], $0xA000  }
0x1cd: {  	s8 =	sand.u32 $0xF000, s9;
	s4 =	sand.u32 $0x380, s9;
	[sflag:s2] =	ssyncset.done $0x0  }
0x1ce: {  	s4 =	sor.u32 s4, s8;
	s7 =	rddreg [dreg:$0x1d];
	[sflag:s2] =	ssyncadd.s32 $0xFFFF6000  }
0x1cf: {  	[tilespmem:s28], [sflag:$0x3] =	stream.linear.gather [hbm4b:s7+s9], $0xA000, $0x38;
	[tilespmem:$0x1E000] =	vst v63  }
0x1d0: {  	v1 =	vld [tilespmem:s4+$0x0]  }
0x1d1: {  	v2 =	vld [tilespmem:s4+$0x70]  }
0x1d2: {  	v4 =	vld [tilespmem:s4+$0x840]  }
0x1d3: {  	v5 =	vld [tilespmem:s4+$0x800];
	_ =	sdelay $0x1  }
0x1d4: {  	s6 =	simm.s32 $0x80;
	s9 =	simm.s32 $0x200;
	v6 =	vld [tilespmem:s4+$0x850]  }
0x1d5: {  	s7 =	sand.u32 $0x380, s6;
	s5 =	sand.u32 $0xF000, s9;
	v7 =	vld [tilespmem:s4+$0x870];
	v1 =	vsel vm1, $0x0, v1  }
0x1d6: {  	s5 =	sor.u32 s7, s5;
	[tilespmem:s4+$0x0] =	vst v1;
	v1 =	vsel vm2, $0x0, v2  }
0x1d7: {  	v3 =	vld [tilespmem:s5+$0x0];
	[tilespmem:s4+$0x70] =	vst v1;
	v1 =	vsel vm3, $0x0, v4;
	v4 =	vnsel vm0, $0x0, v5  }
0x1d8: {  	v2 =	vld [tilespmem:s5+$0x70];
	[tilespmem:s4+$0x800] =	vst v4  }
0x1d9: {  	v5 =	vsel vm4, $0x0, v6;
	[tilespmem:s4+$0x840] =	vst v1;
	v4 =	vld [tilespmem:s5+$0x800]  }
0x1da: {  	s7 =	simm.s32 $0x400;
	v1 =	vld [tilespmem:s5+$0x840];
	[tilespmem:s4+$0x850] =	vst v5;
	v5 =	vsel vm2, $0x0, v7  }
.LBB2_26:
0x1db: {  	p0 =	sne.s32 s7, $0x9E00;
	v6 =	vld [tilespmem:s5+$0x850];
	s6 =	sadd.s32 $0x80, s6;
	[tilespmem:s4+$0x870] =	vst v5;
	s4 =	smov.u32 s5  }
0x1dc: {  	s5 =	sand.u32 $0xF000, s7;
	s8 =	sand.u32 $0x380, s6;
	v3 =	vsel vm1, $0x0, v3;
	v5 =	vld [tilespmem:s4+$0x870]  }
.Ltmp12:
0x1dd: {  	s5 =	sor.u32 s8, s5;
	[tilespmem:s4+$0x0] =	vst v3;
	v2 =	vsel vm2, $0x0, v2;
	(pc) =	sbr.rel @p0 .LBB2_26-.Ltmp12, $4  }
0x1de: {  	v3 =	vld [tilespmem:s5+$0x0];
	[tilespmem:s4+$0x70] =	vst v2;
	v4 =	vnsel vm0, $0x0, v4  }
0x1df: {  	v2 =	vld [tilespmem:s5+$0x70];
	[tilespmem:s4+$0x800] =	vst v4;
	v1 =	vsel vm3, $0x0, v1  }
0x1e0: {  	v4 =	vld [tilespmem:s5+$0x800];
	[tilespmem:s4+$0x840] =	vst v1;
	v6 =	vsel vm4, $0x0, v6  }
0x1e1: {  	s7 =	sadd.s32 $0x200, s7;
	v1 =	vld [tilespmem:s5+$0x840];
	[tilespmem:s4+$0x850] =	vst v6;
	v5 =	vsel vm2, $0x0, v5  }
0x1e2: {  	v6 =	vld [tilespmem:s5+$0x850];
	vm1 =	veq.s32 v0, $0x8;
	[tilespmem:s4+$0x870] =	vst v5  }
0x1e3: {  	vm2 =	veq.s32 v0, $0xB;
	v3 =	vsel vm1, $0x0, v3;
	v5 =	vld [tilespmem:s5+$0x870]  }
0x1e4: {  	[tilespmem:s5+$0x0] =	vst v3;
	v2 =	vsel vm2, $0x0, v2  }
0x1e5: {  	vm3 =	veq.s32 v0, $0x6;
	[tilespmem:s5+$0x70] =	vst v2;
	v2 =	vnsel vm0, $0x0, v4  }
0x1e6: {  	vm4 =	veq.s32 v0, $0x2;
	[tilespmem:s5+$0x800] =	vst v2;
	v1 =	vsel vm3, $0x0, v1  }
0x1e7: {  	[tilespmem:s5+$0x840] =	vst v1;
	v1 =	vsel vm4, $0x0, v6  }
0x1e8: {  	[tilespmem:s5+$0x850] =	vst v1;
	v1 =	vsel vm2, $0x0, v5  }
0x1e9: {  	s9 =	simm.s32 $0x0;
	s6 =	rddreg [dreg:$0x1a];
	[tilespmem:s5+$0x870] =	vst v1  }
0x1ea: {  	[hbm4b:s6+s9] =	stream.linear.scatter [tilespmem:s9], [sflag:$0x4], $0xA000, $0x38;
	[tilespmem:$0x1E000] =	vst v63  }
0x1eb: {  	_ =	swait.ge [sflag:s29], $0xA000  }
0x1ec: {  	[sflag:s29] =	ssyncset.done $0x0  }
0x1ed: {  	[sflag:s29] =	ssyncadd.s32 $0xFFFF6000  }
0x1ee: {  	_ =	swait.ge [sflag:s30], $0xA000  }
0x1ef: {  	s8 =	sand.u32 $0xF000, s9;
	s4 =	sand.u32 $0x380, s9;
	[sflag:s30] =	ssyncset.done $0x0  }
0x1f0: {  	s4 =	sor.u32 s4, s8;
	s7 =	rddreg [dreg:$0x1f];
	[sflag:s30] =	ssyncadd.s32 $0xFFFF6000  }
0x1f1: {  	[tilespmem:s9], [sflag:$0x1] =	stream.linear.gather [hbm4b:s7+s9], $0xA000, $0x38;
	[tilespmem:$0x1E000] =	vst v63  }
0x1f2: {  	v1 =	vld [tilespmem:s4+$0xA000]  }
0x1f3: {  	v2 =	vld [tilespmem:s4+$0xA070]  }
0x1f4: {  	v4 =	vld [tilespmem:s4+$0xA840]  }
0x1f5: {  	v5 =	vld [tilespmem:s4+$0xA800];
	_ =	sdelay $0x1  }
0x1f6: {  	s6 =	simm.s32 $0x80;
	s9 =	simm.s32 $0x200;
	v6 =	vld [tilespmem:s4+$0xA850]  }
0x1f7: {  	s7 =	sand.u32 $0x380, s6;
	s5 =	sand.u32 $0xF000, s9;
	v7 =	vld [tilespmem:s4+$0xA870];
	v1 =	vsel vm1, $0x0, v1  }
0x1f8: {  	s5 =	sor.u32 s7, s5;
	[tilespmem:s4+$0xA000] =	vst v1;
	v1 =	vsel vm2, $0x0, v2  }
0x1f9: {  	v3 =	vld [tilespmem:s5+$0xA000];
	[tilespmem:s4+$0xA070] =	vst v1;
	v1 =	vsel vm3, $0x0, v4;
	v4 =	vnsel vm0, $0x0, v5  }
0x1fa: {  	v2 =	vld [tilespmem:s5+$0xA070];
	[tilespmem:s4+$0xA800] =	vst v4  }
0x1fb: {  	v5 =	vsel vm4, $0x0, v6;
	[tilespmem:s4+$0xA840] =	vst v1;
	v4 =	vld [tilespmem:s5+$0xA800]  }
0x1fc: {  	s7 =	simm.s32 $0x400;
	v1 =	vld [tilespmem:s5+$0xA840];
	[tilespmem:s4+$0xA850] =	vst v5;
	v5 =	vsel vm2, $0x0, v7  }
.LBB2_28:
0x1fd: {  	p0 =	sne.s32 s7, $0x9E00;
	v6 =	vld [tilespmem:s5+$0xA850];
	s6 =	sadd.s32 $0x80, s6;
	[tilespmem:s4+$0xA870] =	vst v5;
	s4 =	smov.u32 s5  }
0x1fe: {  	s5 =	sand.u32 $0xF000, s7;
	s8 =	sand.u32 $0x380, s6;
	v3 =	vsel vm1, $0x0, v3;
	v5 =	vld [tilespmem:s4+$0xA870]  }
.Ltmp13:
0x1ff: {  	s5 =	sor.u32 s8, s5;
	[tilespmem:s4+$0xA000] =	vst v3;
	v2 =	vsel vm2, $0x0, v2;
	(pc) =	sbr.rel @p0 .LBB2_28-.Ltmp13, $4  }
0x200: {  	v3 =	vld [tilespmem:s5+$0xA000];
	[tilespmem:s4+$0xA070] =	vst v2;
	v4 =	vnsel vm0, $0x0, v4  }
0x201: {  	v2 =	vld [tilespmem:s5+$0xA070];
	[tilespmem:s4+$0xA800] =	vst v4;
	v1 =	vsel vm3, $0x0, v1  }
0x202: {  	v4 =	vld [tilespmem:s5+$0xA800];
	[tilespmem:s4+$0xA840] =	vst v1;
	v6 =	vsel vm4, $0x0, v6  }
0x203: {  	s7 =	sadd.s32 $0x200, s7;
	v1 =	vld [tilespmem:s5+$0xA840];
	[tilespmem:s4+$0xA850] =	vst v6;
	v5 =	vsel vm2, $0x0, v5  }
0x204: {  	v6 =	vld [tilespmem:s5+$0xA850];
	vm2 =	veq.s32 v0, $0x8;
	[tilespmem:s4+$0xA870] =	vst v5  }
0x205: {  	vm1 =	veq.s32 v0, $0xB;
	v3 =	vsel vm2, $0x0, v3;
	v5 =	vld [tilespmem:s5+$0xA870]  }
0x206: {  	[tilespmem:s5+$0xA000] =	vst v3;
	v2 =	vsel vm1, $0x0, v2  }
0x207: {  	vm3 =	veq.s32 v0, $0x6;
	[tilespmem:s5+$0xA070] =	vst v2;
	v2 =	vnsel vm0, $0x0, v4  }
0x208: {  	vm4 =	veq.s32 v0, $0x2;
	[tilespmem:s5+$0xA800] =	vst v2;
	v1 =	vsel vm3, $0x0, v1  }
0x209: {  	[tilespmem:s5+$0xA840] =	vst v1;
	v1 =	vsel vm4, $0x0, v6  }
0x20a: {  	[tilespmem:s5+$0xA850] =	vst v1;
	v1 =	vsel vm1, $0x0, v5  }
0x20b: {  	s9 =	simm.s32 $0x0;
	s6 =	rddreg [dreg:$0x1c];
	[tilespmem:s5+$0xA870] =	vst v1  }
0x20c: {  	[hbm4b:s6+s9] =	stream.linear.scatter [tilespmem:s25], [sflag:$0x5], $0xA000, $0x38;
	[tilespmem:$0x1E000] =	vst v63  }
0x20d: {  	_ =	swait.ge [sflag:s31], $0xA000  }
0x20e: {  	[sflag:s31] =	ssyncset.done $0x0  }
0x20f: {  	[sflag:s31] =	ssyncadd.s32 $0xFFFF6000  }
0x210: {  	_ =	swait.ge [sflag:s0], $0xA000  }
0x211: {  	s7 =	sld [smem:$0x7F6]  }
0x212: {  	s8 =	sand.u32 $0xF000, s9;
	s4 =	sand.u32 $0x380, s9;
	[sflag:s0] =	ssyncset.done $0x0  }
0x213: {  	s6 =	sor.u32 s4, s8;
	[sflag:s0] =	ssyncadd.s32 $0xFFFF6000  }
0x214: {  	[tilespmem:s25], [sflag:$0x2] =	stream.linear.gather [hbm4b:s7+s9], $0xA000, $0x38;
	[tilespmem:$0x1E000] =	vst v63  }
0x215: {  	s4 =	sadd.s32 $0x14000, s6;
	v1 =	vld [tilespmem:s6+$0x14000]  }
0x216: {  	v2 =	vld [tilespmem:s4+$0x70]  }
0x217: {  	v5 =	vld [tilespmem:s4+$0x800]  }
0x218: {  	v6 =	vld [tilespmem:s4+$0x840]  }
0x219: {  	s9 =	simm.s32 $0x200;
	s7 =	simm.s32 $0x80;
	v7 =	vld [tilespmem:s4+$0x850]  }
0x21a: {  	s5 =	sand.u32 $0xF000, s9;
	s8 =	sand.u32 $0x380, s7;
	v4 =	vld [tilespmem:s4+$0x870];
	v1 =	vsel vm2, $0x0, v1  }
0x21b: {  	s5 =	sor.u32 s8, s5;
	[tilespmem:s6+$0x14000] =	vst v1;
	v1 =	vsel vm1, $0x0, v2  }
0x21c: {  	s6 =	sadd.s32 $0x14000, s5;
	v2 =	vnsel vm0, $0x0, v5;
	v3 =	vld [tilespmem:s5+$0x14000];
	[tilespmem:s4+$0x70] =	vst v1  }
0x21d: {  	v5 =	vsel vm3, $0x0, v6;
	[tilespmem:s4+$0x800] =	vst v2;
	v1 =	vld [tilespmem:s6+$0x70]  }
0x21e: {  	s8 =	simm.s32 $0x400;
	[tilespmem:s4+$0x840] =	vst v5;
	v5 =	vsel vm4, $0x0, v7;
	v2 =	vld [tilespmem:s6+$0x800]  }
.LBB2_30:
0x21f: {  	p0 =	sne.s32 s8, $0x9E00;
	v6 =	vld [tilespmem:s6+$0x840];
	[tilespmem:s4+$0x850] =	vst v5;
	v4 =	vsel vm1, $0x0, v4  }
0x220: {  	s7 =	sadd.s32 $0x80, s7;
	v5 =	vld [tilespmem:s6+$0x850];
	[tilespmem:s4+$0x870] =	vst v4;
	s4 =	smov.u32 s6  }
.Ltmp14:
0x221: {  	s6 =	sand.u32 $0xF000, s8;
	s9 =	sand.u32 $0x380, s7;
	v3 =	vsel vm2, $0x0, v3;
	v4 =	vld [tilespmem:s4+$0x870];
	(pc) =	sbr.rel @p0 .LBB2_30-.Ltmp14, $4  }
0x222: {  	[tilespmem:s5+$0x14000] =	vst v3;
	s5 =	sor.u32 s9, s6;
	v1 =	vsel vm1, $0x0, v1  }
0x223: {  	s6 =	sadd.s32 $0x14000, s5;
	v3 =	vld [tilespmem:s5+$0x14000];
	[tilespmem:s4+$0x70] =	vst v1;
	v2 =	vnsel vm0, $0x0, v2  }
0x224: {  	v1 =	vld [tilespmem:s6+$0x70];
	[tilespmem:s4+$0x800] =	vst v2;
	v6 =	vsel vm3, $0x0, v6  }
0x225: {  	s8 =	sadd.s32 $0x200, s8;
	v2 =	vld [tilespmem:s6+$0x800];
	[tilespmem:s4+$0x840] =	vst v6;
	v5 =	vsel vm4, $0x0, v5  }
0x226: {  	v6 =	vld [tilespmem:s6+$0x840];
	[tilespmem:s4+$0x850] =	vst v5;
	v4 =	vsel vm1, $0x0, v4  }
0x227: {  	vm1 =	veq.s32 v0, $0x8;
	v5 =	vld [tilespmem:s6+$0x850];
	[tilespmem:s4+$0x870] =	vst v4  }
0x228: {  	vm2 =	veq.s32 v0, $0xB;
	v3 =	vsel vm1, $0x0, v3;
	v4 =	vld [tilespmem:s6+$0x870]  }
0x229: {  	[tilespmem:s5+$0x14000] =	vst v3;
	v1 =	vsel vm2, $0x0, v1  }
0x22a: {  	vm3 =	veq.s32 v0, $0x6;
	[tilespmem:s6+$0x70] =	vst v1;
	v1 =	vnsel vm0, $0x0, v2  }
0x22b: {  	vm4 =	veq.s32 v0, $0x2;
	[tilespmem:s6+$0x800] =	vst v1;
	v1 =	vsel vm3, $0x0, v6  }
0x22c: {  	[tilespmem:s6+$0x840] =	vst v1;
	v1 =	vsel vm4, $0x0, v5  }
0x22d: {  	[tilespmem:s6+$0x850] =	vst v1;
	v1 =	vsel vm2, $0x0, v4  }
0x22e: {  	s9 =	simm.s32 $0x0;
	[tilespmem:s6+$0x870] =	vst v1;
	s6 =	rddreg [dreg:$0x1e]  }
0x22f: {  	[hbm4b:s6+s9] =	stream.linear.scatter [tilespmem:s28], [sflag:$0x6], $0xA000, $0x38;
	[tilespmem:$0x1E000] =	vst v63  }
0x230: {  	_ =	swait.ge [sflag:s26], $0xA000  }
0x231: {  	[sflag:s26] =	ssyncset.done $0x0  }
0x232: {  	[sflag:s26] =	ssyncadd.s32 $0xFFFF6000  }
0x233: {  	_ =	swait.ge [sflag:s2], $0xA000  }
0x234: {  	s7 =	sld [smem:$0x7F8]  }
0x235: {  	s8 =	sand.u32 $0xF000, s9;
	s4 =	sand.u32 $0x380, s9;
	[sflag:s2] =	ssyncset.done $0x0  }
0x236: {  	s4 =	sor.u32 s4, s8;
	[sflag:s2] =	ssyncadd.s32 $0xFFFF6000  }
0x237: {  	[tilespmem:s28], [sflag:$0x3] =	stream.linear.gather [hbm4b:s7+s9], $0xA000, $0x38;
	[tilespmem:$0x1E000] =	vst v63  }
0x238: {  	v1 =	vld [tilespmem:s4+$0x0]  }
0x239: {  	v2 =	vld [tilespmem:s4+$0x70]  }
0x23a: {  	v4 =	vld [tilespmem:s4+$0x840]  }
0x23b: {  	v5 =	vld [tilespmem:s4+$0x800];
	_ =	sdelay $0x1  }
0x23c: {  	s6 =	simm.s32 $0x80;
	s9 =	simm.s32 $0x200;
	v6 =	vld [tilespmem:s4+$0x850]  }
0x23d: {  	s7 =	sand.u32 $0x380, s6;
	s5 =	sand.u32 $0xF000, s9;
	v7 =	vld [tilespmem:s4+$0x870];
	v1 =	vsel vm1, $0x0, v1  }
0x23e: {  	s5 =	sor.u32 s7, s5;
	[tilespmem:s4+$0x0] =	vst v1;
	v1 =	vsel vm2, $0x0, v2  }
0x23f: {  	v3 =	vld [tilespmem:s5+$0x0];
	[tilespmem:s4+$0x70] =	vst v1;
	v1 =	vsel vm3, $0x0, v4;
	v4 =	vnsel vm0, $0x0, v5  }
0x240: {  	v2 =	vld [tilespmem:s5+$0x70];
	[tilespmem:s4+$0x800] =	vst v4  }
0x241: {  	v5 =	vsel vm4, $0x0, v6;
	[tilespmem:s4+$0x840] =	vst v1;
	v4 =	vld [tilespmem:s5+$0x800]  }
0x242: {  	s7 =	simm.s32 $0x400;
	v1 =	vld [tilespmem:s5+$0x840];
	[tilespmem:s4+$0x850] =	vst v5;
	v5 =	vsel vm2, $0x0, v7  }
.LBB2_32:
0x243: {  	p0 =	sne.s32 s7, $0x9E00;
	v6 =	vld [tilespmem:s5+$0x850];
	s6 =	sadd.s32 $0x80, s6;
	[tilespmem:s4+$0x870] =	vst v5;
	s4 =	smov.u32 s5  }
0x244: {  	s5 =	sand.u32 $0xF000, s7;
	s8 =	sand.u32 $0x380, s6;
	v3 =	vsel vm1, $0x0, v3;
	v5 =	vld [tilespmem:s4+$0x870]  }
.Ltmp15:
0x245: {  	s5 =	sor.u32 s8, s5;
	[tilespmem:s4+$0x0] =	vst v3;
	v2 =	vsel vm2, $0x0, v2;
	(pc) =	sbr.rel @p0 .LBB2_32-.Ltmp15, $4  }
0x246: {  	v3 =	vld [tilespmem:s5+$0x0];
	[tilespmem:s4+$0x70] =	vst v2;
	v4 =	vnsel vm0, $0x0, v4  }
0x247: {  	v2 =	vld [tilespmem:s5+$0x70];
	[tilespmem:s4+$0x800] =	vst v4;
	v1 =	vsel vm3, $0x0, v1  }
0x248: {  	v4 =	vld [tilespmem:s5+$0x800];
	[tilespmem:s4+$0x840] =	vst v1;
	v6 =	vsel vm4, $0x0, v6  }
0x249: {  	s7 =	sadd.s32 $0x200, s7;
	v1 =	vld [tilespmem:s5+$0x840];
	[tilespmem:s4+$0x850] =	vst v6;
	v5 =	vsel vm2, $0x0, v5  }
0x24a: {  	v6 =	vld [tilespmem:s5+$0x850];
	vm1 =	veq.s32 v0, $0x8;
	[tilespmem:s4+$0x870] =	vst v5  }
0x24b: {  	vm2 =	veq.s32 v0, $0xB;
	v3 =	vsel vm1, $0x0, v3;
	v5 =	vld [tilespmem:s5+$0x870]  }
0x24c: {  	[tilespmem:s5+$0x0] =	vst v3;
	v2 =	vsel vm2, $0x0, v2  }
0x24d: {  	vm3 =	veq.s32 v0, $0x6;
	[tilespmem:s5+$0x70] =	vst v2;
	v2 =	vnsel vm0, $0x0, v4  }
0x24e: {  	vm4 =	veq.s32 v0, $0x2;
	[tilespmem:s5+$0x800] =	vst v2;
	v1 =	vsel vm3, $0x0, v1  }
0x24f: {  	s6 =	sld [smem:$0x7F5];
	[tilespmem:s5+$0x840] =	vst v1;
	v1 =	vsel vm4, $0x0, v6  }
0x250: {  	[tilespmem:s5+$0x850] =	vst v1;
	v1 =	vsel vm2, $0x0, v5  }
0x251: {  	s9 =	simm.s32 $0x0;
	[tilespmem:s5+$0x870] =	vst v1  }
0x252: {  	[hbm4b:s6+s9] =	stream.linear.scatter [tilespmem:s9], [sflag:$0x4], $0xA000, $0x38;
	[tilespmem:$0x1E000] =	vst v63  }
0x253: {  	_ =	swait.ge [sflag:s29], $0xA000  }
0x254: {  	[sflag:s29] =	ssyncset.done $0x0  }
0x255: {  	[sflag:s29] =	ssyncadd.s32 $0xFFFF6000  }
0x256: {  	_ =	swait.ge [sflag:s30], $0xA000  }
0x257: {  	s7 =	sld [smem:$0x7FA]  }
0x258: {  	s8 =	sand.u32 $0xF000, s9;
	s4 =	sand.u32 $0x380, s9;
	[sflag:s30] =	ssyncset.done $0x0  }
0x259: {  	s4 =	sor.u32 s4, s8;
	[sflag:s30] =	ssyncadd.s32 $0xFFFF6000  }
0x25a: {  	[tilespmem:s9], [sflag:$0x1] =	stream.linear.gather [hbm4b:s7+s9], $0xA000, $0x38;
	[tilespmem:$0x1E000] =	vst v63  }
0x25b: {  	v1 =	vld [tilespmem:s4+$0xA000]  }
0x25c: {  	v2 =	vld [tilespmem:s4+$0xA070]  }
0x25d: {  	v4 =	vld [tilespmem:s4+$0xA840]  }
0x25e: {  	v5 =	vld [tilespmem:s4+$0xA800];
	_ =	sdelay $0x1  }
0x25f: {  	s6 =	simm.s32 $0x80;
	s9 =	simm.s32 $0x200;
	v6 =	vld [tilespmem:s4+$0xA850]  }
0x260: {  	s7 =	sand.u32 $0x380, s6;
	s5 =	sand.u32 $0xF000, s9;
	v7 =	vld [tilespmem:s4+$0xA870];
	v1 =	vsel vm1, $0x0, v1  }
0x261: {  	s5 =	sor.u32 s7, s5;
	[tilespmem:s4+$0xA000] =	vst v1;
	v1 =	vsel vm2, $0x0, v2  }
0x262: {  	v3 =	vld [tilespmem:s5+$0xA000];
	[tilespmem:s4+$0xA070] =	vst v1;
	v1 =	vsel vm3, $0x0, v4;
	v4 =	vnsel vm0, $0x0, v5  }
0x263: {  	v2 =	vld [tilespmem:s5+$0xA070];
	[tilespmem:s4+$0xA800] =	vst v4  }
0x264: {  	v5 =	vsel vm4, $0x0, v6;
	[tilespmem:s4+$0xA840] =	vst v1;
	v4 =	vld [tilespmem:s5+$0xA800]  }
0x265: {  	s7 =	simm.s32 $0x400;
	v1 =	vld [tilespmem:s5+$0xA840];
	[tilespmem:s4+$0xA850] =	vst v5;
	v5 =	vsel vm2, $0x0, v7  }
.LBB2_34:
0x266: {  	p0 =	sne.s32 s7, $0x9E00;
	v6 =	vld [tilespmem:s5+$0xA850];
	s6 =	sadd.s32 $0x80, s6;
	[tilespmem:s4+$0xA870] =	vst v5;
	s4 =	smov.u32 s5  }
0x267: {  	s5 =	sand.u32 $0xF000, s7;
	s8 =	sand.u32 $0x380, s6;
	v3 =	vsel vm1, $0x0, v3;
	v5 =	vld [tilespmem:s4+$0xA870]  }
.Ltmp16:
0x268: {  	s5 =	sor.u32 s8, s5;
	[tilespmem:s4+$0xA000] =	vst v3;
	v2 =	vsel vm2, $0x0, v2;
	(pc) =	sbr.rel @p0 .LBB2_34-.Ltmp16, $4  }
0x269: {  	v3 =	vld [tilespmem:s5+$0xA000];
	[tilespmem:s4+$0xA070] =	vst v2;
	v4 =	vnsel vm0, $0x0, v4  }
0x26a: {  	v2 =	vld [tilespmem:s5+$0xA070];
	[tilespmem:s4+$0xA800] =	vst v4;
	v1 =	vsel vm3, $0x0, v1  }
0x26b: {  	v4 =	vld [tilespmem:s5+$0xA800];
	[tilespmem:s4+$0xA840] =	vst v1;
	v6 =	vsel vm4, $0x0, v6  }
0x26c: {  	s7 =	sadd.s32 $0x200, s7;
	v1 =	vld [tilespmem:s5+$0xA840];
	[tilespmem:s4+$0xA850] =	vst v6;
	v5 =	vsel vm2, $0x0, v5  }
0x26d: {  	v6 =	vld [tilespmem:s5+$0xA850];
	vm2 =	veq.s32 v0, $0x8;
	[tilespmem:s4+$0xA870] =	vst v5  }
0x26e: {  	vm1 =	veq.s32 v0, $0xB;
	v3 =	vsel vm2, $0x0, v3;
	v5 =	vld [tilespmem:s5+$0xA870]  }
0x26f: {  	[tilespmem:s5+$0xA000] =	vst v3;
	v2 =	vsel vm1, $0x0, v2  }
0x270: {  	vm3 =	veq.s32 v0, $0x6;
	[tilespmem:s5+$0xA070] =	vst v2;
	v2 =	vnsel vm0, $0x0, v4  }
0x271: {  	vm4 =	veq.s32 v0, $0x2;
	[tilespmem:s5+$0xA800] =	vst v2;
	v1 =	vsel vm3, $0x0, v1  }
0x272: {  	s6 =	sld [smem:$0x7F7];
	[tilespmem:s5+$0xA840] =	vst v1;
	v1 =	vsel vm4, $0x0, v6  }
0x273: {  	[tilespmem:s5+$0xA850] =	vst v1;
	v1 =	vsel vm1, $0x0, v5  }
0x274: {  	s9 =	simm.s32 $0x0;
	[tilespmem:s5+$0xA870] =	vst v1  }
0x275: {  	[hbm4b:s6+s9] =	stream.linear.scatter [tilespmem:s25], [sflag:$0x5], $0xA000, $0x38;
	[tilespmem:$0x1E000] =	vst v63  }
0x276: {  	_ =	swait.ge [sflag:s31], $0xA000  }
0x277: {  	[sflag:s31] =	ssyncset.done $0x0  }
0x278: {  	[sflag:s31] =	ssyncadd.s32 $0xFFFF6000  }
0x279: {  	_ =	swait.ge [sflag:s0], $0xA000  }
0x27a: {  	s7 =	sld [smem:$0x7FC]  }
0x27b: {  	s8 =	sand.u32 $0xF000, s9;
	s4 =	sand.u32 $0x380, s9;
	[sflag:s0] =	ssyncset.done $0x0  }
0x27c: {  	s6 =	sor.u32 s4, s8;
	[sflag:s0] =	ssyncadd.s32 $0xFFFF6000  }
0x27d: {  	[tilespmem:s25], [sflag:$0x2] =	stream.linear.gather [hbm4b:s7+s9], $0xA000, $0x38;
	[tilespmem:$0x1E000] =	vst v63  }
0x27e: {  	s4 =	sadd.s32 $0x14000, s6;
	v1 =	vld [tilespmem:s6+$0x14000]  }
0x27f: {  	v2 =	vld [tilespmem:s4+$0x70]  }
0x280: {  	v5 =	vld [tilespmem:s4+$0x800]  }
0x281: {  	v6 =	vld [tilespmem:s4+$0x840]  }
0x282: {  	s9 =	simm.s32 $0x200;
	s7 =	simm.s32 $0x80;
	v7 =	vld [tilespmem:s4+$0x850]  }
0x283: {  	s5 =	sand.u32 $0xF000, s9;
	s8 =	sand.u32 $0x380, s7;
	v4 =	vld [tilespmem:s4+$0x870];
	v1 =	vsel vm2, $0x0, v1  }
0x284: {  	s5 =	sor.u32 s8, s5;
	[tilespmem:s6+$0x14000] =	vst v1;
	v1 =	vsel vm1, $0x0, v2  }
0x285: {  	s6 =	sadd.s32 $0x14000, s5;
	v2 =	vnsel vm0, $0x0, v5;
	v3 =	vld [tilespmem:s5+$0x14000];
	[tilespmem:s4+$0x70] =	vst v1  }
0x286: {  	v5 =	vsel vm3, $0x0, v6;
	[tilespmem:s4+$0x800] =	vst v2;
	v1 =	vld [tilespmem:s6+$0x70]  }
0x287: {  	s8 =	simm.s32 $0x400;
	[tilespmem:s4+$0x840] =	vst v5;
	v5 =	vsel vm4, $0x0, v7;
	v2 =	vld [tilespmem:s6+$0x800]  }
.LBB2_36:
0x288: {  	p0 =	sne.s32 s8, $0x9E00;
	v6 =	vld [tilespmem:s6+$0x840];
	[tilespmem:s4+$0x850] =	vst v5;
	v4 =	vsel vm1, $0x0, v4  }
0x289: {  	s7 =	sadd.s32 $0x80, s7;
	v5 =	vld [tilespmem:s6+$0x850];
	[tilespmem:s4+$0x870] =	vst v4;
	s4 =	smov.u32 s6  }
.Ltmp17:
0x28a: {  	s6 =	sand.u32 $0xF000, s8;
	s9 =	sand.u32 $0x380, s7;
	v3 =	vsel vm2, $0x0, v3;
	v4 =	vld [tilespmem:s4+$0x870];
	(pc) =	sbr.rel @p0 .LBB2_36-.Ltmp17, $4  }
0x28b: {  	[tilespmem:s5+$0x14000] =	vst v3;
	s5 =	sor.u32 s9, s6;
	v1 =	vsel vm1, $0x0, v1  }
0x28c: {  	s6 =	sadd.s32 $0x14000, s5;
	v3 =	vld [tilespmem:s5+$0x14000];
	[tilespmem:s4+$0x70] =	vst v1;
	v2 =	vnsel vm0, $0x0, v2  }
0x28d: {  	v1 =	vld [tilespmem:s6+$0x70];
	[tilespmem:s4+$0x800] =	vst v2;
	v6 =	vsel vm3, $0x0, v6  }
0x28e: {  	s8 =	sadd.s32 $0x200, s8;
	v2 =	vld [tilespmem:s6+$0x800];
	[tilespmem:s4+$0x840] =	vst v6;
	v5 =	vsel vm4, $0x0, v5  }
0x28f: {  	v6 =	vld [tilespmem:s6+$0x840];
	[tilespmem:s4+$0x850] =	vst v5;
	v4 =	vsel vm1, $0x0, v4  }
0x290: {  	vm1 =	veq.s32 v0, $0x8;
	v5 =	vld [tilespmem:s6+$0x850];
	[tilespmem:s4+$0x870] =	vst v4  }
0x291: {  	vm2 =	veq.s32 v0, $0xB;
	v3 =	vsel vm1, $0x0, v3;
	v4 =	vld [tilespmem:s6+$0x870]  }
0x292: {  	[tilespmem:s5+$0x14000] =	vst v3;
	v1 =	vsel vm2, $0x0, v1  }
0x293: {  	vm3 =	veq.s32 v0, $0x6;
	[tilespmem:s6+$0x70] =	vst v1;
	v1 =	vnsel vm0, $0x0, v2  }
0x294: {  	vm4 =	veq.s32 v0, $0x2;
	[tilespmem:s6+$0x800] =	vst v1;
	v1 =	vsel vm3, $0x0, v6  }
0x295: {  	s7 =	sld [smem:$0x7F9];
	[tilespmem:s6+$0x840] =	vst v1;
	v1 =	vsel vm4, $0x0, v5  }
0x296: {  	[tilespmem:s6+$0x850] =	vst v1;
	v1 =	vsel vm2, $0x0, v4  }
0x297: {  	[tilespmem:s6+$0x870] =	vst v1;
	s6 =	simm.s32 $0x0  }
0x298: {  	[hbm4b:s7+s6] =	stream.linear.scatter [tilespmem:s28], [sflag:$0x6], $0xA000, $0x38;
	[tilespmem:$0x1E000] =	vst v63  }
0x299: {  	_ =	swait.ge [sflag:s26], $0xA000  }
0x29a: {  	[sflag:s26] =	ssyncset.done $0x0  }
0x29b: {  	[sflag:s26] =	ssyncadd.s32 $0xFFFF6000  }
0x29c: {  	_ =	swait.ge [sflag:s2], $0xA000  }
0x29d: {  	s8 =	sand.u32 $0xF000, s6;
	s4 =	sand.u32 $0x380, s6;
	[sflag:s2] =	ssyncset.done $0x0  }
0x29e: {  	s4 =	sor.u32 s4, s8;
	[sflag:s2] =	ssyncadd.s32 $0xFFFF6000  }
0x29f: {  	[tilespmem:s28], [sflag:$0x3] =	stream.linear.gather [hbm4b:s10+s6], $0xA000, $0x38;
	[tilespmem:$0x1E000] =	vst v63  }
0x2a0: {  	v1 =	vld [tilespmem:s4+$0x0]  }
0x2a1: {  	v2 =	vld [tilespmem:s4+$0x70]  }
0x2a2: {  	v4 =	vld [tilespmem:s4+$0x840]  }
0x2a3: {  	v5 =	vld [tilespmem:s4+$0x800];
	_ =	sdelay $0x1  }
0x2a4: {  	s9 =	simm.s32 $0x200;
	s6 =	simm.s32 $0x80;
	v6 =	vld [tilespmem:s4+$0x850]  }
0x2a5: {  	s5 =	sand.u32 $0xF000, s9;
	s7 =	sand.u32 $0x380, s6;
	v7 =	vld [tilespmem:s4+$0x870];
	v1 =	vsel vm1, $0x0, v1  }
0x2a6: {  	s5 =	sor.u32 s7, s5;
	[tilespmem:s4+$0x0] =	vst v1;
	v1 =	vsel vm2, $0x0, v2  }
0x2a7: {  	v3 =	vld [tilespmem:s5+$0x0];
	[tilespmem:s4+$0x70] =	vst v1;
	v1 =	vsel vm3, $0x0, v4;
	v4 =	vnsel vm0, $0x0, v5  }
0x2a8: {  	v2 =	vld [tilespmem:s5+$0x70];
	[tilespmem:s4+$0x800] =	vst v4  }
0x2a9: {  	v5 =	vsel vm4, $0x0, v6;
	[tilespmem:s4+$0x840] =	vst v1;
	v4 =	vld [tilespmem:s5+$0x800]  }
0x2aa: {  	s7 =	simm.s32 $0x400;
	v1 =	vld [tilespmem:s5+$0x840];
	[tilespmem:s4+$0x850] =	vst v5;
	v5 =	vsel vm2, $0x0, v7  }
.LBB2_38:
0x2ab: {  	p0 =	sne.s32 s7, $0x9E00;
	v6 =	vld [tilespmem:s5+$0x850];
	s6 =	sadd.s32 $0x80, s6;
	[tilespmem:s4+$0x870] =	vst v5;
	s4 =	smov.u32 s5  }
0x2ac: {  	s5 =	sand.u32 $0xF000, s7;
	s8 =	sand.u32 $0x380, s6;
	v3 =	vsel vm1, $0x0, v3;
	v5 =	vld [tilespmem:s4+$0x870]  }
.Ltmp18:
0x2ad: {  	s5 =	sor.u32 s8, s5;
	[tilespmem:s4+$0x0] =	vst v3;
	v2 =	vsel vm2, $0x0, v2;
	(pc) =	sbr.rel @p0 .LBB2_38-.Ltmp18, $4  }
0x2ae: {  	v3 =	vld [tilespmem:s5+$0x0];
	[tilespmem:s4+$0x70] =	vst v2;
	v4 =	vnsel vm0, $0x0, v4  }
0x2af: {  	v2 =	vld [tilespmem:s5+$0x70];
	[tilespmem:s4+$0x800] =	vst v4;
	v1 =	vsel vm3, $0x0, v1  }
0x2b0: {  	v4 =	vld [tilespmem:s5+$0x800];
	[tilespmem:s4+$0x840] =	vst v1;
	v6 =	vsel vm4, $0x0, v6  }
0x2b1: {  	s7 =	sadd.s32 $0x200, s7;
	v1 =	vld [tilespmem:s5+$0x840];
	[tilespmem:s4+$0x850] =	vst v6;
	v5 =	vsel vm2, $0x0, v5  }
0x2b2: {  	v6 =	vld [tilespmem:s5+$0x850];
	vm1 =	veq.s32 v0, $0x8;
	[tilespmem:s4+$0x870] =	vst v5  }
0x2b3: {  	vm2 =	veq.s32 v0, $0xB;
	v3 =	vsel vm1, $0x0, v3;
	v5 =	vld [tilespmem:s5+$0x870]  }
0x2b4: {  	[tilespmem:s5+$0x0] =	vst v3;
	v2 =	vsel vm2, $0x0, v2  }
0x2b5: {  	vm3 =	veq.s32 v0, $0x6;
	[tilespmem:s5+$0x70] =	vst v2;
	v2 =	vnsel vm0, $0x0, v4  }
0x2b6: {  	vm4 =	veq.s32 v0, $0x2;
	[tilespmem:s5+$0x800] =	vst v2;
	v1 =	vsel vm3, $0x0, v1  }
0x2b7: {  	s7 =	sld [smem:$0x7FB];
	[tilespmem:s5+$0x840] =	vst v1;
	v1 =	vsel vm4, $0x0, v6  }
0x2b8: {  	[tilespmem:s5+$0x850] =	vst v1;
	v1 =	vsel vm2, $0x0, v5  }
0x2b9: {  	s6 =	simm.s32 $0x0;
	[tilespmem:s5+$0x870] =	vst v1  }
0x2ba: {  	[hbm4b:s7+s6] =	stream.linear.scatter [tilespmem:s6], [sflag:$0x4], $0xA000, $0x38;
	[tilespmem:$0x1E000] =	vst v63  }
0x2bb: {  	_ =	swait.ge [sflag:s29], $0xA000  }
0x2bc: {  	[sflag:s29] =	ssyncset.done $0x0  }
0x2bd: {  	[sflag:s29] =	ssyncadd.s32 $0xFFFF6000  }
0x2be: {  	_ =	swait.ge [sflag:s30], $0xA000  }
0x2bf: {  	s8 =	sand.u32 $0xF000, s6;
	s4 =	sand.u32 $0x380, s6;
	[sflag:s30] =	ssyncset.done $0x0  }
0x2c0: {  	s4 =	sor.u32 s4, s8;
	[sflag:s30] =	ssyncadd.s32 $0xFFFF6000  }
0x2c1: {  	[tilespmem:s6], [sflag:$0x1] =	stream.linear.gather [hbm4b:s12+s6], $0xA000, $0x38;
	[tilespmem:$0x1E000] =	vst v63  }
0x2c2: {  	v1 =	vld [tilespmem:s4+$0xA000]  }
0x2c3: {  	v2 =	vld [tilespmem:s4+$0xA070]  }
0x2c4: {  	v4 =	vld [tilespmem:s4+$0xA840]  }
0x2c5: {  	v5 =	vld [tilespmem:s4+$0xA800];
	_ =	sdelay $0x1  }
0x2c6: {  	s9 =	simm.s32 $0x200;
	s6 =	simm.s32 $0x80;
	v6 =	vld [tilespmem:s4+$0xA850]  }
0x2c7: {  	s5 =	sand.u32 $0xF000, s9;
	s7 =	sand.u32 $0x380, s6;
	v7 =	vld [tilespmem:s4+$0xA870];
	v1 =	vsel vm1, $0x0, v1  }
0x2c8: {  	s5 =	sor.u32 s7, s5;
	[tilespmem:s4+$0xA000] =	vst v1;
	v1 =	vsel vm2, $0x0, v2  }
0x2c9: {  	v3 =	vld [tilespmem:s5+$0xA000];
	[tilespmem:s4+$0xA070] =	vst v1;
	v1 =	vsel vm3, $0x0, v4;
	v4 =	vnsel vm0, $0x0, v5  }
0x2ca: {  	v2 =	vld [tilespmem:s5+$0xA070];
	[tilespmem:s4+$0xA800] =	vst v4  }
0x2cb: {  	v5 =	vsel vm4, $0x0, v6;
	[tilespmem:s4+$0xA840] =	vst v1;
	v4 =	vld [tilespmem:s5+$0xA800]  }
0x2cc: {  	s7 =	simm.s32 $0x400;
	v1 =	vld [tilespmem:s5+$0xA840];
	[tilespmem:s4+$0xA850] =	vst v5;
	v5 =	vsel vm2, $0x0, v7  }
.LBB2_40:
0x2cd: {  	p0 =	sne.s32 s7, $0x9E00;
	v6 =	vld [tilespmem:s5+$0xA850];
	s6 =	sadd.s32 $0x80, s6;
	[tilespmem:s4+$0xA870] =	vst v5;
	s4 =	smov.u32 s5  }
0x2ce: {  	s5 =	sand.u32 $0xF000, s7;
	s8 =	sand.u32 $0x380, s6;
	v3 =	vsel vm1, $0x0, v3;
	v5 =	vld [tilespmem:s4+$0xA870]  }
.Ltmp19:
0x2cf: {  	s5 =	sor.u32 s8, s5;
	[tilespmem:s4+$0xA000] =	vst v3;
	v2 =	vsel vm2, $0x0, v2;
	(pc) =	sbr.rel @p0 .LBB2_40-.Ltmp19, $4  }
0x2d0: {  	v3 =	vld [tilespmem:s5+$0xA000];
	[tilespmem:s4+$0xA070] =	vst v2;
	v4 =	vnsel vm0, $0x0, v4  }
0x2d1: {  	v2 =	vld [tilespmem:s5+$0xA070];
	[tilespmem:s4+$0xA800] =	vst v4;
	v1 =	vsel vm3, $0x0, v1  }
0x2d2: {  	v4 =	vld [tilespmem:s5+$0xA800];
	[tilespmem:s4+$0xA840] =	vst v1;
	v6 =	vsel vm4, $0x0, v6  }
0x2d3: {  	s7 =	sadd.s32 $0x200, s7;
	v1 =	vld [tilespmem:s5+$0xA840];
	[tilespmem:s4+$0xA850] =	vst v6;
	v5 =	vsel vm2, $0x0, v5  }
0x2d4: {  	v6 =	vld [tilespmem:s5+$0xA850];
	vm2 =	veq.s32 v0, $0x8;
	[tilespmem:s4+$0xA870] =	vst v5  }
0x2d5: {  	vm1 =	veq.s32 v0, $0xB;
	v3 =	vsel vm2, $0x0, v3;
	v5 =	vld [tilespmem:s5+$0xA870]  }
0x2d6: {  	[tilespmem:s5+$0xA000] =	vst v3;
	v2 =	vsel vm1, $0x0, v2  }
0x2d7: {  	vm3 =	veq.s32 v0, $0x6;
	[tilespmem:s5+$0xA070] =	vst v2;
	v2 =	vnsel vm0, $0x0, v4  }
0x2d8: {  	vm4 =	veq.s32 v0, $0x2;
	[tilespmem:s5+$0xA800] =	vst v2;
	v1 =	vsel vm3, $0x0, v1  }
0x2d9: {  	s7 =	sld [smem:$0x7FD];
	[tilespmem:s5+$0xA840] =	vst v1;
	v1 =	vsel vm4, $0x0, v6  }
0x2da: {  	[tilespmem:s5+$0xA850] =	vst v1;
	v1 =	vsel vm1, $0x0, v5  }
0x2db: {  	s6 =	simm.s32 $0x0;
	[tilespmem:s5+$0xA870] =	vst v1  }
0x2dc: {  	[hbm4b:s7+s6] =	stream.linear.scatter [tilespmem:s25], [sflag:$0x5], $0xA000, $0x38;
	[tilespmem:$0x1E000] =	vst v63  }
0x2dd: {  	_ =	swait.ge [sflag:s31], $0xA000  }
0x2de: {  	[sflag:s31] =	ssyncset.done $0x0  }
0x2df: {  	[sflag:s31] =	ssyncadd.s32 $0xFFFF6000  }
0x2e0: {  	_ =	swait.ge [sflag:s0], $0xA000  }
0x2e1: {  	[sflag:s0] =	ssyncset.done $0x0  }
0x2e2: {  	s8 =	sand.u32 $0xF000, s6;
	s4 =	sand.u32 $0x380, s6;
	[sflag:s0] =	ssyncadd.s32 $0xFFFF6000  }
0x2e3: {  	[tilespmem:s25], [sflag:$0x2] =	stream.linear.gather [hbm4b:s14+s6], $0xA000, $0x38;
	[tilespmem:$0x1E000] =	vst v63  }
0x2e4: {  	s6 =	sor.u32 s4, s8  }
0x2e5: {  	s4 =	sadd.s32 $0x14000, s6;
	v1 =	vld [tilespmem:s6+$0x14000]  }
0x2e6: {  	v2 =	vld [tilespmem:s4+$0x70]  }
0x2e7: {  	v5 =	vld [tilespmem:s4+$0x800]  }
0x2e8: {  	v6 =	vld [tilespmem:s4+$0x840]  }
0x2e9: {  	s9 =	simm.s32 $0x200;
	s7 =	simm.s32 $0x80;
	v7 =	vld [tilespmem:s4+$0x850]  }
0x2ea: {  	s5 =	sand.u32 $0xF000, s9;
	s8 =	sand.u32 $0x380, s7;
	v4 =	vld [tilespmem:s4+$0x870];
	v1 =	vsel vm2, $0x0, v1  }
0x2eb: {  	s5 =	sor.u32 s8, s5;
	[tilespmem:s6+$0x14000] =	vst v1;
	v1 =	vsel vm1, $0x0, v2  }
0x2ec: {  	s6 =	sadd.s32 $0x14000, s5;
	v2 =	vnsel vm0, $0x0, v5;
	v3 =	vld [tilespmem:s5+$0x14000];
	[tilespmem:s4+$0x70] =	vst v1  }
0x2ed: {  	v5 =	vsel vm3, $0x0, v6;
	[tilespmem:s4+$0x800] =	vst v2;
	v1 =	vld [tilespmem:s6+$0x70]  }
0x2ee: {  	s8 =	simm.s32 $0x400;
	[tilespmem:s4+$0x840] =	vst v5;
	v5 =	vsel vm4, $0x0, v7;
	v2 =	vld [tilespmem:s6+$0x800]  }
.LBB2_42:
0x2ef: {  	p0 =	sne.s32 s8, $0x9E00;
	v6 =	vld [tilespmem:s6+$0x840];
	[tilespmem:s4+$0x850] =	vst v5;
	v4 =	vsel vm1, $0x0, v4  }
0x2f0: {  	s7 =	sadd.s32 $0x80, s7;
	v5 =	vld [tilespmem:s6+$0x850];
	[tilespmem:s4+$0x870] =	vst v4;
	s4 =	smov.u32 s6  }
.Ltmp20:
0x2f1: {  	s6 =	sand.u32 $0xF000, s8;
	s9 =	sand.u32 $0x380, s7;
	v3 =	vsel vm2, $0x0, v3;
	v4 =	vld [tilespmem:s4+$0x870];
	(pc) =	sbr.rel @p0 .LBB2_42-.Ltmp20, $4  }
0x2f2: {  	[tilespmem:s5+$0x14000] =	vst v3;
	s5 =	sor.u32 s9, s6;
	v1 =	vsel vm1, $0x0, v1  }
0x2f3: {  	s6 =	sadd.s32 $0x14000, s5;
	v3 =	vld [tilespmem:s5+$0x14000];
	[tilespmem:s4+$0x70] =	vst v1;
	v2 =	vnsel vm0, $0x0, v2  }
0x2f4: {  	v1 =	vld [tilespmem:s6+$0x70];
	[tilespmem:s4+$0x800] =	vst v2;
	v6 =	vsel vm3, $0x0, v6  }
0x2f5: {  	s8 =	sadd.s32 $0x200, s8;
	v2 =	vld [tilespmem:s6+$0x800];
	[tilespmem:s4+$0x840] =	vst v6;
	v5 =	vsel vm4, $0x0, v5  }
0x2f6: {  	v6 =	vld [tilespmem:s6+$0x840];
	[tilespmem:s4+$0x850] =	vst v5;
	v4 =	vsel vm1, $0x0, v4  }
0x2f7: {  	vm1 =	veq.s32 v0, $0x8;
	v5 =	vld [tilespmem:s6+$0x850];
	[tilespmem:s4+$0x870] =	vst v4  }
0x2f8: {  	vm2 =	veq.s32 v0, $0xB;
	v3 =	vsel vm1, $0x0, v3;
	v4 =	vld [tilespmem:s6+$0x870]  }
0x2f9: {  	[tilespmem:s5+$0x14000] =	vst v3;
	v1 =	vsel vm2, $0x0, v1  }
0x2fa: {  	vm3 =	veq.s32 v0, $0x6;
	[tilespmem:s6+$0x70] =	vst v1;
	v1 =	vnsel vm0, $0x0, v2  }
0x2fb: {  	vm4 =	veq.s32 v0, $0x2;
	[tilespmem:s6+$0x800] =	vst v1;
	v1 =	vsel vm3, $0x0, v6  }
0x2fc: {  	[tilespmem:s6+$0x840] =	vst v1;
	v1 =	vsel vm4, $0x0, v5  }
0x2fd: {  	[tilespmem:s6+$0x850] =	vst v1;
	v1 =	vsel vm2, $0x0, v4  }
0x2fe: {  	s7 =	simm.s32 $0x0;
	[tilespmem:s6+$0x870] =	vst v1  }
0x2ff: {  	[hbm4b:s11+s7] =	stream.linear.scatter [tilespmem:s28], [sflag:$0x6], $0xA000, $0x38;
	[tilespmem:$0x1E000] =	vst v63  }
0x300: {  	_ =	swait.ge [sflag:s26], $0xA000  }
0x301: {  	[sflag:s26] =	ssyncset.done $0x0  }
0x302: {  	[sflag:s26] =	ssyncadd.s32 $0xFFFF6000  }
0x303: {  	_ =	swait.ge [sflag:s2], $0xA000  }
0x304: {  	s8 =	sand.u32 $0xF000, s7;
	s4 =	sand.u32 $0x380, s7;
	[sflag:s2] =	ssyncset.done $0x0  }
0x305: {  	s4 =	sor.u32 s4, s8;
	[sflag:s2] =	ssyncadd.s32 $0xFFFF6000  }
0x306: {  	[tilespmem:s28], [sflag:$0x3] =	stream.linear.gather [hbm4b:s18+s7], $0xA000, $0x38;
	[tilespmem:$0x1E000] =	vst v63  }
0x307: {  	v1 =	vld [tilespmem:s4+$0x0]  }
0x308: {  	v2 =	vld [tilespmem:s4+$0x70]  }
0x309: {  	v4 =	vld [tilespmem:s4+$0x840]  }
0x30a: {  	v5 =	vld [tilespmem:s4+$0x800];
	_ =	sdelay $0x1  }
0x30b: {  	s9 =	simm.s32 $0x200;
	s6 =	simm.s32 $0x80;
	v6 =	vld [tilespmem:s4+$0x850]  }
0x30c: {  	s5 =	sand.u32 $0xF000, s9;
	s7 =	sand.u32 $0x380, s6;
	v7 =	vld [tilespmem:s4+$0x870];
	v1 =	vsel vm1, $0x0, v1  }
0x30d: {  	s5 =	sor.u32 s7, s5;
	[tilespmem:s4+$0x0] =	vst v1;
	v1 =	vsel vm2, $0x0, v2  }
0x30e: {  	v3 =	vld [tilespmem:s5+$0x0];
	[tilespmem:s4+$0x70] =	vst v1;
	v1 =	vsel vm3, $0x0, v4;
	v4 =	vnsel vm0, $0x0, v5  }
0x30f: {  	v2 =	vld [tilespmem:s5+$0x70];
	[tilespmem:s4+$0x800] =	vst v4  }
0x310: {  	v5 =	vsel vm4, $0x0, v6;
	[tilespmem:s4+$0x840] =	vst v1;
	v4 =	vld [tilespmem:s5+$0x800]  }
0x311: {  	s7 =	simm.s32 $0x400;
	v1 =	vld [tilespmem:s5+$0x840];
	[tilespmem:s4+$0x850] =	vst v5;
	v5 =	vsel vm2, $0x0, v7  }
.LBB2_44:
0x312: {  	p0 =	sne.s32 s7, $0x9E00;
	v6 =	vld [tilespmem:s5+$0x850];
	s6 =	sadd.s32 $0x80, s6;
	[tilespmem:s4+$0x870] =	vst v5;
	s4 =	smov.u32 s5  }
0x313: {  	s5 =	sand.u32 $0xF000, s7;
	s8 =	sand.u32 $0x380, s6;
	v3 =	vsel vm1, $0x0, v3;
	v5 =	vld [tilespmem:s4+$0x870]  }
.Ltmp21:
0x314: {  	s5 =	sor.u32 s8, s5;
	[tilespmem:s4+$0x0] =	vst v3;
	v2 =	vsel vm2, $0x0, v2;
	(pc) =	sbr.rel @p0 .LBB2_44-.Ltmp21, $4  }
0x315: {  	v3 =	vld [tilespmem:s5+$0x0];
	[tilespmem:s4+$0x70] =	vst v2;
	v4 =	vnsel vm0, $0x0, v4  }
0x316: {  	v2 =	vld [tilespmem:s5+$0x70];
	[tilespmem:s4+$0x800] =	vst v4;
	v1 =	vsel vm3, $0x0, v1  }
0x317: {  	v4 =	vld [tilespmem:s5+$0x800];
	[tilespmem:s4+$0x840] =	vst v1;
	v6 =	vsel vm4, $0x0, v6  }
0x318: {  	s7 =	sadd.s32 $0x200, s7;
	v1 =	vld [tilespmem:s5+$0x840];
	[tilespmem:s4+$0x850] =	vst v6;
	v5 =	vsel vm2, $0x0, v5  }
0x319: {  	v6 =	vld [tilespmem:s5+$0x850];
	vm1 =	veq.s32 v0, $0x8;
	[tilespmem:s4+$0x870] =	vst v5  }
0x31a: {  	vm2 =	veq.s32 v0, $0xB;
	v3 =	vsel vm1, $0x0, v3;
	v5 =	vld [tilespmem:s5+$0x870]  }
0x31b: {  	[tilespmem:s5+$0x0] =	vst v3;
	v2 =	vsel vm2, $0x0, v2  }
0x31c: {  	vm3 =	veq.s32 v0, $0x6;
	[tilespmem:s5+$0x70] =	vst v2;
	v2 =	vnsel vm0, $0x0, v4  }
0x31d: {  	vm4 =	veq.s32 v0, $0x2;
	[tilespmem:s5+$0x800] =	vst v2;
	v1 =	vsel vm3, $0x0, v1  }
0x31e: {  	[tilespmem:s5+$0x840] =	vst v1;
	v1 =	vsel vm4, $0x0, v6  }
0x31f: {  	[tilespmem:s5+$0x850] =	vst v1;
	v1 =	vsel vm2, $0x0, v5  }
0x320: {  	s7 =	simm.s32 $0x0;
	[tilespmem:s5+$0x870] =	vst v1  }
0x321: {  	[hbm4b:s13+s7] =	stream.linear.scatter [tilespmem:s7], [sflag:$0x4], $0xA000, $0x38;
	[tilespmem:$0x1E000] =	vst v63  }
0x322: {  	_ =	swait.ge [sflag:s29], $0xA000  }
0x323: {  	[sflag:s29] =	ssyncset.done $0x0  }
0x324: {  	[sflag:s29] =	ssyncadd.s32 $0xFFFF6000  }
0x325: {  	_ =	swait.ge [sflag:s30], $0xA000  }
0x326: {  	s8 =	sand.u32 $0xF000, s7;
	s4 =	sand.u32 $0x380, s7;
	[sflag:s30] =	ssyncset.done $0x0  }
0x327: {  	s4 =	sor.u32 s4, s8;
	[sflag:s30] =	ssyncadd.s32 $0xFFFF6000  }
0x328: {  	[tilespmem:s7], [sflag:$0x1] =	stream.linear.gather [hbm4b:s19+s7], $0xA000, $0x38;
	[tilespmem:$0x1E000] =	vst v63  }
0x329: {  	v1 =	vld [tilespmem:s4+$0xA000]  }
0x32a: {  	v2 =	vld [tilespmem:s4+$0xA070]  }
0x32b: {  	v4 =	vld [tilespmem:s4+$0xA840]  }
0x32c: {  	v5 =	vld [tilespmem:s4+$0xA800];
	_ =	sdelay $0x1  }
0x32d: {  	s9 =	simm.s32 $0x200;
	s6 =	simm.s32 $0x80;
	v6 =	vld [tilespmem:s4+$0xA850]  }
0x32e: {  	s5 =	sand.u32 $0xF000, s9;
	s7 =	sand.u32 $0x380, s6;
	v7 =	vld [tilespmem:s4+$0xA870];
	v1 =	vsel vm1, $0x0, v1  }
0x32f: {  	s5 =	sor.u32 s7, s5;
	[tilespmem:s4+$0xA000] =	vst v1;
	v1 =	vsel vm2, $0x0, v2  }
0x330: {  	v3 =	vld [tilespmem:s5+$0xA000];
	[tilespmem:s4+$0xA070] =	vst v1;
	v1 =	vsel vm3, $0x0, v4;
	v4 =	vnsel vm0, $0x0, v5  }
0x331: {  	v2 =	vld [tilespmem:s5+$0xA070];
	[tilespmem:s4+$0xA800] =	vst v4  }
0x332: {  	v5 =	vsel vm4, $0x0, v6;
	[tilespmem:s4+$0xA840] =	vst v1;
	v4 =	vld [tilespmem:s5+$0xA800]  }
0x333: {  	s7 =	simm.s32 $0x400;
	v1 =	vld [tilespmem:s5+$0xA840];
	[tilespmem:s4+$0xA850] =	vst v5;
	v5 =	vsel vm2, $0x0, v7  }
.LBB2_46:
0x334: {  	p0 =	sne.s32 s7, $0x9E00;
	v6 =	vld [tilespmem:s5+$0xA850];
	s6 =	sadd.s32 $0x80, s6;
	[tilespmem:s4+$0xA870] =	vst v5;
	s4 =	smov.u32 s5  }
0x335: {  	s5 =	sand.u32 $0xF000, s7;
	s8 =	sand.u32 $0x380, s6;
	v3 =	vsel vm1, $0x0, v3;
	v5 =	vld [tilespmem:s4+$0xA870]  }
.Ltmp22:
0x336: {  	s5 =	sor.u32 s8, s5;
	[tilespmem:s4+$0xA000] =	vst v3;
	v2 =	vsel vm2, $0x0, v2;
	(pc) =	sbr.rel @p0 .LBB2_46-.Ltmp22, $4  }
0x337: {  	v3 =	vld [tilespmem:s5+$0xA000];
	[tilespmem:s4+$0xA070] =	vst v2;
	v4 =	vnsel vm0, $0x0, v4  }
0x338: {  	v2 =	vld [tilespmem:s5+$0xA070];
	[tilespmem:s4+$0xA800] =	vst v4;
	v1 =	vsel vm3, $0x0, v1  }
0x339: {  	v4 =	vld [tilespmem:s5+$0xA800];
	[tilespmem:s4+$0xA840] =	vst v1;
	v6 =	vsel vm4, $0x0, v6  }
0x33a: {  	s7 =	sadd.s32 $0x200, s7;
	v1 =	vld [tilespmem:s5+$0xA840];
	[tilespmem:s4+$0xA850] =	vst v6;
	v5 =	vsel vm2, $0x0, v5  }
0x33b: {  	v6 =	vld [tilespmem:s5+$0xA850];
	vm2 =	veq.s32 v0, $0x8;
	[tilespmem:s4+$0xA870] =	vst v5  }
0x33c: {  	vm1 =	veq.s32 v0, $0xB;
	v3 =	vsel vm2, $0x0, v3;
	v5 =	vld [tilespmem:s5+$0xA870]  }
0x33d: {  	[tilespmem:s5+$0xA000] =	vst v3;
	v2 =	vsel vm1, $0x0, v2  }
0x33e: {  	vm3 =	veq.s32 v0, $0x6;
	[tilespmem:s5+$0xA070] =	vst v2;
	v2 =	vnsel vm0, $0x0, v4  }
0x33f: {  	vm4 =	veq.s32 v0, $0x2;
	[tilespmem:s5+$0xA800] =	vst v2;
	v1 =	vsel vm3, $0x0, v1  }
0x340: {  	[tilespmem:s5+$0xA840] =	vst v1;
	v1 =	vsel vm4, $0x0, v6  }
0x341: {  	[tilespmem:s5+$0xA850] =	vst v1;
	v1 =	vsel vm1, $0x0, v5  }
0x342: {  	s7 =	simm.s32 $0x0;
	[tilespmem:s5+$0xA870] =	vst v1  }
0x343: {  	[hbm4b:s15+s7] =	stream.linear.scatter [tilespmem:s25], [sflag:$0x5], $0xA000, $0x38;
	[tilespmem:$0x1E000] =	vst v63  }
0x344: {  	_ =	swait.ge [sflag:s31], $0xA000  }
0x345: {  	[sflag:s31] =	ssyncset.done $0x0  }
0x346: {  	[sflag:s31] =	ssyncadd.s32 $0xFFFF6000  }
0x347: {  	_ =	swait.ge [sflag:s0], $0xA000  }
0x348: {  	s8 =	sand.u32 $0xF000, s7;
	s4 =	sand.u32 $0x380, s7;
	[sflag:s0] =	ssyncset.done $0x0  }
0x349: {  	s6 =	sor.u32 s4, s8;
	[sflag:s0] =	ssyncadd.s32 $0xFFFF6000  }
0x34a: {  	[tilespmem:s25], [sflag:$0x2] =	stream.linear.gather [hbm4b:s20+s7], $0x6000, $0x38;
	[tilespmem:$0x1E000] =	vst v63  }
0x34b: {  	s4 =	sadd.s32 $0x14000, s6;
	v1 =	vld [tilespmem:s6+$0x14000]  }
0x34c: {  	v2 =	vld [tilespmem:s4+$0x70]  }
0x34d: {  	v5 =	vld [tilespmem:s4+$0x800]  }
0x34e: {  	v6 =	vld [tilespmem:s4+$0x840]  }
0x34f: {  	s9 =	simm.s32 $0x200;
	s7 =	simm.s32 $0x80;
	v7 =	vld [tilespmem:s4+$0x850]  }
0x350: {  	s5 =	sand.u32 $0xF000, s9;
	s8 =	sand.u32 $0x380, s7;
	v4 =	vld [tilespmem:s4+$0x870];
	v1 =	vsel vm2, $0x0, v1  }
0x351: {  	s5 =	sor.u32 s8, s5;
	[tilespmem:s6+$0x14000] =	vst v1;
	v1 =	vsel vm1, $0x0, v2  }
0x352: {  	s6 =	sadd.s32 $0x14000, s5;
	v2 =	vnsel vm0, $0x0, v5;
	v3 =	vld [tilespmem:s5+$0x14000];
	[tilespmem:s4+$0x70] =	vst v1  }
0x353: {  	v5 =	vsel vm3, $0x0, v6;
	[tilespmem:s4+$0x800] =	vst v2;
	v1 =	vld [tilespmem:s6+$0x70]  }
0x354: {  	s8 =	simm.s32 $0x400;
	[tilespmem:s4+$0x840] =	vst v5;
	v5 =	vsel vm4, $0x0, v7;
	v2 =	vld [tilespmem:s6+$0x800]  }
.LBB2_48:
0x355: {  	p0 =	sne.s32 s8, $0x9E00;
	v6 =	vld [tilespmem:s6+$0x840];
	[tilespmem:s4+$0x850] =	vst v5;
	v4 =	vsel vm1, $0x0, v4  }
0x356: {  	s7 =	sadd.s32 $0x80, s7;
	v5 =	vld [tilespmem:s6+$0x850];
	[tilespmem:s4+$0x870] =	vst v4;
	s4 =	smov.u32 s6  }
.Ltmp23:
0x357: {  	s6 =	sand.u32 $0xF000, s8;
	s9 =	sand.u32 $0x380, s7;
	v3 =	vsel vm2, $0x0, v3;
	v4 =	vld [tilespmem:s4+$0x870];
	(pc) =	sbr.rel @p0 .LBB2_48-.Ltmp23, $4  }
0x358: {  	[tilespmem:s5+$0x14000] =	vst v3;
	s5 =	sor.u32 s9, s6;
	v1 =	vsel vm1, $0x0, v1  }
0x359: {  	s6 =	sadd.s32 $0x14000, s5;
	v3 =	vld [tilespmem:s5+$0x14000];
	[tilespmem:s4+$0x70] =	vst v1;
	v2 =	vnsel vm0, $0x0, v2  }
0x35a: {  	v1 =	vld [tilespmem:s6+$0x70];
	[tilespmem:s4+$0x800] =	vst v2;
	v6 =	vsel vm3, $0x0, v6  }
0x35b: {  	s8 =	sadd.s32 $0x200, s8;
	v2 =	vld [tilespmem:s6+$0x800];
	[tilespmem:s4+$0x840] =	vst v6;
	v5 =	vsel vm4, $0x0, v5  }
0x35c: {  	v6 =	vld [tilespmem:s6+$0x840];
	[tilespmem:s4+$0x850] =	vst v5;
	v4 =	vsel vm1, $0x0, v4  }
0x35d: {  	vm1 =	veq.s32 v0, $0x8;
	v5 =	vld [tilespmem:s6+$0x850];
	[tilespmem:s4+$0x870] =	vst v4  }
0x35e: {  	vm2 =	veq.s32 v0, $0xB;
	v3 =	vsel vm1, $0x0, v3;
	v4 =	vld [tilespmem:s6+$0x870]  }
0x35f: {  	[tilespmem:s5+$0x14000] =	vst v3;
	v1 =	vsel vm2, $0x0, v1  }
0x360: {  	vm3 =	veq.s32 v0, $0x6;
	[tilespmem:s6+$0x70] =	vst v1;
	v1 =	vnsel vm0, $0x0, v2  }
0x361: {  	vm4 =	veq.s32 v0, $0x2;
	[tilespmem:s6+$0x800] =	vst v1;
	v1 =	vsel vm3, $0x0, v6  }
0x362: {  	[tilespmem:s6+$0x840] =	vst v1;
	v1 =	vsel vm4, $0x0, v5  }
0x363: {  	[tilespmem:s6+$0x850] =	vst v1;
	v1 =	vsel vm2, $0x0, v4  }
0x364: {  	s7 =	simm.s32 $0x0;
	[tilespmem:s6+$0x870] =	vst v1  }
0x365: {  	[hbm4b:s21+s7] =	stream.linear.scatter [tilespmem:s28], [sflag:$0x6], $0xA000, $0x38;
	[tilespmem:$0x1E000] =	vst v63  }
0x366: {  	_ =	swait.ge [sflag:s26], $0xA000  }
0x367: {  	s8 =	sand.u32 $0xF000, s7;
	s4 =	sand.u32 $0x380, s7;
	[sflag:s26] =	ssyncset.done $0x0  }
0x368: {  	s4 =	sor.u32 s4, s8;
	[sflag:s26] =	ssyncadd.s32 $0xFFFF6000  }
0x369: {  	v1 =	vld [tilespmem:s4+$0x0]  }
0x36a: {  	v2 =	vld [tilespmem:s4+$0x70]  }
0x36b: {  	v4 =	vld [tilespmem:s4+$0x840]  }
0x36c: {  	v5 =	vld [tilespmem:s4+$0x800];
	_ =	sdelay $0x1  }
0x36d: {  	s9 =	simm.s32 $0x200;
	s6 =	simm.s32 $0x80;
	v6 =	vld [tilespmem:s4+$0x850]  }
0x36e: {  	s5 =	sand.u32 $0xF000, s9;
	s7 =	sand.u32 $0x380, s6;
	v7 =	vld [tilespmem:s4+$0x870];
	v1 =	vsel vm1, $0x0, v1  }
0x36f: {  	s5 =	sor.u32 s7, s5;
	[tilespmem:s4+$0x0] =	vst v1;
	v1 =	vsel vm2, $0x0, v2  }
0x370: {  	v3 =	vld [tilespmem:s5+$0x0];
	[tilespmem:s4+$0x70] =	vst v1;
	v1 =	vsel vm3, $0x0, v4;
	v4 =	vnsel vm0, $0x0, v5  }
0x371: {  	v2 =	vld [tilespmem:s5+$0x70];
	[tilespmem:s4+$0x800] =	vst v4  }
0x372: {  	v5 =	vsel vm4, $0x0, v6;
	[tilespmem:s4+$0x840] =	vst v1;
	v4 =	vld [tilespmem:s5+$0x800]  }
0x373: {  	s7 =	simm.s32 $0x400;
	v1 =	vld [tilespmem:s5+$0x840];
	[tilespmem:s4+$0x850] =	vst v5;
	v5 =	vsel vm2, $0x0, v7  }
.LBB2_50:
0x374: {  	p0 =	sne.s32 s7, $0x9E00;
	v6 =	vld [tilespmem:s5+$0x850];
	s6 =	sadd.s32 $0x80, s6;
	[tilespmem:s4+$0x870] =	vst v5;
	s4 =	smov.u32 s5  }
0x375: {  	s5 =	sand.u32 $0xF000, s7;
	s8 =	sand.u32 $0x380, s6;
	v3 =	vsel vm1, $0x0, v3;
	v5 =	vld [tilespmem:s4+$0x870]  }
.Ltmp24:
0x376: {  	s5 =	sor.u32 s8, s5;
	[tilespmem:s4+$0x0] =	vst v3;
	v2 =	vsel vm2, $0x0, v2;
	(pc) =	sbr.rel @p0 .LBB2_50-.Ltmp24, $4  }
0x377: {  	v3 =	vld [tilespmem:s5+$0x0];
	[tilespmem:s4+$0x70] =	vst v2;
	v4 =	vnsel vm0, $0x0, v4  }
0x378: {  	v2 =	vld [tilespmem:s5+$0x70];
	[tilespmem:s4+$0x800] =	vst v4;
	v1 =	vsel vm3, $0x0, v1  }
0x379: {  	v4 =	vld [tilespmem:s5+$0x800];
	[tilespmem:s4+$0x840] =	vst v1;
	v6 =	vsel vm4, $0x0, v6  }
0x37a: {  	s7 =	sadd.s32 $0x200, s7;
	v1 =	vld [tilespmem:s5+$0x840];
	[tilespmem:s4+$0x850] =	vst v6;
	v5 =	vsel vm2, $0x0, v5  }
0x37b: {  	v6 =	vld [tilespmem:s5+$0x850];
	vm1 =	veq.s32 v0, $0x8;
	[tilespmem:s4+$0x870] =	vst v5  }
0x37c: {  	vm2 =	veq.s32 v0, $0xB;
	v3 =	vsel vm1, $0x0, v3;
	v5 =	vld [tilespmem:s5+$0x870]  }
0x37d: {  	[tilespmem:s5+$0x0] =	vst v3;
	v2 =	vsel vm2, $0x0, v2  }
0x37e: {  	vm3 =	veq.s32 v0, $0x6;
	[tilespmem:s5+$0x70] =	vst v2;
	v2 =	vnsel vm0, $0x0, v4  }
0x37f: {  	vm4 =	veq.s32 v0, $0x2;
	[tilespmem:s5+$0x800] =	vst v2;
	v1 =	vsel vm3, $0x0, v1  }
0x380: {  	[tilespmem:s5+$0x840] =	vst v1;
	v1 =	vsel vm4, $0x0, v6  }
0x381: {  	[tilespmem:s5+$0x850] =	vst v1;
	v1 =	vsel vm2, $0x0, v5  }
0x382: {  	s7 =	simm.s32 $0x0;
	[tilespmem:s5+$0x870] =	vst v1  }
0x383: {  	[hbm4b:s22+s7] =	stream.linear.scatter [tilespmem:s7], [sflag:$0x4], $0xA000, $0x38;
	[tilespmem:$0x1E000] =	vst v63  }
0x384: {  	_ =	swait.ge [sflag:s29], $0x6000  }
0x385: {  	s8 =	sand.u32 $0x7000, s7;
	s4 =	sand.u32 $0x380, s7;
	[sflag:s29] =	ssyncset.done $0x0  }
0x386: {  	s4 =	sor.u32 s4, s8;
	[sflag:s29] =	ssyncadd.s32 $0xFFFFA000  }
0x387: {  	v1 =	vld [tilespmem:s4+$0xA000]  }
0x388: {  	v2 =	vld [tilespmem:s4+$0xA070]  }
0x389: {  	v4 =	vld [tilespmem:s4+$0xA840]  }
0x38a: {  	v5 =	vld [tilespmem:s4+$0xA800];
	_ =	sdelay $0x1  }
0x38b: {  	s9 =	simm.s32 $0x200;
	s6 =	simm.s32 $0x80;
	v6 =	vld [tilespmem:s4+$0xA850]  }
0x38c: {  	s5 =	sand.u32 $0x7000, s9;
	s7 =	sand.u32 $0x380, s6;
	v7 =	vld [tilespmem:s4+$0xA870];
	v1 =	vsel vm1, $0x0, v1  }
0x38d: {  	s5 =	sor.u32 s7, s5;
	[tilespmem:s4+$0xA000] =	vst v1;
	v1 =	vsel vm2, $0x0, v2  }
0x38e: {  	v3 =	vld [tilespmem:s5+$0xA000];
	[tilespmem:s4+$0xA070] =	vst v1;
	v1 =	vsel vm3, $0x0, v4;
	v4 =	vnsel vm0, $0x0, v5  }
0x38f: {  	v2 =	vld [tilespmem:s5+$0xA070];
	[tilespmem:s4+$0xA800] =	vst v4  }
0x390: {  	v5 =	vsel vm4, $0x0, v6;
	[tilespmem:s4+$0xA840] =	vst v1;
	v4 =	vld [tilespmem:s5+$0xA800]  }
0x391: {  	s7 =	simm.s32 $0x400;
	v1 =	vld [tilespmem:s5+$0xA840];
	[tilespmem:s4+$0xA850] =	vst v5;
	v5 =	vsel vm2, $0x0, v7  }
.LBB2_52:
0x392: {  	p0 =	sne.s32 s7, $0x5E00;
	v6 =	vld [tilespmem:s5+$0xA850];
	s6 =	sadd.s32 $0x80, s6;
	[tilespmem:s4+$0xA870] =	vst v5;
	s4 =	smov.u32 s5  }
0x393: {  	s5 =	sand.u32 $0x7000, s7;
	s8 =	sand.u32 $0x380, s6;
	v3 =	vsel vm1, $0x0, v3;
	v5 =	vld [tilespmem:s4+$0xA870]  }
.Ltmp25:
0x394: {  	s5 =	sor.u32 s8, s5;
	[tilespmem:s4+$0xA000] =	vst v3;
	v2 =	vsel vm2, $0x0, v2;
	(pc) =	sbr.rel @p0 .LBB2_52-.Ltmp25, $4  }
0x395: {  	v3 =	vld [tilespmem:s5+$0xA000];
	[tilespmem:s4+$0xA070] =	vst v2;
	v4 =	vnsel vm0, $0x0, v4  }
0x396: {  	v2 =	vld [tilespmem:s5+$0xA070];
	[tilespmem:s4+$0xA800] =	vst v4;
	v1 =	vsel vm3, $0x0, v1  }
0x397: {  	v4 =	vld [tilespmem:s5+$0xA800];
	[tilespmem:s4+$0xA840] =	vst v1;
	v6 =	vsel vm4, $0x0, v6  }
0x398: {  	s7 =	sadd.s32 $0x200, s7;
	v1 =	vld [tilespmem:s5+$0xA840];
	[tilespmem:s4+$0xA850] =	vst v6;
	v5 =	vsel vm2, $0x0, v5  }
0x399: {  	v6 =	vld [tilespmem:s5+$0xA850];
	vm1 =	veq.s32 v0, $0x8;
	[tilespmem:s4+$0xA870] =	vst v5  }
0x39a: {  	v3 =	vsel vm1, $0x0, v3;
	vm1 =	veq.s32 v0, $0xB;
	v5 =	vld [tilespmem:s5+$0xA870]  }
0x39b: {  	[tilespmem:s5+$0xA000] =	vst v3;
	v2 =	vsel vm1, $0x0, v2  }
0x39c: {  	vm2 =	veq.s32 v0, $0x6;
	[tilespmem:s5+$0xA070] =	vst v2;
	v2 =	vnsel vm0, $0x0, v4  }
0x39d: {  	[tilespmem:s5+$0xA800] =	vst v2;
	v1 =	vsel vm2, $0x0, v1;
	vm2 =	veq.s32 v0, $0x2  }
0x39e: {  	[tilespmem:s5+$0xA840] =	vst v1;
	v1 =	vsel vm2, $0x0, v6  }
0x39f: {  	[tilespmem:s5+$0xA850] =	vst v1;
	v1 =	vsel vm1, $0x0, v5  }
0x3a0: {  	[tilespmem:s5+$0xA870] =	vst v1  }
0x3a1: {  	[hbm4b:s23+s1] =	stream.linear.scatter [tilespmem:s25], [sflag:$0x5], $0x6000, $0x38;
	[tilespmem:$0x1E000] =	vst v63  }
0x3a2: {  	_ =	swait.ge [sflag:s2], $0xA000  }
0x3a3: {  	[sflag:s2] =	ssyncset.done $0x0  }
0x3a4: {  	s3 =	sadd.s32 $0x1, s3;
	[sflag:s2] =	ssyncadd.s32 $0xFFFF6000  }
0x3a5: {  	p0 =	sne.s32 s3, s24;
	_ =	swait.ge [sflag:s30], $0xA000  }
.Ltmp26:
0x3a6: {  	[sflag:s30] =	ssyncset.done $0x0;
	(pc) =	sbr.rel @p0 .LBB2_1-.Ltmp26, $4  }
0x3a7: {  	[sflag:s30] =	ssyncadd.s32 $0xFFFF6000  }
0x3a8: {  	_ =	swait.ge [sflag:s0], $0x6000  }
0x3a9: {  	[sflag:s0] =	ssyncset.done $0x0  }
0x3aa: {  	[sflag:s0] =	ssyncadd.s32 $0xFFFFA000  }
0x3ab: {  	_ =	sfence.sel $0x180000  }
0x3ac: {  	[bflag:$0x0] =	sbarrier.arrive $0xFFFF  }
0x3ad: {  	_ =	strace $0x90000047  }
0x3ae: {  	s0 =	stileid.u32;
	[bflag:$0x2] =	sbarrier.arrive $0xFFFF  }
0x3af: {  	p0 =	sne.s32 s0, $0x0;
	s0 =	rddreg [dreg:$0x2]  }
0x3b0: {  	s0 =	sadd.s32 @!p0 $0x100000, s0  }
0x3b1: {  	[sflag:s0] =	ssyncadd.tile.s32 @!p0 $0x1;
	_ =	shalt  }
.Lfunc_end2:
_tile_overlayer_lowered:
.L_overlay_start_2:
0x3b2: {  	(tag) =	ssettag $0x2  }
0x3b3: {  	s0 =	rddreg [dreg:$0x0];
	s2 =	stileid.u32  }
0x3b4: {  	s1 =	rddreg [dreg:$0x1];
	p0 =	sne.s32 s2, $0x0  }
0x3b5: {  	s3 =	rddreg [dreg:$0x2];
	[bflag:$0x3] =	sbarrier.arrive $0xFFFF;
	s2 =	simm.s32 @!p0 $0x1C07  }
0x3b6: {  	[timem:s3], [sflag:s2] =	dma.local @!p0 [hbm:s0], s1  }
0x3b7: {  	s0 =	simm.s32 @!p0 $0x7  }
0x3b8: {  	_ =	swait.ge @!p0 [sflag:s0], s1  }
0x3b9: {  	s1 =	ssub.s32 @!p0 $0x0, s1;
	[sflag:s0] =	ssyncset.done @!p0 $0x0  }
0x3ba: {  	[sflag:s0] =	ssyncadd.s32 @!p0 s1  }
0x3bb: {  	[bflag:$0x3] =	sbarrier.arrive $0xFFFF  }
0x3bc: {  	_ =	shalt  }

</sc_bundles>
